<compile_context>
chip_gen: v7x
topology: tpu7x:2x2x1
jax: 0.10.2.dev20260603
libtpu: 0.0.44.dev20260713+nightly
codegen_flags: <defaults>
</compile_context>

<pallas_src>
import functools

import jax
import jax.numpy as jnp
from jax import lax
from jax.experimental import pallas as pl
from jax.experimental.pallas import tpu as pltpu
from jax.experimental.pallas import tpu_sc as plsc

_NBINS = 10
_PCT = 0.01
_NB1 = 2048
_NB2 = 2048
_NB3 = 256
_ROWS = _NBINS + 1



def _p0_body(nb, rgb_ref, d_ref, gray_ref, kk_ref, acc_ref):
    i = pl.program_id(0)
    dv = d_ref[...]

    @pl.when(i < nb)
    def _():
        mn = jnp.min(dv)
        mx = jnp.max(dv)

        @pl.when(i == 0)
        def _():
            acc_ref[0] = mn
            acc_ref[1] = mx

        acc_ref[0] = jnp.minimum(acc_ref[0], mn)
        acc_ref[1] = jnp.maximum(acc_ref[1], mx)

    @pl.when(i >= nb)
    def _():
        r = rgb_ref[0, 0]
        g = rgb_ref[0, 1]
        b = rgb_ref[0, 2]
        gray = 0.299 * r + 0.587 * g + 0.114 * b
        gray_ref[...] = gray
        dmin = acc_ref[0]
        dmax = acc_ref[1]
        drange = dmax - dmin
        binv = jnp.zeros(dv.shape, jnp.int32)
        for j in range(1, _NBINS + 1):
            lo = dmin + (jnp.float32(j) * drange) / jnp.float32(_NBINS)
            binv = jnp.where(dv >= lo, binv + 1, binv)
        bits = lax.bitcast_convert_type(gray, jnp.int32)
        kk_ref[...] = (binv << 27) | lax.shift_right_logical(bits, 3)


def _tc_gray_pack(rgb, d2):
    B, C, H, W = rgb.shape
    return pl.pallas_call(
        functools.partial(_p0_body, B),
        grid=(2 * B,),
        in_specs=[
            pl.BlockSpec((1, 3, H, W),
                         lambda i: (jnp.maximum(i - B, 0), 0, 0, 0)),
            pl.BlockSpec((H, W), lambda i: (lax.rem(i, B), 0)),
        ],
        out_specs=[
            pl.BlockSpec((H, W), lambda i: (jnp.maximum(i - B, 0), 0)),
            pl.BlockSpec((H, W), lambda i: (jnp.maximum(i - B, 0), 0)),
        ],
        out_shape=[
            jax.ShapeDtypeStruct((B * H, W), jnp.float32),
            jax.ShapeDtypeStruct((B * H, W), jnp.int32),
        ],
        scratch_shapes=[pltpu.SMEM((2,), jnp.float32)],
    )(rgb, d2)






_CHUNK = 16384
_UNROLL = 8


def _sc_hist(kk2d, gray2d, level, tbl=None):
    n = kk2d.shape[0] * kk2d.shape[1]
    cols = kk2d.shape[1]
    info = plsc.get_sparse_core_info()
    nc, ns = info.num_cores, info.num_subcores
    nw = nc * ns
    ew = n // nw
    nch = ew // _CHUNK
    nb = {1: _NB1, 2: _NB2, 3: _NB3}[level]
    rpc = _CHUNK // cols

    mesh = plsc.VectorSubcoreMesh(
        core_axis_name="c", subcore_axis_name="s",
        num_cores=nc, num_subcores=ns)

    scratch = [
        pltpu.VMEM((rpc, cols), jnp.int32),
        pltpu.VMEM((rpc, cols), jnp.int32),
        pltpu.VMEM((_ROWS * nb,), jnp.int32),
        pltpu.SemaphoreType.DMA,
        pltpu.SemaphoreType.DMA,
    ]
    if level == 3:
        scratch += [
            pltpu.VMEM((rpc, cols), jnp.float32),
            pltpu.VMEM((rpc, cols), jnp.float32),
            pltpu.SemaphoreType.DMA,
            pltpu.SemaphoreType.DMA,
        ]
    if level > 1:
        scratch.append(pltpu.VMEM((16,), jnp.int32))

    def body(*refs):
        gbufs = None
        if level == 1:
            (kk_hbm, out_hbm, kbuf0, kbuf1, hist, sk0, sk1) = refs
            tblv = None
        elif level == 2:
            (kk_hbm, tbl_hbm, out_hbm, kbuf0, kbuf1, hist, sk0, sk1,
             tblv) = refs
        else:
            (kk_hbm, gray_hbm, tbl_hbm, out_hbm, kbuf0, kbuf1, hist,
             sk0, sk1, gbuf0, gbuf1, sg0, sg1, tblv) = refs
            gbufs = (gbuf0, gbuf1)
            gsems = (sg0, sg1)
        wid = lax.axis_index("s") * nc + lax.axis_index("c")
        brow = wid * (ew // cols)
        kbufs = (kbuf0, kbuf1)
        ksems = (sk0, sk1)

        ones = jnp.ones((16,), jnp.int32)

        def start(c, slot):
            row0 = brow + c * rpc
            pltpu.async_copy(kk_hbm.at[pl.ds(row0, rpc), :],
                             kbufs[slot], ksems[slot])
            if level == 3:
                pltpu.async_copy(gray_hbm.at[pl.ds(row0, rpc), :],
                                 gbufs[slot], gsems[slot])

        def wait(slot):
            pltpu.make_async_copy(kk_hbm.at[pl.ds(0, rpc), :],
                                  kbufs[slot], ksems[slot]).wait()
            if level == 3:
                pltpu.make_async_copy(gray_hbm.at[pl.ds(0, rpc), :],
                                      gbufs[slot], gsems[slot]).wait()

        start(0, 0)

        if level > 1:
            pltpu.sync_copy(tbl_hbm.at[pl.ds(0, 16)], tblv)

        def zrow(j, _):
            for u in range(_UNROLL):
                hist[pl.ds((j * _UNROLL + u) * 16, 16)] = (
                    jnp.zeros((16,), jnp.int32))
            return 0
        lax.fori_loop(0, (_ROWS * nb) // (16 * _UNROLL), zrow, 0)

        for c in range(nch):
            slot = c & 1
            if c + 1 < nch:
                start(c + 1, 1 - slot)
            wait(slot)
            kb = kbufs[slot]
            gb = gbufs[slot] if level == 3 else None

            csh = cols.bit_length() - 1

            @plsc.parallel_loop(0, _CHUNK, 16, unroll=_UNROLL)
            def _(off, kb=kb, gb=gb):
                r = lax.shift_right_logical(off, csh)
                s = pl.ds(off & (cols - 1), 16)
                kk = kb[r, s]
                if level == 1:
                    idx = lax.shift_right_logical(kk, 16)
                    plsc.addupdate_scatter(hist, [idx], ones)
                elif level == 2:
                    binv = lax.shift_right_logical(kk, 27)
                    t = plsc.load_gather(tblv, [binv])
                    m = lax.shift_right_logical(kk, 16) == t
                    k2 = lax.shift_right_logical(kk, 5) & 0x7FF
                    plsc.addupdate_scatter(hist, [(binv << 11) + k2], ones,
                                           mask=m)
                else:
                    bits = lax.bitcast_convert_type(gb[r, s], jnp.int32)
                    binv = lax.shift_right_logical(kk, 27)
                    t = plsc.load_gather(tblv, [binv])
                    m = lax.shift_right_logical(bits, 8) == t
                    k3 = bits & 0xFF
                    plsc.addupdate_scatter(hist, [(binv << 8) + k3], ones,
                                           mask=m)

        for r in range(_ROWS):
            pltpu.sync_copy(hist.at[pl.ds(r * nb, nb)],
                            out_hbm.at[wid * 16 + r])

    kern = pl.kernel(
        body,
        out_type=jax.ShapeDtypeStruct((nw * 16, nb), jnp.int32),
        mesh=mesh,
        scratch_types=scratch,
        compiler_params=pltpu.CompilerParams(needs_layout_passes=False),
    )
    if level == 1:
        return kern(kk2d)
    if level == 2:
        return kern(kk2d, tbl)
    return kern(kk2d, gray2d, tbl)



def _cumsum_rows(h):
    nb = h.shape[1]
    cum = h
    s = 1
    while s < nb:
        z = jnp.zeros((h.shape[0], s), jnp.int32)
        cum = cum + jnp.concatenate([z, cum[:, : nb - s]], axis=1)
        s *= 2
    return cum


def _pick_bucket(h, rank):
    nb = h.shape[1]
    cum = _cumsum_rows(h)
    bucket = jnp.sum((cum <= rank).astype(jnp.int32), axis=1, keepdims=True)
    bucket = jnp.minimum(bucket, nb - 1)
    col = lax.broadcasted_iota(jnp.int32, h.shape, 1)
    below = jnp.sum(jnp.where(col < bucket, h, 0), axis=1, keepdims=True)
    return bucket, rank - below


def _to_row(v, fill):
    rid = lax.broadcasted_iota(jnp.int32, (_ROWS, 128), 0)
    cid = lax.broadcasted_iota(jnp.int32, (_ROWS, 128), 1)
    mat = jnp.where(rid == cid, jnp.broadcast_to(v, (_ROWS, 128)),
                    jnp.zeros((_ROWS, 128), v.dtype))
    row = jnp.sum(mat, axis=0, keepdims=True)
    c = lax.broadcasted_iota(jnp.int32, (1, 128), 1)
    return jnp.where(c >= _NBINS, jnp.asarray(fill, v.dtype), row)


def _from_row(row):
    rid = lax.broadcasted_iota(jnp.int32, (_ROWS, 128), 0)
    cid = lax.broadcasted_iota(jnp.int32, (_ROWS, 128), 1)
    mat = jnp.where(rid == cid, jnp.broadcast_to(row, (_ROWS, 128)),
                    jnp.zeros((_ROWS, 128), jnp.int32))
    return jnp.sum(mat, axis=1, keepdims=True)


def _sum_parts(parts_ref):
    nworkers = parts_ref.shape[0] // 16
    h = parts_ref[0:_ROWS, :]
    for w in range(1, nworkers):
        h = h + parts_ref[w * 16:w * 16 + _ROWS, :]
    return h


def _s1_body(parts_ref, g1_ref, r1_ref):
    h = _sum_parts(parts_ref)
    num = jnp.sum(h, axis=1, keepdims=True)
    kf = jnp.ceil(num.astype(jnp.float32) * jnp.float32(_PCT))
    k = jnp.maximum(kf.astype(jnp.int32) - 1, 0)
    bucket, resid = _pick_bucket(h, k)
    binid = lax.broadcasted_iota(jnp.int32, (_ROWS, 1), 0)
    g1_ref[...] = _to_row((binid << 11) | bucket, -1)
    r1_ref[...] = _to_row(resid, 0)


def _s2_body(parts_ref, grow_ref, rrow_ref, gout_ref, rout_ref):
    h = _sum_parts(parts_ref)
    gprev = _from_row(grow_ref[...])
    rank = _from_row(rrow_ref[...])
    bucket, resid = _pick_bucket(h, rank)
    b1 = gprev & 0x7FF
    gout_ref[...] = _to_row((b1 << 11) | bucket, -1)
    rout_ref[...] = _to_row(resid, 0)


def _tc_select(level, parts, grow=None, rrow=None):
    outs = [
        jax.ShapeDtypeStruct((1, 128), jnp.int32),
        jax.ShapeDtypeStruct((1, 128), jnp.int32),
    ]
    if level == 1:
        return pl.pallas_call(_s1_body, out_shape=outs)(parts)
    return pl.pallas_call(_s2_body, out_shape=outs)(parts, grow, rrow)



def _p7_body(nsteps, inv_n, parts_ref, grow_ref, rrow_ref, gray_ref, kk_ref,
             dcp_ref, loss_ref, trow_ref, acc_ref):
    i = pl.program_id(0)

    @pl.when(i == 0)
    def _():
        h = _sum_parts(parts_ref)
        gprev = _from_row(grow_ref[...])
        rank = _from_row(rrow_ref[...])
        bucket, _ = _pick_bucket(h, rank)
        tbits = (gprev << 8) | bucket
        t = lax.bitcast_convert_type(tbits, jnp.float32)
        trow_ref[...] = _to_row(t, -1.0)
        acc_ref[0] = 0.0

    trow = trow_ref[...]
    g = gray_ref[...]
    binv = lax.shift_right_logical(kk_ref[...], 27)
    tpix = jnp.full(g.shape, -1.0, jnp.float32)
    for b in range(_ROWS):
        tpix = jnp.where(binv == b, trow[0, b], tpix)
    dcp = jnp.where(g <= tpix, g, 0.0)
    dcp_ref[...] = dcp
    acc_ref[0] = acc_ref[0] + jnp.sum(jnp.abs(dcp))

    @pl.when(i == nsteps - 1)
    def _():
        loss_ref[...] = jnp.full((8, 128), acc_ref[0] * inv_n, jnp.float32)


def _tc_final(gray2d, kk2d, parts3, grow, rrow):
    rows, cols = gray2d.shape
    blk = 512
    nsteps = rows // blk
    n = rows * cols
    body = functools.partial(_p7_body, nsteps, 1.0 / n)
    return pl.pallas_call(
        body,
        grid=(nsteps,),
        in_specs=[
            pl.BlockSpec(parts3.shape, lambda i: (0, 0)),
            pl.BlockSpec((1, 128), lambda i: (0, 0)),
            pl.BlockSpec((1, 128), lambda i: (0, 0)),
            pl.BlockSpec((blk, cols), lambda i: (i, 0)),
            pl.BlockSpec((blk, cols), lambda i: (i, 0)),
        ],
        out_specs=[
            pl.BlockSpec((blk, cols), lambda i: (i, 0)),
            pl.BlockSpec((8, 128), lambda i: (0, 0)),
        ],
        out_shape=[
            jax.ShapeDtypeStruct((rows, cols), jnp.float32),
            jax.ShapeDtypeStruct((8, 128), jnp.float32),
        ],
        scratch_shapes=[
            pltpu.VMEM((1, 128), jnp.float32),
            pltpu.SMEM((1,), jnp.float32),
        ],
    )(parts3, grow, rrow, gray2d, kk2d)



def kernel(rgb, d):
    B, C, H, W = rgb.shape

    d2 = d.reshape(B * H, W)
    gray2d, kk2d = _tc_gray_pack(rgb, d2)

    parts1 = _sc_hist(kk2d, gray2d, 1)
    g1, r1 = _tc_select(1, parts1)
    parts2 = _sc_hist(kk2d, gray2d, 2, g1.reshape(128))
    g2, r2 = _tc_select(2, parts2, g1, r1)
    parts3 = _sc_hist(kk2d, gray2d, 3, g2.reshape(128))

    dcp2d, loss_a = _tc_final(gray2d, kk2d, parts3, g2, r2)
    return (loss_a[0, 0], dcp2d.reshape(B, 1, H, W))

# --- scband reference (transcript-rebuilt; emitter-appended) ---
"""Pipeline reference for scband-dark-channel-prior-loss-v2-4148938407992 (READ-ONLY COPY).

The authoritative reference and input builder live on the scoring server;
editing this copy changes nothing except your own understanding.
"""

import jax, jax.numpy as jnp
import numpy as np

NUM_DEPTH_BINS = 10
PCT = 0.01

def setup_inputs(seed: int = 0) -> dict:
    key = jax.random.key(seed)
    k1, k2 = jax.random.split(key)
    rgb = jax.random.uniform(k1, (8, 3, 512, 512), dtype=jnp.float32)
    d = jax.random.uniform(k2, (8, 1, 512, 512), dtype=jnp.float32)
    return {"rgb": rgb, "d": d}

def _rgb2gray(rgb):
    gray = 0.299 * rgb[:, 0] + 0.587 * rgb[:, 1] + 0.114 * rgb[:, 2]
    return gray[:, None, :, :]

def reference(rgb, d):
    gray = _rgb2gray(rgb)
    d_min = d.min()
    d_max = d.max()
    d_range = d_max - d_min
    dcp = jnp.zeros_like(gray)
    for i in range(NUM_DEPTH_BINS):
        lo = d_min + i * d_range / NUM_DEPTH_BINS
        hi = d_min + (i + 1) * d_range / NUM_DEPTH_BINS
        d_mask = jnp.logical_and(d >= lo, d < hi)
        num_vals = jnp.sum(d_mask)
        # Equivalent to sorting only the masked (in-bin) gray values:
        # out-of-bin entries are pushed to +inf so the first num_vals sorted
        # entries are exactly sorted(gray[d_mask]).
        masked = jnp.where(d_mask, gray, jnp.inf)
        sorted_gray = jnp.sort(masked.ravel())
        k = jnp.ceil(num_vals.astype(jnp.float32) * PCT).astype(jnp.int32) - 1
        k = jnp.maximum(k, 0)  # empty bin -> threshold = +inf, but d_mask empty so no effect
        gray_threshold = sorted_gray[k]
        lt_gray_thresh = gray <= gray_threshold
        dcp_mask = jnp.logical_and(d_mask, lt_gray_thresh)
        dcp = jnp.where(dcp_mask, gray, dcp)
    loss = jnp.mean(jnp.abs(dcp - jnp.zeros_like(dcp)))
    return (loss, dcp)

if __name__ == "__main__":
    import jax
    _d = setup_inputs()
    print(jax.jit(kernel)(*tuple(_d.values())))

</pallas_src>

<mosaic_0001>
#map = affine_map<(d0, d1) -> (0, 0)>
#map1 = affine_map<(d0, d1) -> (0)>
module attributes {stable_mosaic.version = 14 : i64} {
  func.func @body(%arg0: i32, %arg1: i32, %arg2: memref<4096x512xi32, #tpu.memory_space<hbm>>, %arg3: memref<128xi32, #tpu.memory_space<hbm>>, %arg4: memref<512x2048xi32, #tpu.memory_space<hbm>>, %arg5: memref<32x512xi32, #tpu.memory_space<vmem>>, %arg6: memref<32x512xi32, #tpu.memory_space<vmem>>, %arg7: memref<22528xi32, #tpu.memory_space<vmem>>, %arg8: memref<!tpu.dma_semaphore, #tpu.memory_space<semaphore_mem>>, %arg9: memref<!tpu.dma_semaphore, #tpu.memory_space<semaphore_mem>>, %arg10: memref<16xi32, #tpu.memory_space<vmem>>) attributes {dimension_semantics = [#tpu.dimension_semantics<core_parallel>, #tpu.dimension_semantics<subcore_parallel>], iteration_bounds = array<i64: 2, 16>, scalar_prefetch = 0 : i64, scratch_operands = 6 : i64, tpu.core_type = #tpu.core_type<sc_vector_subcore>, window_params = [{transform_indices = #map}, {transform_indices = #map1}, {transform_indices = #map}]} {
    %mul3A = arith.constant 2 : i32
    %mul3A_0 = arith.muli %arg1, %mul3A : i32
    %add3A = arith.addi %mul3A_0, %arg0 : i32
    %mul3A_1 = arith.constant 128 : i32
    %mul3A_2 = arith.muli %add3A, %mul3A_1 : i32
    %broadcast_in_dim3A = arith.constant 1 : i32
    %broadcast_in_dim3A_3 = vector.broadcast %broadcast_in_dim3A : i32 to vector<16xi32>
    %add3A_4 = arith.constant 0 : i32
    %add3A_5 = arith.addi %mul3A_2, %add3A_4 : i32
    %dma_start3A = arith.constant 0 : i32
    %dma_start3A_6 = tpu.memref_slice %arg2[%add3A_5, %dma_start3A] : memref<4096x512xi32, #tpu.memory_space<hbm>> -> memref<32x512xi32, #tpu.memory_space<hbm>>
    %dma_start3A_7 = arith.constant 0 : i32
    %dma_start3A_8 = tpu.memref_slice %arg2[%add3A_5, %dma_start3A_7] : memref<4096x512xi32, #tpu.memory_space<hbm>> -> memref<32x512xi32, #tpu.memory_space<hbm>>
    tpu.enqueue_dma source(%dma_start3A_8 : memref<32x512xi32, #tpu.memory_space<hbm>>) target(%arg5 : memref<32x512xi32, #tpu.memory_space<vmem>>) target_semaphore(%arg8 : memref<!tpu.dma_semaphore, #tpu.memory_space<semaphore_mem>>)
    "tpu.region"() ({
      %run_scoped3A = tpu.sem_alloc : memref<!tpu.dma_semaphore, #tpu.memory_space<semaphore_mem>>
      %dma_start3A_111 = arith.constant 0 : i32
      %dma_start3A_112 = tpu.memref_slice %arg3[%dma_start3A_111] : memref<128xi32, #tpu.memory_space<hbm>> -> memref<16xi32, #tpu.memory_space<hbm>>
      %dma_start3A_113 = arith.constant 0 : i32
      %dma_start3A_114 = tpu.memref_slice %arg3[%dma_start3A_113] : memref<128xi32, #tpu.memory_space<hbm>> -> memref<16xi32, #tpu.memory_space<hbm>>
      tpu.enqueue_dma source(%dma_start3A_114 : memref<16xi32, #tpu.memory_space<hbm>>) target(%arg10 : memref<16xi32, #tpu.memory_space<vmem>>) target_semaphore(%run_scoped3A : memref<!tpu.dma_semaphore, #tpu.memory_space<semaphore_mem>>)
      %dma_wait3A_115 = arith.constant 0 : i32
      %dma_wait3A_116 = tpu.memref_slice %arg3[%dma_wait3A_115] : memref<128xi32, #tpu.memory_space<hbm>> -> memref<16xi32, #tpu.memory_space<hbm>>
      %dma_wait3A_117 = arith.constant 0 : i32
      %dma_wait3A_118 = tpu.memref_slice %arg3[%dma_wait3A_117] : memref<128xi32, #tpu.memory_space<hbm>> -> memref<16xi32, #tpu.memory_space<hbm>>
      tpu.wait_dma2 semaphore(%run_scoped3A : memref<!tpu.dma_semaphore, #tpu.memory_space<semaphore_mem>>) src(%dma_wait3A_118 : memref<16xi32, #tpu.memory_space<hbm>>) dst(%arg10 : memref<16xi32, #tpu.memory_space<vmem>>)
      tpu.yield
    }) : () -> ()
    %scan3A = arith.constant 0 : i32
    %scan3A_9 = arith.constant 0 : i32
    %scan3A_10 = arith.constant 176 : i32
    %scan3A_11 = arith.addi %scan3A_9, %scan3A_10 : i32
    %scan3A_12 = arith.constant 1 : i32
    %scan3A_13 = scf.for %scan3A_111 = %scan3A_9 to %scan3A_11 step %scan3A_12 iter_args(%scan3A_112 = %scan3A) -> (i32)  : i32 {
      %broadcast_in_dim3A_113 = arith.constant 0 : i32
      %broadcast_in_dim3A_114 = vector.broadcast %broadcast_in_dim3A_113 : i32 to vector<16xi32>
      %mul3A_115 = arith.constant 8 : i32
      %mul3A_116 = arith.muli %scan3A_111, %mul3A_115 : i32
      %add3A_117 = arith.constant 0 : i32
      %add3A_118 = arith.addi %mul3A_116, %add3A_117 : i32
      %mul3A_119 = arith.constant 16 : i32
      %mul3A_120 = arith.muli %add3A_118, %mul3A_119 : i32
      %swap3A = arith.index_cast %mul3A_120 : i32 to index
      %swap3A_121 = tpu.vector_load %arg7[%swap3A] {strides = array<i32>} : memref<22528xi32, #tpu.memory_space<vmem>>, vector<16xi32>,
      tpu.vector_store %arg7[%swap3A], %broadcast_in_dim3A_114 {strides = array<i32>} : memref<22528xi32, #tpu.memory_space<vmem>>, vector<16xi32>,
      %broadcast_in_dim3A_122 = arith.constant 0 : i32
      %broadcast_in_dim3A_123 = vector.broadcast %broadcast_in_dim3A_122 : i32 to vector<16xi32>
      %mul3A_124 = arith.constant 8 : i32
      %mul3A_125 = arith.muli %scan3A_111, %mul3A_124 : i32
      %add3A_126 = arith.constant 1 : i32
      %add3A_127 = arith.addi %mul3A_125, %add3A_126 : i32
      %mul3A_128 = arith.constant 16 : i32
      %mul3A_129 = arith.muli %add3A_127, %mul3A_128 : i32
      %swap3A_130 = arith.index_cast %mul3A_129 : i32 to index
      %swap3A_131 = tpu.vector_load %arg7[%swap3A_130] {strides = array<i32>} : memref<22528xi32, #tpu.memory_space<vmem>>, vector<16xi32>,
      tpu.vector_store %arg7[%swap3A_130], %broadcast_in_dim3A_123 {strides = array<i32>} : memref<22528xi32, #tpu.memory_space<vmem>>, vector<16xi32>,
      %broadcast_in_dim3A_132 = arith.constant 0 : i32
      %broadcast_in_dim3A_133 = vector.broadcast %broadcast_in_dim3A_132 : i32 to vector<16xi32>
      %mul3A_134 = arith.constant 8 : i32
      %mul3A_135 = arith.muli %scan3A_111, %mul3A_134 : i32
      %add3A_136 = arith.constant 2 : i32
      %add3A_137 = arith.addi %mul3A_135, %add3A_136 : i32
      %mul3A_138 = arith.constant 16 : i32
      %mul3A_139 = arith.muli %add3A_137, %mul3A_138 : i32
      %swap3A_140 = arith.index_cast %mul3A_139 : i32 to index
      %swap3A_141 = tpu.vector_load %arg7[%swap3A_140] {strides = array<i32>} : memref<22528xi32, #tpu.memory_space<vmem>>, vector<16xi32>,
      tpu.vector_store %arg7[%swap3A_140], %broadcast_in_dim3A_133 {strides = array<i32>} : memref<22528xi32, #tpu.memory_space<vmem>>, vector<16xi32>,
      %broadcast_in_dim3A_142 = arith.constant 0 : i32
      %broadcast_in_dim3A_143 = vector.broadcast %broadcast_in_dim3A_142 : i32 to vector<16xi32>
      %mul3A_144 = arith.constant 8 : i32
      %mul3A_145 = arith.muli %scan3A_111, %mul3A_144 : i32
      %add3A_146 = arith.constant 3 : i32
      %add3A_147 = arith.addi %mul3A_145, %add3A_146 : i32
      %mul3A_148 = arith.constant 16 : i32
      %mul3A_149 = arith.muli %add3A_147, %mul3A_148 : i32
      %swap3A_150 = arith.index_cast %mul3A_149 : i32 to index
      %swap3A_151 = tpu.vector_load %arg7[%swap3A_150] {strides = array<i32>} : memref<22528xi32, #tpu.memory_space<vmem>>, vector<16xi32>,
      tpu.vector_store %arg7[%swap3A_150], %broadcast_in_dim3A_143 {strides = array<i32>} : memref<22528xi32, #tpu.memory_space<vmem>>, vector<16xi32>,
      %broadcast_in_dim3A_152 = arith.constant 0 : i32
      %broadcast_in_dim3A_153 = vector.broadcast %broadcast_in_dim3A_152 : i32 to vector<16xi32>
      %mul3A_154 = arith.constant 8 : i32
      %mul3A_155 = arith.muli %scan3A_111, %mul3A_154 : i32
      %add3A_156 = arith.constant 4 : i32
      %add3A_157 = arith.addi %mul3A_155, %add3A_156 : i32
      %mul3A_158 = arith.constant 16 : i32
      %mul3A_159 = arith.muli %add3A_157, %mul3A_158 : i32
      %swap3A_160 = arith.index_cast %mul3A_159 : i32 to index
      %swap3A_161 = tpu.vector_load %arg7[%swap3A_160] {strides = array<i32>} : memref<22528xi32, #tpu.memory_space<vmem>>, vector<16xi32>,
      tpu.vector_store %arg7[%swap3A_160], %broadcast_in_dim3A_153 {strides = array<i32>} : memref<22528xi32, #tpu.memory_space<vmem>>, vector<16xi32>,
      %broadcast_in_dim3A_162 = arith.constant 0 : i32
      %broadcast_in_dim3A_163 = vector.broadcast %broadcast_in_dim3A_162 : i32 to vector<16xi32>
      %mul3A_164 = arith.constant 8 : i32
      %mul3A_165 = arith.muli %scan3A_111, %mul3A_164 : i32
      %add3A_166 = arith.constant 5 : i32
      %add3A_167 = arith.addi %mul3A_165, %add3A_166 : i32
      %mul3A_168 = arith.constant 16 : i32
      %mul3A_169 = arith.muli %add3A_167, %mul3A_168 : i32
      %swap3A_170 = arith.index_cast %mul3A_169 : i32 to index
      %swap3A_171 = tpu.vector_load %arg7[%swap3A_170] {strides = array<i32>} : memref<22528xi32, #tpu.memory_space<vmem>>, vector<16xi32>,
      tpu.vector_store %arg7[%swap3A_170], %broadcast_in_dim3A_163 {strides = array<i32>} : memref<22528xi32, #tpu.memory_space<vmem>>, vector<16xi32>,
      %broadcast_in_dim3A_172 = arith.constant 0 : i32
      %broadcast_in_dim3A_173 = vector.broadcast %broadcast_in_dim3A_172 : i32 to vector<16xi32>
      %mul3A_174 = arith.constant 8 : i32
      %mul3A_175 = arith.muli %scan3A_111, %mul3A_174 : i32
      %add3A_176 = arith.constant 6 : i32
      %add3A_177 = arith.addi %mul3A_175, %add3A_176 : i32
      %mul3A_178 = arith.constant 16 : i32
      %mul3A_179 = arith.muli %add3A_177, %mul3A_178 : i32
      %swap3A_180 = arith.index_cast %mul3A_179 : i32 to index
      %swap3A_181 = tpu.vector_load %arg7[%swap3A_180] {strides = array<i32>} : memref<22528xi32, #tpu.memory_space<vmem>>, vector<16xi32>,
      tpu.vector_store %arg7[%swap3A_180], %broadcast_in_dim3A_173 {strides = array<i32>} : memref<22528xi32, #tpu.memory_space<vmem>>, vector<16xi32>,
      %broadcast_in_dim3A_182 = arith.constant 0 : i32
      %broadcast_in_dim3A_183 = vector.broadcast %broadcast_in_dim3A_182 : i32 to vector<16xi32>
      %mul3A_184 = arith.constant 8 : i32
      %mul3A_185 = arith.muli %scan3A_111, %mul3A_184 : i32
      %add3A_186 = arith.constant 7 : i32
      %add3A_187 = arith.addi %mul3A_185, %add3A_186 : i32
      %mul3A_188 = arith.constant 16 : i32
      %mul3A_189 = arith.muli %add3A_187, %mul3A_188 : i32
      %swap3A_190 = arith.index_cast %mul3A_189 : i32 to index
      %swap3A_191 = tpu.vector_load %arg7[%swap3A_190] {strides = array<i32>} : memref<22528xi32, #tpu.memory_space<vmem>>, vector<16xi32>,
      tpu.vector_store %arg7[%swap3A_190], %broadcast_in_dim3A_183 {strides = array<i32>} : memref<22528xi32, #tpu.memory_space<vmem>>, vector<16xi32>,
      %scan3A_192 = arith.constant 0 : i32
      scf.yield %scan3A_192 : i32
    }
    %scan3A_14 = arith.constant 176 : i32
    %add3A_15 = arith.constant 32 : i32
    %add3A_16 = arith.addi %mul3A_2, %add3A_15 : i32
    %dma_start3A_17 = arith.constant 0 : i32
    %dma_start3A_18 = tpu.memref_slice %arg2[%add3A_16, %dma_start3A_17] : memref<4096x512xi32, #tpu.memory_space<hbm>> -> memref<32x512xi32, #tpu.memory_space<hbm>>
    %dma_start3A_19 = arith.constant 0 : i32
    %dma_start3A_20 = tpu.memref_slice %arg2[%add3A_16, %dma_start3A_19] : memref<4096x512xi32, #tpu.memory_space<hbm>> -> memref<32x512xi32, #tpu.memory_space<hbm>>
    tpu.enqueue_dma source(%dma_start3A_20 : memref<32x512xi32, #tpu.memory_space<hbm>>) target(%arg6 : memref<32x512xi32, #tpu.memory_space<vmem>>) target_semaphore(%arg9 : memref<!tpu.dma_semaphore, #tpu.memory_space<semaphore_mem>>)
    %dma_wait3A = arith.constant 0 : i32
    %dma_wait3A_21 = arith.constant 0 : i32
    %dma_wait3A_22 = tpu.memref_slice %arg2[%dma_wait3A, %dma_wait3A_21] : memref<4096x512xi32, #tpu.memory_space<hbm>> -> memref<32x512xi32, #tpu.memory_space<hbm>>
    %dma_wait3A_23 = arith.constant 0 : i32
    %dma_wait3A_24 = arith.constant 0 : i32
    %dma_wait3A_25 = tpu.memref_slice %arg2[%dma_wait3A_23, %dma_wait3A_24] : memref<4096x512xi32, #tpu.memory_space<hbm>> -> memref<32x512xi32, #tpu.memory_space<hbm>>
    tpu.wait_dma2 semaphore(%arg8 : memref<!tpu.dma_semaphore, #tpu.memory_space<semaphore_mem>>) src(%dma_wait3A_25 : memref<32x512xi32, #tpu.memory_space<hbm>>) dst(%arg5 : memref<32x512xi32, #tpu.memory_space<vmem>>)
    %parallel_loop3A = arith.constant 0 : i32
    %parallel_loop3A_26 = arith.constant 16384 : i32
    %parallel_loop3A_27 = arith.constant 16 : i32
    scf.for %parallel_loop3A_111 = %parallel_loop3A to %parallel_loop3A_26 step %parallel_loop3A_27  : i32 {
      %parallel_loop3A_112 = arith.constant 9 : i32
      %parallel_loop3A_113 = arith.shrui %parallel_loop3A_111, %parallel_loop3A_112 : i32
      %parallel_loop3A_114 = arith.constant 511 : i32
      %parallel_loop3A_115 = arith.andi %parallel_loop3A_111, %parallel_loop3A_114 : i32
      %parallel_loop3A_116 = arith.index_cast %parallel_loop3A_113 : i32 to index
      %parallel_loop3A_117 = arith.index_cast %parallel_loop3A_115 : i32 to index
      %parallel_loop3A_118 = tpu.vector_load %arg5[%parallel_loop3A_116, %parallel_loop3A_117] {strides = array<i32>} : memref<32x512xi32, #tpu.memory_space<vmem>>, vector<16xi32>,
      %parallel_loop3A_119 = arith.constant 27 : i32
      %parallel_loop3A_120 = vector.broadcast %parallel_loop3A_119 : i32 to vector<16xi32>
      %parallel_loop3A_121 = arith.shrui %parallel_loop3A_118, %parallel_loop3A_120 : vector<16xi32>
      %parallel_loop3A_122 = tpu.vector_load_idx %arg10[%parallel_loop3A_121] : memref<16xi32, #tpu.memory_space<vmem>>[vector<16xi32>], vector<16xi32>,
      %parallel_loop3A_123 = arith.constant 16 : i32
      %parallel_loop3A_124 = vector.broadcast %parallel_loop3A_123 : i32 to vector<16xi32>
      %parallel_loop3A_125 = arith.shrui %parallel_loop3A_118, %parallel_loop3A_124 : vector<16xi32>
      %parallel_loop3A_126 = arith.cmpi eq, %parallel_loop3A_125, %parallel_loop3A_122 : vector<16xi32>
      %parallel_loop3A_127 = arith.constant 5 : i32
      %parallel_loop3A_128 = vector.broadcast %parallel_loop3A_127 : i32 to vector<16xi32>
      %parallel_loop3A_129 = arith.shrui %parallel_loop3A_118, %parallel_loop3A_128 : vector<16xi32>
      %parallel_loop3A_130 = arith.constant 2047 : i32
      %parallel_loop3A_131 = vector.broadcast %parallel_loop3A_130 : i32 to vector<16xi32>
      %parallel_loop3A_132 = arith.andi %parallel_loop3A_129, %parallel_loop3A_131 : vector<16xi32>
      %parallel_loop3A_133 = arith.constant 11 : i32
      %parallel_loop3A_134 = vector.broadcast %parallel_loop3A_133 : i32 to vector<16xi32>
      %parallel_loop3A_135 = arith.shli %parallel_loop3A_121, %parallel_loop3A_134 : vector<16xi32>
      %parallel_loop3A_136 = arith.addi %parallel_loop3A_135, %parallel_loop3A_132 : vector<16xi32>
      tpu.vector_store_idx %arg7[%parallel_loop3A_136], %broadcast_in_dim3A_3 masked %parallel_loop3A_126 {add = true} : memref<22528xi32, #tpu.memory_space<vmem>>[vector<16xi32>], vector<16xi32>, vector<16xi1>
    } {sc.loop_unroll_factor = 8 : i64, sc.parallel_access}
    %add3A_28 = arith.constant 64 : i32
    %add3A_29 = arith.addi %mul3A_2, %add3A_28 : i32
    %dma_start3A_30 = arith.constant 0 : i32
    %dma_start3A_31 = tpu.memref_slice %arg2[%add3A_29, %dma_start3A_30] : memref<4096x512xi32, #tpu.memory_space<hbm>> -> memref<32x512xi32, #tpu.memory_space<hbm>>
    %dma_start3A_32 = arith.constant 0 : i32
    %dma_start3A_33 = tpu.memref_slice %arg2[%add3A_29, %dma_start3A_32] : memref<4096x512xi32, #tpu.memory_space<hbm>> -> memref<32x512xi32, #tpu.memory_space<hbm>>
    tpu.enqueue_dma source(%dma_start3A_33 : memref<32x512xi32, #tpu.memory_space<hbm>>) target(%arg5 : memref<32x512xi32, #tpu.memory_space<vmem>>) target_semaphore(%arg8 : memref<!tpu.dma_semaphore, #tpu.memory_space<semaphore_mem>>)
    %dma_wait3A_34 = arith.constant 0 : i32
    %dma_wait3A_35 = arith.constant 0 : i32
    %dma_wait3A_36 = tpu.memref_slice %arg2[%dma_wait3A_34, %dma_wait3A_35] : memref<4096x512xi32, #tpu.memory_space<hbm>> -> memref<32x512xi32, #tpu.memory_space<hbm>>
    %dma_wait3A_37 = arith.constant 0 : i32
    %dma_wait3A_38 = arith.constant 0 : i32
    %dma_wait3A_39 = tpu.memref_slice %arg2[%dma_wait3A_37, %dma_wait3A_38] : memref<4096x512xi32, #tpu.memory_space<hbm>> -> memref<32x512xi32, #tpu.memory_space<hbm>>
    tpu.wait_dma2 semaphore(%arg9 : memref<!tpu.dma_semaphore, #tpu.memory_space<semaphore_mem>>) src(%dma_wait3A_39 : memref<32x512xi32, #tpu.memory_space<hbm>>) dst(%arg6 : memref<32x512xi32, #tpu.memory_space<vmem>>)
    %parallel_loop3A_40 = arith.constant 0 : i32
    %parallel_loop3A_41 = arith.constant 16384 : i32
    %parallel_loop3A_42 = arith.constant 16 : i32
    scf.for %parallel_loop3A_111 = %parallel_loop3A_40 to %parallel_loop3A_41 step %parallel_loop3A_42  : i32 {
      %parallel_loop3A_112 = arith.constant 9 : i32
      %parallel_loop3A_113 = arith.shrui %parallel_loop3A_111, %parallel_loop3A_112 : i32
      %parallel_loop3A_114 = arith.constant 511 : i32
      %parallel_loop3A_115 = arith.andi %parallel_loop3A_111, %parallel_loop3A_114 : i32
      %parallel_loop3A_116 = arith.index_cast %parallel_loop3A_113 : i32 to index
      %parallel_loop3A_117 = arith.index_cast %parallel_loop3A_115 : i32 to index
      %parallel_loop3A_118 = tpu.vector_load %arg6[%parallel_loop3A_116, %parallel_loop3A_117] {strides = array<i32>} : memref<32x512xi32, #tpu.memory_space<vmem>>, vector<16xi32>,
      %parallel_loop3A_119 = arith.constant 27 : i32
      %parallel_loop3A_120 = vector.broadcast %parallel_loop3A_119 : i32 to vector<16xi32>
      %parallel_loop3A_121 = arith.shrui %parallel_loop3A_118, %parallel_loop3A_120 : vector<16xi32>
      %parallel_loop3A_122 = tpu.vector_load_idx %arg10[%parallel_loop3A_121] : memref<16xi32, #tpu.memory_space<vmem>>[vector<16xi32>], vector<16xi32>,
      %parallel_loop3A_123 = arith.constant 16 : i32
      %parallel_loop3A_124 = vector.broadcast %parallel_loop3A_123 : i32 to vector<16xi32>
      %parallel_loop3A_125 = arith.shrui %parallel_loop3A_118, %parallel_loop3A_124 : vector<16xi32>
      %parallel_loop3A_126 = arith.cmpi eq, %parallel_loop3A_125, %parallel_loop3A_122 : vector<16xi32>
      %parallel_loop3A_127 = arith.constant 5 : i32
      %parallel_loop3A_128 = vector.broadcast %parallel_loop3A_127 : i32 to vector<16xi32>
      %parallel_loop3A_129 = arith.shrui %parallel_loop3A_118, %parallel_loop3A_128 : vector<16xi32>
      %parallel_loop3A_130 = arith.constant 2047 : i32
      %parallel_loop3A_131 = vector.broadcast %parallel_loop3A_130 : i32 to vector<16xi32>
      %parallel_loop3A_132 = arith.andi %parallel_loop3A_129, %parallel_loop3A_131 : vector<16xi32>
      %parallel_loop3A_133 = arith.constant 11 : i32
      %parallel_loop3A_134 = vector.broadcast %parallel_loop3A_133 : i32 to vector<16xi32>
      %parallel_loop3A_135 = arith.shli %parallel_loop3A_121, %parallel_loop3A_134 : vector<16xi32>
      %parallel_loop3A_136 = arith.addi %parallel_loop3A_135, %parallel_loop3A_132 : vector<16xi32>
      tpu.vector_store_idx %arg7[%parallel_loop3A_136], %broadcast_in_dim3A_3 masked %parallel_loop3A_126 {add = true} : memref<22528xi32, #tpu.memory_space<vmem>>[vector<16xi32>], vector<16xi32>, vector<16xi1>
    } {sc.loop_unroll_factor = 8 : i64, sc.parallel_access}
    %add3A_43 = arith.constant 96 : i32
    %add3A_44 = arith.addi %mul3A_2, %add3A_43 : i32
    %dma_start3A_45 = arith.constant 0 : i32
    %dma_start3A_46 = tpu.memref_slice %arg2[%add3A_44, %dma_start3A_45] : memref<4096x512xi32, #tpu.memory_space<hbm>> -> memref<32x512xi32, #tpu.memory_space<hbm>>
    %dma_start3A_47 = arith.constant 0 : i32
    %dma_start3A_48 = tpu.memref_slice %arg2[%add3A_44, %dma_start3A_47] : memref<4096x512xi32, #tpu.memory_space<hbm>> -> memref<32x512xi32, #tpu.memory_space<hbm>>
    tpu.enqueue_dma source(%dma_start3A_48 : memref<32x512xi32, #tpu.memory_space<hbm>>) target(%arg6 : memref<32x512xi32, #tpu.memory_space<vmem>>) target_semaphore(%arg9 : memref<!tpu.dma_semaphore, #tpu.memory_space<semaphore_mem>>)
    %dma_wait3A_49 = arith.constant 0 : i32
    %dma_wait3A_50 = arith.constant 0 : i32
    %dma_wait3A_51 = tpu.memref_slice %arg2[%dma_wait3A_49, %dma_wait3A_50] : memref<4096x512xi32, #tpu.memory_space<hbm>> -> memref<32x512xi32, #tpu.memory_space<hbm>>
    %dma_wait3A_52 = arith.constant 0 : i32
    %dma_wait3A_53 = arith.constant 0 : i32
    %dma_wait3A_54 = tpu.memref_slice %arg2[%dma_wait3A_52, %dma_wait3A_53] : memref<4096x512xi32, #tpu.memory_space<hbm>> -> memref<32x512xi32, #tpu.memory_space<hbm>>
    tpu.wait_dma2 semaphore(%arg8 : memref<!tpu.dma_semaphore, #tpu.memory_space<semaphore_mem>>) src(%dma_wait3A_54 : memref<32x512xi32, #tpu.memory_space<hbm>>) dst(%arg5 : memref<32x512xi32, #tpu.memory_space<vmem>>)
    %parallel_loop3A_55 = arith.constant 0 : i32
    %parallel_loop3A_56 = arith.constant 16384 : i32
    %parallel_loop3A_57 = arith.constant 16 : i32
    scf.for %parallel_loop3A_111 = %parallel_loop3A_55 to %parallel_loop3A_56 step %parallel_loop3A_57  : i32 {
      %parallel_loop3A_112 = arith.constant 9 : i32
      %parallel_loop3A_113 = arith.shrui %parallel_loop3A_111, %parallel_loop3A_112 : i32
      %parallel_loop3A_114 = arith.constant 511 : i32
      %parallel_loop3A_115 = arith.andi %parallel_loop3A_111, %parallel_loop3A_114 : i32
      %parallel_loop3A_116 = arith.index_cast %parallel_loop3A_113 : i32 to index
      %parallel_loop3A_117 = arith.index_cast %parallel_loop3A_115 : i32 to index
      %parallel_loop3A_118 = tpu.vector_load %arg5[%parallel_loop3A_116, %parallel_loop3A_117] {strides = array<i32>} : memref<32x512xi32, #tpu.memory_space<vmem>>, vector<16xi32>,
      %parallel_loop3A_119 = arith.constant 27 : i32
      %parallel_loop3A_120 = vector.broadcast %parallel_loop3A_119 : i32 to vector<16xi32>
      %parallel_loop3A_121 = arith.shrui %parallel_loop3A_118, %parallel_loop3A_120 : vector<16xi32>
      %parallel_loop3A_122 = tpu.vector_load_idx %arg10[%parallel_loop3A_121] : memref<16xi32, #tpu.memory_space<vmem>>[vector<16xi32>], vector<16xi32>,
      %parallel_loop3A_123 = arith.constant 16 : i32
      %parallel_loop3A_124 = vector.broadcast %parallel_loop3A_123 : i32 to vector<16xi32>
      %parallel_loop3A_125 = arith.shrui %parallel_loop3A_118, %parallel_loop3A_124 : vector<16xi32>
      %parallel_loop3A_126 = arith.cmpi eq, %parallel_loop3A_125, %parallel_loop3A_122 : vector<16xi32>
      %parallel_loop3A_127 = arith.constant 5 : i32
      %parallel_loop3A_128 = vector.broadcast %parallel_loop3A_127 : i32 to vector<16xi32>
      %parallel_loop3A_129 = arith.shrui %parallel_loop3A_118, %parallel_loop3A_128 : vector<16xi32>
      %parallel_loop3A_130 = arith.constant 2047 : i32
      %parallel_loop3A_131 = vector.broadcast %parallel_loop3A_130 : i32 to vector<16xi32>
      %parallel_loop3A_132 = arith.andi %parallel_loop3A_129, %parallel_loop3A_131 : vector<16xi32>
      %parallel_loop3A_133 = arith.constant 11 : i32
      %parallel_loop3A_134 = vector.broadcast %parallel_loop3A_133 : i32 to vector<16xi32>
      %parallel_loop3A_135 = arith.shli %parallel_loop3A_121, %parallel_loop3A_134 : vector<16xi32>
      %parallel_loop3A_136 = arith.addi %parallel_loop3A_135, %parallel_loop3A_132 : vector<16xi32>
      tpu.vector_store_idx %arg7[%parallel_loop3A_136], %broadcast_in_dim3A_3 masked %parallel_loop3A_126 {add = true} : memref<22528xi32, #tpu.memory_space<vmem>>[vector<16xi32>], vector<16xi32>, vector<16xi1>
    } {sc.loop_unroll_factor = 8 : i64, sc.parallel_access}
    %dma_wait3A_58 = arith.constant 0 : i32
    %dma_wait3A_59 = arith.constant 0 : i32
    %dma_wait3A_60 = tpu.memref_slice %arg2[%dma_wait3A_58, %dma_wait3A_59] : memref<4096x512xi32, #tpu.memory_space<hbm>> -> memref<32x512xi32, #tpu.memory_space<hbm>>
    %dma_wait3A_61 = arith.constant 0 : i32
    %dma_wait3A_62 = arith.constant 0 : i32
    %dma_wait3A_63 = tpu.memref_slice %arg2[%dma_wait3A_61, %dma_wait3A_62] : memref<4096x512xi32, #tpu.memory_space<hbm>> -> memref<32x512xi32, #tpu.memory_space<hbm>>
    tpu.wait_dma2 semaphore(%arg9 : memref<!tpu.dma_semaphore, #tpu.memory_space<semaphore_mem>>) src(%dma_wait3A_63 : memref<32x512xi32, #tpu.memory_space<hbm>>) dst(%arg6 : memref<32x512xi32, #tpu.memory_space<vmem>>)
    %parallel_loop3A_64 = arith.constant 0 : i32
    %parallel_loop3A_65 = arith.constant 16384 : i32
    %parallel_loop3A_66 = arith.constant 16 : i32
    scf.for %parallel_loop3A_111 = %parallel_loop3A_64 to %parallel_loop3A_65 step %parallel_loop3A_66  : i32 {
      %parallel_loop3A_112 = arith.constant 9 : i32
      %parallel_loop3A_113 = arith.shrui %parallel_loop3A_111, %parallel_loop3A_112 : i32
      %parallel_loop3A_114 = arith.constant 511 : i32
      %parallel_loop3A_115 = arith.andi %parallel_loop3A_111, %parallel_loop3A_114 : i32
      %parallel_loop3A_116 = arith.index_cast %parallel_loop3A_113 : i32 to index
      %parallel_loop3A_117 = arith.index_cast %parallel_loop3A_115 : i32 to index
      %parallel_loop3A_118 = tpu.vector_load %arg6[%parallel_loop3A_116, %parallel_loop3A_117] {strides = array<i32>} : memref<32x512xi32, #tpu.memory_space<vmem>>, vector<16xi32>,
      %parallel_loop3A_119 = arith.constant 27 : i32
      %parallel_loop3A_120 = vector.broadcast %parallel_loop3A_119 : i32 to vector<16xi32>
      %parallel_loop3A_121 = arith.shrui %parallel_loop3A_118, %parallel_loop3A_120 : vector<16xi32>
      %parallel_loop3A_122 = tpu.vector_load_idx %arg10[%parallel_loop3A_121] : memref<16xi32, #tpu.memory_space<vmem>>[vector<16xi32>], vector<16xi32>,
      %parallel_loop3A_123 = arith.constant 16 : i32
      %parallel_loop3A_124 = vector.broadcast %parallel_loop3A_123 : i32 to vector<16xi32>
      %parallel_loop3A_125 = arith.shrui %parallel_loop3A_118, %parallel_loop3A_124 : vector<16xi32>
      %parallel_loop3A_126 = arith.cmpi eq, %parallel_loop3A_125, %parallel_loop3A_122 : vector<16xi32>
      %parallel_loop3A_127 = arith.constant 5 : i32
      %parallel_loop3A_128 = vector.broadcast %parallel_loop3A_127 : i32 to vector<16xi32>
      %parallel_loop3A_129 = arith.shrui %parallel_loop3A_118, %parallel_loop3A_128 : vector<16xi32>
      %parallel_loop3A_130 = arith.constant 2047 : i32
      %parallel_loop3A_131 = vector.broadcast %parallel_loop3A_130 : i32 to vector<16xi32>
      %parallel_loop3A_132 = arith.andi %parallel_loop3A_129, %parallel_loop3A_131 : vector<16xi32>
      %parallel_loop3A_133 = arith.constant 11 : i32
      %parallel_loop3A_134 = vector.broadcast %parallel_loop3A_133 : i32 to vector<16xi32>
      %parallel_loop3A_135 = arith.shli %parallel_loop3A_121, %parallel_loop3A_134 : vector<16xi32>
      %parallel_loop3A_136 = arith.addi %parallel_loop3A_135, %parallel_loop3A_132 : vector<16xi32>
      tpu.vector_store_idx %arg7[%parallel_loop3A_136], %broadcast_in_dim3A_3 masked %parallel_loop3A_126 {add = true} : memref<22528xi32, #tpu.memory_space<vmem>>[vector<16xi32>], vector<16xi32>, vector<16xi1>
    } {sc.loop_unroll_factor = 8 : i64, sc.parallel_access}
    %mul3A_67 = arith.constant 16 : i32
    %mul3A_68 = arith.muli %add3A, %mul3A_67 : i32
    %add3A_69 = arith.constant 0 : i32
    %add3A_70 = arith.addi %mul3A_68, %add3A_69 : i32
    "tpu.region"() ({
      %run_scoped3A = tpu.sem_alloc : memref<!tpu.dma_semaphore, #tpu.memory_space<semaphore_mem>>
      %dma_start3A_111 = arith.constant 0 : i32
      %dma_start3A_112 = tpu.memref_slice %arg7[%dma_start3A_111] : memref<22528xi32, #tpu.memory_space<vmem>> -> memref<2048xi32, #tpu.memory_space<vmem>>
      %dma_start3A_113 = arith.constant 0 : i32
      %dma_start3A_114 = tpu.memref_slice %arg4[%add3A_70, %dma_start3A_113] : memref<512x2048xi32, #tpu.memory_space<hbm>> -> memref<1x2048xi32, #tpu.memory_space<hbm>>
      %dma_start3A_115 = tpu.memref_squeeze %dma_start3A_114 : memref<1x2048xi32, #tpu.memory_space<hbm>> -> memref<2048xi32, #tpu.memory_space<hbm>>
      %dma_start3A_116 = arith.constant 0 : i32
      %dma_start3A_117 = tpu.memref_slice %arg4[%add3A_70, %dma_start3A_116] : memref<512x2048xi32, #tpu.memory_space<hbm>> -> memref<1x2048xi32, #tpu.memory_space<hbm>>
      %dma_start3A_118 = tpu.memref_squeeze %dma_start3A_117 : memref<1x2048xi32, #tpu.memory_space<hbm>> -> memref<2048xi32, #tpu.memory_space<hbm>>
      %dma_start3A_119 = arith.constant 0 : i32
      %dma_start3A_120 = tpu.memref_slice %arg7[%dma_start3A_119] : memref<22528xi32, #tpu.memory_space<vmem>> -> memref<2048xi32, #tpu.memory_space<vmem>>
      tpu.enqueue_dma source(%dma_start3A_120 : memref<2048xi32, #tpu.memory_space<vmem>>) target(%dma_start3A_118 : memref<2048xi32, #tpu.memory_space<hbm>>) target_semaphore(%run_scoped3A : memref<!tpu.dma_semaphore, #tpu.memory_space<semaphore_mem>>)
      %dma_wait3A_121 = arith.constant 0 : i32
      %dma_wait3A_122 = tpu.memref_slice %arg7[%dma_wait3A_121] : memref<22528xi32, #tpu.memory_space<vmem>> -> memref<2048xi32, #tpu.memory_space<vmem>>
      %dma_wait3A_123 = arith.constant 0 : i32
      %dma_wait3A_124 = tpu.memref_slice %arg4[%add3A_70, %dma_wait3A_123] : memref<512x2048xi32, #tpu.memory_space<hbm>> -> memref<1x2048xi32, #tpu.memory_space<hbm>>
      %dma_wait3A_125 = tpu.memref_squeeze %dma_wait3A_124 : memref<1x2048xi32, #tpu.memory_space<hbm>> -> memref<2048xi32, #tpu.memory_space<hbm>>
      %dma_wait3A_126 = arith.constant 0 : i32
      %dma_wait3A_127 = tpu.memref_slice %arg4[%add3A_70, %dma_wait3A_126] : memref<512x2048xi32, #tpu.memory_space<hbm>> -> memref<1x2048xi32, #tpu.memory_space<hbm>>
      %dma_wait3A_128 = tpu.memref_squeeze %dma_wait3A_127 : memref<1x2048xi32, #tpu.memory_space<hbm>> -> memref<2048xi32, #tpu.memory_space<hbm>>
      %dma_wait3A_129 = arith.constant 0 : i32
      %dma_wait3A_130 = tpu.memref_slice %arg7[%dma_wait3A_129] : memref<22528xi32, #tpu.memory_space<vmem>> -> memref<2048xi32, #tpu.memory_space<vmem>>
      tpu.wait_dma2 semaphore(%run_scoped3A : memref<!tpu.dma_semaphore, #tpu.memory_space<semaphore_mem>>) src(%dma_wait3A_130 : memref<2048xi32, #tpu.memory_space<vmem>>) dst(%dma_wait3A_128 : memref<2048xi32, #tpu.memory_space<hbm>>)
      tpu.yield
    }) : () -> ()
    %mul3A_71 = arith.constant 16 : i32
    %mul3A_72 = arith.muli %add3A, %mul3A_71 : i32
    %add3A_73 = arith.constant 1 : i32
    %add3A_74 = arith.addi %mul3A_72, %add3A_73 : i32
    "tpu.region"() ({
      %run_scoped3A = tpu.sem_alloc : memref<!tpu.dma_semaphore, #tpu.memory_space<semaphore_mem>>
      %dma_start3A_111 = arith.constant 2048 : i32
      %dma_start3A_112 = tpu.memref_slice %arg7[%dma_start3A_111] : memref<22528xi32, #tpu.memory_space<vmem>> -> memref<2048xi32, #tpu.memory_space<vmem>>
      %dma_start3A_113 = arith.constant 0 : i32
      %dma_start3A_114 = tpu.memref_slice %arg4[%add3A_74, %dma_start3A_113] : memref<512x2048xi32, #tpu.memory_space<hbm>> -> memref<1x2048xi32, #tpu.memory_space<hbm>>
      %dma_start3A_115 = tpu.memref_squeeze %dma_start3A_114 : memref<1x2048xi32, #tpu.memory_space<hbm>> -> memref<2048xi32, #tpu.memory_space<hbm>>
      %dma_start3A_116 = arith.constant 0 : i32
      %dma_start3A_117 = tpu.memref_slice %arg4[%add3A_74, %dma_start3A_116] : memref<512x2048xi32, #tpu.memory_space<hbm>> -> memref<1x2048xi32, #tpu.memory_space<hbm>>
      %dma_start3A_118 = tpu.memref_squeeze %dma_start3A_117 : memref<1x2048xi32, #tpu.memory_space<hbm>> -> memref<2048xi32, #tpu.memory_space<hbm>>
      %dma_start3A_119 = arith.constant 2048 : i32
      %dma_start3A_120 = tpu.memref_slice %arg7[%dma_start3A_119] : memref<22528xi32, #tpu.memory_space<vmem>> -> memref<2048xi32, #tpu.memory_space<vmem>>
      tpu.enqueue_dma source(%dma_start3A_120 : memref<2048xi32, #tpu.memory_space<vmem>>) target(%dma_start3A_118 : memref<2048xi32, #tpu.memory_space<hbm>>) target_semaphore(%run_scoped3A : memref<!tpu.dma_semaphore, #tpu.memory_space<semaphore_mem>>)
      %dma_wait3A_121 = arith.constant 2048 : i32
      %dma_wait3A_122 = tpu.memref_slice %arg7[%dma_wait3A_121] : memref<22528xi32, #tpu.memory_space<vmem>> -> memref<2048xi32, #tpu.memory_space<vmem>>
      %dma_wait3A_123 = arith.constant 0 : i32
      %dma_wait3A_124 = tpu.memref_slice %arg4[%add3A_74, %dma_wait3A_123] : memref<512x2048xi32, #tpu.memory_space<hbm>> -> memref<1x2048xi32, #tpu.memory_space<hbm>>
      %dma_wait3A_125 = tpu.memref_squeeze %dma_wait3A_124 : memref<1x2048xi32, #tpu.memory_space<hbm>> -> memref<2048xi32, #tpu.memory_space<hbm>>
      %dma_wait3A_126 = arith.constant 0 : i32
      %dma_wait3A_127 = tpu.memref_slice %arg4[%add3A_74, %dma_wait3A_126] : memref<512x2048xi32, #tpu.memory_space<hbm>> -> memref<1x2048xi32, #tpu.memory_space<hbm>>
      %dma_wait3A_128 = tpu.memref_squeeze %dma_wait3A_127 : memref<1x2048xi32, #tpu.memory_space<hbm>> -> memref<2048xi32, #tpu.memory_space<hbm>>
      %dma_wait3A_129 = arith.constant 2048 : i32
      %dma_wait3A_130 = tpu.memref_slice %arg7[%dma_wait3A_129] : memref<22528xi32, #tpu.memory_space<vmem>> -> memref<2048xi32, #tpu.memory_space<vmem>>
      tpu.wait_dma2 semaphore(%run_scoped3A : memref<!tpu.dma_semaphore, #tpu.memory_space<semaphore_mem>>) src(%dma_wait3A_130 : memref<2048xi32, #tpu.memory_space<vmem>>) dst(%dma_wait3A_128 : memref<2048xi32, #tpu.memory_space<hbm>>)
      tpu.yield
    }) : () -> ()
    %mul3A_75 = arith.constant 16 : i32
    %mul3A_76 = arith.muli %add3A, %mul3A_75 : i32
    %add3A_77 = arith.constant 2 : i32
    %add3A_78 = arith.addi %mul3A_76, %add3A_77 : i32
    "tpu.region"() ({
      %run_scoped3A = tpu.sem_alloc : memref<!tpu.dma_semaphore, #tpu.memory_space<semaphore_mem>>
      %dma_start3A_111 = arith.constant 4096 : i32
      %dma_start3A_112 = tpu.memref_slice %arg7[%dma_start3A_111] : memref<22528xi32, #tpu.memory_space<vmem>> -> memref<2048xi32, #tpu.memory_space<vmem>>
      %dma_start3A_113 = arith.constant 0 : i32
      %dma_start3A_114 = tpu.memref_slice %arg4[%add3A_78, %dma_start3A_113] : memref<512x2048xi32, #tpu.memory_space<hbm>> -> memref<1x2048xi32, #tpu.memory_space<hbm>>
      %dma_start3A_115 = tpu.memref_squeeze %dma_start3A_114 : memref<1x2048xi32, #tpu.memory_space<hbm>> -> memref<2048xi32, #tpu.memory_space<hbm>>
      %dma_start3A_116 = arith.constant 0 : i32
      %dma_start3A_117 = tpu.memref_slice %arg4[%add3A_78, %dma_start3A_116] : memref<512x2048xi32, #tpu.memory_space<hbm>> -> memref<1x2048xi32, #tpu.memory_space<hbm>>
      %dma_start3A_118 = tpu.memref_squeeze %dma_start3A_117 : memref<1x2048xi32, #tpu.memory_space<hbm>> -> memref<2048xi32, #tpu.memory_space<hbm>>
      %dma_start3A_119 = arith.constant 4096 : i32
      %dma_start3A_120 = tpu.memref_slice %arg7[%dma_start3A_119] : memref<22528xi32, #tpu.memory_space<vmem>> -> memref<2048xi32, #tpu.memory_space<vmem>>
      tpu.enqueue_dma source(%dma_start3A_120 : memref<2048xi32, #tpu.memory_space<vmem>>) target(%dma_start3A_118 : memref<2048xi32, #tpu.memory_space<hbm>>) target_semaphore(%run_scoped3A : memref<!tpu.dma_semaphore, #tpu.memory_space<semaphore_mem>>)
      %dma_wait3A_121 = arith.constant 4096 : i32
      %dma_wait3A_122 = tpu.memref_slice %arg7[%dma_wait3A_121] : memref<22528xi32, #tpu.memory_space<vmem>> -> memref<2048xi32, #tpu.memory_space<vmem>>
      %dma_wait3A_123 = arith.constant 0 : i32
      %dma_wait3A_124 = tpu.memref_slice %arg4[%add3A_78, %dma_wait3A_123] : memref<512x2048xi32, #tpu.memory_space<hbm>> -> memref<1x2048xi32, #tpu.memory_space<hbm>>
      %dma_wait3A_125 = tpu.memref_squeeze %dma_wait3A_124 : memref<1x2048xi32, #tpu.memory_space<hbm>> -> memref<2048xi32, #tpu.memory_space<hbm>>
      %dma_wait3A_126 = arith.constant 0 : i32
      %dma_wait3A_127 = tpu.memref_slice %arg4[%add3A_78, %dma_wait3A_126] : memref<512x2048xi32, #tpu.memory_space<hbm>> -> memref<1x2048xi32, #tpu.memory_space<hbm>>
      %dma_wait3A_128 = tpu.memref_squeeze %dma_wait3A_127 : memref<1x2048xi32, #tpu.memory_space<hbm>> -> memref<2048xi32, #tpu.memory_space<hbm>>
      %dma_wait3A_129 = arith.constant 4096 : i32
      %dma_wait3A_130 = tpu.memref_slice %arg7[%dma_wait3A_129] : memref<22528xi32, #tpu.memory_space<vmem>> -> memref<2048xi32, #tpu.memory_space<vmem>>
      tpu.wait_dma2 semaphore(%run_scoped3A : memref<!tpu.dma_semaphore, #tpu.memory_space<semaphore_mem>>) src(%dma_wait3A_130 : memref<2048xi32, #tpu.memory_space<vmem>>) dst(%dma_wait3A_128 : memref<2048xi32, #tpu.memory_space<hbm>>)
      tpu.yield
    }) : () -> ()
    %mul3A_79 = arith.constant 16 : i32
    %mul3A_80 = arith.muli %add3A, %mul3A_79 : i32
    %add3A_81 = arith.constant 3 : i32
    %add3A_82 = arith.addi %mul3A_80, %add3A_81 : i32
    "tpu.region"() ({
      %run_scoped3A = tpu.sem_alloc : memref<!tpu.dma_semaphore, #tpu.memory_space<semaphore_mem>>
      %dma_start3A_111 = arith.constant 6144 : i32
      %dma_start3A_112 = tpu.memref_slice %arg7[%dma_start3A_111] : memref<22528xi32, #tpu.memory_space<vmem>> -> memref<2048xi32, #tpu.memory_space<vmem>>
      %dma_start3A_113 = arith.constant 0 : i32
      %dma_start3A_114 = tpu.memref_slice %arg4[%add3A_82, %dma_start3A_113] : memref<512x2048xi32, #tpu.memory_space<hbm>> -> memref<1x2048xi32, #tpu.memory_space<hbm>>
      %dma_start3A_115 = tpu.memref_squeeze %dma_start3A_114 : memref<1x2048xi32, #tpu.memory_space<hbm>> -> memref<2048xi32, #tpu.memory_space<hbm>>
      %dma_start3A_116 = arith.constant 0 : i32
      %dma_start3A_117 = tpu.memref_slice %arg4[%add3A_82, %dma_start3A_116] : memref<512x2048xi32, #tpu.memory_space<hbm>> -> memref<1x2048xi32, #tpu.memory_space<hbm>>
      %dma_start3A_118 = tpu.memref_squeeze %dma_start3A_117 : memref<1x2048xi32, #tpu.memory_space<hbm>> -> memref<2048xi32, #tpu.memory_space<hbm>>
      %dma_start3A_119 = arith.constant 6144 : i32
      %dma_start3A_120 = tpu.memref_slice %arg7[%dma_start3A_119] : memref<22528xi32, #tpu.memory_space<vmem>> -> memref<2048xi32, #tpu.memory_space<vmem>>
      tpu.enqueue_dma source(%dma_start3A_120 : memref<2048xi32, #tpu.memory_space<vmem>>) target(%dma_start3A_118 : memref<2048xi32, #tpu.memory_space<hbm>>) target_semaphore(%run_scoped3A : memref<!tpu.dma_semaphore, #tpu.memory_space<semaphore_mem>>)
      %dma_wait3A_121 = arith.constant 6144 : i32
      %dma_wait3A_122 = tpu.memref_slice %arg7[%dma_wait3A_121] : memref<22528xi32, #tpu.memory_space<vmem>> -> memref<2048xi32, #tpu.memory_space<vmem>>
      %dma_wait3A_123 = arith.constant 0 : i32
      %dma_wait3A_124 = tpu.memref_slice %arg4[%add3A_82, %dma_wait3A_123] : memref<512x2048xi32, #tpu.memory_space<hbm>> -> memref<1x2048xi32, #tpu.memory_space<hbm>>
      %dma_wait3A_125 = tpu.memref_squeeze %dma_wait3A_124 : memref<1x2048xi32, #tpu.memory_space<hbm>> -> memref<2048xi32, #tpu.memory_space<hbm>>
      %dma_wait3A_126 = arith.constant 0 : i32
      %dma_wait3A_127 = tpu.memref_slice %arg4[%add3A_82, %dma_wait3A_126] : memref<512x2048xi32, #tpu.memory_space<hbm>> -> memref<1x2048xi32, #tpu.memory_space<hbm>>
      %dma_wait3A_128 = tpu.memref_squeeze %dma_wait3A_127 : memref<1x2048xi32, #tpu.memory_space<hbm>> -> memref<2048xi32, #tpu.memory_space<hbm>>
      %dma_wait3A_129 = arith.constant 6144 : i32
      %dma_wait3A_130 = tpu.memref_slice %arg7[%dma_wait3A_129] : memref<22528xi32, #tpu.memory_space<vmem>> -> memref<2048xi32, #tpu.memory_space<vmem>>
      tpu.wait_dma2 semaphore(%run_scoped3A : memref<!tpu.dma_semaphore, #tpu.memory_space<semaphore_mem>>) src(%dma_wait3A_130 : memref<2048xi32, #tpu.memory_space<vmem>>) dst(%dma_wait3A_128 : memref<2048xi32, #tpu.memory_space<hbm>>)
      tpu.yield
    }) : () -> ()
    %mul3A_83 = arith.constant 16 : i32
    %mul3A_84 = arith.muli %add3A, %mul3A_83 : i32
    %add3A_85 = arith.constant 4 : i32
    %add3A_86 = arith.addi %mul3A_84, %add3A_85 : i32
    "tpu.region"() ({
      %run_scoped3A = tpu.sem_alloc : memref<!tpu.dma_semaphore, #tpu.memory_space<semaphore_mem>>
      %dma_start3A_111 = arith.constant 8192 : i32
      %dma_start3A_112 = tpu.memref_slice %arg7[%dma_start3A_111] : memref<22528xi32, #tpu.memory_space<vmem>> -> memref<2048xi32, #tpu.memory_space<vmem>>
      %dma_start3A_113 = arith.constant 0 : i32
      %dma_start3A_114 = tpu.memref_slice %arg4[%add3A_86, %dma_start3A_113] : memref<512x2048xi32, #tpu.memory_space<hbm>> -> memref<1x2048xi32, #tpu.memory_space<hbm>>
      %dma_start3A_115 = tpu.memref_squeeze %dma_start3A_114 : memref<1x2048xi32, #tpu.memory_space<hbm>> -> memref<2048xi32, #tpu.memory_space<hbm>>
      %dma_start3A_116 = arith.constant 0 : i32
      %dma_start3A_117 = tpu.memref_slice %arg4[%add3A_86, %dma_start3A_116] : memref<512x2048xi32, #tpu.memory_space<hbm>> -> memref<1x2048xi32, #tpu.memory_space<hbm>>
      %dma_start3A_118 = tpu.memref_squeeze %dma_start3A_117 : memref<1x2048xi32, #tpu.memory_space<hbm>> -> memref<2048xi32, #tpu.memory_space<hbm>>
      %dma_start3A_119 = arith.constant 8192 : i32
      %dma_start3A_120 = tpu.memref_slice %arg7[%dma_start3A_119] : memref<22528xi32, #tpu.memory_space<vmem>> -> memref<2048xi32, #tpu.memory_space<vmem>>
      tpu.enqueue_dma source(%dma_start3A_120 : memref<2048xi32, #tpu.memory_space<vmem>>) target(%dma_start3A_118 : memref<2048xi32, #tpu.memory_space<hbm>>) target_semaphore(%run_scoped3A : memref<!tpu.dma_semaphore, #tpu.memory_space<semaphore_mem>>)
      %dma_wait3A_121 = arith.constant 8192 : i32
      %dma_wait3A_122 = tpu.memref_slice %arg7[%dma_wait3A_121] : memref<22528xi32, #tpu.memory_space<vmem>> -> memref<2048xi32, #tpu.memory_space<vmem>>
      %dma_wait3A_123 = arith.constant 0 : i32
      %dma_wait3A_124 = tpu.memref_slice %arg4[%add3A_86, %dma_wait3A_123] : memref<512x2048xi32, #tpu.memory_space<hbm>> -> memref<1x2048xi32, #tpu.memory_space<hbm>>
      %dma_wait3A_125 = tpu.memref_squeeze %dma_wait3A_124 : memref<1x2048xi32, #tpu.memory_space<hbm>> -> memref<2048xi32, #tpu.memory_space<hbm>>
      %dma_wait3A_126 = arith.constant 0 : i32
      %dma_wait3A_127 = tpu.memref_slice %arg4[%add3A_86, %dma_wait3A_126] : memref<512x2048xi32, #tpu.memory_space<hbm>> -> memref<1x2048xi32, #tpu.memory_space<hbm>>
      %dma_wait3A_128 = tpu.memref_squeeze %dma_wait3A_127 : memref<1x2048xi32, #tpu.memory_space<hbm>> -> memref<2048xi32, #tpu.memory_space<hbm>>
      %dma_wait3A_129 = arith.constant 8192 : i32
      %dma_wait3A_130 = tpu.memref_slice %arg7[%dma_wait3A_129] : memref<22528xi32, #tpu.memory_space<vmem>> -> memref<2048xi32, #tpu.memory_space<vmem>>
      tpu.wait_dma2 semaphore(%run_scoped3A : memref<!tpu.dma_semaphore, #tpu.memory_space<semaphore_mem>>) src(%dma_wait3A_130 : memref<2048xi32, #tpu.memory_space<vmem>>) dst(%dma_wait3A_128 : memref<2048xi32, #tpu.memory_space<hbm>>)
      tpu.yield
    }) : () -> ()
    %mul3A_87 = arith.constant 16 : i32
    %mul3A_88 = arith.muli %add3A, %mul3A_87 : i32
    %add3A_89 = arith.constant 5 : i32
    %add3A_90 = arith.addi %mul3A_88, %add3A_89 : i32
    "tpu.region"() ({
      %run_scoped3A = tpu.sem_alloc : memref<!tpu.dma_semaphore, #tpu.memory_space<semaphore_mem>>
      %dma_start3A_111 = arith.constant 10240 : i32
      %dma_start3A_112 = tpu.memref_slice %arg7[%dma_start3A_111] : memref<22528xi32, #tpu.memory_space<vmem>> -> memref<2048xi32, #tpu.memory_space<vmem>>
      %dma_start3A_113 = arith.constant 0 : i32
      %dma_start3A_114 = tpu.memref_slice %arg4[%add3A_90, %dma_start3A_113] : memref<512x2048xi32, #tpu.memory_space<hbm>> -> memref<1x2048xi32, #tpu.memory_space<hbm>>
      %dma_start3A_115 = tpu.memref_squeeze %dma_start3A_114 : memref<1x2048xi32, #tpu.memory_space<hbm>> -> memref<2048xi32, #tpu.memory_space<hbm>>
      %dma_start3A_116 = arith.constant 0 : i32
      %dma_start3A_117 = tpu.memref_slice %arg4[%add3A_90, %dma_start3A_116] : memref<512x2048xi32, #tpu.memory_space<hbm>> -> memref<1x2048xi32, #tpu.memory_space<hbm>>
      %dma_start3A_118 = tpu.memref_squeeze %dma_start3A_117 : memref<1x2048xi32, #tpu.memory_space<hbm>> -> memref<2048xi32, #tpu.memory_space<hbm>>
      %dma_start3A_119 = arith.constant 10240 : i32
      %dma_start3A_120 = tpu.memref_slice %arg7[%dma_start3A_119] : memref<22528xi32, #tpu.memory_space<vmem>> -> memref<2048xi32, #tpu.memory_space<vmem>>
      tpu.enqueue_dma source(%dma_start3A_120 : memref<2048xi32, #tpu.memory_space<vmem>>) target(%dma_start3A_118 : memref<2048xi32, #tpu.memory_space<hbm>>) target_semaphore(%run_scoped3A : memref<!tpu.dma_semaphore, #tpu.memory_space<semaphore_mem>>)
      %dma_wait3A_121 = arith.constant 10240 : i32
      %dma_wait3A_122 = tpu.memref_slice %arg7[%dma_wait3A_121] : memref<22528xi32, #tpu.memory_space<vmem>> -> memref<2048xi32, #tpu.memory_space<vmem>>
      %dma_wait3A_123 = arith.constant 0 : i32
      %dma_wait3A_124 = tpu.memref_slice %arg4[%add3A_90, %dma_wait3A_123] : memref<512x2048xi32, #tpu.memory_space<hbm>> -> memref<1x2048xi32, #tpu.memory_space<hbm>>
      %dma_wait3A_125 = tpu.memref_squeeze %dma_wait3A_124 : memref<1x2048xi32, #tpu.memory_space<hbm>> -> memref<2048xi32, #tpu.memory_space<hbm>>
      %dma_wait3A_126 = arith.constant 0 : i32
      %dma_wait3A_127 = tpu.memref_slice %arg4[%add3A_90, %dma_wait3A_126] : memref<512x2048xi32, #tpu.memory_space<hbm>> -> memref<1x2048xi32, #tpu.memory_space<hbm>>
      %dma_wait3A_128 = tpu.memref_squeeze %dma_wait3A_127 : memref<1x2048xi32, #tpu.memory_space<hbm>> -> memref<2048xi32, #tpu.memory_space<hbm>>
      %dma_wait3A_129 = arith.constant 10240 : i32
      %dma_wait3A_130 = tpu.memref_slice %arg7[%dma_wait3A_129] : memref<22528xi32, #tpu.memory_space<vmem>> -> memref<2048xi32, #tpu.memory_space<vmem>>
      tpu.wait_dma2 semaphore(%run_scoped3A : memref<!tpu.dma_semaphore, #tpu.memory_space<semaphore_mem>>) src(%dma_wait3A_130 : memref<2048xi32, #tpu.memory_space<vmem>>) dst(%dma_wait3A_128 : memref<2048xi32, #tpu.memory_space<hbm>>)
      tpu.yield
    }) : () -> ()
    %mul3A_91 = arith.constant 16 : i32
    %mul3A_92 = arith.muli %add3A, %mul3A_91 : i32
    %add3A_93 = arith.constant 6 : i32
    %add3A_94 = arith.addi %mul3A_92, %add3A_93 : i32
    "tpu.region"() ({
      %run_scoped3A = tpu.sem_alloc : memref<!tpu.dma_semaphore, #tpu.memory_space<semaphore_mem>>
      %dma_start3A_111 = arith.constant 12288 : i32
      %dma_start3A_112 = tpu.memref_slice %arg7[%dma_start3A_111] : memref<22528xi32, #tpu.memory_space<vmem>> -> memref<2048xi32, #tpu.memory_space<vmem>>
      %dma_start3A_113 = arith.constant 0 : i32
      %dma_start3A_114 = tpu.memref_slice %arg4[%add3A_94, %dma_start3A_113] : memref<512x2048xi32, #tpu.memory_space<hbm>> -> memref<1x2048xi32, #tpu.memory_space<hbm>>
      %dma_start3A_115 = tpu.memref_squeeze %dma_start3A_114 : memref<1x2048xi32, #tpu.memory_space<hbm>> -> memref<2048xi32, #tpu.memory_space<hbm>>
      %dma_start3A_116 = arith.constant 0 : i32
      %dma_start3A_117 = tpu.memref_slice %arg4[%add3A_94, %dma_start3A_116] : memref<512x2048xi32, #tpu.memory_space<hbm>> -> memref<1x2048xi32, #tpu.memory_space<hbm>>
      %dma_start3A_118 = tpu.memref_squeeze %dma_start3A_117 : memref<1x2048xi32, #tpu.memory_space<hbm>> -> memref<2048xi32, #tpu.memory_space<hbm>>
      %dma_start3A_119 = arith.constant 12288 : i32
      %dma_start3A_120 = tpu.memref_slice %arg7[%dma_start3A_119] : memref<22528xi32, #tpu.memory_space<vmem>> -> memref<2048xi32, #tpu.memory_space<vmem>>
      tpu.enqueue_dma source(%dma_start3A_120 : memref<2048xi32, #tpu.memory_space<vmem>>) target(%dma_start3A_118 : memref<2048xi32, #tpu.memory_space<hbm>>) target_semaphore(%run_scoped3A : memref<!tpu.dma_semaphore, #tpu.memory_space<semaphore_mem>>)
      %dma_wait3A_121 = arith.constant 12288 : i32
      %dma_wait3A_122 = tpu.memref_slice %arg7[%dma_wait3A_121] : memref<22528xi32, #tpu.memory_space<vmem>> -> memref<2048xi32, #tpu.memory_space<vmem>>
      %dma_wait3A_123 = arith.constant 0 : i32
      %dma_wait3A_124 = tpu.memref_slice %arg4[%add3A_94, %dma_wait3A_123] : memref<512x2048xi32, #tpu.memory_space<hbm>> -> memref<1x2048xi32, #tpu.memory_space<hbm>>
      %dma_wait3A_125 = tpu.memref_squeeze %dma_wait3A_124 : memref<1x2048xi32, #tpu.memory_space<hbm>> -> memref<2048xi32, #tpu.memory_space<hbm>>
      %dma_wait3A_126 = arith.constant 0 : i32
      %dma_wait3A_127 = tpu.memref_slice %arg4[%add3A_94, %dma_wait3A_126] : memref<512x2048xi32, #tpu.memory_space<hbm>> -> memref<1x2048xi32, #tpu.memory_space<hbm>>
      %dma_wait3A_128 = tpu.memref_squeeze %dma_wait3A_127 : memref<1x2048xi32, #tpu.memory_space<hbm>> -> memref<2048xi32, #tpu.memory_space<hbm>>
      %dma_wait3A_129 = arith.constant 12288 : i32
      %dma_wait3A_130 = tpu.memref_slice %arg7[%dma_wait3A_129] : memref<22528xi32, #tpu.memory_space<vmem>> -> memref<2048xi32, #tpu.memory_space<vmem>>
      tpu.wait_dma2 semaphore(%run_scoped3A : memref<!tpu.dma_semaphore, #tpu.memory_space<semaphore_mem>>) src(%dma_wait3A_130 : memref<2048xi32, #tpu.memory_space<vmem>>) dst(%dma_wait3A_128 : memref<2048xi32, #tpu.memory_space<hbm>>)
      tpu.yield
    }) : () -> ()
    %mul3A_95 = arith.constant 16 : i32
    %mul3A_96 = arith.muli %add3A, %mul3A_95 : i32
    %add3A_97 = arith.constant 7 : i32
    %add3A_98 = arith.addi %mul3A_96, %add3A_97 : i32
    "tpu.region"() ({
      %run_scoped3A = tpu.sem_alloc : memref<!tpu.dma_semaphore, #tpu.memory_space<semaphore_mem>>
      %dma_start3A_111 = arith.constant 14336 : i32
      %dma_start3A_112 = tpu.memref_slice %arg7[%dma_start3A_111] : memref<22528xi32, #tpu.memory_space<vmem>> -> memref<2048xi32, #tpu.memory_space<vmem>>
      %dma_start3A_113 = arith.constant 0 : i32
      %dma_start3A_114 = tpu.memref_slice %arg4[%add3A_98, %dma_start3A_113] : memref<512x2048xi32, #tpu.memory_space<hbm>> -> memref<1x2048xi32, #tpu.memory_space<hbm>>
      %dma_start3A_115 = tpu.memref_squeeze %dma_start3A_114 : memref<1x2048xi32, #tpu.memory_space<hbm>> -> memref<2048xi32, #tpu.memory_space<hbm>>
      %dma_start3A_116 = arith.constant 0 : i32
      %dma_start3A_117 = tpu.memref_slice %arg4[%add3A_98, %dma_start3A_116] : memref<512x2048xi32, #tpu.memory_space<hbm>> -> memref<1x2048xi32, #tpu.memory_space<hbm>>
      %dma_start3A_118 = tpu.memref_squeeze %dma_start3A_117 : memref<1x2048xi32, #tpu.memory_space<hbm>> -> memref<2048xi32, #tpu.memory_space<hbm>>
      %dma_start3A_119 = arith.constant 14336 : i32
      %dma_start3A_120 = tpu.memref_slice %arg7[%dma_start3A_119] : memref<22528xi32, #tpu.memory_space<vmem>> -> memref<2048xi32, #tpu.memory_space<vmem>>
      tpu.enqueue_dma source(%dma_start3A_120 : memref<2048xi32, #tpu.memory_space<vmem>>) target(%dma_start3A_118 : memref<2048xi32, #tpu.memory_space<hbm>>) target_semaphore(%run_scoped3A : memref<!tpu.dma_semaphore, #tpu.memory_space<semaphore_mem>>)
      %dma_wait3A_121 = arith.constant 14336 : i32
      %dma_wait3A_122 = tpu.memref_slice %arg7[%dma_wait3A_121] : memref<22528xi32, #tpu.memory_space<vmem>> -> memref<2048xi32, #tpu.memory_space<vmem>>
      %dma_wait3A_123 = arith.constant 0 : i32
      %dma_wait3A_124 = tpu.memref_slice %arg4[%add3A_98, %dma_wait3A_123] : memref<512x2048xi32, #tpu.memory_space<hbm>> -> memref<1x2048xi32, #tpu.memory_space<hbm>>
      %dma_wait3A_125 = tpu.memref_squeeze %dma_wait3A_124 : memref<1x2048xi32, #tpu.memory_space<hbm>> -> memref<2048xi32, #tpu.memory_space<hbm>>
      %dma_wait3A_126 = arith.constant 0 : i32
      %dma_wait3A_127 = tpu.memref_slice %arg4[%add3A_98, %dma_wait3A_126] : memref<512x2048xi32, #tpu.memory_space<hbm>> -> memref<1x2048xi32, #tpu.memory_space<hbm>>
      %dma_wait3A_128 = tpu.memref_squeeze %dma_wait3A_127 : memref<1x2048xi32, #tpu.memory_space<hbm>> -> memref<2048xi32, #tpu.memory_space<hbm>>
      %dma_wait3A_129 = arith.constant 14336 : i32
      %dma_wait3A_130 = tpu.memref_slice %arg7[%dma_wait3A_129] : memref<22528xi32, #tpu.memory_space<vmem>> -> memref<2048xi32, #tpu.memory_space<vmem>>
      tpu.wait_dma2 semaphore(%run_scoped3A : memref<!tpu.dma_semaphore, #tpu.memory_space<semaphore_mem>>) src(%dma_wait3A_130 : memref<2048xi32, #tpu.memory_space<vmem>>) dst(%dma_wait3A_128 : memref<2048xi32, #tpu.memory_space<hbm>>)
      tpu.yield
    }) : () -> ()
    %mul3A_99 = arith.constant 16 : i32
    %mul3A_100 = arith.muli %add3A, %mul3A_99 : i32
    %add3A_101 = arith.constant 8 : i32
    %add3A_102 = arith.addi %mul3A_100, %add3A_101 : i32
    "tpu.region"() ({
      %run_scoped3A = tpu.sem_alloc : memref<!tpu.dma_semaphore, #tpu.memory_space<semaphore_mem>>
      %dma_start3A_111 = arith.constant 16384 : i32
      %dma_start3A_112 = tpu.memref_slice %arg7[%dma_start3A_111] : memref<22528xi32, #tpu.memory_space<vmem>> -> memref<2048xi32, #tpu.memory_space<vmem>>
      %dma_start3A_113 = arith.constant 0 : i32
      %dma_start3A_114 = tpu.memref_slice %arg4[%add3A_102, %dma_start3A_113] : memref<512x2048xi32, #tpu.memory_space<hbm>> -> memref<1x2048xi32, #tpu.memory_space<hbm>>
      %dma_start3A_115 = tpu.memref_squeeze %dma_start3A_114 : memref<1x2048xi32, #tpu.memory_space<hbm>> -> memref<2048xi32, #tpu.memory_space<hbm>>
      %dma_start3A_116 = arith.constant 0 : i32
      %dma_start3A_117 = tpu.memref_slice %arg4[%add3A_102, %dma_start3A_116] : memref<512x2048xi32, #tpu.memory_space<hbm>> -> memref<1x2048xi32, #tpu.memory_space<hbm>>
      %dma_start3A_118 = tpu.memref_squeeze %dma_start3A_117 : memref<1x2048xi32, #tpu.memory_space<hbm>> -> memref<2048xi32, #tpu.memory_space<hbm>>
      %dma_start3A_119 = arith.constant 16384 : i32
      %dma_start3A_120 = tpu.memref_slice %arg7[%dma_start3A_119] : memref<22528xi32, #tpu.memory_space<vmem>> -> memref<2048xi32, #tpu.memory_space<vmem>>
      tpu.enqueue_dma source(%dma_start3A_120 : memref<2048xi32, #tpu.memory_space<vmem>>) target(%dma_start3A_118 : memref<2048xi32, #tpu.memory_space<hbm>>) target_semaphore(%run_scoped3A : memref<!tpu.dma_semaphore, #tpu.memory_space<semaphore_mem>>)
      %dma_wait3A_121 = arith.constant 16384 : i32
      %dma_wait3A_122 = tpu.memref_slice %arg7[%dma_wait3A_121] : memref<22528xi32, #tpu.memory_space<vmem>> -> memref<2048xi32, #tpu.memory_space<vmem>>
      %dma_wait3A_123 = arith.constant 0 : i32
      %dma_wait3A_124 = tpu.memref_slice %arg4[%add3A_102, %dma_wait3A_123] : memref<512x2048xi32, #tpu.memory_space<hbm>> -> memref<1x2048xi32, #tpu.memory_space<hbm>>
      %dma_wait3A_125 = tpu.memref_squeeze %dma_wait3A_124 : memref<1x2048xi32, #tpu.memory_space<hbm>> -> memref<2048xi32, #tpu.memory_space<hbm>>
      %dma_wait3A_126 = arith.constant 0 : i32
      %dma_wait3A_127 = tpu.memref_slice %arg4[%add3A_102, %dma_wait3A_126] : memref<512x2048xi32, #tpu.memory_space<hbm>> -> memref<1x2048xi32, #tpu.memory_space<hbm>>
      %dma_wait3A_128 = tpu.memref_squeeze %dma_wait3A_127 : memref<1x2048xi32, #tpu.memory_space<hbm>> -> memref<2048xi32, #tpu.memory_space<hbm>>
      %dma_wait3A_129 = arith.constant 16384 : i32
      %dma_wait3A_130 = tpu.memref_slice %arg7[%dma_wait3A_129] : memref<22528xi32, #tpu.memory_space<vmem>> -> memref<2048xi32, #tpu.memory_space<vmem>>
      tpu.wait_dma2 semaphore(%run_scoped3A : memref<!tpu.dma_semaphore, #tpu.memory_space<semaphore_mem>>) src(%dma_wait3A_130 : memref<2048xi32, #tpu.memory_space<vmem>>) dst(%dma_wait3A_128 : memref<2048xi32, #tpu.memory_space<hbm>>)
      tpu.yield
    }) : () -> ()
    %mul3A_103 = arith.constant 16 : i32
    %mul3A_104 = arith.muli %add3A, %mul3A_103 : i32
    %add3A_105 = arith.constant 9 : i32
    %add3A_106 = arith.addi %mul3A_104, %add3A_105 : i32
    "tpu.region"() ({
      %run_scoped3A = tpu.sem_alloc : memref<!tpu.dma_semaphore, #tpu.memory_space<semaphore_mem>>
      %dma_start3A_111 = arith.constant 18432 : i32
      %dma_start3A_112 = tpu.memref_slice %arg7[%dma_start3A_111] : memref<22528xi32, #tpu.memory_space<vmem>> -> memref<2048xi32, #tpu.memory_space<vmem>>
      %dma_start3A_113 = arith.constant 0 : i32
      %dma_start3A_114 = tpu.memref_slice %arg4[%add3A_106, %dma_start3A_113] : memref<512x2048xi32, #tpu.memory_space<hbm>> -> memref<1x2048xi32, #tpu.memory_space<hbm>>
      %dma_start3A_115 = tpu.memref_squeeze %dma_start3A_114 : memref<1x2048xi32, #tpu.memory_space<hbm>> -> memref<2048xi32, #tpu.memory_space<hbm>>
      %dma_start3A_116 = arith.constant 0 : i32
      %dma_start3A_117 = tpu.memref_slice %arg4[%add3A_106, %dma_start3A_116] : memref<512x2048xi32, #tpu.memory_space<hbm>> -> memref<1x2048xi32, #tpu.memory_space<hbm>>
      %dma_start3A_118 = tpu.memref_squeeze %dma_start3A_117 : memref<1x2048xi32, #tpu.memory_space<hbm>> -> memref<2048xi32, #tpu.memory_space<hbm>>
      %dma_start3A_119 = arith.constant 18432 : i32
      %dma_start3A_120 = tpu.memref_slice %arg7[%dma_start3A_119] : memref<22528xi32, #tpu.memory_space<vmem>> -> memref<2048xi32, #tpu.memory_space<vmem>>
      tpu.enqueue_dma source(%dma_start3A_120 : memref<2048xi32, #tpu.memory_space<vmem>>) target(%dma_start3A_118 : memref<2048xi32, #tpu.memory_space<hbm>>) target_semaphore(%run_scoped3A : memref<!tpu.dma_semaphore, #tpu.memory_space<semaphore_mem>>)
      %dma_wait3A_121 = arith.constant 18432 : i32
      %dma_wait3A_122 = tpu.memref_slice %arg7[%dma_wait3A_121] : memref<22528xi32, #tpu.memory_space<vmem>> -> memref<2048xi32, #tpu.memory_space<vmem>>
      %dma_wait3A_123 = arith.constant 0 : i32
      %dma_wait3A_124 = tpu.memref_slice %arg4[%add3A_106, %dma_wait3A_123] : memref<512x2048xi32, #tpu.memory_space<hbm>> -> memref<1x2048xi32, #tpu.memory_space<hbm>>
      %dma_wait3A_125 = tpu.memref_squeeze %dma_wait3A_124 : memref<1x2048xi32, #tpu.memory_space<hbm>> -> memref<2048xi32, #tpu.memory_space<hbm>>
      %dma_wait3A_126 = arith.constant 0 : i32
      %dma_wait3A_127 = tpu.memref_slice %arg4[%add3A_106, %dma_wait3A_126] : memref<512x2048xi32, #tpu.memory_space<hbm>> -> memref<1x2048xi32, #tpu.memory_space<hbm>>
      %dma_wait3A_128 = tpu.memref_squeeze %dma_wait3A_127 : memref<1x2048xi32, #tpu.memory_space<hbm>> -> memref<2048xi32, #tpu.memory_space<hbm>>
      %dma_wait3A_129 = arith.constant 18432 : i32
      %dma_wait3A_130 = tpu.memref_slice %arg7[%dma_wait3A_129] : memref<22528xi32, #tpu.memory_space<vmem>> -> memref<2048xi32, #tpu.memory_space<vmem>>
      tpu.wait_dma2 semaphore(%run_scoped3A : memref<!tpu.dma_semaphore, #tpu.memory_space<semaphore_mem>>) src(%dma_wait3A_130 : memref<2048xi32, #tpu.memory_space<vmem>>) dst(%dma_wait3A_128 : memref<2048xi32, #tpu.memory_space<hbm>>)
      tpu.yield
    }) : () -> ()
    %mul3A_107 = arith.constant 16 : i32
    %mul3A_108 = arith.muli %add3A, %mul3A_107 : i32
    %add3A_109 = arith.constant 10 : i32
    %add3A_110 = arith.addi %mul3A_108, %add3A_109 : i32
    "tpu.region"() ({
      %run_scoped3A = tpu.sem_alloc : memref<!tpu.dma_semaphore, #tpu.memory_space<semaphore_mem>>
      %dma_start3A_111 = arith.constant 20480 : i32
      %dma_start3A_112 = tpu.memref_slice %arg7[%dma_start3A_111] : memref<22528xi32, #tpu.memory_space<vmem>> -> memref<2048xi32, #tpu.memory_space<vmem>>
      %dma_start3A_113 = arith.constant 0 : i32
      %dma_start3A_114 = tpu.memref_slice %arg4[%add3A_110, %dma_start3A_113] : memref<512x2048xi32, #tpu.memory_space<hbm>> -> memref<1x2048xi32, #tpu.memory_space<hbm>>
      %dma_start3A_115 = tpu.memref_squeeze %dma_start3A_114 : memref<1x2048xi32, #tpu.memory_space<hbm>> -> memref<2048xi32, #tpu.memory_space<hbm>>
      %dma_start3A_116 = arith.constant 0 : i32
      %dma_start3A_117 = tpu.memref_slice %arg4[%add3A_110, %dma_start3A_116] : memref<512x2048xi32, #tpu.memory_space<hbm>> -> memref<1x2048xi32, #tpu.memory_space<hbm>>
      %dma_start3A_118 = tpu.memref_squeeze %dma_start3A_117 : memref<1x2048xi32, #tpu.memory_space<hbm>> -> memref<2048xi32, #tpu.memory_space<hbm>>
      %dma_start3A_119 = arith.constant 20480 : i32
      %dma_start3A_120 = tpu.memref_slice %arg7[%dma_start3A_119] : memref<22528xi32, #tpu.memory_space<vmem>> -> memref<2048xi32, #tpu.memory_space<vmem>>
      tpu.enqueue_dma source(%dma_start3A_120 : memref<2048xi32, #tpu.memory_space<vmem>>) target(%dma_start3A_118 : memref<2048xi32, #tpu.memory_space<hbm>>) target_semaphore(%run_scoped3A : memref<!tpu.dma_semaphore, #tpu.memory_space<semaphore_mem>>)
      %dma_wait3A_121 = arith.constant 20480 : i32
      %dma_wait3A_122 = tpu.memref_slice %arg7[%dma_wait3A_121] : memref<22528xi32, #tpu.memory_space<vmem>> -> memref<2048xi32, #tpu.memory_space<vmem>>
      %dma_wait3A_123 = arith.constant 0 : i32
      %dma_wait3A_124 = tpu.memref_slice %arg4[%add3A_110, %dma_wait3A_123] : memref<512x2048xi32, #tpu.memory_space<hbm>> -> memref<1x2048xi32, #tpu.memory_space<hbm>>
      %dma_wait3A_125 = tpu.memref_squeeze %dma_wait3A_124 : memref<1x2048xi32, #tpu.memory_space<hbm>> -> memref<2048xi32, #tpu.memory_space<hbm>>
      %dma_wait3A_126 = arith.constant 0 : i32
      %dma_wait3A_127 = tpu.memref_slice %arg4[%add3A_110, %dma_wait3A_126] : memref<512x2048xi32, #tpu.memory_space<hbm>> -> memref<1x2048xi32, #tpu.memory_space<hbm>>
      %dma_wait3A_128 = tpu.memref_squeeze %dma_wait3A_127 : memref<1x2048xi32, #tpu.memory_space<hbm>> -> memref<2048xi32, #tpu.memory_space<hbm>>
      %dma_wait3A_129 = arith.constant 20480 : i32
      %dma_wait3A_130 = tpu.memref_slice %arg7[%dma_wait3A_129] : memref<22528xi32, #tpu.memory_space<vmem>> -> memref<2048xi32, #tpu.memory_space<vmem>>
      tpu.wait_dma2 semaphore(%run_scoped3A : memref<!tpu.dma_semaphore, #tpu.memory_space<semaphore_mem>>) src(%dma_wait3A_130 : memref<2048xi32, #tpu.memory_space<vmem>>) dst(%dma_wait3A_128 : memref<2048xi32, #tpu.memory_space<hbm>>)
      tpu.yield
    }) : () -> ()
    return
  }
}

#map = affine_map<(d0, d1) -> (0, 0)>
#map1 = affine_map<(d0, d1) -> (0)>
module attributes {stable_mosaic.version = 14 : i64} {
  func.func @body(%arg0: i32, %arg1: i32, %arg2: memref<4096x512xi32, #tpu.memory_space<hbm>>, %arg3: memref<4096x512xf32, #tpu.memory_space<hbm>>, %arg4: memref<128xi32, #tpu.memory_space<hbm>>, %arg5: memref<512x256xi32, #tpu.memory_space<hbm>>, %arg6: memref<32x512xi32, #tpu.memory_space<vmem>>, %arg7: memref<32x512xi32, #tpu.memory_space<vmem>>, %arg8: memref<2816xi32, #tpu.memory_space<vmem>>, %arg9: memref<!tpu.dma_semaphore, #tpu.memory_space<semaphore_mem>>, %arg10: memref<!tpu.dma_semaphore, #tpu.memory_space<semaphore_mem>>, %arg11: memref<32x512xf32, #tpu.memory_space<vmem>>, %arg12: memref<32x512xf32, #tpu.memory_space<vmem>>, %arg13: memref<!tpu.dma_semaphore, #tpu.memory_space<semaphore_mem>>, %arg14: memref<!tpu.dma_semaphore, #tpu.memory_space<semaphore_mem>>, %arg15: memref<16xi32, #tpu.memory_space<vmem>>) attributes {dimension_semantics = [#tpu.dimension_semantics<core_parallel>, #tpu.dimension_semantics<subcore_parallel>], iteration_bounds = array<i64: 2, 16>, scalar_prefetch = 0 : i64, scratch_operands = 10 : i64, tpu.core_type = #tpu.core_type<sc_vector_subcore>, window_params = [{transform_indices = #map}, {transform_indices = #map}, {transform_indices = #map1}, {transform_indices = #map}]} {
    %mul3A = arith.constant 2 : i32
    %mul3A_0 = arith.muli %arg1, %mul3A : i32
    %add3A = arith.addi %mul3A_0, %arg0 : i32
    %mul3A_1 = arith.constant 128 : i32
    %mul3A_2 = arith.muli %add3A, %mul3A_1 : i32
    %broadcast_in_dim3A = arith.constant 1 : i32
    %broadcast_in_dim3A_3 = vector.broadcast %broadcast_in_dim3A : i32 to vector<16xi32>
    %add3A_4 = arith.constant 0 : i32
    %add3A_5 = arith.addi %mul3A_2, %add3A_4 : i32
    %dma_start3A = arith.constant 0 : i32
    %dma_start3A_6 = tpu.memref_slice %arg2[%add3A_5, %dma_start3A] : memref<4096x512xi32, #tpu.memory_space<hbm>> -> memref<32x512xi32, #tpu.memory_space<hbm>>
    %dma_start3A_7 = arith.constant 0 : i32
    %dma_start3A_8 = tpu.memref_slice %arg2[%add3A_5, %dma_start3A_7] : memref<4096x512xi32, #tpu.memory_space<hbm>> -> memref<32x512xi32, #tpu.memory_space<hbm>>
    tpu.enqueue_dma source(%dma_start3A_8 : memref<32x512xi32, #tpu.memory_space<hbm>>) target(%arg6 : memref<32x512xi32, #tpu.memory_space<vmem>>) target_semaphore(%arg9 : memref<!tpu.dma_semaphore, #tpu.memory_space<semaphore_mem>>)
    %dma_start3A_9 = arith.constant 0 : i32
    %dma_start3A_10 = tpu.memref_slice %arg3[%add3A_5, %dma_start3A_9] : memref<4096x512xf32, #tpu.memory_space<hbm>> -> memref<32x512xf32, #tpu.memory_space<hbm>>
    %dma_start3A_11 = arith.constant 0 : i32
    %dma_start3A_12 = tpu.memref_slice %arg3[%add3A_5, %dma_start3A_11] : memref<4096x512xf32, #tpu.memory_space<hbm>> -> memref<32x512xf32, #tpu.memory_space<hbm>>
    tpu.enqueue_dma source(%dma_start3A_12 : memref<32x512xf32, #tpu.memory_space<hbm>>) target(%arg11 : memref<32x512xf32, #tpu.memory_space<vmem>>) target_semaphore(%arg13 : memref<!tpu.dma_semaphore, #tpu.memory_space<semaphore_mem>>)
    "tpu.region"() ({
      %run_scoped3A = tpu.sem_alloc : memref<!tpu.dma_semaphore, #tpu.memory_space<semaphore_mem>>
      %dma_start3A_151 = arith.constant 0 : i32
      %dma_start3A_152 = tpu.memref_slice %arg4[%dma_start3A_151] : memref<128xi32, #tpu.memory_space<hbm>> -> memref<16xi32, #tpu.memory_space<hbm>>
      %dma_start3A_153 = arith.constant 0 : i32
      %dma_start3A_154 = tpu.memref_slice %arg4[%dma_start3A_153] : memref<128xi32, #tpu.memory_space<hbm>> -> memref<16xi32, #tpu.memory_space<hbm>>
      tpu.enqueue_dma source(%dma_start3A_154 : memref<16xi32, #tpu.memory_space<hbm>>) target(%arg15 : memref<16xi32, #tpu.memory_space<vmem>>) target_semaphore(%run_scoped3A : memref<!tpu.dma_semaphore, #tpu.memory_space<semaphore_mem>>)
      %dma_wait3A_155 = arith.constant 0 : i32
      %dma_wait3A_156 = tpu.memref_slice %arg4[%dma_wait3A_155] : memref<128xi32, #tpu.memory_space<hbm>> -> memref<16xi32, #tpu.memory_space<hbm>>
      %dma_wait3A_157 = arith.constant 0 : i32
      %dma_wait3A_158 = tpu.memref_slice %arg4[%dma_wait3A_157] : memref<128xi32, #tpu.memory_space<hbm>> -> memref<16xi32, #tpu.memory_space<hbm>>
      tpu.wait_dma2 semaphore(%run_scoped3A : memref<!tpu.dma_semaphore, #tpu.memory_space<semaphore_mem>>) src(%dma_wait3A_158 : memref<16xi32, #tpu.memory_space<hbm>>) dst(%arg15 : memref<16xi32, #tpu.memory_space<vmem>>)
      tpu.yield
    }) : () -> ()
    %scan3A = arith.constant 0 : i32
    %scan3A_13 = arith.constant 0 : i32
    %scan3A_14 = arith.constant 22 : i32
    %scan3A_15 = arith.addi %scan3A_13, %scan3A_14 : i32
    %scan3A_16 = arith.constant 1 : i32
    %scan3A_17 = scf.for %scan3A_151 = %scan3A_13 to %scan3A_15 step %scan3A_16 iter_args(%scan3A_152 = %scan3A) -> (i32)  : i32 {
      %broadcast_in_dim3A_153 = arith.constant 0 : i32
      %broadcast_in_dim3A_154 = vector.broadcast %broadcast_in_dim3A_153 : i32 to vector<16xi32>
      %mul3A_155 = arith.constant 8 : i32
      %mul3A_156 = arith.muli %scan3A_151, %mul3A_155 : i32
      %add3A_157 = arith.constant 0 : i32
      %add3A_158 = arith.addi %mul3A_156, %add3A_157 : i32
      %mul3A_159 = arith.constant 16 : i32
      %mul3A_160 = arith.muli %add3A_158, %mul3A_159 : i32
      %swap3A = arith.index_cast %mul3A_160 : i32 to index
      %swap3A_161 = tpu.vector_load %arg8[%swap3A] {strides = array<i32>} : memref<2816xi32, #tpu.memory_space<vmem>>, vector<16xi32>,
      tpu.vector_store %arg8[%swap3A], %broadcast_in_dim3A_154 {strides = array<i32>} : memref<2816xi32, #tpu.memory_space<vmem>>, vector<16xi32>,
      %broadcast_in_dim3A_162 = arith.constant 0 : i32
      %broadcast_in_dim3A_163 = vector.broadcast %broadcast_in_dim3A_162 : i32 to vector<16xi32>
      %mul3A_164 = arith.constant 8 : i32
      %mul3A_165 = arith.muli %scan3A_151, %mul3A_164 : i32
      %add3A_166 = arith.constant 1 : i32
      %add3A_167 = arith.addi %mul3A_165, %add3A_166 : i32
      %mul3A_168 = arith.constant 16 : i32
      %mul3A_169 = arith.muli %add3A_167, %mul3A_168 : i32
      %swap3A_170 = arith.index_cast %mul3A_169 : i32 to index
      %swap3A_171 = tpu.vector_load %arg8[%swap3A_170] {strides = array<i32>} : memref<2816xi32, #tpu.memory_space<vmem>>, vector<16xi32>,
      tpu.vector_store %arg8[%swap3A_170], %broadcast_in_dim3A_163 {strides = array<i32>} : memref<2816xi32, #tpu.memory_space<vmem>>, vector<16xi32>,
      %broadcast_in_dim3A_172 = arith.constant 0 : i32
      %broadcast_in_dim3A_173 = vector.broadcast %broadcast_in_dim3A_172 : i32 to vector<16xi32>
      %mul3A_174 = arith.constant 8 : i32
      %mul3A_175 = arith.muli %scan3A_151, %mul3A_174 : i32
      %add3A_176 = arith.constant 2 : i32
      %add3A_177 = arith.addi %mul3A_175, %add3A_176 : i32
      %mul3A_178 = arith.constant 16 : i32
      %mul3A_179 = arith.muli %add3A_177, %mul3A_178 : i32
      %swap3A_180 = arith.index_cast %mul3A_179 : i32 to index
      %swap3A_181 = tpu.vector_load %arg8[%swap3A_180] {strides = array<i32>} : memref<2816xi32, #tpu.memory_space<vmem>>, vector<16xi32>,
      tpu.vector_store %arg8[%swap3A_180], %broadcast_in_dim3A_173 {strides = array<i32>} : memref<2816xi32, #tpu.memory_space<vmem>>, vector<16xi32>,
      %broadcast_in_dim3A_182 = arith.constant 0 : i32
      %broadcast_in_dim3A_183 = vector.broadcast %broadcast_in_dim3A_182 : i32 to vector<16xi32>
      %mul3A_184 = arith.constant 8 : i32
      %mul3A_185 = arith.muli %scan3A_151, %mul3A_184 : i32
      %add3A_186 = arith.constant 3 : i32
      %add3A_187 = arith.addi %mul3A_185, %add3A_186 : i32
      %mul3A_188 = arith.constant 16 : i32
      %mul3A_189 = arith.muli %add3A_187, %mul3A_188 : i32
      %swap3A_190 = arith.index_cast %mul3A_189 : i32 to index
      %swap3A_191 = tpu.vector_load %arg8[%swap3A_190] {strides = array<i32>} : memref<2816xi32, #tpu.memory_space<vmem>>, vector<16xi32>,
      tpu.vector_store %arg8[%swap3A_190], %broadcast_in_dim3A_183 {strides = array<i32>} : memref<2816xi32, #tpu.memory_space<vmem>>, vector<16xi32>,
      %broadcast_in_dim3A_192 = arith.constant 0 : i32
      %broadcast_in_dim3A_193 = vector.broadcast %broadcast_in_dim3A_192 : i32 to vector<16xi32>
      %mul3A_194 = arith.constant 8 : i32
      %mul3A_195 = arith.muli %scan3A_151, %mul3A_194 : i32
      %add3A_196 = arith.constant 4 : i32
      %add3A_197 = arith.addi %mul3A_195, %add3A_196 : i32
      %mul3A_198 = arith.constant 16 : i32
      %mul3A_199 = arith.muli %add3A_197, %mul3A_198 : i32
      %swap3A_200 = arith.index_cast %mul3A_199 : i32 to index
      %swap3A_201 = tpu.vector_load %arg8[%swap3A_200] {strides = array<i32>} : memref<2816xi32, #tpu.memory_space<vmem>>, vector<16xi32>,
      tpu.vector_store %arg8[%swap3A_200], %broadcast_in_dim3A_193 {strides = array<i32>} : memref<2816xi32, #tpu.memory_space<vmem>>, vector<16xi32>,
      %broadcast_in_dim3A_202 = arith.constant 0 : i32
      %broadcast_in_dim3A_203 = vector.broadcast %broadcast_in_dim3A_202 : i32 to vector<16xi32>
      %mul3A_204 = arith.constant 8 : i32
      %mul3A_205 = arith.muli %scan3A_151, %mul3A_204 : i32
      %add3A_206 = arith.constant 5 : i32
      %add3A_207 = arith.addi %mul3A_205, %add3A_206 : i32
      %mul3A_208 = arith.constant 16 : i32
      %mul3A_209 = arith.muli %add3A_207, %mul3A_208 : i32
      %swap3A_210 = arith.index_cast %mul3A_209 : i32 to index
      %swap3A_211 = tpu.vector_load %arg8[%swap3A_210] {strides = array<i32>} : memref<2816xi32, #tpu.memory_space<vmem>>, vector<16xi32>,
      tpu.vector_store %arg8[%swap3A_210], %broadcast_in_dim3A_203 {strides = array<i32>} : memref<2816xi32, #tpu.memory_space<vmem>>, vector<16xi32>,
      %broadcast_in_dim3A_212 = arith.constant 0 : i32
      %broadcast_in_dim3A_213 = vector.broadcast %broadcast_in_dim3A_212 : i32 to vector<16xi32>
      %mul3A_214 = arith.constant 8 : i32
      %mul3A_215 = arith.muli %scan3A_151, %mul3A_214 : i32
      %add3A_216 = arith.constant 6 : i32
      %add3A_217 = arith.addi %mul3A_215, %add3A_216 : i32
      %mul3A_218 = arith.constant 16 : i32
      %mul3A_219 = arith.muli %add3A_217, %mul3A_218 : i32
      %swap3A_220 = arith.index_cast %mul3A_219 : i32 to index
      %swap3A_221 = tpu.vector_load %arg8[%swap3A_220] {strides = array<i32>} : memref<2816xi32, #tpu.memory_space<vmem>>, vector<16xi32>,
      tpu.vector_store %arg8[%swap3A_220], %broadcast_in_dim3A_213 {strides = array<i32>} : memref<2816xi32, #tpu.memory_space<vmem>>, vector<16xi32>,
      %broadcast_in_dim3A_222 = arith.constant 0 : i32
      %broadcast_in_dim3A_223 = vector.broadcast %broadcast_in_dim3A_222 : i32 to vector<16xi32>
      %mul3A_224 = arith.constant 8 : i32
      %mul3A_225 = arith.muli %scan3A_151, %mul3A_224 : i32
      %add3A_226 = arith.constant 7 : i32
      %add3A_227 = arith.addi %mul3A_225, %add3A_226 : i32
      %mul3A_228 = arith.constant 16 : i32
      %mul3A_229 = arith.muli %add3A_227, %mul3A_228 : i32
      %swap3A_230 = arith.index_cast %mul3A_229 : i32 to index
      %swap3A_231 = tpu.vector_load %arg8[%swap3A_230] {strides = array<i32>} : memref<2816xi32, #tpu.memory_space<vmem>>, vector<16xi32>,
      tpu.vector_store %arg8[%swap3A_230], %broadcast_in_dim3A_223 {strides = array<i32>} : memref<2816xi32, #tpu.memory_space<vmem>>, vector<16xi32>,
      %scan3A_232 = arith.constant 0 : i32
      scf.yield %scan3A_232 : i32
    }
    %scan3A_18 = arith.constant 22 : i32
    %add3A_19 = arith.constant 32 : i32
    %add3A_20 = arith.addi %mul3A_2, %add3A_19 : i32
    %dma_start3A_21 = arith.constant 0 : i32
    %dma_start3A_22 = tpu.memref_slice %arg2[%add3A_20, %dma_start3A_21] : memref<4096x512xi32, #tpu.memory_space<hbm>> -> memref<32x512xi32, #tpu.memory_space<hbm>>
    %dma_start3A_23 = arith.constant 0 : i32
    %dma_start3A_24 = tpu.memref_slice %arg2[%add3A_20, %dma_start3A_23] : memref<4096x512xi32, #tpu.memory_space<hbm>> -> memref<32x512xi32, #tpu.memory_space<hbm>>
    tpu.enqueue_dma source(%dma_start3A_24 : memref<32x512xi32, #tpu.memory_space<hbm>>) target(%arg7 : memref<32x512xi32, #tpu.memory_space<vmem>>) target_semaphore(%arg10 : memref<!tpu.dma_semaphore, #tpu.memory_space<semaphore_mem>>)
    %dma_start3A_25 = arith.constant 0 : i32
    %dma_start3A_26 = tpu.memref_slice %arg3[%add3A_20, %dma_start3A_25] : memref<4096x512xf32, #tpu.memory_space<hbm>> -> memref<32x512xf32, #tpu.memory_space<hbm>>
    %dma_start3A_27 = arith.constant 0 : i32
    %dma_start3A_28 = tpu.memref_slice %arg3[%add3A_20, %dma_start3A_27] : memref<4096x512xf32, #tpu.memory_space<hbm>> -> memref<32x512xf32, #tpu.memory_space<hbm>>
    tpu.enqueue_dma source(%dma_start3A_28 : memref<32x512xf32, #tpu.memory_space<hbm>>) target(%arg12 : memref<32x512xf32, #tpu.memory_space<vmem>>) target_semaphore(%arg14 : memref<!tpu.dma_semaphore, #tpu.memory_space<semaphore_mem>>)
    %dma_wait3A = arith.constant 0 : i32
    %dma_wait3A_29 = arith.constant 0 : i32
    %dma_wait3A_30 = tpu.memref_slice %arg2[%dma_wait3A, %dma_wait3A_29] : memref<4096x512xi32, #tpu.memory_space<hbm>> -> memref<32x512xi32, #tpu.memory_space<hbm>>
    %dma_wait3A_31 = arith.constant 0 : i32
    %dma_wait3A_32 = arith.constant 0 : i32
    %dma_wait3A_33 = tpu.memref_slice %arg2[%dma_wait3A_31, %dma_wait3A_32] : memref<4096x512xi32, #tpu.memory_space<hbm>> -> memref<32x512xi32, #tpu.memory_space<hbm>>
    tpu.wait_dma2 semaphore(%arg9 : memref<!tpu.dma_semaphore, #tpu.memory_space<semaphore_mem>>) src(%dma_wait3A_33 : memref<32x512xi32, #tpu.memory_space<hbm>>) dst(%arg6 : memref<32x512xi32, #tpu.memory_space<vmem>>)
    %dma_wait3A_34 = arith.constant 0 : i32
    %dma_wait3A_35 = arith.constant 0 : i32
    %dma_wait3A_36 = tpu.memref_slice %arg3[%dma_wait3A_34, %dma_wait3A_35] : memref<4096x512xf32, #tpu.memory_space<hbm>> -> memref<32x512xf32, #tpu.memory_space<hbm>>
    %dma_wait3A_37 = arith.constant 0 : i32
    %dma_wait3A_38 = arith.constant 0 : i32
    %dma_wait3A_39 = tpu.memref_slice %arg3[%dma_wait3A_37, %dma_wait3A_38] : memref<4096x512xf32, #tpu.memory_space<hbm>> -> memref<32x512xf32, #tpu.memory_space<hbm>>
    tpu.wait_dma2 semaphore(%arg13 : memref<!tpu.dma_semaphore, #tpu.memory_space<semaphore_mem>>) src(%dma_wait3A_39 : memref<32x512xf32, #tpu.memory_space<hbm>>) dst(%arg11 : memref<32x512xf32, #tpu.memory_space<vmem>>)
    %parallel_loop3A = arith.constant 0 : i32
    %parallel_loop3A_40 = arith.constant 16384 : i32
    %parallel_loop3A_41 = arith.constant 16 : i32
    scf.for %parallel_loop3A_151 = %parallel_loop3A to %parallel_loop3A_40 step %parallel_loop3A_41  : i32 {
      %parallel_loop3A_152 = arith.constant 9 : i32
      %parallel_loop3A_153 = arith.shrui %parallel_loop3A_151, %parallel_loop3A_152 : i32
      %parallel_loop3A_154 = arith.constant 511 : i32
      %parallel_loop3A_155 = arith.andi %parallel_loop3A_151, %parallel_loop3A_154 : i32
      %parallel_loop3A_156 = arith.index_cast %parallel_loop3A_153 : i32 to index
      %parallel_loop3A_157 = arith.index_cast %parallel_loop3A_155 : i32 to index
      %parallel_loop3A_158 = tpu.vector_load %arg6[%parallel_loop3A_156, %parallel_loop3A_157] {strides = array<i32>} : memref<32x512xi32, #tpu.memory_space<vmem>>, vector<16xi32>,
      %parallel_loop3A_159 = arith.index_cast %parallel_loop3A_153 : i32 to index
      %parallel_loop3A_160 = arith.index_cast %parallel_loop3A_155 : i32 to index
      %parallel_loop3A_161 = tpu.vector_load %arg11[%parallel_loop3A_159, %parallel_loop3A_160] {strides = array<i32>} : memref<32x512xf32, #tpu.memory_space<vmem>>, vector<16xf32>,
      %parallel_loop3A_162 = tpu.bitcast %parallel_loop3A_161 : vector<16xf32> -> vector<16xi32>
      %parallel_loop3A_163 = arith.constant 27 : i32
      %parallel_loop3A_164 = vector.broadcast %parallel_loop3A_163 : i32 to vector<16xi32>
      %parallel_loop3A_165 = arith.shrui %parallel_loop3A_158, %parallel_loop3A_164 : vector<16xi32>
      %parallel_loop3A_166 = tpu.vector_load_idx %arg15[%parallel_loop3A_165] : memref<16xi32, #tpu.memory_space<vmem>>[vector<16xi32>], vector<16xi32>,
      %parallel_loop3A_167 = arith.constant 8 : i32
      %parallel_loop3A_168 = vector.broadcast %parallel_loop3A_167 : i32 to vector<16xi32>
      %parallel_loop3A_169 = arith.shrui %parallel_loop3A_162, %parallel_loop3A_168 : vector<16xi32>
      %parallel_loop3A_170 = arith.cmpi eq, %parallel_loop3A_169, %parallel_loop3A_166 : vector<16xi32>
      %parallel_loop3A_171 = arith.constant 255 : i32
      %parallel_loop3A_172 = vector.broadcast %parallel_loop3A_171 : i32 to vector<16xi32>
      %parallel_loop3A_173 = arith.andi %parallel_loop3A_162, %parallel_loop3A_172 : vector<16xi32>
      %parallel_loop3A_174 = arith.constant 8 : i32
      %parallel_loop3A_175 = vector.broadcast %parallel_loop3A_174 : i32 to vector<16xi32>
      %parallel_loop3A_176 = arith.shli %parallel_loop3A_165, %parallel_loop3A_175 : vector<16xi32>
      %parallel_loop3A_177 = arith.addi %parallel_loop3A_176, %parallel_loop3A_173 : vector<16xi32>
      tpu.vector_store_idx %arg8[%parallel_loop3A_177], %broadcast_in_dim3A_3 masked %parallel_loop3A_170 {add = true} : memref<2816xi32, #tpu.memory_space<vmem>>[vector<16xi32>], vector<16xi32>, vector<16xi1>
    } {sc.loop_unroll_factor = 8 : i64, sc.parallel_access}
    %add3A_42 = arith.constant 64 : i32
    %add3A_43 = arith.addi %mul3A_2, %add3A_42 : i32
    %dma_start3A_44 = arith.constant 0 : i32
    %dma_start3A_45 = tpu.memref_slice %arg2[%add3A_43, %dma_start3A_44] : memref<4096x512xi32, #tpu.memory_space<hbm>> -> memref<32x512xi32, #tpu.memory_space<hbm>>
    %dma_start3A_46 = arith.constant 0 : i32
    %dma_start3A_47 = tpu.memref_slice %arg2[%add3A_43, %dma_start3A_46] : memref<4096x512xi32, #tpu.memory_space<hbm>> -> memref<32x512xi32, #tpu.memory_space<hbm>>
    tpu.enqueue_dma source(%dma_start3A_47 : memref<32x512xi32, #tpu.memory_space<hbm>>) target(%arg6 : memref<32x512xi32, #tpu.memory_space<vmem>>) target_semaphore(%arg9 : memref<!tpu.dma_semaphore, #tpu.memory_space<semaphore_mem>>)
    %dma_start3A_48 = arith.constant 0 : i32
    %dma_start3A_49 = tpu.memref_slice %arg3[%add3A_43, %dma_start3A_48] : memref<4096x512xf32, #tpu.memory_space<hbm>> -> memref<32x512xf32, #tpu.memory_space<hbm>>
    %dma_start3A_50 = arith.constant 0 : i32
    %dma_start3A_51 = tpu.memref_slice %arg3[%add3A_43, %dma_start3A_50] : memref<4096x512xf32, #tpu.memory_space<hbm>> -> memref<32x512xf32, #tpu.memory_space<hbm>>
    tpu.enqueue_dma source(%dma_start3A_51 : memref<32x512xf32, #tpu.memory_space<hbm>>) target(%arg11 : memref<32x512xf32, #tpu.memory_space<vmem>>) target_semaphore(%arg13 : memref<!tpu.dma_semaphore, #tpu.memory_space<semaphore_mem>>)
    %dma_wait3A_52 = arith.constant 0 : i32
    %dma_wait3A_53 = arith.constant 0 : i32
    %dma_wait3A_54 = tpu.memref_slice %arg2[%dma_wait3A_52, %dma_wait3A_53] : memref<4096x512xi32, #tpu.memory_space<hbm>> -> memref<32x512xi32, #tpu.memory_space<hbm>>
    %dma_wait3A_55 = arith.constant 0 : i32
    %dma_wait3A_56 = arith.constant 0 : i32
    %dma_wait3A_57 = tpu.memref_slice %arg2[%dma_wait3A_55, %dma_wait3A_56] : memref<4096x512xi32, #tpu.memory_space<hbm>> -> memref<32x512xi32, #tpu.memory_space<hbm>>
    tpu.wait_dma2 semaphore(%arg10 : memref<!tpu.dma_semaphore, #tpu.memory_space<semaphore_mem>>) src(%dma_wait3A_57 : memref<32x512xi32, #tpu.memory_space<hbm>>) dst(%arg7 : memref<32x512xi32, #tpu.memory_space<vmem>>)
    %dma_wait3A_58 = arith.constant 0 : i32
    %dma_wait3A_59 = arith.constant 0 : i32
    %dma_wait3A_60 = tpu.memref_slice %arg3[%dma_wait3A_58, %dma_wait3A_59] : memref<4096x512xf32, #tpu.memory_space<hbm>> -> memref<32x512xf32, #tpu.memory_space<hbm>>
    %dma_wait3A_61 = arith.constant 0 : i32
    %dma_wait3A_62 = arith.constant 0 : i32
    %dma_wait3A_63 = tpu.memref_slice %arg3[%dma_wait3A_61, %dma_wait3A_62] : memref<4096x512xf32, #tpu.memory_space<hbm>> -> memref<32x512xf32, #tpu.memory_space<hbm>>
    tpu.wait_dma2 semaphore(%arg14 : memref<!tpu.dma_semaphore, #tpu.memory_space<semaphore_mem>>) src(%dma_wait3A_63 : memref<32x512xf32, #tpu.memory_space<hbm>>) dst(%arg12 : memref<32x512xf32, #tpu.memory_space<vmem>>)
    %parallel_loop3A_64 = arith.constant 0 : i32
    %parallel_loop3A_65 = arith.constant 16384 : i32
    %parallel_loop3A_66 = arith.constant 16 : i32
    scf.for %parallel_loop3A_151 = %parallel_loop3A_64 to %parallel_loop3A_65 step %parallel_loop3A_66  : i32 {
      %parallel_loop3A_152 = arith.constant 9 : i32
      %parallel_loop3A_153 = arith.shrui %parallel_loop3A_151, %parallel_loop3A_152 : i32
      %parallel_loop3A_154 = arith.constant 511 : i32
      %parallel_loop3A_155 = arith.andi %parallel_loop3A_151, %parallel_loop3A_154 : i32
      %parallel_loop3A_156 = arith.index_cast %parallel_loop3A_153 : i32 to index
      %parallel_loop3A_157 = arith.index_cast %parallel_loop3A_155 : i32 to index
      %parallel_loop3A_158 = tpu.vector_load %arg7[%parallel_loop3A_156, %parallel_loop3A_157] {strides = array<i32>} : memref<32x512xi32, #tpu.memory_space<vmem>>, vector<16xi32>,
      %parallel_loop3A_159 = arith.index_cast %parallel_loop3A_153 : i32 to index
      %parallel_loop3A_160 = arith.index_cast %parallel_loop3A_155 : i32 to index
      %parallel_loop3A_161 = tpu.vector_load %arg12[%parallel_loop3A_159, %parallel_loop3A_160] {strides = array<i32>} : memref<32x512xf32, #tpu.memory_space<vmem>>, vector<16xf32>,
      %parallel_loop3A_162 = tpu.bitcast %parallel_loop3A_161 : vector<16xf32> -> vector<16xi32>
      %parallel_loop3A_163 = arith.constant 27 : i32
      %parallel_loop3A_164 = vector.broadcast %parallel_loop3A_163 : i32 to vector<16xi32>
      %parallel_loop3A_165 = arith.shrui %parallel_loop3A_158, %parallel_loop3A_164 : vector<16xi32>
      %parallel_loop3A_166 = tpu.vector_load_idx %arg15[%parallel_loop3A_165] : memref<16xi32, #tpu.memory_space<vmem>>[vector<16xi32>], vector<16xi32>,
      %parallel_loop3A_167 = arith.constant 8 : i32
      %parallel_loop3A_168 = vector.broadcast %parallel_loop3A_167 : i32 to vector<16xi32>
      %parallel_loop3A_169 = arith.shrui %parallel_loop3A_162, %parallel_loop3A_168 : vector<16xi32>
      %parallel_loop3A_170 = arith.cmpi eq, %parallel_loop3A_169, %parallel_loop3A_166 : vector<16xi32>
      %parallel_loop3A_171 = arith.constant 255 : i32
      %parallel_loop3A_172 = vector.broadcast %parallel_loop3A_171 : i32 to vector<16xi32>
      %parallel_loop3A_173 = arith.andi %parallel_loop3A_162, %parallel_loop3A_172 : vector<16xi32>
      %parallel_loop3A_174 = arith.constant 8 : i32
      %parallel_loop3A_175 = vector.broadcast %parallel_loop3A_174 : i32 to vector<16xi32>
      %parallel_loop3A_176 = arith.shli %parallel_loop3A_165, %parallel_loop3A_175 : vector<16xi32>
      %parallel_loop3A_177 = arith.addi %parallel_loop3A_176, %parallel_loop3A_173 : vector<16xi32>
      tpu.vector_store_idx %arg8[%parallel_loop3A_177], %broadcast_in_dim3A_3 masked %parallel_loop3A_170 {add = true} : memref<2816xi32, #tpu.memory_space<vmem>>[vector<16xi32>], vector<16xi32>, vector<16xi1>
    } {sc.loop_unroll_factor = 8 : i64, sc.parallel_access}
    %add3A_67 = arith.constant 96 : i32
    %add3A_68 = arith.addi %mul3A_2, %add3A_67 : i32
    %dma_start3A_69 = arith.constant 0 : i32
    %dma_start3A_70 = tpu.memref_slice %arg2[%add3A_68, %dma_start3A_69] : memref<4096x512xi32, #tpu.memory_space<hbm>> -> memref<32x512xi32, #tpu.memory_space<hbm>>
    %dma_start3A_71 = arith.constant 0 : i32
    %dma_start3A_72 = tpu.memref_slice %arg2[%add3A_68, %dma_start3A_71] : memref<4096x512xi32, #tpu.memory_space<hbm>> -> memref<32x512xi32, #tpu.memory_space<hbm>>
    tpu.enqueue_dma source(%dma_start3A_72 : memref<32x512xi32, #tpu.memory_space<hbm>>) target(%arg7 : memref<32x512xi32, #tpu.memory_space<vmem>>) target_semaphore(%arg10 : memref<!tpu.dma_semaphore, #tpu.memory_space<semaphore_mem>>)
    %dma_start3A_73 = arith.constant 0 : i32
    %dma_start3A_74 = tpu.memref_slice %arg3[%add3A_68, %dma_start3A_73] : memref<4096x512xf32, #tpu.memory_space<hbm>> -> memref<32x512xf32, #tpu.memory_space<hbm>>
    %dma_start3A_75 = arith.constant 0 : i32
    %dma_start3A_76 = tpu.memref_slice %arg3[%add3A_68, %dma_start3A_75] : memref<4096x512xf32, #tpu.memory_space<hbm>> -> memref<32x512xf32, #tpu.memory_space<hbm>>
    tpu.enqueue_dma source(%dma_start3A_76 : memref<32x512xf32, #tpu.memory_space<hbm>>) target(%arg12 : memref<32x512xf32, #tpu.memory_space<vmem>>) target_semaphore(%arg14 : memref<!tpu.dma_semaphore, #tpu.memory_space<semaphore_mem>>)
    %dma_wait3A_77 = arith.constant 0 : i32
    %dma_wait3A_78 = arith.constant 0 : i32
    %dma_wait3A_79 = tpu.memref_slice %arg2[%dma_wait3A_77, %dma_wait3A_78] : memref<4096x512xi32, #tpu.memory_space<hbm>> -> memref<32x512xi32, #tpu.memory_space<hbm>>
    %dma_wait3A_80 = arith.constant 0 : i32
    %dma_wait3A_81 = arith.constant 0 : i32
    %dma_wait3A_82 = tpu.memref_slice %arg2[%dma_wait3A_80, %dma_wait3A_81] : memref<4096x512xi32, #tpu.memory_space<hbm>> -> memref<32x512xi32, #tpu.memory_space<hbm>>
    tpu.wait_dma2 semaphore(%arg9 : memref<!tpu.dma_semaphore, #tpu.memory_space<semaphore_mem>>) src(%dma_wait3A_82 : memref<32x512xi32, #tpu.memory_space<hbm>>) dst(%arg6 : memref<32x512xi32, #tpu.memory_space<vmem>>)
    %dma_wait3A_83 = arith.constant 0 : i32
    %dma_wait3A_84 = arith.constant 0 : i32
    %dma_wait3A_85 = tpu.memref_slice %arg3[%dma_wait3A_83, %dma_wait3A_84] : memref<4096x512xf32, #tpu.memory_space<hbm>> -> memref<32x512xf32, #tpu.memory_space<hbm>>
    %dma_wait3A_86 = arith.constant 0 : i32
    %dma_wait3A_87 = arith.constant 0 : i32
    %dma_wait3A_88 = tpu.memref_slice %arg3[%dma_wait3A_86, %dma_wait3A_87] : memref<4096x512xf32, #tpu.memory_space<hbm>> -> memref<32x512xf32, #tpu.memory_space<hbm>>
    tpu.wait_dma2 semaphore(%arg13 : memref<!tpu.dma_semaphore, #tpu.memory_space<semaphore_mem>>) src(%dma_wait3A_88 : memref<32x512xf32, #tpu.memory_space<hbm>>) dst(%arg11 : memref<32x512xf32, #tpu.memory_space<vmem>>)
    %parallel_loop3A_89 = arith.constant 0 : i32
    %parallel_loop3A_90 = arith.constant 16384 : i32
    %parallel_loop3A_91 = arith.constant 16 : i32
    scf.for %parallel_loop3A_151 = %parallel_loop3A_89 to %parallel_loop3A_90 step %parallel_loop3A_91  : i32 {
      %parallel_loop3A_152 = arith.constant 9 : i32
      %parallel_loop3A_153 = arith.shrui %parallel_loop3A_151, %parallel_loop3A_152 : i32
      %parallel_loop3A_154 = arith.constant 511 : i32
      %parallel_loop3A_155 = arith.andi %parallel_loop3A_151, %parallel_loop3A_154 : i32
      %parallel_loop3A_156 = arith.index_cast %parallel_loop3A_153 : i32 to index
      %parallel_loop3A_157 = arith.index_cast %parallel_loop3A_155 : i32 to index
      %parallel_loop3A_158 = tpu.vector_load %arg6[%parallel_loop3A_156, %parallel_loop3A_157] {strides = array<i32>} : memref<32x512xi32, #tpu.memory_space<vmem>>, vector<16xi32>,
      %parallel_loop3A_159 = arith.index_cast %parallel_loop3A_153 : i32 to index
      %parallel_loop3A_160 = arith.index_cast %parallel_loop3A_155 : i32 to index
      %parallel_loop3A_161 = tpu.vector_load %arg11[%parallel_loop3A_159, %parallel_loop3A_160] {strides = array<i32>} : memref<32x512xf32, #tpu.memory_space<vmem>>, vector<16xf32>,
      %parallel_loop3A_162 = tpu.bitcast %parallel_loop3A_161 : vector<16xf32> -> vector<16xi32>
      %parallel_loop3A_163 = arith.constant 27 : i32
      %parallel_loop3A_164 = vector.broadcast %parallel_loop3A_163 : i32 to vector<16xi32>
      %parallel_loop3A_165 = arith.shrui %parallel_loop3A_158, %parallel_loop3A_164 : vector<16xi32>
      %parallel_loop3A_166 = tpu.vector_load_idx %arg15[%parallel_loop3A_165] : memref<16xi32, #tpu.memory_space<vmem>>[vector<16xi32>], vector<16xi32>,
      %parallel_loop3A_167 = arith.constant 8 : i32
      %parallel_loop3A_168 = vector.broadcast %parallel_loop3A_167 : i32 to vector<16xi32>
      %parallel_loop3A_169 = arith.shrui %parallel_loop3A_162, %parallel_loop3A_168 : vector<16xi32>
      %parallel_loop3A_170 = arith.cmpi eq, %parallel_loop3A_169, %parallel_loop3A_166 : vector<16xi32>
      %parallel_loop3A_171 = arith.constant 255 : i32
      %parallel_loop3A_172 = vector.broadcast %parallel_loop3A_171 : i32 to vector<16xi32>
      %parallel_loop3A_173 = arith.andi %parallel_loop3A_162, %parallel_loop3A_172 : vector<16xi32>
      %parallel_loop3A_174 = arith.constant 8 : i32
      %parallel_loop3A_175 = vector.broadcast %parallel_loop3A_174 : i32 to vector<16xi32>
      %parallel_loop3A_176 = arith.shli %parallel_loop3A_165, %parallel_loop3A_175 : vector<16xi32>
      %parallel_loop3A_177 = arith.addi %parallel_loop3A_176, %parallel_loop3A_173 : vector<16xi32>
      tpu.vector_store_idx %arg8[%parallel_loop3A_177], %broadcast_in_dim3A_3 masked %parallel_loop3A_170 {add = true} : memref<2816xi32, #tpu.memory_space<vmem>>[vector<16xi32>], vector<16xi32>, vector<16xi1>
    } {sc.loop_unroll_factor = 8 : i64, sc.parallel_access}
    %dma_wait3A_92 = arith.constant 0 : i32
    %dma_wait3A_93 = arith.constant 0 : i32
    %dma_wait3A_94 = tpu.memref_slice %arg2[%dma_wait3A_92, %dma_wait3A_93] : memref<4096x512xi32, #tpu.memory_space<hbm>> -> memref<32x512xi32, #tpu.memory_space<hbm>>
    %dma_wait3A_95 = arith.constant 0 : i32
    %dma_wait3A_96 = arith.constant 0 : i32
    %dma_wait3A_97 = tpu.memref_slice %arg2[%dma_wait3A_95, %dma_wait3A_96] : memref<4096x512xi32, #tpu.memory_space<hbm>> -> memref<32x512xi32, #tpu.memory_space<hbm>>
    tpu.wait_dma2 semaphore(%arg10 : memref<!tpu.dma_semaphore, #tpu.memory_space<semaphore_mem>>) src(%dma_wait3A_97 : memref<32x512xi32, #tpu.memory_space<hbm>>) dst(%arg7 : memref<32x512xi32, #tpu.memory_space<vmem>>)
    %dma_wait3A_98 = arith.constant 0 : i32
    %dma_wait3A_99 = arith.constant 0 : i32
    %dma_wait3A_100 = tpu.memref_slice %arg3[%dma_wait3A_98, %dma_wait3A_99] : memref<4096x512xf32, #tpu.memory_space<hbm>> -> memref<32x512xf32, #tpu.memory_space<hbm>>
    %dma_wait3A_101 = arith.constant 0 : i32
    %dma_wait3A_102 = arith.constant 0 : i32
    %dma_wait3A_103 = tpu.memref_slice %arg3[%dma_wait3A_101, %dma_wait3A_102] : memref<4096x512xf32, #tpu.memory_space<hbm>> -> memref<32x512xf32, #tpu.memory_space<hbm>>
    tpu.wait_dma2 semaphore(%arg14 : memref<!tpu.dma_semaphore, #tpu.memory_space<semaphore_mem>>) src(%dma_wait3A_103 : memref<32x512xf32, #tpu.memory_space<hbm>>) dst(%arg12 : memref<32x512xf32, #tpu.memory_space<vmem>>)
    %parallel_loop3A_104 = arith.constant 0 : i32
    %parallel_loop3A_105 = arith.constant 16384 : i32
    %parallel_loop3A_106 = arith.constant 16 : i32
    scf.for %parallel_loop3A_151 = %parallel_loop3A_104 to %parallel_loop3A_105 step %parallel_loop3A_106  : i32 {
      %parallel_loop3A_152 = arith.constant 9 : i32
      %parallel_loop3A_153 = arith.shrui %parallel_loop3A_151, %parallel_loop3A_152 : i32
      %parallel_loop3A_154 = arith.constant 511 : i32
      %parallel_loop3A_155 = arith.andi %parallel_loop3A_151, %parallel_loop3A_154 : i32
      %parallel_loop3A_156 = arith.index_cast %parallel_loop3A_153 : i32 to index
      %parallel_loop3A_157 = arith.index_cast %parallel_loop3A_155 : i32 to index
      %parallel_loop3A_158 = tpu.vector_load %arg7[%parallel_loop3A_156, %parallel_loop3A_157] {strides = array<i32>} : memref<32x512xi32, #tpu.memory_space<vmem>>, vector<16xi32>,
      %parallel_loop3A_159 = arith.index_cast %parallel_loop3A_153 : i32 to index
      %parallel_loop3A_160 = arith.index_cast %parallel_loop3A_155 : i32 to index
      %parallel_loop3A_161 = tpu.vector_load %arg12[%parallel_loop3A_159, %parallel_loop3A_160] {strides = array<i32>} : memref<32x512xf32, #tpu.memory_space<vmem>>, vector<16xf32>,
      %parallel_loop3A_162 = tpu.bitcast %parallel_loop3A_161 : vector<16xf32> -> vector<16xi32>
      %parallel_loop3A_163 = arith.constant 27 : i32
      %parallel_loop3A_164 = vector.broadcast %parallel_loop3A_163 : i32 to vector<16xi32>
      %parallel_loop3A_165 = arith.shrui %parallel_loop3A_158, %parallel_loop3A_164 : vector<16xi32>
      %parallel_loop3A_166 = tpu.vector_load_idx %arg15[%parallel_loop3A_165] : memref<16xi32, #tpu.memory_space<vmem>>[vector<16xi32>], vector<16xi32>,
      %parallel_loop3A_167 = arith.constant 8 : i32
      %parallel_loop3A_168 = vector.broadcast %parallel_loop3A_167 : i32 to vector<16xi32>
      %parallel_loop3A_169 = arith.shrui %parallel_loop3A_162, %parallel_loop3A_168 : vector<16xi32>
      %parallel_loop3A_170 = arith.cmpi eq, %parallel_loop3A_169, %parallel_loop3A_166 : vector<16xi32>
      %parallel_loop3A_171 = arith.constant 255 : i32
      %parallel_loop3A_172 = vector.broadcast %parallel_loop3A_171 : i32 to vector<16xi32>
      %parallel_loop3A_173 = arith.andi %parallel_loop3A_162, %parallel_loop3A_172 : vector<16xi32>
      %parallel_loop3A_174 = arith.constant 8 : i32
      %parallel_loop3A_175 = vector.broadcast %parallel_loop3A_174 : i32 to vector<16xi32>
      %parallel_loop3A_176 = arith.shli %parallel_loop3A_165, %parallel_loop3A_175 : vector<16xi32>
      %parallel_loop3A_177 = arith.addi %parallel_loop3A_176, %parallel_loop3A_173 : vector<16xi32>
      tpu.vector_store_idx %arg8[%parallel_loop3A_177], %broadcast_in_dim3A_3 masked %parallel_loop3A_170 {add = true} : memref<2816xi32, #tpu.memory_space<vmem>>[vector<16xi32>], vector<16xi32>, vector<16xi1>
    } {sc.loop_unroll_factor = 8 : i64, sc.parallel_access}
    %mul3A_107 = arith.constant 16 : i32
    %mul3A_108 = arith.muli %add3A, %mul3A_107 : i32
    %add3A_109 = arith.constant 0 : i32
    %add3A_110 = arith.addi %mul3A_108, %add3A_109 : i32
    "tpu.region"() ({
      %run_scoped3A = tpu.sem_alloc : memref<!tpu.dma_semaphore, #tpu.memory_space<semaphore_mem>>
      %dma_start3A_151 = arith.constant 0 : i32
      %dma_start3A_152 = tpu.memref_slice %arg8[%dma_start3A_151] : memref<2816xi32, #tpu.memory_space<vmem>> -> memref<256xi32, #tpu.memory_space<vmem>>
      %dma_start3A_153 = arith.constant 0 : i32
      %dma_start3A_154 = tpu.memref_slice %arg5[%add3A_110, %dma_start3A_153] : memref<512x256xi32, #tpu.memory_space<hbm>> -> memref<1x256xi32, #tpu.memory_space<hbm>>
      %dma_start3A_155 = tpu.memref_squeeze %dma_start3A_154 : memref<1x256xi32, #tpu.memory_space<hbm>> -> memref<256xi32, #tpu.memory_space<hbm>>
      %dma_start3A_156 = arith.constant 0 : i32
      %dma_start3A_157 = tpu.memref_slice %arg5[%add3A_110, %dma_start3A_156] : memref<512x256xi32, #tpu.memory_space<hbm>> -> memref<1x256xi32, #tpu.memory_space<hbm>>
      %dma_start3A_158 = tpu.memref_squeeze %dma_start3A_157 : memref<1x256xi32, #tpu.memory_space<hbm>> -> memref<256xi32, #tpu.memory_space<hbm>>
      %dma_start3A_159 = arith.constant 0 : i32
      %dma_start3A_160 = tpu.memref_slice %arg8[%dma_start3A_159] : memref<2816xi32, #tpu.memory_space<vmem>> -> memref<256xi32, #tpu.memory_space<vmem>>
      tpu.enqueue_dma source(%dma_start3A_160 : memref<256xi32, #tpu.memory_space<vmem>>) target(%dma_start3A_158 : memref<256xi32, #tpu.memory_space<hbm>>) target_semaphore(%run_scoped3A : memref<!tpu.dma_semaphore, #tpu.memory_space<semaphore_mem>>)
      %dma_wait3A_161 = arith.constant 0 : i32
      %dma_wait3A_162 = tpu.memref_slice %arg8[%dma_wait3A_161] : memref<2816xi32, #tpu.memory_space<vmem>> -> memref<256xi32, #tpu.memory_space<vmem>>
      %dma_wait3A_163 = arith.constant 0 : i32
      %dma_wait3A_164 = tpu.memref_slice %arg5[%add3A_110, %dma_wait3A_163] : memref<512x256xi32, #tpu.memory_space<hbm>> -> memref<1x256xi32, #tpu.memory_space<hbm>>
      %dma_wait3A_165 = tpu.memref_squeeze %dma_wait3A_164 : memref<1x256xi32, #tpu.memory_space<hbm>> -> memref<256xi32, #tpu.memory_space<hbm>>
      %dma_wait3A_166 = arith.constant 0 : i32
      %dma_wait3A_167 = tpu.memref_slice %arg5[%add3A_110, %dma_wait3A_166] : memref<512x256xi32, #tpu.memory_space<hbm>> -> memref<1x256xi32, #tpu.memory_space<hbm>>
      %dma_wait3A_168 = tpu.memref_squeeze %dma_wait3A_167 : memref<1x256xi32, #tpu.memory_space<hbm>> -> memref<256xi32, #tpu.memory_space<hbm>>
      %dma_wait3A_169 = arith.constant 0 : i32
      %dma_wait3A_170 = tpu.memref_slice %arg8[%dma_wait3A_169] : memref<2816xi32, #tpu.memory_space<vmem>> -> memref<256xi32, #tpu.memory_space<vmem>>
      tpu.wait_dma2 semaphore(%run_scoped3A : memref<!tpu.dma_semaphore, #tpu.memory_space<semaphore_mem>>) src(%dma_wait3A_170 : memref<256xi32, #tpu.memory_space<vmem>>) dst(%dma_wait3A_168 : memref<256xi32, #tpu.memory_space<hbm>>)
      tpu.yield
    }) : () -> ()
    %mul3A_111 = arith.constant 16 : i32
    %mul3A_112 = arith.muli %add3A, %mul3A_111 : i32
    %add3A_113 = arith.constant 1 : i32
    %add3A_114 = arith.addi %mul3A_112, %add3A_113 : i32
    "tpu.region"() ({
      %run_scoped3A = tpu.sem_alloc : memref<!tpu.dma_semaphore, #tpu.memory_space<semaphore_mem>>
      %dma_start3A_151 = arith.constant 256 : i32
      %dma_start3A_152 = tpu.memref_slice %arg8[%dma_start3A_151] : memref<2816xi32, #tpu.memory_space<vmem>> -> memref<256xi32, #tpu.memory_space<vmem>>
      %dma_start3A_153 = arith.constant 0 : i32
      %dma_start3A_154 = tpu.memref_slice %arg5[%add3A_114, %dma_start3A_153] : memref<512x256xi32, #tpu.memory_space<hbm>> -> memref<1x256xi32, #tpu.memory_space<hbm>>
      %dma_start3A_155 = tpu.memref_squeeze %dma_start3A_154 : memref<1x256xi32, #tpu.memory_space<hbm>> -> memref<256xi32, #tpu.memory_space<hbm>>
      %dma_start3A_156 = arith.constant 0 : i32
      %dma_start3A_157 = tpu.memref_slice %arg5[%add3A_114, %dma_start3A_156] : memref<512x256xi32, #tpu.memory_space<hbm>> -> memref<1x256xi32, #tpu.memory_space<hbm>>
      %dma_start3A_158 = tpu.memref_squeeze %dma_start3A_157 : memref<1x256xi32, #tpu.memory_space<hbm>> -> memref<256xi32, #tpu.memory_space<hbm>>
      %dma_start3A_159 = arith.constant 256 : i32
      %dma_start3A_160 = tpu.memref_slice %arg8[%dma_start3A_159] : memref<2816xi32, #tpu.memory_space<vmem>> -> memref<256xi32, #tpu.memory_space<vmem>>
      tpu.enqueue_dma source(%dma_start3A_160 : memref<256xi32, #tpu.memory_space<vmem>>) target(%dma_start3A_158 : memref<256xi32, #tpu.memory_space<hbm>>) target_semaphore(%run_scoped3A : memref<!tpu.dma_semaphore, #tpu.memory_space<semaphore_mem>>)
      %dma_wait3A_161 = arith.constant 256 : i32
      %dma_wait3A_162 = tpu.memref_slice %arg8[%dma_wait3A_161] : memref<2816xi32, #tpu.memory_space<vmem>> -> memref<256xi32, #tpu.memory_space<vmem>>
      %dma_wait3A_163 = arith.constant 0 : i32
      %dma_wait3A_164 = tpu.memref_slice %arg5[%add3A_114, %dma_wait3A_163] : memref<512x256xi32, #tpu.memory_space<hbm>> -> memref<1x256xi32, #tpu.memory_space<hbm>>
      %dma_wait3A_165 = tpu.memref_squeeze %dma_wait3A_164 : memref<1x256xi32, #tpu.memory_space<hbm>> -> memref<256xi32, #tpu.memory_space<hbm>>
      %dma_wait3A_166 = arith.constant 0 : i32
      %dma_wait3A_167 = tpu.memref_slice %arg5[%add3A_114, %dma_wait3A_166] : memref<512x256xi32, #tpu.memory_space<hbm>> -> memref<1x256xi32, #tpu.memory_space<hbm>>
      %dma_wait3A_168 = tpu.memref_squeeze %dma_wait3A_167 : memref<1x256xi32, #tpu.memory_space<hbm>> -> memref<256xi32, #tpu.memory_space<hbm>>
      %dma_wait3A_169 = arith.constant 256 : i32
      %dma_wait3A_170 = tpu.memref_slice %arg8[%dma_wait3A_169] : memref<2816xi32, #tpu.memory_space<vmem>> -> memref<256xi32, #tpu.memory_space<vmem>>
      tpu.wait_dma2 semaphore(%run_scoped3A : memref<!tpu.dma_semaphore, #tpu.memory_space<semaphore_mem>>) src(%dma_wait3A_170 : memref<256xi32, #tpu.memory_space<vmem>>) dst(%dma_wait3A_168 : memref<256xi32, #tpu.memory_space<hbm>>)
      tpu.yield
    }) : () -> ()
    %mul3A_115 = arith.constant 16 : i32
    %mul3A_116 = arith.muli %add3A, %mul3A_115 : i32
    %add3A_117 = arith.constant 2 : i32
    %add3A_118 = arith.addi %mul3A_116, %add3A_117 : i32
    "tpu.region"() ({
      %run_scoped3A = tpu.sem_alloc : memref<!tpu.dma_semaphore, #tpu.memory_space<semaphore_mem>>
      %dma_start3A_151 = arith.constant 512 : i32
      %dma_start3A_152 = tpu.memref_slice %arg8[%dma_start3A_151] : memref<2816xi32, #tpu.memory_space<vmem>> -> memref<256xi32, #tpu.memory_space<vmem>>
      %dma_start3A_153 = arith.constant 0 : i32
      %dma_start3A_154 = tpu.memref_slice %arg5[%add3A_118, %dma_start3A_153] : memref<512x256xi32, #tpu.memory_space<hbm>> -> memref<1x256xi32, #tpu.memory_space<hbm>>
      %dma_start3A_155 = tpu.memref_squeeze %dma_start3A_154 : memref<1x256xi32, #tpu.memory_space<hbm>> -> memref<256xi32, #tpu.memory_space<hbm>>
      %dma_start3A_156 = arith.constant 0 : i32
      %dma_start3A_157 = tpu.memref_slice %arg5[%add3A_118, %dma_start3A_156] : memref<512x256xi32, #tpu.memory_space<hbm>> -> memref<1x256xi32, #tpu.memory_space<hbm>>
      %dma_start3A_158 = tpu.memref_squeeze %dma_start3A_157 : memref<1x256xi32, #tpu.memory_space<hbm>> -> memref<256xi32, #tpu.memory_space<hbm>>
      %dma_start3A_159 = arith.constant 512 : i32
      %dma_start3A_160 = tpu.memref_slice %arg8[%dma_start3A_159] : memref<2816xi32, #tpu.memory_space<vmem>> -> memref<256xi32, #tpu.memory_space<vmem>>
      tpu.enqueue_dma source(%dma_start3A_160 : memref<256xi32, #tpu.memory_space<vmem>>) target(%dma_start3A_158 : memref<256xi32, #tpu.memory_space<hbm>>) target_semaphore(%run_scoped3A : memref<!tpu.dma_semaphore, #tpu.memory_space<semaphore_mem>>)
      %dma_wait3A_161 = arith.constant 512 : i32
      %dma_wait3A_162 = tpu.memref_slice %arg8[%dma_wait3A_161] : memref<2816xi32, #tpu.memory_space<vmem>> -> memref<256xi32, #tpu.memory_space<vmem>>
      %dma_wait3A_163 = arith.constant 0 : i32
      %dma_wait3A_164 = tpu.memref_slice %arg5[%add3A_118, %dma_wait3A_163] : memref<512x256xi32, #tpu.memory_space<hbm>> -> memref<1x256xi32, #tpu.memory_space<hbm>>
      %dma_wait3A_165 = tpu.memref_squeeze %dma_wait3A_164 : memref<1x256xi32, #tpu.memory_space<hbm>> -> memref<256xi32, #tpu.memory_space<hbm>>
      %dma_wait3A_166 = arith.constant 0 : i32
      %dma_wait3A_167 = tpu.memref_slice %arg5[%add3A_118, %dma_wait3A_166] : memref<512x256xi32, #tpu.memory_space<hbm>> -> memref<1x256xi32, #tpu.memory_space<hbm>>
      %dma_wait3A_168 = tpu.memref_squeeze %dma_wait3A_167 : memref<1x256xi32, #tpu.memory_space<hbm>> -> memref<256xi32, #tpu.memory_space<hbm>>
      %dma_wait3A_169 = arith.constant 512 : i32
      %dma_wait3A_170 = tpu.memref_slice %arg8[%dma_wait3A_169] : memref<2816xi32, #tpu.memory_space<vmem>> -> memref<256xi32, #tpu.memory_space<vmem>>
      tpu.wait_dma2 semaphore(%run_scoped3A : memref<!tpu.dma_semaphore, #tpu.memory_space<semaphore_mem>>) src(%dma_wait3A_170 : memref<256xi32, #tpu.memory_space<vmem>>) dst(%dma_wait3A_168 : memref<256xi32, #tpu.memory_space<hbm>>)
      tpu.yield
    }) : () -> ()
    %mul3A_119 = arith.constant 16 : i32
    %mul3A_120 = arith.muli %add3A, %mul3A_119 : i32
    %add3A_121 = arith.constant 3 : i32
    %add3A_122 = arith.addi %mul3A_120, %add3A_121 : i32
    "tpu.region"() ({
      %run_scoped3A = tpu.sem_alloc : memref<!tpu.dma_semaphore, #tpu.memory_space<semaphore_mem>>
      %dma_start3A_151 = arith.constant 768 : i32
      %dma_start3A_152 = tpu.memref_slice %arg8[%dma_start3A_151] : memref<2816xi32, #tpu.memory_space<vmem>> -> memref<256xi32, #tpu.memory_space<vmem>>
      %dma_start3A_153 = arith.constant 0 : i32
      %dma_start3A_154 = tpu.memref_slice %arg5[%add3A_122, %dma_start3A_153] : memref<512x256xi32, #tpu.memory_space<hbm>> -> memref<1x256xi32, #tpu.memory_space<hbm>>
      %dma_start3A_155 = tpu.memref_squeeze %dma_start3A_154 : memref<1x256xi32, #tpu.memory_space<hbm>> -> memref<256xi32, #tpu.memory_space<hbm>>
      %dma_start3A_156 = arith.constant 0 : i32
      %dma_start3A_157 = tpu.memref_slice %arg5[%add3A_122, %dma_start3A_156] : memref<512x256xi32, #tpu.memory_space<hbm>> -> memref<1x256xi32, #tpu.memory_space<hbm>>
      %dma_start3A_158 = tpu.memref_squeeze %dma_start3A_157 : memref<1x256xi32, #tpu.memory_space<hbm>> -> memref<256xi32, #tpu.memory_space<hbm>>
      %dma_start3A_159 = arith.constant 768 : i32
      %dma_start3A_160 = tpu.memref_slice %arg8[%dma_start3A_159] : memref<2816xi32, #tpu.memory_space<vmem>> -> memref<256xi32, #tpu.memory_space<vmem>>
      tpu.enqueue_dma source(%dma_start3A_160 : memref<256xi32, #tpu.memory_space<vmem>>) target(%dma_start3A_158 : memref<256xi32, #tpu.memory_space<hbm>>) target_semaphore(%run_scoped3A : memref<!tpu.dma_semaphore, #tpu.memory_space<semaphore_mem>>)
      %dma_wait3A_161 = arith.constant 768 : i32
      %dma_wait3A_162 = tpu.memref_slice %arg8[%dma_wait3A_161] : memref<2816xi32, #tpu.memory_space<vmem>> -> memref<256xi32, #tpu.memory_space<vmem>>
      %dma_wait3A_163 = arith.constant 0 : i32
      %dma_wait3A_164 = tpu.memref_slice %arg5[%add3A_122, %dma_wait3A_163] : memref<512x256xi32, #tpu.memory_space<hbm>> -> memref<1x256xi32, #tpu.memory_space<hbm>>
      %dma_wait3A_165 = tpu.memref_squeeze %dma_wait3A_164 : memref<1x256xi32, #tpu.memory_space<hbm>> -> memref<256xi32, #tpu.memory_space<hbm>>
      %dma_wait3A_166 = arith.constant 0 : i32
      %dma_wait3A_167 = tpu.memref_slice %arg5[%add3A_122, %dma_wait3A_166] : memref<512x256xi32, #tpu.memory_space<hbm>> -> memref<1x256xi32, #tpu.memory_space<hbm>>
      %dma_wait3A_168 = tpu.memref_squeeze %dma_wait3A_167 : memref<1x256xi32, #tpu.memory_space<hbm>> -> memref<256xi32, #tpu.memory_space<hbm>>
      %dma_wait3A_169 = arith.constant 768 : i32
      %dma_wait3A_170 = tpu.memref_slice %arg8[%dma_wait3A_169] : memref<2816xi32, #tpu.memory_space<vmem>> -> memref<256xi32, #tpu.memory_space<vmem>>
      tpu.wait_dma2 semaphore(%run_scoped3A : memref<!tpu.dma_semaphore, #tpu.memory_space<semaphore_mem>>) src(%dma_wait3A_170 : memref<256xi32, #tpu.memory_space<vmem>>) dst(%dma_wait3A_168 : memref<256xi32, #tpu.memory_space<hbm>>)
      tpu.yield
    }) : () -> ()
    %mul3A_123 = arith.constant 16 : i32
    %mul3A_124 = arith.muli %add3A, %mul3A_123 : i32
    %add3A_125 = arith.constant 4 : i32
    %add3A_126 = arith.addi %mul3A_124, %add3A_125 : i32
    "tpu.region"() ({
      %run_scoped3A = tpu.sem_alloc : memref<!tpu.dma_semaphore, #tpu.memory_space<semaphore_mem>>
      %dma_start3A_151 = arith.constant 1024 : i32
      %dma_start3A_152 = tpu.memref_slice %arg8[%dma_start3A_151] : memref<2816xi32, #tpu.memory_space<vmem>> -> memref<256xi32, #tpu.memory_space<vmem>>
      %dma_start3A_153 = arith.constant 0 : i32
      %dma_start3A_154 = tpu.memref_slice %arg5[%add3A_126, %dma_start3A_153] : memref<512x256xi32, #tpu.memory_space<hbm>> -> memref<1x256xi32, #tpu.memory_space<hbm>>
      %dma_start3A_155 = tpu.memref_squeeze %dma_start3A_154 : memref<1x256xi32, #tpu.memory_space<hbm>> -> memref<256xi32, #tpu.memory_space<hbm>>
      %dma_start3A_156 = arith.constant 0 : i32
      %dma_start3A_157 = tpu.memref_slice %arg5[%add3A_126, %dma_start3A_156] : memref<512x256xi32, #tpu.memory_space<hbm>> -> memref<1x256xi32, #tpu.memory_space<hbm>>
      %dma_start3A_158 = tpu.memref_squeeze %dma_start3A_157 : memref<1x256xi32, #tpu.memory_space<hbm>> -> memref<256xi32, #tpu.memory_space<hbm>>
      %dma_start3A_159 = arith.constant 1024 : i32
      %dma_start3A_160 = tpu.memref_slice %arg8[%dma_start3A_159] : memref<2816xi32, #tpu.memory_space<vmem>> -> memref<256xi32, #tpu.memory_space<vmem>>
      tpu.enqueue_dma source(%dma_start3A_160 : memref<256xi32, #tpu.memory_space<vmem>>) target(%dma_start3A_158 : memref<256xi32, #tpu.memory_space<hbm>>) target_semaphore(%run_scoped3A : memref<!tpu.dma_semaphore, #tpu.memory_space<semaphore_mem>>)
      %dma_wait3A_161 = arith.constant 1024 : i32
      %dma_wait3A_162 = tpu.memref_slice %arg8[%dma_wait3A_161] : memref<2816xi32, #tpu.memory_space<vmem>> -> memref<256xi32, #tpu.memory_space<vmem>>
      %dma_wait3A_163 = arith.constant 0 : i32
      %dma_wait3A_164 = tpu.memref_slice %arg5[%add3A_126, %dma_wait3A_163] : memref<512x256xi32, #tpu.memory_space<hbm>> -> memref<1x256xi32, #tpu.memory_space<hbm>>
      %dma_wait3A_165 = tpu.memref_squeeze %dma_wait3A_164 : memref<1x256xi32, #tpu.memory_space<hbm>> -> memref<256xi32, #tpu.memory_space<hbm>>
      %dma_wait3A_166 = arith.constant 0 : i32
      %dma_wait3A_167 = tpu.memref_slice %arg5[%add3A_126, %dma_wait3A_166] : memref<512x256xi32, #tpu.memory_space<hbm>> -> memref<1x256xi32, #tpu.memory_space<hbm>>
      %dma_wait3A_168 = tpu.memref_squeeze %dma_wait3A_167 : memref<1x256xi32, #tpu.memory_space<hbm>> -> memref<256xi32, #tpu.memory_space<hbm>>
      %dma_wait3A_169 = arith.constant 1024 : i32
      %dma_wait3A_170 = tpu.memref_slice %arg8[%dma_wait3A_169] : memref<2816xi32, #tpu.memory_space<vmem>> -> memref<256xi32, #tpu.memory_space<vmem>>
      tpu.wait_dma2 semaphore(%run_scoped3A : memref<!tpu.dma_semaphore, #tpu.memory_space<semaphore_mem>>) src(%dma_wait3A_170 : memref<256xi32, #tpu.memory_space<vmem>>) dst(%dma_wait3A_168 : memref<256xi32, #tpu.memory_space<hbm>>)
      tpu.yield
    }) : () -> ()
    %mul3A_127 = arith.constant 16 : i32
    %mul3A_128 = arith.muli %add3A, %mul3A_127 : i32
    %add3A_129 = arith.constant 5 : i32
    %add3A_130 = arith.addi %mul3A_128, %add3A_129 : i32
    "tpu.region"() ({
      %run_scoped3A = tpu.sem_alloc : memref<!tpu.dma_semaphore, #tpu.memory_space<semaphore_mem>>
      %dma_start3A_151 = arith.constant 1280 : i32
      %dma_start3A_152 = tpu.memref_slice %arg8[%dma_start3A_151] : memref<2816xi32, #tpu.memory_space<vmem>> -> memref<256xi32, #tpu.memory_space<vmem>>
      %dma_start3A_153 = arith.constant 0 : i32
      %dma_start3A_154 = tpu.memref_slice %arg5[%add3A_130, %dma_start3A_153] : memref<512x256xi32, #tpu.memory_space<hbm>> -> memref<1x256xi32, #tpu.memory_space<hbm>>
      %dma_start3A_155 = tpu.memref_squeeze %dma_start3A_154 : memref<1x256xi32, #tpu.memory_space<hbm>> -> memref<256xi32, #tpu.memory_space<hbm>>
      %dma_start3A_156 = arith.constant 0 : i32
      %dma_start3A_157 = tpu.memref_slice %arg5[%add3A_130, %dma_start3A_156] : memref<512x256xi32, #tpu.memory_space<hbm>> -> memref<1x256xi32, #tpu.memory_space<hbm>>
      %dma_start3A_158 = tpu.memref_squeeze %dma_start3A_157 : memref<1x256xi32, #tpu.memory_space<hbm>> -> memref<256xi32, #tpu.memory_space<hbm>>
      %dma_start3A_159 = arith.constant 1280 : i32
      %dma_start3A_160 = tpu.memref_slice %arg8[%dma_start3A_159] : memref<2816xi32, #tpu.memory_space<vmem>> -> memref<256xi32, #tpu.memory_space<vmem>>
      tpu.enqueue_dma source(%dma_start3A_160 : memref<256xi32, #tpu.memory_space<vmem>>) target(%dma_start3A_158 : memref<256xi32, #tpu.memory_space<hbm>>) target_semaphore(%run_scoped3A : memref<!tpu.dma_semaphore, #tpu.memory_space<semaphore_mem>>)
      %dma_wait3A_161 = arith.constant 1280 : i32
      %dma_wait3A_162 = tpu.memref_slice %arg8[%dma_wait3A_161] : memref<2816xi32, #tpu.memory_space<vmem>> -> memref<256xi32, #tpu.memory_space<vmem>>
      %dma_wait3A_163 = arith.constant 0 : i32
      %dma_wait3A_164 = tpu.memref_slice %arg5[%add3A_130, %dma_wait3A_163] : memref<512x256xi32, #tpu.memory_space<hbm>> -> memref<1x256xi32, #tpu.memory_space<hbm>>
      %dma_wait3A_165 = tpu.memref_squeeze %dma_wait3A_164 : memref<1x256xi32, #tpu.memory_space<hbm>> -> memref<256xi32, #tpu.memory_space<hbm>>
      %dma_wait3A_166 = arith.constant 0 : i32
      %dma_wait3A_167 = tpu.memref_slice %arg5[%add3A_130, %dma_wait3A_166] : memref<512x256xi32, #tpu.memory_space<hbm>> -> memref<1x256xi32, #tpu.memory_space<hbm>>
      %dma_wait3A_168 = tpu.memref_squeeze %dma_wait3A_167 : memref<1x256xi32, #tpu.memory_space<hbm>> -> memref<256xi32, #tpu.memory_space<hbm>>
      %dma_wait3A_169 = arith.constant 1280 : i32
      %dma_wait3A_170 = tpu.memref_slice %arg8[%dma_wait3A_169] : memref<2816xi32, #tpu.memory_space<vmem>> -> memref<256xi32, #tpu.memory_space<vmem>>
      tpu.wait_dma2 semaphore(%run_scoped3A : memref<!tpu.dma_semaphore, #tpu.memory_space<semaphore_mem>>) src(%dma_wait3A_170 : memref<256xi32, #tpu.memory_space<vmem>>) dst(%dma_wait3A_168 : memref<256xi32, #tpu.memory_space<hbm>>)
      tpu.yield
    }) : () -> ()
    %mul3A_131 = arith.constant 16 : i32
    %mul3A_132 = arith.muli %add3A, %mul3A_131 : i32
    %add3A_133 = arith.constant 6 : i32
    %add3A_134 = arith.addi %mul3A_132, %add3A_133 : i32
    "tpu.region"() ({
      %run_scoped3A = tpu.sem_alloc : memref<!tpu.dma_semaphore, #tpu.memory_space<semaphore_mem>>
      %dma_start3A_151 = arith.constant 1536 : i32
      %dma_start3A_152 = tpu.memref_slice %arg8[%dma_start3A_151] : memref<2816xi32, #tpu.memory_space<vmem>> -> memref<256xi32, #tpu.memory_space<vmem>>
      %dma_start3A_153 = arith.constant 0 : i32
      %dma_start3A_154 = tpu.memref_slice %arg5[%add3A_134, %dma_start3A_153] : memref<512x256xi32, #tpu.memory_space<hbm>> -> memref<1x256xi32, #tpu.memory_space<hbm>>
      %dma_start3A_155 = tpu.memref_squeeze %dma_start3A_154 : memref<1x256xi32, #tpu.memory_space<hbm>> -> memref<256xi32, #tpu.memory_space<hbm>>
      %dma_start3A_156 = arith.constant 0 : i32
      %dma_start3A_157 = tpu.memref_slice %arg5[%add3A_134, %dma_start3A_156] : memref<512x256xi32, #tpu.memory_space<hbm>> -> memref<1x256xi32, #tpu.memory_space<hbm>>
      %dma_start3A_158 = tpu.memref_squeeze %dma_start3A_157 : memref<1x256xi32, #tpu.memory_space<hbm>> -> memref<256xi32, #tpu.memory_space<hbm>>
      %dma_start3A_159 = arith.constant 1536 : i32
      %dma_start3A_160 = tpu.memref_slice %arg8[%dma_start3A_159] : memref<2816xi32, #tpu.memory_space<vmem>> -> memref<256xi32, #tpu.memory_space<vmem>>
      tpu.enqueue_dma source(%dma_start3A_160 : memref<256xi32, #tpu.memory_space<vmem>>) target(%dma_start3A_158 : memref<256xi32, #tpu.memory_space<hbm>>) target_semaphore(%run_scoped3A : memref<!tpu.dma_semaphore, #tpu.memory_space<semaphore_mem>>)
      %dma_wait3A_161 = arith.constant 1536 : i32
      %dma_wait3A_162 = tpu.memref_slice %arg8[%dma_wait3A_161] : memref<2816xi32, #tpu.memory_space<vmem>> -> memref<256xi32, #tpu.memory_space<vmem>>
      %dma_wait3A_163 = arith.constant 0 : i32
      %dma_wait3A_164 = tpu.memref_slice %arg5[%add3A_134, %dma_wait3A_163] : memref<512x256xi32, #tpu.memory_space<hbm>> -> memref<1x256xi32, #tpu.memory_space<hbm>>
      %dma_wait3A_165 = tpu.memref_squeeze %dma_wait3A_164 : memref<1x256xi32, #tpu.memory_space<hbm>> -> memref<256xi32, #tpu.memory_space<hbm>>
      %dma_wait3A_166 = arith.constant 0 : i32
      %dma_wait3A_167 = tpu.memref_slice %arg5[%add3A_134, %dma_wait3A_166] : memref<512x256xi32, #tpu.memory_space<hbm>> -> memref<1x256xi32, #tpu.memory_space<hbm>>
      %dma_wait3A_168 = tpu.memref_squeeze %dma_wait3A_167 : memref<1x256xi32, #tpu.memory_space<hbm>> -> memref<256xi32, #tpu.memory_space<hbm>>
      %dma_wait3A_169 = arith.constant 1536 : i32
      %dma_wait3A_170 = tpu.memref_slice %arg8[%dma_wait3A_169] : memref<2816xi32, #tpu.memory_space<vmem>> -> memref<256xi32, #tpu.memory_space<vmem>>
      tpu.wait_dma2 semaphore(%run_scoped3A : memref<!tpu.dma_semaphore, #tpu.memory_space<semaphore_mem>>) src(%dma_wait3A_170 : memref<256xi32, #tpu.memory_space<vmem>>) dst(%dma_wait3A_168 : memref<256xi32, #tpu.memory_space<hbm>>)
      tpu.yield
    }) : () -> ()
    %mul3A_135 = arith.constant 16 : i32
    %mul3A_136 = arith.muli %add3A, %mul3A_135 : i32
    %add3A_137 = arith.constant 7 : i32
    %add3A_138 = arith.addi %mul3A_136, %add3A_137 : i32
    "tpu.region"() ({
      %run_scoped3A = tpu.sem_alloc : memref<!tpu.dma_semaphore, #tpu.memory_space<semaphore_mem>>
      %dma_start3A_151 = arith.constant 1792 : i32
      %dma_start3A_152 = tpu.memref_slice %arg8[%dma_start3A_151] : memref<2816xi32, #tpu.memory_space<vmem>> -> memref<256xi32, #tpu.memory_space<vmem>>
      %dma_start3A_153 = arith.constant 0 : i32
      %dma_start3A_154 = tpu.memref_slice %arg5[%add3A_138, %dma_start3A_153] : memref<512x256xi32, #tpu.memory_space<hbm>> -> memref<1x256xi32, #tpu.memory_space<hbm>>
      %dma_start3A_155 = tpu.memref_squeeze %dma_start3A_154 : memref<1x256xi32, #tpu.memory_space<hbm>> -> memref<256xi32, #tpu.memory_space<hbm>>
      %dma_start3A_156 = arith.constant 0 : i32
      %dma_start3A_157 = tpu.memref_slice %arg5[%add3A_138, %dma_start3A_156] : memref<512x256xi32, #tpu.memory_space<hbm>> -> memref<1x256xi32, #tpu.memory_space<hbm>>
      %dma_start3A_158 = tpu.memref_squeeze %dma_start3A_157 : memref<1x256xi32, #tpu.memory_space<hbm>> -> memref<256xi32, #tpu.memory_space<hbm>>
      %dma_start3A_159 = arith.constant 1792 : i32
      %dma_start3A_160 = tpu.memref_slice %arg8[%dma_start3A_159] : memref<2816xi32, #tpu.memory_space<vmem>> -> memref<256xi32, #tpu.memory_space<vmem>>
      tpu.enqueue_dma source(%dma_start3A_160 : memref<256xi32, #tpu.memory_space<vmem>>) target(%dma_start3A_158 : memref<256xi32, #tpu.memory_space<hbm>>) target_semaphore(%run_scoped3A : memref<!tpu.dma_semaphore, #tpu.memory_space<semaphore_mem>>)
      %dma_wait3A_161 = arith.constant 1792 : i32
      %dma_wait3A_162 = tpu.memref_slice %arg8[%dma_wait3A_161] : memref<2816xi32, #tpu.memory_space<vmem>> -> memref<256xi32, #tpu.memory_space<vmem>>
      %dma_wait3A_163 = arith.constant 0 : i32
      %dma_wait3A_164 = tpu.memref_slice %arg5[%add3A_138, %dma_wait3A_163] : memref<512x256xi32, #tpu.memory_space<hbm>> -> memref<1x256xi32, #tpu.memory_space<hbm>>
      %dma_wait3A_165 = tpu.memref_squeeze %dma_wait3A_164 : memref<1x256xi32, #tpu.memory_space<hbm>> -> memref<256xi32, #tpu.memory_space<hbm>>
      %dma_wait3A_166 = arith.constant 0 : i32
      %dma_wait3A_167 = tpu.memref_slice %arg5[%add3A_138, %dma_wait3A_166] : memref<512x256xi32, #tpu.memory_space<hbm>> -> memref<1x256xi32, #tpu.memory_space<hbm>>
      %dma_wait3A_168 = tpu.memref_squeeze %dma_wait3A_167 : memref<1x256xi32, #tpu.memory_space<hbm>> -> memref<256xi32, #tpu.memory_space<hbm>>
      %dma_wait3A_169 = arith.constant 1792 : i32
      %dma_wait3A_170 = tpu.memref_slice %arg8[%dma_wait3A_169] : memref<2816xi32, #tpu.memory_space<vmem>> -> memref<256xi32, #tpu.memory_space<vmem>>
      tpu.wait_dma2 semaphore(%run_scoped3A : memref<!tpu.dma_semaphore, #tpu.memory_space<semaphore_mem>>) src(%dma_wait3A_170 : memref<256xi32, #tpu.memory_space<vmem>>) dst(%dma_wait3A_168 : memref<256xi32, #tpu.memory_space<hbm>>)
      tpu.yield
    }) : () -> ()
    %mul3A_139 = arith.constant 16 : i32
    %mul3A_140 = arith.muli %add3A, %mul3A_139 : i32
    %add3A_141 = arith.constant 8 : i32
    %add3A_142 = arith.addi %mul3A_140, %add3A_141 : i32
    "tpu.region"() ({
      %run_scoped3A = tpu.sem_alloc : memref<!tpu.dma_semaphore, #tpu.memory_space<semaphore_mem>>
      %dma_start3A_151 = arith.constant 2048 : i32
      %dma_start3A_152 = tpu.memref_slice %arg8[%dma_start3A_151] : memref<2816xi32, #tpu.memory_space<vmem>> -> memref<256xi32, #tpu.memory_space<vmem>>
      %dma_start3A_153 = arith.constant 0 : i32
      %dma_start3A_154 = tpu.memref_slice %arg5[%add3A_142, %dma_start3A_153] : memref<512x256xi32, #tpu.memory_space<hbm>> -> memref<1x256xi32, #tpu.memory_space<hbm>>
      %dma_start3A_155 = tpu.memref_squeeze %dma_start3A_154 : memref<1x256xi32, #tpu.memory_space<hbm>> -> memref<256xi32, #tpu.memory_space<hbm>>
      %dma_start3A_156 = arith.constant 0 : i32
      %dma_start3A_157 = tpu.memref_slice %arg5[%add3A_142, %dma_start3A_156] : memref<512x256xi32, #tpu.memory_space<hbm>> -> memref<1x256xi32, #tpu.memory_space<hbm>>
      %dma_start3A_158 = tpu.memref_squeeze %dma_start3A_157 : memref<1x256xi32, #tpu.memory_space<hbm>> -> memref<256xi32, #tpu.memory_space<hbm>>
      %dma_start3A_159 = arith.constant 2048 : i32
      %dma_start3A_160 = tpu.memref_slice %arg8[%dma_start3A_159] : memref<2816xi32, #tpu.memory_space<vmem>> -> memref<256xi32, #tpu.memory_space<vmem>>
      tpu.enqueue_dma source(%dma_start3A_160 : memref<256xi32, #tpu.memory_space<vmem>>) target(%dma_start3A_158 : memref<256xi32, #tpu.memory_space<hbm>>) target_semaphore(%run_scoped3A : memref<!tpu.dma_semaphore, #tpu.memory_space<semaphore_mem>>)
      %dma_wait3A_161 = arith.constant 2048 : i32
      %dma_wait3A_162 = tpu.memref_slice %arg8[%dma_wait3A_161] : memref<2816xi32, #tpu.memory_space<vmem>> -> memref<256xi32, #tpu.memory_space<vmem>>
      %dma_wait3A_163 = arith.constant 0 : i32
      %dma_wait3A_164 = tpu.memref_slice %arg5[%add3A_142, %dma_wait3A_163] : memref<512x256xi32, #tpu.memory_space<hbm>> -> memref<1x256xi32, #tpu.memory_space<hbm>>
      %dma_wait3A_165 = tpu.memref_squeeze %dma_wait3A_164 : memref<1x256xi32, #tpu.memory_space<hbm>> -> memref<256xi32, #tpu.memory_space<hbm>>
      %dma_wait3A_166 = arith.constant 0 : i32
      %dma_wait3A_167 = tpu.memref_slice %arg5[%add3A_142, %dma_wait3A_166] : memref<512x256xi32, #tpu.memory_space<hbm>> -> memref<1x256xi32, #tpu.memory_space<hbm>>
      %dma_wait3A_168 = tpu.memref_squeeze %dma_wait3A_167 : memref<1x256xi32, #tpu.memory_space<hbm>> -> memref<256xi32, #tpu.memory_space<hbm>>
      %dma_wait3A_169 = arith.constant 2048 : i32
      %dma_wait3A_170 = tpu.memref_slice %arg8[%dma_wait3A_169] : memref<2816xi32, #tpu.memory_space<vmem>> -> memref<256xi32, #tpu.memory_space<vmem>>
      tpu.wait_dma2 semaphore(%run_scoped3A : memref<!tpu.dma_semaphore, #tpu.memory_space<semaphore_mem>>) src(%dma_wait3A_170 : memref<256xi32, #tpu.memory_space<vmem>>) dst(%dma_wait3A_168 : memref<256xi32, #tpu.memory_space<hbm>>)
      tpu.yield
    }) : () -> ()
    %mul3A_143 = arith.constant 16 : i32
    %mul3A_144 = arith.muli %add3A, %mul3A_143 : i32
    %add3A_145 = arith.constant 9 : i32
    %add3A_146 = arith.addi %mul3A_144, %add3A_145 : i32
    "tpu.region"() ({
      %run_scoped3A = tpu.sem_alloc : memref<!tpu.dma_semaphore, #tpu.memory_space<semaphore_mem>>
      %dma_start3A_151 = arith.constant 2304 : i32
      %dma_start3A_152 = tpu.memref_slice %arg8[%dma_start3A_151] : memref<2816xi32, #tpu.memory_space<vmem>> -> memref<256xi32, #tpu.memory_space<vmem>>
      %dma_start3A_153 = arith.constant 0 : i32
      %dma_start3A_154 = tpu.memref_slice %arg5[%add3A_146, %dma_start3A_153] : memref<512x256xi32, #tpu.memory_space<hbm>> -> memref<1x256xi32, #tpu.memory_space<hbm>>
      %dma_start3A_155 = tpu.memref_squeeze %dma_start3A_154 : memref<1x256xi32, #tpu.memory_space<hbm>> -> memref<256xi32, #tpu.memory_space<hbm>>
      %dma_start3A_156 = arith.constant 0 : i32
      %dma_start3A_157 = tpu.memref_slice %arg5[%add3A_146, %dma_start3A_156] : memref<512x256xi32, #tpu.memory_space<hbm>> -> memref<1x256xi32, #tpu.memory_space<hbm>>
      %dma_start3A_158 = tpu.memref_squeeze %dma_start3A_157 : memref<1x256xi32, #tpu.memory_space<hbm>> -> memref<256xi32, #tpu.memory_space<hbm>>
      %dma_start3A_159 = arith.constant 2304 : i32
      %dma_start3A_160 = tpu.memref_slice %arg8[%dma_start3A_159] : memref<2816xi32, #tpu.memory_space<vmem>> -> memref<256xi32, #tpu.memory_space<vmem>>
      tpu.enqueue_dma source(%dma_start3A_160 : memref<256xi32, #tpu.memory_space<vmem>>) target(%dma_start3A_158 : memref<256xi32, #tpu.memory_space<hbm>>) target_semaphore(%run_scoped3A : memref<!tpu.dma_semaphore, #tpu.memory_space<semaphore_mem>>)
      %dma_wait3A_161 = arith.constant 2304 : i32
      %dma_wait3A_162 = tpu.memref_slice %arg8[%dma_wait3A_161] : memref<2816xi32, #tpu.memory_space<vmem>> -> memref<256xi32, #tpu.memory_space<vmem>>
      %dma_wait3A_163 = arith.constant 0 : i32
      %dma_wait3A_164 = tpu.memref_slice %arg5[%add3A_146, %dma_wait3A_163] : memref<512x256xi32, #tpu.memory_space<hbm>> -> memref<1x256xi32, #tpu.memory_space<hbm>>
      %dma_wait3A_165 = tpu.memref_squeeze %dma_wait3A_164 : memref<1x256xi32, #tpu.memory_space<hbm>> -> memref<256xi32, #tpu.memory_space<hbm>>
      %dma_wait3A_166 = arith.constant 0 : i32
      %dma_wait3A_167 = tpu.memref_slice %arg5[%add3A_146, %dma_wait3A_166] : memref<512x256xi32, #tpu.memory_space<hbm>> -> memref<1x256xi32, #tpu.memory_space<hbm>>
      %dma_wait3A_168 = tpu.memref_squeeze %dma_wait3A_167 : memref<1x256xi32, #tpu.memory_space<hbm>> -> memref<256xi32, #tpu.memory_space<hbm>>
      %dma_wait3A_169 = arith.constant 2304 : i32
      %dma_wait3A_170 = tpu.memref_slice %arg8[%dma_wait3A_169] : memref<2816xi32, #tpu.memory_space<vmem>> -> memref<256xi32, #tpu.memory_space<vmem>>
      tpu.wait_dma2 semaphore(%run_scoped3A : memref<!tpu.dma_semaphore, #tpu.memory_space<semaphore_mem>>) src(%dma_wait3A_170 : memref<256xi32, #tpu.memory_space<vmem>>) dst(%dma_wait3A_168 : memref<256xi32, #tpu.memory_space<hbm>>)
      tpu.yield
    }) : () -> ()
    %mul3A_147 = arith.constant 16 : i32
    %mul3A_148 = arith.muli %add3A, %mul3A_147 : i32
    %add3A_149 = arith.constant 10 : i32
    %add3A_150 = arith.addi %mul3A_148, %add3A_149 : i32
    "tpu.region"() ({
      %run_scoped3A = tpu.sem_alloc : memref<!tpu.dma_semaphore, #tpu.memory_space<semaphore_mem>>
      %dma_start3A_151 = arith.constant 2560 : i32
      %dma_start3A_152 = tpu.memref_slice %arg8[%dma_start3A_151] : memref<2816xi32, #tpu.memory_space<vmem>> -> memref<256xi32, #tpu.memory_space<vmem>>
      %dma_start3A_153 = arith.constant 0 : i32
      %dma_start3A_154 = tpu.memref_slice %arg5[%add3A_150, %dma_start3A_153] : memref<512x256xi32, #tpu.memory_space<hbm>> -> memref<1x256xi32, #tpu.memory_space<hbm>>
      %dma_start3A_155 = tpu.memref_squeeze %dma_start3A_154 : memref<1x256xi32, #tpu.memory_space<hbm>> -> memref<256xi32, #tpu.memory_space<hbm>>
      %dma_start3A_156 = arith.constant 0 : i32
      %dma_start3A_157 = tpu.memref_slice %arg5[%add3A_150, %dma_start3A_156] : memref<512x256xi32, #tpu.memory_space<hbm>> -> memref<1x256xi32, #tpu.memory_space<hbm>>
      %dma_start3A_158 = tpu.memref_squeeze %dma_start3A_157 : memref<1x256xi32, #tpu.memory_space<hbm>> -> memref<256xi32, #tpu.memory_space<hbm>>
      %dma_start3A_159 = arith.constant 2560 : i32
      %dma_start3A_160 = tpu.memref_slice %arg8[%dma_start3A_159] : memref<2816xi32, #tpu.memory_space<vmem>> -> memref<256xi32, #tpu.memory_space<vmem>>
      tpu.enqueue_dma source(%dma_start3A_160 : memref<256xi32, #tpu.memory_space<vmem>>) target(%dma_start3A_158 : memref<256xi32, #tpu.memory_space<hbm>>) target_semaphore(%run_scoped3A : memref<!tpu.dma_semaphore, #tpu.memory_space<semaphore_mem>>)
      %dma_wait3A_161 = arith.constant 2560 : i32
      %dma_wait3A_162 = tpu.memref_slice %arg8[%dma_wait3A_161] : memref<2816xi32, #tpu.memory_space<vmem>> -> memref<256xi32, #tpu.memory_space<vmem>>
      %dma_wait3A_163 = arith.constant 0 : i32
      %dma_wait3A_164 = tpu.memref_slice %arg5[%add3A_150, %dma_wait3A_163] : memref<512x256xi32, #tpu.memory_space<hbm>> -> memref<1x256xi32, #tpu.memory_space<hbm>>
      %dma_wait3A_165 = tpu.memref_squeeze %dma_wait3A_164 : memref<1x256xi32, #tpu.memory_space<hbm>> -> memref<256xi32, #tpu.memory_space<hbm>>
      %dma_wait3A_166 = arith.constant 0 : i32
      %dma_wait3A_167 = tpu.memref_slice %arg5[%add3A_150, %dma_wait3A_166] : memref<512x256xi32, #tpu.memory_space<hbm>> -> memref<1x256xi32, #tpu.memory_space<hbm>>
      %dma_wait3A_168 = tpu.memref_squeeze %dma_wait3A_167 : memref<1x256xi32, #tpu.memory_space<hbm>> -> memref<256xi32, #tpu.memory_space<hbm>>
      %dma_wait3A_169 = arith.constant 2560 : i32
      %dma_wait3A_170 = tpu.memref_slice %arg8[%dma_wait3A_169] : memref<2816xi32, #tpu.memory_space<vmem>> -> memref<256xi32, #tpu.memory_space<vmem>>
      tpu.wait_dma2 semaphore(%run_scoped3A : memref<!tpu.dma_semaphore, #tpu.memory_space<semaphore_mem>>) src(%dma_wait3A_170 : memref<256xi32, #tpu.memory_space<vmem>>) dst(%dma_wait3A_168 : memref<256xi32, #tpu.memory_space<hbm>>)
      tpu.yield
    }) : () -> ()
    return
  }
}

#map = affine_map<(d0, d1) -> (0, 0)>
module attributes {stable_mosaic.version = 14 : i64} {
  func.func @body(%arg0: i32, %arg1: i32, %arg2: memref<4096x512xi32, #tpu.memory_space<hbm>>, %arg3: memref<512x2048xi32, #tpu.memory_space<hbm>>, %arg4: memref<32x512xi32, #tpu.memory_space<vmem>>, %arg5: memref<32x512xi32, #tpu.memory_space<vmem>>, %arg6: memref<22528xi32, #tpu.memory_space<vmem>>, %arg7: memref<!tpu.dma_semaphore, #tpu.memory_space<semaphore_mem>>, %arg8: memref<!tpu.dma_semaphore, #tpu.memory_space<semaphore_mem>>) attributes {dimension_semantics = [#tpu.dimension_semantics<core_parallel>, #tpu.dimension_semantics<subcore_parallel>], iteration_bounds = array<i64: 2, 16>, scalar_prefetch = 0 : i64, scratch_operands = 5 : i64, tpu.core_type = #tpu.core_type<sc_vector_subcore>, window_params = [{transform_indices = #map}, {transform_indices = #map}]} {
    %mul3A = arith.constant 2 : i32
    %mul3A_0 = arith.muli %arg1, %mul3A : i32
    %add3A = arith.addi %mul3A_0, %arg0 : i32
    %mul3A_1 = arith.constant 128 : i32
    %mul3A_2 = arith.muli %add3A, %mul3A_1 : i32
    %broadcast_in_dim3A = arith.constant 1 : i32
    %broadcast_in_dim3A_3 = vector.broadcast %broadcast_in_dim3A : i32 to vector<16xi32>
    %add3A_4 = arith.constant 0 : i32
    %add3A_5 = arith.addi %mul3A_2, %add3A_4 : i32
    %dma_start3A = arith.constant 0 : i32
    %dma_start3A_6 = tpu.memref_slice %arg2[%add3A_5, %dma_start3A] : memref<4096x512xi32, #tpu.memory_space<hbm>> -> memref<32x512xi32, #tpu.memory_space<hbm>>
    %dma_start3A_7 = arith.constant 0 : i32
    %dma_start3A_8 = tpu.memref_slice %arg2[%add3A_5, %dma_start3A_7] : memref<4096x512xi32, #tpu.memory_space<hbm>> -> memref<32x512xi32, #tpu.memory_space<hbm>>
    tpu.enqueue_dma source(%dma_start3A_8 : memref<32x512xi32, #tpu.memory_space<hbm>>) target(%arg4 : memref<32x512xi32, #tpu.memory_space<vmem>>) target_semaphore(%arg7 : memref<!tpu.dma_semaphore, #tpu.memory_space<semaphore_mem>>)
    %scan3A = arith.constant 0 : i32
    %scan3A_9 = arith.constant 0 : i32
    %scan3A_10 = arith.constant 176 : i32
    %scan3A_11 = arith.addi %scan3A_9, %scan3A_10 : i32
    %scan3A_12 = arith.constant 1 : i32
    %scan3A_13 = scf.for %scan3A_111 = %scan3A_9 to %scan3A_11 step %scan3A_12 iter_args(%scan3A_112 = %scan3A) -> (i32)  : i32 {
      %broadcast_in_dim3A_113 = arith.constant 0 : i32
      %broadcast_in_dim3A_114 = vector.broadcast %broadcast_in_dim3A_113 : i32 to vector<16xi32>
      %mul3A_115 = arith.constant 8 : i32
      %mul3A_116 = arith.muli %scan3A_111, %mul3A_115 : i32
      %add3A_117 = arith.constant 0 : i32
      %add3A_118 = arith.addi %mul3A_116, %add3A_117 : i32
      %mul3A_119 = arith.constant 16 : i32
      %mul3A_120 = arith.muli %add3A_118, %mul3A_119 : i32
      %swap3A = arith.index_cast %mul3A_120 : i32 to index
      %swap3A_121 = tpu.vector_load %arg6[%swap3A] {strides = array<i32>} : memref<22528xi32, #tpu.memory_space<vmem>>, vector<16xi32>,
      tpu.vector_store %arg6[%swap3A], %broadcast_in_dim3A_114 {strides = array<i32>} : memref<22528xi32, #tpu.memory_space<vmem>>, vector<16xi32>,
      %broadcast_in_dim3A_122 = arith.constant 0 : i32
      %broadcast_in_dim3A_123 = vector.broadcast %broadcast_in_dim3A_122 : i32 to vector<16xi32>
      %mul3A_124 = arith.constant 8 : i32
      %mul3A_125 = arith.muli %scan3A_111, %mul3A_124 : i32
      %add3A_126 = arith.constant 1 : i32
      %add3A_127 = arith.addi %mul3A_125, %add3A_126 : i32
      %mul3A_128 = arith.constant 16 : i32
      %mul3A_129 = arith.muli %add3A_127, %mul3A_128 : i32
      %swap3A_130 = arith.index_cast %mul3A_129 : i32 to index
      %swap3A_131 = tpu.vector_load %arg6[%swap3A_130] {strides = array<i32>} : memref<22528xi32, #tpu.memory_space<vmem>>, vector<16xi32>,
      tpu.vector_store %arg6[%swap3A_130], %broadcast_in_dim3A_123 {strides = array<i32>} : memref<22528xi32, #tpu.memory_space<vmem>>, vector<16xi32>,
      %broadcast_in_dim3A_132 = arith.constant 0 : i32
      %broadcast_in_dim3A_133 = vector.broadcast %broadcast_in_dim3A_132 : i32 to vector<16xi32>
      %mul3A_134 = arith.constant 8 : i32
      %mul3A_135 = arith.muli %scan3A_111, %mul3A_134 : i32
      %add3A_136 = arith.constant 2 : i32
      %add3A_137 = arith.addi %mul3A_135, %add3A_136 : i32
      %mul3A_138 = arith.constant 16 : i32
      %mul3A_139 = arith.muli %add3A_137, %mul3A_138 : i32
      %swap3A_140 = arith.index_cast %mul3A_139 : i32 to index
      %swap3A_141 = tpu.vector_load %arg6[%swap3A_140] {strides = array<i32>} : memref<22528xi32, #tpu.memory_space<vmem>>, vector<16xi32>,
      tpu.vector_store %arg6[%swap3A_140], %broadcast_in_dim3A_133 {strides = array<i32>} : memref<22528xi32, #tpu.memory_space<vmem>>, vector<16xi32>,
      %broadcast_in_dim3A_142 = arith.constant 0 : i32
      %broadcast_in_dim3A_143 = vector.broadcast %broadcast_in_dim3A_142 : i32 to vector<16xi32>
      %mul3A_144 = arith.constant 8 : i32
      %mul3A_145 = arith.muli %scan3A_111, %mul3A_144 : i32
      %add3A_146 = arith.constant 3 : i32
      %add3A_147 = arith.addi %mul3A_145, %add3A_146 : i32
      %mul3A_148 = arith.constant 16 : i32
      %mul3A_149 = arith.muli %add3A_147, %mul3A_148 : i32
      %swap3A_150 = arith.index_cast %mul3A_149 : i32 to index
      %swap3A_151 = tpu.vector_load %arg6[%swap3A_150] {strides = array<i32>} : memref<22528xi32, #tpu.memory_space<vmem>>, vector<16xi32>,
      tpu.vector_store %arg6[%swap3A_150], %broadcast_in_dim3A_143 {strides = array<i32>} : memref<22528xi32, #tpu.memory_space<vmem>>, vector<16xi32>,
      %broadcast_in_dim3A_152 = arith.constant 0 : i32
      %broadcast_in_dim3A_153 = vector.broadcast %broadcast_in_dim3A_152 : i32 to vector<16xi32>
      %mul3A_154 = arith.constant 8 : i32
      %mul3A_155 = arith.muli %scan3A_111, %mul3A_154 : i32
      %add3A_156 = arith.constant 4 : i32
      %add3A_157 = arith.addi %mul3A_155, %add3A_156 : i32
      %mul3A_158 = arith.constant 16 : i32
      %mul3A_159 = arith.muli %add3A_157, %mul3A_158 : i32
      %swap3A_160 = arith.index_cast %mul3A_159 : i32 to index
      %swap3A_161 = tpu.vector_load %arg6[%swap3A_160] {strides = array<i32>} : memref<22528xi32, #tpu.memory_space<vmem>>, vector<16xi32>,
      tpu.vector_store %arg6[%swap3A_160], %broadcast_in_dim3A_153 {strides = array<i32>} : memref<22528xi32, #tpu.memory_space<vmem>>, vector<16xi32>,
      %broadcast_in_dim3A_162 = arith.constant 0 : i32
      %broadcast_in_dim3A_163 = vector.broadcast %broadcast_in_dim3A_162 : i32 to vector<16xi32>
      %mul3A_164 = arith.constant 8 : i32
      %mul3A_165 = arith.muli %scan3A_111, %mul3A_164 : i32
      %add3A_166 = arith.constant 5 : i32
      %add3A_167 = arith.addi %mul3A_165, %add3A_166 : i32
      %mul3A_168 = arith.constant 16 : i32
      %mul3A_169 = arith.muli %add3A_167, %mul3A_168 : i32
      %swap3A_170 = arith.index_cast %mul3A_169 : i32 to index
      %swap3A_171 = tpu.vector_load %arg6[%swap3A_170] {strides = array<i32>} : memref<22528xi32, #tpu.memory_space<vmem>>, vector<16xi32>,
      tpu.vector_store %arg6[%swap3A_170], %broadcast_in_dim3A_163 {strides = array<i32>} : memref<22528xi32, #tpu.memory_space<vmem>>, vector<16xi32>,
      %broadcast_in_dim3A_172 = arith.constant 0 : i32
      %broadcast_in_dim3A_173 = vector.broadcast %broadcast_in_dim3A_172 : i32 to vector<16xi32>
      %mul3A_174 = arith.constant 8 : i32
      %mul3A_175 = arith.muli %scan3A_111, %mul3A_174 : i32
      %add3A_176 = arith.constant 6 : i32
      %add3A_177 = arith.addi %mul3A_175, %add3A_176 : i32
      %mul3A_178 = arith.constant 16 : i32
      %mul3A_179 = arith.muli %add3A_177, %mul3A_178 : i32
      %swap3A_180 = arith.index_cast %mul3A_179 : i32 to index
      %swap3A_181 = tpu.vector_load %arg6[%swap3A_180] {strides = array<i32>} : memref<22528xi32, #tpu.memory_space<vmem>>, vector<16xi32>,
      tpu.vector_store %arg6[%swap3A_180], %broadcast_in_dim3A_173 {strides = array<i32>} : memref<22528xi32, #tpu.memory_space<vmem>>, vector<16xi32>,
      %broadcast_in_dim3A_182 = arith.constant 0 : i32
      %broadcast_in_dim3A_183 = vector.broadcast %broadcast_in_dim3A_182 : i32 to vector<16xi32>
      %mul3A_184 = arith.constant 8 : i32
      %mul3A_185 = arith.muli %scan3A_111, %mul3A_184 : i32
      %add3A_186 = arith.constant 7 : i32
      %add3A_187 = arith.addi %mul3A_185, %add3A_186 : i32
      %mul3A_188 = arith.constant 16 : i32
      %mul3A_189 = arith.muli %add3A_187, %mul3A_188 : i32
      %swap3A_190 = arith.index_cast %mul3A_189 : i32 to index
      %swap3A_191 = tpu.vector_load %arg6[%swap3A_190] {strides = array<i32>} : memref<22528xi32, #tpu.memory_space<vmem>>, vector<16xi32>,
      tpu.vector_store %arg6[%swap3A_190], %broadcast_in_dim3A_183 {strides = array<i32>} : memref<22528xi32, #tpu.memory_space<vmem>>, vector<16xi32>,
      %scan3A_192 = arith.constant 0 : i32
      scf.yield %scan3A_192 : i32
    }
    %scan3A_14 = arith.constant 176 : i32
    %add3A_15 = arith.constant 32 : i32
    %add3A_16 = arith.addi %mul3A_2, %add3A_15 : i32
    %dma_start3A_17 = arith.constant 0 : i32
    %dma_start3A_18 = tpu.memref_slice %arg2[%add3A_16, %dma_start3A_17] : memref<4096x512xi32, #tpu.memory_space<hbm>> -> memref<32x512xi32, #tpu.memory_space<hbm>>
    %dma_start3A_19 = arith.constant 0 : i32
    %dma_start3A_20 = tpu.memref_slice %arg2[%add3A_16, %dma_start3A_19] : memref<4096x512xi32, #tpu.memory_space<hbm>> -> memref<32x512xi32, #tpu.memory_space<hbm>>
    tpu.enqueue_dma source(%dma_start3A_20 : memref<32x512xi32, #tpu.memory_space<hbm>>) target(%arg5 : memref<32x512xi32, #tpu.memory_space<vmem>>) target_semaphore(%arg8 : memref<!tpu.dma_semaphore, #tpu.memory_space<semaphore_mem>>)
    %dma_wait3A = arith.constant 0 : i32
    %dma_wait3A_21 = arith.constant 0 : i32
    %dma_wait3A_22 = tpu.memref_slice %arg2[%dma_wait3A, %dma_wait3A_21] : memref<4096x512xi32, #tpu.memory_space<hbm>> -> memref<32x512xi32, #tpu.memory_space<hbm>>
    %dma_wait3A_23 = arith.constant 0 : i32
    %dma_wait3A_24 = arith.constant 0 : i32
    %dma_wait3A_25 = tpu.memref_slice %arg2[%dma_wait3A_23, %dma_wait3A_24] : memref<4096x512xi32, #tpu.memory_space<hbm>> -> memref<32x512xi32, #tpu.memory_space<hbm>>
    tpu.wait_dma2 semaphore(%arg7 : memref<!tpu.dma_semaphore, #tpu.memory_space<semaphore_mem>>) src(%dma_wait3A_25 : memref<32x512xi32, #tpu.memory_space<hbm>>) dst(%arg4 : memref<32x512xi32, #tpu.memory_space<vmem>>)
    %parallel_loop3A = arith.constant 0 : i32
    %parallel_loop3A_26 = arith.constant 16384 : i32
    %parallel_loop3A_27 = arith.constant 16 : i32
    scf.for %parallel_loop3A_111 = %parallel_loop3A to %parallel_loop3A_26 step %parallel_loop3A_27  : i32 {
      %parallel_loop3A_112 = arith.constant 9 : i32
      %parallel_loop3A_113 = arith.shrui %parallel_loop3A_111, %parallel_loop3A_112 : i32
      %parallel_loop3A_114 = arith.constant 511 : i32
      %parallel_loop3A_115 = arith.andi %parallel_loop3A_111, %parallel_loop3A_114 : i32
      %parallel_loop3A_116 = arith.index_cast %parallel_loop3A_113 : i32 to index
      %parallel_loop3A_117 = arith.index_cast %parallel_loop3A_115 : i32 to index
      %parallel_loop3A_118 = tpu.vector_load %arg4[%parallel_loop3A_116, %parallel_loop3A_117] {strides = array<i32>} : memref<32x512xi32, #tpu.memory_space<vmem>>, vector<16xi32>,
      %parallel_loop3A_119 = arith.constant 16 : i32
      %parallel_loop3A_120 = vector.broadcast %parallel_loop3A_119 : i32 to vector<16xi32>
      %parallel_loop3A_121 = arith.shrui %parallel_loop3A_118, %parallel_loop3A_120 : vector<16xi32>
      tpu.vector_store_idx %arg6[%parallel_loop3A_121], %broadcast_in_dim3A_3 {add = true} : memref<22528xi32, #tpu.memory_space<vmem>>[vector<16xi32>], vector<16xi32>,
    } {sc.loop_unroll_factor = 8 : i64, sc.parallel_access}
    %add3A_28 = arith.constant 64 : i32
    %add3A_29 = arith.addi %mul3A_2, %add3A_28 : i32
    %dma_start3A_30 = arith.constant 0 : i32
    %dma_start3A_31 = tpu.memref_slice %arg2[%add3A_29, %dma_start3A_30] : memref<4096x512xi32, #tpu.memory_space<hbm>> -> memref<32x512xi32, #tpu.memory_space<hbm>>
    %dma_start3A_32 = arith.constant 0 : i32
    %dma_start3A_33 = tpu.memref_slice %arg2[%add3A_29, %dma_start3A_32] : memref<4096x512xi32, #tpu.memory_space<hbm>> -> memref<32x512xi32, #tpu.memory_space<hbm>>
    tpu.enqueue_dma source(%dma_start3A_33 : memref<32x512xi32, #tpu.memory_space<hbm>>) target(%arg4 : memref<32x512xi32, #tpu.memory_space<vmem>>) target_semaphore(%arg7 : memref<!tpu.dma_semaphore, #tpu.memory_space<semaphore_mem>>)
    %dma_wait3A_34 = arith.constant 0 : i32
    %dma_wait3A_35 = arith.constant 0 : i32
    %dma_wait3A_36 = tpu.memref_slice %arg2[%dma_wait3A_34, %dma_wait3A_35] : memref<4096x512xi32, #tpu.memory_space<hbm>> -> memref<32x512xi32, #tpu.memory_space<hbm>>
    %dma_wait3A_37 = arith.constant 0 : i32
    %dma_wait3A_38 = arith.constant 0 : i32
    %dma_wait3A_39 = tpu.memref_slice %arg2[%dma_wait3A_37, %dma_wait3A_38] : memref<4096x512xi32, #tpu.memory_space<hbm>> -> memref<32x512xi32, #tpu.memory_space<hbm>>
    tpu.wait_dma2 semaphore(%arg8 : memref<!tpu.dma_semaphore, #tpu.memory_space<semaphore_mem>>) src(%dma_wait3A_39 : memref<32x512xi32, #tpu.memory_space<hbm>>) dst(%arg5 : memref<32x512xi32, #tpu.memory_space<vmem>>)
    %parallel_loop3A_40 = arith.constant 0 : i32
    %parallel_loop3A_41 = arith.constant 16384 : i32
    %parallel_loop3A_42 = arith.constant 16 : i32
    scf.for %parallel_loop3A_111 = %parallel_loop3A_40 to %parallel_loop3A_41 step %parallel_loop3A_42  : i32 {
      %parallel_loop3A_112 = arith.constant 9 : i32
      %parallel_loop3A_113 = arith.shrui %parallel_loop3A_111, %parallel_loop3A_112 : i32
      %parallel_loop3A_114 = arith.constant 511 : i32
      %parallel_loop3A_115 = arith.andi %parallel_loop3A_111, %parallel_loop3A_114 : i32
      %parallel_loop3A_116 = arith.index_cast %parallel_loop3A_113 : i32 to index
      %parallel_loop3A_117 = arith.index_cast %parallel_loop3A_115 : i32 to index
      %parallel_loop3A_118 = tpu.vector_load %arg5[%parallel_loop3A_116, %parallel_loop3A_117] {strides = array<i32>} : memref<32x512xi32, #tpu.memory_space<vmem>>, vector<16xi32>,
      %parallel_loop3A_119 = arith.constant 16 : i32
      %parallel_loop3A_120 = vector.broadcast %parallel_loop3A_119 : i32 to vector<16xi32>
      %parallel_loop3A_121 = arith.shrui %parallel_loop3A_118, %parallel_loop3A_120 : vector<16xi32>
      tpu.vector_store_idx %arg6[%parallel_loop3A_121], %broadcast_in_dim3A_3 {add = true} : memref<22528xi32, #tpu.memory_space<vmem>>[vector<16xi32>], vector<16xi32>,
    } {sc.loop_unroll_factor = 8 : i64, sc.parallel_access}
    %add3A_43 = arith.constant 96 : i32
    %add3A_44 = arith.addi %mul3A_2, %add3A_43 : i32
    %dma_start3A_45 = arith.constant 0 : i32
    %dma_start3A_46 = tpu.memref_slice %arg2[%add3A_44, %dma_start3A_45] : memref<4096x512xi32, #tpu.memory_space<hbm>> -> memref<32x512xi32, #tpu.memory_space<hbm>>
    %dma_start3A_47 = arith.constant 0 : i32
    %dma_start3A_48 = tpu.memref_slice %arg2[%add3A_44, %dma_start3A_47] : memref<4096x512xi32, #tpu.memory_space<hbm>> -> memref<32x512xi32, #tpu.memory_space<hbm>>
    tpu.enqueue_dma source(%dma_start3A_48 : memref<32x512xi32, #tpu.memory_space<hbm>>) target(%arg5 : memref<32x512xi32, #tpu.memory_space<vmem>>) target_semaphore(%arg8 : memref<!tpu.dma_semaphore, #tpu.memory_space<semaphore_mem>>)
    %dma_wait3A_49 = arith.constant 0 : i32
    %dma_wait3A_50 = arith.constant 0 : i32
    %dma_wait3A_51 = tpu.memref_slice %arg2[%dma_wait3A_49, %dma_wait3A_50] : memref<4096x512xi32, #tpu.memory_space<hbm>> -> memref<32x512xi32, #tpu.memory_space<hbm>>
    %dma_wait3A_52 = arith.constant 0 : i32
    %dma_wait3A_53 = arith.constant 0 : i32
    %dma_wait3A_54 = tpu.memref_slice %arg2[%dma_wait3A_52, %dma_wait3A_53] : memref<4096x512xi32, #tpu.memory_space<hbm>> -> memref<32x512xi32, #tpu.memory_space<hbm>>
    tpu.wait_dma2 semaphore(%arg7 : memref<!tpu.dma_semaphore, #tpu.memory_space<semaphore_mem>>) src(%dma_wait3A_54 : memref<32x512xi32, #tpu.memory_space<hbm>>) dst(%arg4 : memref<32x512xi32, #tpu.memory_space<vmem>>)
    %parallel_loop3A_55 = arith.constant 0 : i32
    %parallel_loop3A_56 = arith.constant 16384 : i32
    %parallel_loop3A_57 = arith.constant 16 : i32
    scf.for %parallel_loop3A_111 = %parallel_loop3A_55 to %parallel_loop3A_56 step %parallel_loop3A_57  : i32 {
      %parallel_loop3A_112 = arith.constant 9 : i32
      %parallel_loop3A_113 = arith.shrui %parallel_loop3A_111, %parallel_loop3A_112 : i32
      %parallel_loop3A_114 = arith.constant 511 : i32
      %parallel_loop3A_115 = arith.andi %parallel_loop3A_111, %parallel_loop3A_114 : i32
      %parallel_loop3A_116 = arith.index_cast %parallel_loop3A_113 : i32 to index
      %parallel_loop3A_117 = arith.index_cast %parallel_loop3A_115 : i32 to index
      %parallel_loop3A_118 = tpu.vector_load %arg4[%parallel_loop3A_116, %parallel_loop3A_117] {strides = array<i32>} : memref<32x512xi32, #tpu.memory_space<vmem>>, vector<16xi32>,
      %parallel_loop3A_119 = arith.constant 16 : i32
      %parallel_loop3A_120 = vector.broadcast %parallel_loop3A_119 : i32 to vector<16xi32>
      %parallel_loop3A_121 = arith.shrui %parallel_loop3A_118, %parallel_loop3A_120 : vector<16xi32>
      tpu.vector_store_idx %arg6[%parallel_loop3A_121], %broadcast_in_dim3A_3 {add = true} : memref<22528xi32, #tpu.memory_space<vmem>>[vector<16xi32>], vector<16xi32>,
    } {sc.loop_unroll_factor = 8 : i64, sc.parallel_access}
    %dma_wait3A_58 = arith.constant 0 : i32
    %dma_wait3A_59 = arith.constant 0 : i32
    %dma_wait3A_60 = tpu.memref_slice %arg2[%dma_wait3A_58, %dma_wait3A_59] : memref<4096x512xi32, #tpu.memory_space<hbm>> -> memref<32x512xi32, #tpu.memory_space<hbm>>
    %dma_wait3A_61 = arith.constant 0 : i32
    %dma_wait3A_62 = arith.constant 0 : i32
    %dma_wait3A_63 = tpu.memref_slice %arg2[%dma_wait3A_61, %dma_wait3A_62] : memref<4096x512xi32, #tpu.memory_space<hbm>> -> memref<32x512xi32, #tpu.memory_space<hbm>>
    tpu.wait_dma2 semaphore(%arg8 : memref<!tpu.dma_semaphore, #tpu.memory_space<semaphore_mem>>) src(%dma_wait3A_63 : memref<32x512xi32, #tpu.memory_space<hbm>>) dst(%arg5 : memref<32x512xi32, #tpu.memory_space<vmem>>)
    %parallel_loop3A_64 = arith.constant 0 : i32
    %parallel_loop3A_65 = arith.constant 16384 : i32
    %parallel_loop3A_66 = arith.constant 16 : i32
    scf.for %parallel_loop3A_111 = %parallel_loop3A_64 to %parallel_loop3A_65 step %parallel_loop3A_66  : i32 {
      %parallel_loop3A_112 = arith.constant 9 : i32
      %parallel_loop3A_113 = arith.shrui %parallel_loop3A_111, %parallel_loop3A_112 : i32
      %parallel_loop3A_114 = arith.constant 511 : i32
      %parallel_loop3A_115 = arith.andi %parallel_loop3A_111, %parallel_loop3A_114 : i32
      %parallel_loop3A_116 = arith.index_cast %parallel_loop3A_113 : i32 to index
      %parallel_loop3A_117 = arith.index_cast %parallel_loop3A_115 : i32 to index
      %parallel_loop3A_118 = tpu.vector_load %arg5[%parallel_loop3A_116, %parallel_loop3A_117] {strides = array<i32>} : memref<32x512xi32, #tpu.memory_space<vmem>>, vector<16xi32>,
      %parallel_loop3A_119 = arith.constant 16 : i32
      %parallel_loop3A_120 = vector.broadcast %parallel_loop3A_119 : i32 to vector<16xi32>
      %parallel_loop3A_121 = arith.shrui %parallel_loop3A_118, %parallel_loop3A_120 : vector<16xi32>
      tpu.vector_store_idx %arg6[%parallel_loop3A_121], %broadcast_in_dim3A_3 {add = true} : memref<22528xi32, #tpu.memory_space<vmem>>[vector<16xi32>], vector<16xi32>,
    } {sc.loop_unroll_factor = 8 : i64, sc.parallel_access}
    %mul3A_67 = arith.constant 16 : i32
    %mul3A_68 = arith.muli %add3A, %mul3A_67 : i32
    %add3A_69 = arith.constant 0 : i32
    %add3A_70 = arith.addi %mul3A_68, %add3A_69 : i32
    "tpu.region"() ({
      %run_scoped3A = tpu.sem_alloc : memref<!tpu.dma_semaphore, #tpu.memory_space<semaphore_mem>>
      %dma_start3A_111 = arith.constant 0 : i32
      %dma_start3A_112 = tpu.memref_slice %arg6[%dma_start3A_111] : memref<22528xi32, #tpu.memory_space<vmem>> -> memref<2048xi32, #tpu.memory_space<vmem>>
      %dma_start3A_113 = arith.constant 0 : i32
      %dma_start3A_114 = tpu.memref_slice %arg3[%add3A_70, %dma_start3A_113] : memref<512x2048xi32, #tpu.memory_space<hbm>> -> memref<1x2048xi32, #tpu.memory_space<hbm>>
      %dma_start3A_115 = tpu.memref_squeeze %dma_start3A_114 : memref<1x2048xi32, #tpu.memory_space<hbm>> -> memref<2048xi32, #tpu.memory_space<hbm>>
      %dma_start3A_116 = arith.constant 0 : i32
      %dma_start3A_117 = tpu.memref_slice %arg3[%add3A_70, %dma_start3A_116] : memref<512x2048xi32, #tpu.memory_space<hbm>> -> memref<1x2048xi32, #tpu.memory_space<hbm>>
      %dma_start3A_118 = tpu.memref_squeeze %dma_start3A_117 : memref<1x2048xi32, #tpu.memory_space<hbm>> -> memref<2048xi32, #tpu.memory_space<hbm>>
      %dma_start3A_119 = arith.constant 0 : i32
      %dma_start3A_120 = tpu.memref_slice %arg6[%dma_start3A_119] : memref<22528xi32, #tpu.memory_space<vmem>> -> memref<2048xi32, #tpu.memory_space<vmem>>
      tpu.enqueue_dma source(%dma_start3A_120 : memref<2048xi32, #tpu.memory_space<vmem>>) target(%dma_start3A_118 : memref<2048xi32, #tpu.memory_space<hbm>>) target_semaphore(%run_scoped3A : memref<!tpu.dma_semaphore, #tpu.memory_space<semaphore_mem>>)
      %dma_wait3A_121 = arith.constant 0 : i32
      %dma_wait3A_122 = tpu.memref_slice %arg6[%dma_wait3A_121] : memref<22528xi32, #tpu.memory_space<vmem>> -> memref<2048xi32, #tpu.memory_space<vmem>>
      %dma_wait3A_123 = arith.constant 0 : i32
      %dma_wait3A_124 = tpu.memref_slice %arg3[%add3A_70, %dma_wait3A_123] : memref<512x2048xi32, #tpu.memory_space<hbm>> -> memref<1x2048xi32, #tpu.memory_space<hbm>>
      %dma_wait3A_125 = tpu.memref_squeeze %dma_wait3A_124 : memref<1x2048xi32, #tpu.memory_space<hbm>> -> memref<2048xi32, #tpu.memory_space<hbm>>
      %dma_wait3A_126 = arith.constant 0 : i32
      %dma_wait3A_127 = tpu.memref_slice %arg3[%add3A_70, %dma_wait3A_126] : memref<512x2048xi32, #tpu.memory_space<hbm>> -> memref<1x2048xi32, #tpu.memory_space<hbm>>
      %dma_wait3A_128 = tpu.memref_squeeze %dma_wait3A_127 : memref<1x2048xi32, #tpu.memory_space<hbm>> -> memref<2048xi32, #tpu.memory_space<hbm>>
      %dma_wait3A_129 = arith.constant 0 : i32
      %dma_wait3A_130 = tpu.memref_slice %arg6[%dma_wait3A_129] : memref<22528xi32, #tpu.memory_space<vmem>> -> memref<2048xi32, #tpu.memory_space<vmem>>
      tpu.wait_dma2 semaphore(%run_scoped3A : memref<!tpu.dma_semaphore, #tpu.memory_space<semaphore_mem>>) src(%dma_wait3A_130 : memref<2048xi32, #tpu.memory_space<vmem>>) dst(%dma_wait3A_128 : memref<2048xi32, #tpu.memory_space<hbm>>)
      tpu.yield
    }) : () -> ()
    %mul3A_71 = arith.constant 16 : i32
    %mul3A_72 = arith.muli %add3A, %mul3A_71 : i32
    %add3A_73 = arith.constant 1 : i32
    %add3A_74 = arith.addi %mul3A_72, %add3A_73 : i32
    "tpu.region"() ({
      %run_scoped3A = tpu.sem_alloc : memref<!tpu.dma_semaphore, #tpu.memory_space<semaphore_mem>>
      %dma_start3A_111 = arith.constant 2048 : i32
      %dma_start3A_112 = tpu.memref_slice %arg6[%dma_start3A_111] : memref<22528xi32, #tpu.memory_space<vmem>> -> memref<2048xi32, #tpu.memory_space<vmem>>
      %dma_start3A_113 = arith.constant 0 : i32
      %dma_start3A_114 = tpu.memref_slice %arg3[%add3A_74, %dma_start3A_113] : memref<512x2048xi32, #tpu.memory_space<hbm>> -> memref<1x2048xi32, #tpu.memory_space<hbm>>
      %dma_start3A_115 = tpu.memref_squeeze %dma_start3A_114 : memref<1x2048xi32, #tpu.memory_space<hbm>> -> memref<2048xi32, #tpu.memory_space<hbm>>
      %dma_start3A_116 = arith.constant 0 : i32
      %dma_start3A_117 = tpu.memref_slice %arg3[%add3A_74, %dma_start3A_116] : memref<512x2048xi32, #tpu.memory_space<hbm>> -> memref<1x2048xi32, #tpu.memory_space<hbm>>
      %dma_start3A_118 = tpu.memref_squeeze %dma_start3A_117 : memref<1x2048xi32, #tpu.memory_space<hbm>> -> memref<2048xi32, #tpu.memory_space<hbm>>
      %dma_start3A_119 = arith.constant 2048 : i32
      %dma_start3A_120 = tpu.memref_slice %arg6[%dma_start3A_119] : memref<22528xi32, #tpu.memory_space<vmem>> -> memref<2048xi32, #tpu.memory_space<vmem>>
      tpu.enqueue_dma source(%dma_start3A_120 : memref<2048xi32, #tpu.memory_space<vmem>>) target(%dma_start3A_118 : memref<2048xi32, #tpu.memory_space<hbm>>) target_semaphore(%run_scoped3A : memref<!tpu.dma_semaphore, #tpu.memory_space<semaphore_mem>>)
      %dma_wait3A_121 = arith.constant 2048 : i32
      %dma_wait3A_122 = tpu.memref_slice %arg6[%dma_wait3A_121] : memref<22528xi32, #tpu.memory_space<vmem>> -> memref<2048xi32, #tpu.memory_space<vmem>>
      %dma_wait3A_123 = arith.constant 0 : i32
      %dma_wait3A_124 = tpu.memref_slice %arg3[%add3A_74, %dma_wait3A_123] : memref<512x2048xi32, #tpu.memory_space<hbm>> -> memref<1x2048xi32, #tpu.memory_space<hbm>>
      %dma_wait3A_125 = tpu.memref_squeeze %dma_wait3A_124 : memref<1x2048xi32, #tpu.memory_space<hbm>> -> memref<2048xi32, #tpu.memory_space<hbm>>
      %dma_wait3A_126 = arith.constant 0 : i32
      %dma_wait3A_127 = tpu.memref_slice %arg3[%add3A_74, %dma_wait3A_126] : memref<512x2048xi32, #tpu.memory_space<hbm>> -> memref<1x2048xi32, #tpu.memory_space<hbm>>
      %dma_wait3A_128 = tpu.memref_squeeze %dma_wait3A_127 : memref<1x2048xi32, #tpu.memory_space<hbm>> -> memref<2048xi32, #tpu.memory_space<hbm>>
      %dma_wait3A_129 = arith.constant 2048 : i32
      %dma_wait3A_130 = tpu.memref_slice %arg6[%dma_wait3A_129] : memref<22528xi32, #tpu.memory_space<vmem>> -> memref<2048xi32, #tpu.memory_space<vmem>>
      tpu.wait_dma2 semaphore(%run_scoped3A : memref<!tpu.dma_semaphore, #tpu.memory_space<semaphore_mem>>) src(%dma_wait3A_130 : memref<2048xi32, #tpu.memory_space<vmem>>) dst(%dma_wait3A_128 : memref<2048xi32, #tpu.memory_space<hbm>>)
      tpu.yield
    }) : () -> ()
    %mul3A_75 = arith.constant 16 : i32
    %mul3A_76 = arith.muli %add3A, %mul3A_75 : i32
    %add3A_77 = arith.constant 2 : i32
    %add3A_78 = arith.addi %mul3A_76, %add3A_77 : i32
    "tpu.region"() ({
      %run_scoped3A = tpu.sem_alloc : memref<!tpu.dma_semaphore, #tpu.memory_space<semaphore_mem>>
      %dma_start3A_111 = arith.constant 4096 : i32
      %dma_start3A_112 = tpu.memref_slice %arg6[%dma_start3A_111] : memref<22528xi32, #tpu.memory_space<vmem>> -> memref<2048xi32, #tpu.memory_space<vmem>>
      %dma_start3A_113 = arith.constant 0 : i32
      %dma_start3A_114 = tpu.memref_slice %arg3[%add3A_78, %dma_start3A_113] : memref<512x2048xi32, #tpu.memory_space<hbm>> -> memref<1x2048xi32, #tpu.memory_space<hbm>>
      %dma_start3A_115 = tpu.memref_squeeze %dma_start3A_114 : memref<1x2048xi32, #tpu.memory_space<hbm>> -> memref<2048xi32, #tpu.memory_space<hbm>>
      %dma_start3A_116 = arith.constant 0 : i32
      %dma_start3A_117 = tpu.memref_slice %arg3[%add3A_78, %dma_start3A_116] : memref<512x2048xi32, #tpu.memory_space<hbm>> -> memref<1x2048xi32, #tpu.memory_space<hbm>>
      %dma_start3A_118 = tpu.memref_squeeze %dma_start3A_117 : memref<1x2048xi32, #tpu.memory_space<hbm>> -> memref<2048xi32, #tpu.memory_space<hbm>>
      %dma_start3A_119 = arith.constant 4096 : i32
      %dma_start3A_120 = tpu.memref_slice %arg6[%dma_start3A_119] : memref<22528xi32, #tpu.memory_space<vmem>> -> memref<2048xi32, #tpu.memory_space<vmem>>
      tpu.enqueue_dma source(%dma_start3A_120 : memref<2048xi32, #tpu.memory_space<vmem>>) target(%dma_start3A_118 : memref<2048xi32, #tpu.memory_space<hbm>>) target_semaphore(%run_scoped3A : memref<!tpu.dma_semaphore, #tpu.memory_space<semaphore_mem>>)
      %dma_wait3A_121 = arith.constant 4096 : i32
      %dma_wait3A_122 = tpu.memref_slice %arg6[%dma_wait3A_121] : memref<22528xi32, #tpu.memory_space<vmem>> -> memref<2048xi32, #tpu.memory_space<vmem>>
      %dma_wait3A_123 = arith.constant 0 : i32
      %dma_wait3A_124 = tpu.memref_slice %arg3[%add3A_78, %dma_wait3A_123] : memref<512x2048xi32, #tpu.memory_space<hbm>> -> memref<1x2048xi32, #tpu.memory_space<hbm>>
      %dma_wait3A_125 = tpu.memref_squeeze %dma_wait3A_124 : memref<1x2048xi32, #tpu.memory_space<hbm>> -> memref<2048xi32, #tpu.memory_space<hbm>>
      %dma_wait3A_126 = arith.constant 0 : i32
      %dma_wait3A_127 = tpu.memref_slice %arg3[%add3A_78, %dma_wait3A_126] : memref<512x2048xi32, #tpu.memory_space<hbm>> -> memref<1x2048xi32, #tpu.memory_space<hbm>>
      %dma_wait3A_128 = tpu.memref_squeeze %dma_wait3A_127 : memref<1x2048xi32, #tpu.memory_space<hbm>> -> memref<2048xi32, #tpu.memory_space<hbm>>
      %dma_wait3A_129 = arith.constant 4096 : i32
      %dma_wait3A_130 = tpu.memref_slice %arg6[%dma_wait3A_129] : memref<22528xi32, #tpu.memory_space<vmem>> -> memref<2048xi32, #tpu.memory_space<vmem>>
      tpu.wait_dma2 semaphore(%run_scoped3A : memref<!tpu.dma_semaphore, #tpu.memory_space<semaphore_mem>>) src(%dma_wait3A_130 : memref<2048xi32, #tpu.memory_space<vmem>>) dst(%dma_wait3A_128 : memref<2048xi32, #tpu.memory_space<hbm>>)
      tpu.yield
    }) : () -> ()
    %mul3A_79 = arith.constant 16 : i32
    %mul3A_80 = arith.muli %add3A, %mul3A_79 : i32
    %add3A_81 = arith.constant 3 : i32
    %add3A_82 = arith.addi %mul3A_80, %add3A_81 : i32
    "tpu.region"() ({
      %run_scoped3A = tpu.sem_alloc : memref<!tpu.dma_semaphore, #tpu.memory_space<semaphore_mem>>
      %dma_start3A_111 = arith.constant 6144 : i32
      %dma_start3A_112 = tpu.memref_slice %arg6[%dma_start3A_111] : memref<22528xi32, #tpu.memory_space<vmem>> -> memref<2048xi32, #tpu.memory_space<vmem>>
      %dma_start3A_113 = arith.constant 0 : i32
      %dma_start3A_114 = tpu.memref_slice %arg3[%add3A_82, %dma_start3A_113] : memref<512x2048xi32, #tpu.memory_space<hbm>> -> memref<1x2048xi32, #tpu.memory_space<hbm>>
      %dma_start3A_115 = tpu.memref_squeeze %dma_start3A_114 : memref<1x2048xi32, #tpu.memory_space<hbm>> -> memref<2048xi32, #tpu.memory_space<hbm>>
      %dma_start3A_116 = arith.constant 0 : i32
      %dma_start3A_117 = tpu.memref_slice %arg3[%add3A_82, %dma_start3A_116] : memref<512x2048xi32, #tpu.memory_space<hbm>> -> memref<1x2048xi32, #tpu.memory_space<hbm>>
      %dma_start3A_118 = tpu.memref_squeeze %dma_start3A_117 : memref<1x2048xi32, #tpu.memory_space<hbm>> -> memref<2048xi32, #tpu.memory_space<hbm>>
      %dma_start3A_119 = arith.constant 6144 : i32
      %dma_start3A_120 = tpu.memref_slice %arg6[%dma_start3A_119] : memref<22528xi32, #tpu.memory_space<vmem>> -> memref<2048xi32, #tpu.memory_space<vmem>>
      tpu.enqueue_dma source(%dma_start3A_120 : memref<2048xi32, #tpu.memory_space<vmem>>) target(%dma_start3A_118 : memref<2048xi32, #tpu.memory_space<hbm>>) target_semaphore(%run_scoped3A : memref<!tpu.dma_semaphore, #tpu.memory_space<semaphore_mem>>)
      %dma_wait3A_121 = arith.constant 6144 : i32
      %dma_wait3A_122 = tpu.memref_slice %arg6[%dma_wait3A_121] : memref<22528xi32, #tpu.memory_space<vmem>> -> memref<2048xi32, #tpu.memory_space<vmem>>
      %dma_wait3A_123 = arith.constant 0 : i32
      %dma_wait3A_124 = tpu.memref_slice %arg3[%add3A_82, %dma_wait3A_123] : memref<512x2048xi32, #tpu.memory_space<hbm>> -> memref<1x2048xi32, #tpu.memory_space<hbm>>
      %dma_wait3A_125 = tpu.memref_squeeze %dma_wait3A_124 : memref<1x2048xi32, #tpu.memory_space<hbm>> -> memref<2048xi32, #tpu.memory_space<hbm>>
      %dma_wait3A_126 = arith.constant 0 : i32
      %dma_wait3A_127 = tpu.memref_slice %arg3[%add3A_82, %dma_wait3A_126] : memref<512x2048xi32, #tpu.memory_space<hbm>> -> memref<1x2048xi32, #tpu.memory_space<hbm>>
      %dma_wait3A_128 = tpu.memref_squeeze %dma_wait3A_127 : memref<1x2048xi32, #tpu.memory_space<hbm>> -> memref<2048xi32, #tpu.memory_space<hbm>>
      %dma_wait3A_129 = arith.constant 6144 : i32
      %dma_wait3A_130 = tpu.memref_slice %arg6[%dma_wait3A_129] : memref<22528xi32, #tpu.memory_space<vmem>> -> memref<2048xi32, #tpu.memory_space<vmem>>
      tpu.wait_dma2 semaphore(%run_scoped3A : memref<!tpu.dma_semaphore, #tpu.memory_space<semaphore_mem>>) src(%dma_wait3A_130 : memref<2048xi32, #tpu.memory_space<vmem>>) dst(%dma_wait3A_128 : memref<2048xi32, #tpu.memory_space<hbm>>)
      tpu.yield
    }) : () -> ()
    %mul3A_83 = arith.constant 16 : i32
    %mul3A_84 = arith.muli %add3A, %mul3A_83 : i32
    %add3A_85 = arith.constant 4 : i32
    %add3A_86 = arith.addi %mul3A_84, %add3A_85 : i32
    "tpu.region"() ({
      %run_scoped3A = tpu.sem_alloc : memref<!tpu.dma_semaphore, #tpu.memory_space<semaphore_mem>>
      %dma_start3A_111 = arith.constant 8192 : i32
      %dma_start3A_112 = tpu.memref_slice %arg6[%dma_start3A_111] : memref<22528xi32, #tpu.memory_space<vmem>> -> memref<2048xi32, #tpu.memory_space<vmem>>
      %dma_start3A_113 = arith.constant 0 : i32
      %dma_start3A_114 = tpu.memref_slice %arg3[%add3A_86, %dma_start3A_113] : memref<512x2048xi32, #tpu.memory_space<hbm>> -> memref<1x2048xi32, #tpu.memory_space<hbm>>
      %dma_start3A_115 = tpu.memref_squeeze %dma_start3A_114 : memref<1x2048xi32, #tpu.memory_space<hbm>> -> memref<2048xi32, #tpu.memory_space<hbm>>
      %dma_start3A_116 = arith.constant 0 : i32
      %dma_start3A_117 = tpu.memref_slice %arg3[%add3A_86, %dma_start3A_116] : memref<512x2048xi32, #tpu.memory_space<hbm>> -> memref<1x2048xi32, #tpu.memory_space<hbm>>
      %dma_start3A_118 = tpu.memref_squeeze %dma_start3A_117 : memref<1x2048xi32, #tpu.memory_space<hbm>> -> memref<2048xi32, #tpu.memory_space<hbm>>
      %dma_start3A_119 = arith.constant 8192 : i32
      %dma_start3A_120 = tpu.memref_slice %arg6[%dma_start3A_119] : memref<22528xi32, #tpu.memory_space<vmem>> -> memref<2048xi32, #tpu.memory_space<vmem>>
      tpu.enqueue_dma source(%dma_start3A_120 : memref<2048xi32, #tpu.memory_space<vmem>>) target(%dma_start3A_118 : memref<2048xi32, #tpu.memory_space<hbm>>) target_semaphore(%run_scoped3A : memref<!tpu.dma_semaphore, #tpu.memory_space<semaphore_mem>>)
      %dma_wait3A_121 = arith.constant 8192 : i32
      %dma_wait3A_122 = tpu.memref_slice %arg6[%dma_wait3A_121] : memref<22528xi32, #tpu.memory_space<vmem>> -> memref<2048xi32, #tpu.memory_space<vmem>>
      %dma_wait3A_123 = arith.constant 0 : i32
      %dma_wait3A_124 = tpu.memref_slice %arg3[%add3A_86, %dma_wait3A_123] : memref<512x2048xi32, #tpu.memory_space<hbm>> -> memref<1x2048xi32, #tpu.memory_space<hbm>>
      %dma_wait3A_125 = tpu.memref_squeeze %dma_wait3A_124 : memref<1x2048xi32, #tpu.memory_space<hbm>> -> memref<2048xi32, #tpu.memory_space<hbm>>
      %dma_wait3A_126 = arith.constant 0 : i32
      %dma_wait3A_127 = tpu.memref_slice %arg3[%add3A_86, %dma_wait3A_126] : memref<512x2048xi32, #tpu.memory_space<hbm>> -> memref<1x2048xi32, #tpu.memory_space<hbm>>
      %dma_wait3A_128 = tpu.memref_squeeze %dma_wait3A_127 : memref<1x2048xi32, #tpu.memory_space<hbm>> -> memref<2048xi32, #tpu.memory_space<hbm>>
      %dma_wait3A_129 = arith.constant 8192 : i32
      %dma_wait3A_130 = tpu.memref_slice %arg6[%dma_wait3A_129] : memref<22528xi32, #tpu.memory_space<vmem>> -> memref<2048xi32, #tpu.memory_space<vmem>>
      tpu.wait_dma2 semaphore(%run_scoped3A : memref<!tpu.dma_semaphore, #tpu.memory_space<semaphore_mem>>) src(%dma_wait3A_130 : memref<2048xi32, #tpu.memory_space<vmem>>) dst(%dma_wait3A_128 : memref<2048xi32, #tpu.memory_space<hbm>>)
      tpu.yield
    }) : () -> ()
    %mul3A_87 = arith.constant 16 : i32
    %mul3A_88 = arith.muli %add3A, %mul3A_87 : i32
    %add3A_89 = arith.constant 5 : i32
    %add3A_90 = arith.addi %mul3A_88, %add3A_89 : i32
    "tpu.region"() ({
      %run_scoped3A = tpu.sem_alloc : memref<!tpu.dma_semaphore, #tpu.memory_space<semaphore_mem>>
      %dma_start3A_111 = arith.constant 10240 : i32
      %dma_start3A_112 = tpu.memref_slice %arg6[%dma_start3A_111] : memref<22528xi32, #tpu.memory_space<vmem>> -> memref<2048xi32, #tpu.memory_space<vmem>>
      %dma_start3A_113 = arith.constant 0 : i32
      %dma_start3A_114 = tpu.memref_slice %arg3[%add3A_90, %dma_start3A_113] : memref<512x2048xi32, #tpu.memory_space<hbm>> -> memref<1x2048xi32, #tpu.memory_space<hbm>>
      %dma_start3A_115 = tpu.memref_squeeze %dma_start3A_114 : memref<1x2048xi32, #tpu.memory_space<hbm>> -> memref<2048xi32, #tpu.memory_space<hbm>>
      %dma_start3A_116 = arith.constant 0 : i32
      %dma_start3A_117 = tpu.memref_slice %arg3[%add3A_90, %dma_start3A_116] : memref<512x2048xi32, #tpu.memory_space<hbm>> -> memref<1x2048xi32, #tpu.memory_space<hbm>>
      %dma_start3A_118 = tpu.memref_squeeze %dma_start3A_117 : memref<1x2048xi32, #tpu.memory_space<hbm>> -> memref<2048xi32, #tpu.memory_space<hbm>>
      %dma_start3A_119 = arith.constant 10240 : i32
      %dma_start3A_120 = tpu.memref_slice %arg6[%dma_start3A_119] : memref<22528xi32, #tpu.memory_space<vmem>> -> memref<2048xi32, #tpu.memory_space<vmem>>
      tpu.enqueue_dma source(%dma_start3A_120 : memref<2048xi32, #tpu.memory_space<vmem>>) target(%dma_start3A_118 : memref<2048xi32, #tpu.memory_space<hbm>>) target_semaphore(%run_scoped3A : memref<!tpu.dma_semaphore, #tpu.memory_space<semaphore_mem>>)
      %dma_wait3A_121 = arith.constant 10240 : i32
      %dma_wait3A_122 = tpu.memref_slice %arg6[%dma_wait3A_121] : memref<22528xi32, #tpu.memory_space<vmem>> -> memref<2048xi32, #tpu.memory_space<vmem>>
      %dma_wait3A_123 = arith.constant 0 : i32
      %dma_wait3A_124 = tpu.memref_slice %arg3[%add3A_90, %dma_wait3A_123] : memref<512x2048xi32, #tpu.memory_space<hbm>> -> memref<1x2048xi32, #tpu.memory_space<hbm>>
      %dma_wait3A_125 = tpu.memref_squeeze %dma_wait3A_124 : memref<1x2048xi32, #tpu.memory_space<hbm>> -> memref<2048xi32, #tpu.memory_space<hbm>>
      %dma_wait3A_126 = arith.constant 0 : i32
      %dma_wait3A_127 = tpu.memref_slice %arg3[%add3A_90, %dma_wait3A_126] : memref<512x2048xi32, #tpu.memory_space<hbm>> -> memref<1x2048xi32, #tpu.memory_space<hbm>>
      %dma_wait3A_128 = tpu.memref_squeeze %dma_wait3A_127 : memref<1x2048xi32, #tpu.memory_space<hbm>> -> memref<2048xi32, #tpu.memory_space<hbm>>
      %dma_wait3A_129 = arith.constant 10240 : i32
      %dma_wait3A_130 = tpu.memref_slice %arg6[%dma_wait3A_129] : memref<22528xi32, #tpu.memory_space<vmem>> -> memref<2048xi32, #tpu.memory_space<vmem>>
      tpu.wait_dma2 semaphore(%run_scoped3A : memref<!tpu.dma_semaphore, #tpu.memory_space<semaphore_mem>>) src(%dma_wait3A_130 : memref<2048xi32, #tpu.memory_space<vmem>>) dst(%dma_wait3A_128 : memref<2048xi32, #tpu.memory_space<hbm>>)
      tpu.yield
    }) : () -> ()
    %mul3A_91 = arith.constant 16 : i32
    %mul3A_92 = arith.muli %add3A, %mul3A_91 : i32
    %add3A_93 = arith.constant 6 : i32
    %add3A_94 = arith.addi %mul3A_92, %add3A_93 : i32
    "tpu.region"() ({
      %run_scoped3A = tpu.sem_alloc : memref<!tpu.dma_semaphore, #tpu.memory_space<semaphore_mem>>
      %dma_start3A_111 = arith.constant 12288 : i32
      %dma_start3A_112 = tpu.memref_slice %arg6[%dma_start3A_111] : memref<22528xi32, #tpu.memory_space<vmem>> -> memref<2048xi32, #tpu.memory_space<vmem>>
      %dma_start3A_113 = arith.constant 0 : i32
      %dma_start3A_114 = tpu.memref_slice %arg3[%add3A_94, %dma_start3A_113] : memref<512x2048xi32, #tpu.memory_space<hbm>> -> memref<1x2048xi32, #tpu.memory_space<hbm>>
      %dma_start3A_115 = tpu.memref_squeeze %dma_start3A_114 : memref<1x2048xi32, #tpu.memory_space<hbm>> -> memref<2048xi32, #tpu.memory_space<hbm>>
      %dma_start3A_116 = arith.constant 0 : i32
      %dma_start3A_117 = tpu.memref_slice %arg3[%add3A_94, %dma_start3A_116] : memref<512x2048xi32, #tpu.memory_space<hbm>> -> memref<1x2048xi32, #tpu.memory_space<hbm>>
      %dma_start3A_118 = tpu.memref_squeeze %dma_start3A_117 : memref<1x2048xi32, #tpu.memory_space<hbm>> -> memref<2048xi32, #tpu.memory_space<hbm>>
      %dma_start3A_119 = arith.constant 12288 : i32
      %dma_start3A_120 = tpu.memref_slice %arg6[%dma_start3A_119] : memref<22528xi32, #tpu.memory_space<vmem>> -> memref<2048xi32, #tpu.memory_space<vmem>>
      tpu.enqueue_dma source(%dma_start3A_120 : memref<2048xi32, #tpu.memory_space<vmem>>) target(%dma_start3A_118 : memref<2048xi32, #tpu.memory_space<hbm>>) target_semaphore(%run_scoped3A : memref<!tpu.dma_semaphore, #tpu.memory_space<semaphore_mem>>)
      %dma_wait3A_121 = arith.constant 12288 : i32
      %dma_wait3A_122 = tpu.memref_slice %arg6[%dma_wait3A_121] : memref<22528xi32, #tpu.memory_space<vmem>> -> memref<2048xi32, #tpu.memory_space<vmem>>
      %dma_wait3A_123 = arith.constant 0 : i32
      %dma_wait3A_124 = tpu.memref_slice %arg3[%add3A_94, %dma_wait3A_123] : memref<512x2048xi32, #tpu.memory_space<hbm>> -> memref<1x2048xi32, #tpu.memory_space<hbm>>
      %dma_wait3A_125 = tpu.memref_squeeze %dma_wait3A_124 : memref<1x2048xi32, #tpu.memory_space<hbm>> -> memref<2048xi32, #tpu.memory_space<hbm>>
      %dma_wait3A_126 = arith.constant 0 : i32
      %dma_wait3A_127 = tpu.memref_slice %arg3[%add3A_94, %dma_wait3A_126] : memref<512x2048xi32, #tpu.memory_space<hbm>> -> memref<1x2048xi32, #tpu.memory_space<hbm>>
      %dma_wait3A_128 = tpu.memref_squeeze %dma_wait3A_127 : memref<1x2048xi32, #tpu.memory_space<hbm>> -> memref<2048xi32, #tpu.memory_space<hbm>>
      %dma_wait3A_129 = arith.constant 12288 : i32
      %dma_wait3A_130 = tpu.memref_slice %arg6[%dma_wait3A_129] : memref<22528xi32, #tpu.memory_space<vmem>> -> memref<2048xi32, #tpu.memory_space<vmem>>
      tpu.wait_dma2 semaphore(%run_scoped3A : memref<!tpu.dma_semaphore, #tpu.memory_space<semaphore_mem>>) src(%dma_wait3A_130 : memref<2048xi32, #tpu.memory_space<vmem>>) dst(%dma_wait3A_128 : memref<2048xi32, #tpu.memory_space<hbm>>)
      tpu.yield
    }) : () -> ()
    %mul3A_95 = arith.constant 16 : i32
    %mul3A_96 = arith.muli %add3A, %mul3A_95 : i32
    %add3A_97 = arith.constant 7 : i32
    %add3A_98 = arith.addi %mul3A_96, %add3A_97 : i32
    "tpu.region"() ({
      %run_scoped3A = tpu.sem_alloc : memref<!tpu.dma_semaphore, #tpu.memory_space<semaphore_mem>>
      %dma_start3A_111 = arith.constant 14336 : i32
      %dma_start3A_112 = tpu.memref_slice %arg6[%dma_start3A_111] : memref<22528xi32, #tpu.memory_space<vmem>> -> memref<2048xi32, #tpu.memory_space<vmem>>
      %dma_start3A_113 = arith.constant 0 : i32
      %dma_start3A_114 = tpu.memref_slice %arg3[%add3A_98, %dma_start3A_113] : memref<512x2048xi32, #tpu.memory_space<hbm>> -> memref<1x2048xi32, #tpu.memory_space<hbm>>
      %dma_start3A_115 = tpu.memref_squeeze %dma_start3A_114 : memref<1x2048xi32, #tpu.memory_space<hbm>> -> memref<2048xi32, #tpu.memory_space<hbm>>
      %dma_start3A_116 = arith.constant 0 : i32
      %dma_start3A_117 = tpu.memref_slice %arg3[%add3A_98, %dma_start3A_116] : memref<512x2048xi32, #tpu.memory_space<hbm>> -> memref<1x2048xi32, #tpu.memory_space<hbm>>
      %dma_start3A_118 = tpu.memref_squeeze %dma_start3A_117 : memref<1x2048xi32, #tpu.memory_space<hbm>> -> memref<2048xi32, #tpu.memory_space<hbm>>
      %dma_start3A_119 = arith.constant 14336 : i32
      %dma_start3A_120 = tpu.memref_slice %arg6[%dma_start3A_119] : memref<22528xi32, #tpu.memory_space<vmem>> -> memref<2048xi32, #tpu.memory_space<vmem>>
      tpu.enqueue_dma source(%dma_start3A_120 : memref<2048xi32, #tpu.memory_space<vmem>>) target(%dma_start3A_118 : memref<2048xi32, #tpu.memory_space<hbm>>) target_semaphore(%run_scoped3A : memref<!tpu.dma_semaphore, #tpu.memory_space<semaphore_mem>>)
      %dma_wait3A_121 = arith.constant 14336 : i32
      %dma_wait3A_122 = tpu.memref_slice %arg6[%dma_wait3A_121] : memref<22528xi32, #tpu.memory_space<vmem>> -> memref<2048xi32, #tpu.memory_space<vmem>>
      %dma_wait3A_123 = arith.constant 0 : i32
      %dma_wait3A_124 = tpu.memref_slice %arg3[%add3A_98, %dma_wait3A_123] : memref<512x2048xi32, #tpu.memory_space<hbm>> -> memref<1x2048xi32, #tpu.memory_space<hbm>>
      %dma_wait3A_125 = tpu.memref_squeeze %dma_wait3A_124 : memref<1x2048xi32, #tpu.memory_space<hbm>> -> memref<2048xi32, #tpu.memory_space<hbm>>
      %dma_wait3A_126 = arith.constant 0 : i32
      %dma_wait3A_127 = tpu.memref_slice %arg3[%add3A_98, %dma_wait3A_126] : memref<512x2048xi32, #tpu.memory_space<hbm>> -> memref<1x2048xi32, #tpu.memory_space<hbm>>
      %dma_wait3A_128 = tpu.memref_squeeze %dma_wait3A_127 : memref<1x2048xi32, #tpu.memory_space<hbm>> -> memref<2048xi32, #tpu.memory_space<hbm>>
      %dma_wait3A_129 = arith.constant 14336 : i32
      %dma_wait3A_130 = tpu.memref_slice %arg6[%dma_wait3A_129] : memref<22528xi32, #tpu.memory_space<vmem>> -> memref<2048xi32, #tpu.memory_space<vmem>>
      tpu.wait_dma2 semaphore(%run_scoped3A : memref<!tpu.dma_semaphore, #tpu.memory_space<semaphore_mem>>) src(%dma_wait3A_130 : memref<2048xi32, #tpu.memory_space<vmem>>) dst(%dma_wait3A_128 : memref<2048xi32, #tpu.memory_space<hbm>>)
      tpu.yield
    }) : () -> ()
    %mul3A_99 = arith.constant 16 : i32
    %mul3A_100 = arith.muli %add3A, %mul3A_99 : i32
    %add3A_101 = arith.constant 8 : i32
    %add3A_102 = arith.addi %mul3A_100, %add3A_101 : i32
    "tpu.region"() ({
      %run_scoped3A = tpu.sem_alloc : memref<!tpu.dma_semaphore, #tpu.memory_space<semaphore_mem>>
      %dma_start3A_111 = arith.constant 16384 : i32
      %dma_start3A_112 = tpu.memref_slice %arg6[%dma_start3A_111] : memref<22528xi32, #tpu.memory_space<vmem>> -> memref<2048xi32, #tpu.memory_space<vmem>>
      %dma_start3A_113 = arith.constant 0 : i32
      %dma_start3A_114 = tpu.memref_slice %arg3[%add3A_102, %dma_start3A_113] : memref<512x2048xi32, #tpu.memory_space<hbm>> -> memref<1x2048xi32, #tpu.memory_space<hbm>>
      %dma_start3A_115 = tpu.memref_squeeze %dma_start3A_114 : memref<1x2048xi32, #tpu.memory_space<hbm>> -> memref<2048xi32, #tpu.memory_space<hbm>>
      %dma_start3A_116 = arith.constant 0 : i32
      %dma_start3A_117 = tpu.memref_slice %arg3[%add3A_102, %dma_start3A_116] : memref<512x2048xi32, #tpu.memory_space<hbm>> -> memref<1x2048xi32, #tpu.memory_space<hbm>>
      %dma_start3A_118 = tpu.memref_squeeze %dma_start3A_117 : memref<1x2048xi32, #tpu.memory_space<hbm>> -> memref<2048xi32, #tpu.memory_space<hbm>>
      %dma_start3A_119 = arith.constant 16384 : i32
      %dma_start3A_120 = tpu.memref_slice %arg6[%dma_start3A_119] : memref<22528xi32, #tpu.memory_space<vmem>> -> memref<2048xi32, #tpu.memory_space<vmem>>
      tpu.enqueue_dma source(%dma_start3A_120 : memref<2048xi32, #tpu.memory_space<vmem>>) target(%dma_start3A_118 : memref<2048xi32, #tpu.memory_space<hbm>>) target_semaphore(%run_scoped3A : memref<!tpu.dma_semaphore, #tpu.memory_space<semaphore_mem>>)
      %dma_wait3A_121 = arith.constant 16384 : i32
      %dma_wait3A_122 = tpu.memref_slice %arg6[%dma_wait3A_121] : memref<22528xi32, #tpu.memory_space<vmem>> -> memref<2048xi32, #tpu.memory_space<vmem>>
      %dma_wait3A_123 = arith.constant 0 : i32
      %dma_wait3A_124 = tpu.memref_slice %arg3[%add3A_102, %dma_wait3A_123] : memref<512x2048xi32, #tpu.memory_space<hbm>> -> memref<1x2048xi32, #tpu.memory_space<hbm>>
      %dma_wait3A_125 = tpu.memref_squeeze %dma_wait3A_124 : memref<1x2048xi32, #tpu.memory_space<hbm>> -> memref<2048xi32, #tpu.memory_space<hbm>>
      %dma_wait3A_126 = arith.constant 0 : i32
      %dma_wait3A_127 = tpu.memref_slice %arg3[%add3A_102, %dma_wait3A_126] : memref<512x2048xi32, #tpu.memory_space<hbm>> -> memref<1x2048xi32, #tpu.memory_space<hbm>>
      %dma_wait3A_128 = tpu.memref_squeeze %dma_wait3A_127 : memref<1x2048xi32, #tpu.memory_space<hbm>> -> memref<2048xi32, #tpu.memory_space<hbm>>
      %dma_wait3A_129 = arith.constant 16384 : i32
      %dma_wait3A_130 = tpu.memref_slice %arg6[%dma_wait3A_129] : memref<22528xi32, #tpu.memory_space<vmem>> -> memref<2048xi32, #tpu.memory_space<vmem>>
      tpu.wait_dma2 semaphore(%run_scoped3A : memref<!tpu.dma_semaphore, #tpu.memory_space<semaphore_mem>>) src(%dma_wait3A_130 : memref<2048xi32, #tpu.memory_space<vmem>>) dst(%dma_wait3A_128 : memref<2048xi32, #tpu.memory_space<hbm>>)
      tpu.yield
    }) : () -> ()
    %mul3A_103 = arith.constant 16 : i32
    %mul3A_104 = arith.muli %add3A, %mul3A_103 : i32
    %add3A_105 = arith.constant 9 : i32
    %add3A_106 = arith.addi %mul3A_104, %add3A_105 : i32
    "tpu.region"() ({
      %run_scoped3A = tpu.sem_alloc : memref<!tpu.dma_semaphore, #tpu.memory_space<semaphore_mem>>
      %dma_start3A_111 = arith.constant 18432 : i32
      %dma_start3A_112 = tpu.memref_slice %arg6[%dma_start3A_111] : memref<22528xi32, #tpu.memory_space<vmem>> -> memref<2048xi32, #tpu.memory_space<vmem>>
      %dma_start3A_113 = arith.constant 0 : i32
      %dma_start3A_114 = tpu.memref_slice %arg3[%add3A_106, %dma_start3A_113] : memref<512x2048xi32, #tpu.memory_space<hbm>> -> memref<1x2048xi32, #tpu.memory_space<hbm>>
      %dma_start3A_115 = tpu.memref_squeeze %dma_start3A_114 : memref<1x2048xi32, #tpu.memory_space<hbm>> -> memref<2048xi32, #tpu.memory_space<hbm>>
      %dma_start3A_116 = arith.constant 0 : i32
      %dma_start3A_117 = tpu.memref_slice %arg3[%add3A_106, %dma_start3A_116] : memref<512x2048xi32, #tpu.memory_space<hbm>> -> memref<1x2048xi32, #tpu.memory_space<hbm>>
      %dma_start3A_118 = tpu.memref_squeeze %dma_start3A_117 : memref<1x2048xi32, #tpu.memory_space<hbm>> -> memref<2048xi32, #tpu.memory_space<hbm>>
      %dma_start3A_119 = arith.constant 18432 : i32
      %dma_start3A_120 = tpu.memref_slice %arg6[%dma_start3A_119] : memref<22528xi32, #tpu.memory_space<vmem>> -> memref<2048xi32, #tpu.memory_space<vmem>>
      tpu.enqueue_dma source(%dma_start3A_120 : memref<2048xi32, #tpu.memory_space<vmem>>) target(%dma_start3A_118 : memref<2048xi32, #tpu.memory_space<hbm>>) target_semaphore(%run_scoped3A : memref<!tpu.dma_semaphore, #tpu.memory_space<semaphore_mem>>)
      %dma_wait3A_121 = arith.constant 18432 : i32
      %dma_wait3A_122 = tpu.memref_slice %arg6[%dma_wait3A_121] : memref<22528xi32, #tpu.memory_space<vmem>> -> memref<2048xi32, #tpu.memory_space<vmem>>
      %dma_wait3A_123 = arith.constant 0 : i32
      %dma_wait3A_124 = tpu.memref_slice %arg3[%add3A_106, %dma_wait3A_123] : memref<512x2048xi32, #tpu.memory_space<hbm>> -> memref<1x2048xi32, #tpu.memory_space<hbm>>
      %dma_wait3A_125 = tpu.memref_squeeze %dma_wait3A_124 : memref<1x2048xi32, #tpu.memory_space<hbm>> -> memref<2048xi32, #tpu.memory_space<hbm>>
      %dma_wait3A_126 = arith.constant 0 : i32
      %dma_wait3A_127 = tpu.memref_slice %arg3[%add3A_106, %dma_wait3A_126] : memref<512x2048xi32, #tpu.memory_space<hbm>> -> memref<1x2048xi32, #tpu.memory_space<hbm>>
      %dma_wait3A_128 = tpu.memref_squeeze %dma_wait3A_127 : memref<1x2048xi32, #tpu.memory_space<hbm>> -> memref<2048xi32, #tpu.memory_space<hbm>>
      %dma_wait3A_129 = arith.constant 18432 : i32
      %dma_wait3A_130 = tpu.memref_slice %arg6[%dma_wait3A_129] : memref<22528xi32, #tpu.memory_space<vmem>> -> memref<2048xi32, #tpu.memory_space<vmem>>
      tpu.wait_dma2 semaphore(%run_scoped3A : memref<!tpu.dma_semaphore, #tpu.memory_space<semaphore_mem>>) src(%dma_wait3A_130 : memref<2048xi32, #tpu.memory_space<vmem>>) dst(%dma_wait3A_128 : memref<2048xi32, #tpu.memory_space<hbm>>)
      tpu.yield
    }) : () -> ()
    %mul3A_107 = arith.constant 16 : i32
    %mul3A_108 = arith.muli %add3A, %mul3A_107 : i32
    %add3A_109 = arith.constant 10 : i32
    %add3A_110 = arith.addi %mul3A_108, %add3A_109 : i32
    "tpu.region"() ({
      %run_scoped3A = tpu.sem_alloc : memref<!tpu.dma_semaphore, #tpu.memory_space<semaphore_mem>>
      %dma_start3A_111 = arith.constant 20480 : i32
      %dma_start3A_112 = tpu.memref_slice %arg6[%dma_start3A_111] : memref<22528xi32, #tpu.memory_space<vmem>> -> memref<2048xi32, #tpu.memory_space<vmem>>
      %dma_start3A_113 = arith.constant 0 : i32
      %dma_start3A_114 = tpu.memref_slice %arg3[%add3A_110, %dma_start3A_113] : memref<512x2048xi32, #tpu.memory_space<hbm>> -> memref<1x2048xi32, #tpu.memory_space<hbm>>
      %dma_start3A_115 = tpu.memref_squeeze %dma_start3A_114 : memref<1x2048xi32, #tpu.memory_space<hbm>> -> memref<2048xi32, #tpu.memory_space<hbm>>
      %dma_start3A_116 = arith.constant 0 : i32
      %dma_start3A_117 = tpu.memref_slice %arg3[%add3A_110, %dma_start3A_116] : memref<512x2048xi32, #tpu.memory_space<hbm>> -> memref<1x2048xi32, #tpu.memory_space<hbm>>
      %dma_start3A_118 = tpu.memref_squeeze %dma_start3A_117 : memref<1x2048xi32, #tpu.memory_space<hbm>> -> memref<2048xi32, #tpu.memory_space<hbm>>
      %dma_start3A_119 = arith.constant 20480 : i32
      %dma_start3A_120 = tpu.memref_slice %arg6[%dma_start3A_119] : memref<22528xi32, #tpu.memory_space<vmem>> -> memref<2048xi32, #tpu.memory_space<vmem>>
      tpu.enqueue_dma source(%dma_start3A_120 : memref<2048xi32, #tpu.memory_space<vmem>>) target(%dma_start3A_118 : memref<2048xi32, #tpu.memory_space<hbm>>) target_semaphore(%run_scoped3A : memref<!tpu.dma_semaphore, #tpu.memory_space<semaphore_mem>>)
      %dma_wait3A_121 = arith.constant 20480 : i32
      %dma_wait3A_122 = tpu.memref_slice %arg6[%dma_wait3A_121] : memref<22528xi32, #tpu.memory_space<vmem>> -> memref<2048xi32, #tpu.memory_space<vmem>>
      %dma_wait3A_123 = arith.constant 0 : i32
      %dma_wait3A_124 = tpu.memref_slice %arg3[%add3A_110, %dma_wait3A_123] : memref<512x2048xi32, #tpu.memory_space<hbm>> -> memref<1x2048xi32, #tpu.memory_space<hbm>>
      %dma_wait3A_125 = tpu.memref_squeeze %dma_wait3A_124 : memref<1x2048xi32, #tpu.memory_space<hbm>> -> memref<2048xi32, #tpu.memory_space<hbm>>
      %dma_wait3A_126 = arith.constant 0 : i32
      %dma_wait3A_127 = tpu.memref_slice %arg3[%add3A_110, %dma_wait3A_126] : memref<512x2048xi32, #tpu.memory_space<hbm>> -> memref<1x2048xi32, #tpu.memory_space<hbm>>
      %dma_wait3A_128 = tpu.memref_squeeze %dma_wait3A_127 : memref<1x2048xi32, #tpu.memory_space<hbm>> -> memref<2048xi32, #tpu.memory_space<hbm>>
      %dma_wait3A_129 = arith.constant 20480 : i32
      %dma_wait3A_130 = tpu.memref_slice %arg6[%dma_wait3A_129] : memref<22528xi32, #tpu.memory_space<vmem>> -> memref<2048xi32, #tpu.memory_space<vmem>>
      tpu.wait_dma2 semaphore(%run_scoped3A : memref<!tpu.dma_semaphore, #tpu.memory_space<semaphore_mem>>) src(%dma_wait3A_130 : memref<2048xi32, #tpu.memory_space<vmem>>) dst(%dma_wait3A_128 : memref<2048xi32, #tpu.memory_space<hbm>>)
      tpu.yield
    }) : () -> ()
    return
  }
}

module attributes {stable_mosaic.version = 14 : i64} {
  func.func @_s2_body(%arg0: memref<512x2048xi32, #tpu.memory_space<vmem>>, %arg1: memref<1x128xi32, #tpu.memory_space<vmem>>, %arg2: memref<1x128xi32, #tpu.memory_space<vmem>>, %arg3: memref<1x128xi32, #tpu.memory_space<vmem>>, %arg4: memref<1x128xi32, #tpu.memory_space<vmem>>) attributes {dimension_semantics = [], scalar_prefetch = 0 : i64, scratch_operands = 0 : i64, tpu.core_type = #tpu.core_type<tc>} {
    %get3A = arith.constant 0 : index
    %get3A_0 = arith.constant 0 : index
    %get3A_1 = vector.load %arg0[%get3A, %get3A_0] : memref<512x2048xi32, #tpu.memory_space<vmem>>, vector<11x2048xi32>
    %get3A_2 = arith.constant 16 : index
    %get3A_3 = arith.constant 0 : index
    %get3A_4 = vector.load %arg0[%get3A_2, %get3A_3] : memref<512x2048xi32, #tpu.memory_space<vmem>>, vector<11x2048xi32>
    %add3A = arith.addi %get3A_1, %get3A_4 : vector<11x2048xi32>
    %get3A_5 = arith.constant 32 : index
    %get3A_6 = arith.constant 0 : index
    %get3A_7 = vector.load %arg0[%get3A_5, %get3A_6] : memref<512x2048xi32, #tpu.memory_space<vmem>>, vector<11x2048xi32>
    %add3A_8 = arith.addi %add3A, %get3A_7 : vector<11x2048xi32>
    %get3A_9 = arith.constant 48 : index
    %get3A_10 = arith.constant 0 : index
    %get3A_11 = vector.load %arg0[%get3A_9, %get3A_10] : memref<512x2048xi32, #tpu.memory_space<vmem>>, vector<11x2048xi32>
    %add3A_12 = arith.addi %add3A_8, %get3A_11 : vector<11x2048xi32>
    %get3A_13 = arith.constant 64 : index
    %get3A_14 = arith.constant 0 : index
    %get3A_15 = vector.load %arg0[%get3A_13, %get3A_14] : memref<512x2048xi32, #tpu.memory_space<vmem>>, vector<11x2048xi32>
    %add3A_16 = arith.addi %add3A_12, %get3A_15 : vector<11x2048xi32>
    %get3A_17 = arith.constant 80 : index
    %get3A_18 = arith.constant 0 : index
    %get3A_19 = vector.load %arg0[%get3A_17, %get3A_18] : memref<512x2048xi32, #tpu.memory_space<vmem>>, vector<11x2048xi32>
    %add3A_20 = arith.addi %add3A_16, %get3A_19 : vector<11x2048xi32>
    %get3A_21 = arith.constant 96 : index
    %get3A_22 = arith.constant 0 : index
    %get3A_23 = vector.load %arg0[%get3A_21, %get3A_22] : memref<512x2048xi32, #tpu.memory_space<vmem>>, vector<11x2048xi32>
    %add3A_24 = arith.addi %add3A_20, %get3A_23 : vector<11x2048xi32>
    %get3A_25 = arith.constant 112 : index
    %get3A_26 = arith.constant 0 : index
    %get3A_27 = vector.load %arg0[%get3A_25, %get3A_26] : memref<512x2048xi32, #tpu.memory_space<vmem>>, vector<11x2048xi32>
    %add3A_28 = arith.addi %add3A_24, %get3A_27 : vector<11x2048xi32>
    %get3A_29 = arith.constant 128 : index
    %get3A_30 = arith.constant 0 : index
    %get3A_31 = vector.load %arg0[%get3A_29, %get3A_30] : memref<512x2048xi32, #tpu.memory_space<vmem>>, vector<11x2048xi32>
    %add3A_32 = arith.addi %add3A_28, %get3A_31 : vector<11x2048xi32>
    %get3A_33 = arith.constant 144 : index
    %get3A_34 = arith.constant 0 : index
    %get3A_35 = vector.load %arg0[%get3A_33, %get3A_34] : memref<512x2048xi32, #tpu.memory_space<vmem>>, vector<11x2048xi32>
    %add3A_36 = arith.addi %add3A_32, %get3A_35 : vector<11x2048xi32>
    %get3A_37 = arith.constant 160 : index
    %get3A_38 = arith.constant 0 : index
    %get3A_39 = vector.load %arg0[%get3A_37, %get3A_38] : memref<512x2048xi32, #tpu.memory_space<vmem>>, vector<11x2048xi32>
    %add3A_40 = arith.addi %add3A_36, %get3A_39 : vector<11x2048xi32>
    %get3A_41 = arith.constant 176 : index
    %get3A_42 = arith.constant 0 : index
    %get3A_43 = vector.load %arg0[%get3A_41, %get3A_42] : memref<512x2048xi32, #tpu.memory_space<vmem>>, vector<11x2048xi32>
    %add3A_44 = arith.addi %add3A_40, %get3A_43 : vector<11x2048xi32>
    %get3A_45 = arith.constant 192 : index
    %get3A_46 = arith.constant 0 : index
    %get3A_47 = vector.load %arg0[%get3A_45, %get3A_46] : memref<512x2048xi32, #tpu.memory_space<vmem>>, vector<11x2048xi32>
    %add3A_48 = arith.addi %add3A_44, %get3A_47 : vector<11x2048xi32>
    %get3A_49 = arith.constant 208 : index
    %get3A_50 = arith.constant 0 : index
    %get3A_51 = vector.load %arg0[%get3A_49, %get3A_50] : memref<512x2048xi32, #tpu.memory_space<vmem>>, vector<11x2048xi32>
    %add3A_52 = arith.addi %add3A_48, %get3A_51 : vector<11x2048xi32>
    %get3A_53 = arith.constant 224 : index
    %get3A_54 = arith.constant 0 : index
    %get3A_55 = vector.load %arg0[%get3A_53, %get3A_54] : memref<512x2048xi32, #tpu.memory_space<vmem>>, vector<11x2048xi32>
    %add3A_56 = arith.addi %add3A_52, %get3A_55 : vector<11x2048xi32>
    %get3A_57 = arith.constant 240 : index
    %get3A_58 = arith.constant 0 : index
    %get3A_59 = vector.load %arg0[%get3A_57, %get3A_58] : memref<512x2048xi32, #tpu.memory_space<vmem>>, vector<11x2048xi32>
    %add3A_60 = arith.addi %add3A_56, %get3A_59 : vector<11x2048xi32>
    %get3A_61 = arith.constant 256 : index
    %get3A_62 = arith.constant 0 : index
    %get3A_63 = vector.load %arg0[%get3A_61, %get3A_62] : memref<512x2048xi32, #tpu.memory_space<vmem>>, vector<11x2048xi32>
    %add3A_64 = arith.addi %add3A_60, %get3A_63 : vector<11x2048xi32>
    %get3A_65 = arith.constant 272 : index
    %get3A_66 = arith.constant 0 : index
    %get3A_67 = vector.load %arg0[%get3A_65, %get3A_66] : memref<512x2048xi32, #tpu.memory_space<vmem>>, vector<11x2048xi32>
    %add3A_68 = arith.addi %add3A_64, %get3A_67 : vector<11x2048xi32>
    %get3A_69 = arith.constant 288 : index
    %get3A_70 = arith.constant 0 : index
    %get3A_71 = vector.load %arg0[%get3A_69, %get3A_70] : memref<512x2048xi32, #tpu.memory_space<vmem>>, vector<11x2048xi32>
    %add3A_72 = arith.addi %add3A_68, %get3A_71 : vector<11x2048xi32>
    %get3A_73 = arith.constant 304 : index
    %get3A_74 = arith.constant 0 : index
    %get3A_75 = vector.load %arg0[%get3A_73, %get3A_74] : memref<512x2048xi32, #tpu.memory_space<vmem>>, vector<11x2048xi32>
    %add3A_76 = arith.addi %add3A_72, %get3A_75 : vector<11x2048xi32>
    %get3A_77 = arith.constant 320 : index
    %get3A_78 = arith.constant 0 : index
    %get3A_79 = vector.load %arg0[%get3A_77, %get3A_78] : memref<512x2048xi32, #tpu.memory_space<vmem>>, vector<11x2048xi32>
    %add3A_80 = arith.addi %add3A_76, %get3A_79 : vector<11x2048xi32>
    %get3A_81 = arith.constant 336 : index
    %get3A_82 = arith.constant 0 : index
    %get3A_83 = vector.load %arg0[%get3A_81, %get3A_82] : memref<512x2048xi32, #tpu.memory_space<vmem>>, vector<11x2048xi32>
    %add3A_84 = arith.addi %add3A_80, %get3A_83 : vector<11x2048xi32>
    %get3A_85 = arith.constant 352 : index
    %get3A_86 = arith.constant 0 : index
    %get3A_87 = vector.load %arg0[%get3A_85, %get3A_86] : memref<512x2048xi32, #tpu.memory_space<vmem>>, vector<11x2048xi32>
    %add3A_88 = arith.addi %add3A_84, %get3A_87 : vector<11x2048xi32>
    %get3A_89 = arith.constant 368 : index
    %get3A_90 = arith.constant 0 : index
    %get3A_91 = vector.load %arg0[%get3A_89, %get3A_90] : memref<512x2048xi32, #tpu.memory_space<vmem>>, vector<11x2048xi32>
    %add3A_92 = arith.addi %add3A_88, %get3A_91 : vector<11x2048xi32>
    %get3A_93 = arith.constant 384 : index
    %get3A_94 = arith.constant 0 : index
    %get3A_95 = vector.load %arg0[%get3A_93, %get3A_94] : memref<512x2048xi32, #tpu.memory_space<vmem>>, vector<11x2048xi32>
    %add3A_96 = arith.addi %add3A_92, %get3A_95 : vector<11x2048xi32>
    %get3A_97 = arith.constant 400 : index
    %get3A_98 = arith.constant 0 : index
    %get3A_99 = vector.load %arg0[%get3A_97, %get3A_98] : memref<512x2048xi32, #tpu.memory_space<vmem>>, vector<11x2048xi32>
    %add3A_100 = arith.addi %add3A_96, %get3A_99 : vector<11x2048xi32>
    %get3A_101 = arith.constant 416 : index
    %get3A_102 = arith.constant 0 : index
    %get3A_103 = vector.load %arg0[%get3A_101, %get3A_102] : memref<512x2048xi32, #tpu.memory_space<vmem>>, vector<11x2048xi32>
    %add3A_104 = arith.addi %add3A_100, %get3A_103 : vector<11x2048xi32>
    %get3A_105 = arith.constant 432 : index
    %get3A_106 = arith.constant 0 : index
    %get3A_107 = vector.load %arg0[%get3A_105, %get3A_106] : memref<512x2048xi32, #tpu.memory_space<vmem>>, vector<11x2048xi32>
    %add3A_108 = arith.addi %add3A_104, %get3A_107 : vector<11x2048xi32>
    %get3A_109 = arith.constant 448 : index
    %get3A_110 = arith.constant 0 : index
    %get3A_111 = vector.load %arg0[%get3A_109, %get3A_110] : memref<512x2048xi32, #tpu.memory_space<vmem>>, vector<11x2048xi32>
    %add3A_112 = arith.addi %add3A_108, %get3A_111 : vector<11x2048xi32>
    %get3A_113 = arith.constant 464 : index
    %get3A_114 = arith.constant 0 : index
    %get3A_115 = vector.load %arg0[%get3A_113, %get3A_114] : memref<512x2048xi32, #tpu.memory_space<vmem>>, vector<11x2048xi32>
    %add3A_116 = arith.addi %add3A_112, %get3A_115 : vector<11x2048xi32>
    %get3A_117 = arith.constant 480 : index
    %get3A_118 = arith.constant 0 : index
    %get3A_119 = vector.load %arg0[%get3A_117, %get3A_118] : memref<512x2048xi32, #tpu.memory_space<vmem>>, vector<11x2048xi32>
    %add3A_120 = arith.addi %add3A_116, %get3A_119 : vector<11x2048xi32>
    %get3A_121 = arith.constant 496 : index
    %get3A_122 = arith.constant 0 : index
    %get3A_123 = vector.load %arg0[%get3A_121, %get3A_122] : memref<512x2048xi32, #tpu.memory_space<vmem>>, vector<11x2048xi32>
    %add3A_124 = arith.addi %add3A_120, %get3A_123 : vector<11x2048xi32>
    %get3A_125 = arith.constant 0 : index
    %get3A_126 = arith.constant 0 : index
    %get3A_127 = vector.load %arg1[%get3A_125, %get3A_126] : memref<1x128xi32, #tpu.memory_space<vmem>>, vector<1x128xi32>
    %iota3A = tpu.iota {dimensions = array<i32: 0>} : vector<11x128xi32>
    %iota3A_128 = tpu.iota {dimensions = array<i32: 1>} : vector<11x128xi32>
    %eq3A = arith.cmpi eq, %iota3A, %iota3A_128 : vector<11x128xi32>
    %broadcast_in_dim3A = vector.shape_cast %get3A_127 : vector<1x128xi32> to vector<1x128xi32>
    %broadcast_in_dim3A_129 = vector.broadcast %broadcast_in_dim3A : vector<1x128xi32> to vector<11x128xi32>
    %broadcast_in_dim3A_130 = arith.constant 0 : i32
    %broadcast_in_dim3A_131 = vector.broadcast %broadcast_in_dim3A_130 : i32 to vector<11x128xi32>
    %select_n3A = arith.select %eq3A, %broadcast_in_dim3A_129, %broadcast_in_dim3A_131 : vector<11x128xi1>, vector<11x128xi32>
    %reduce_sum3A = arith.constant dense<0> : vector<11xi32>
    %reduce_sum3A_132 = vector.multi_reduction <add>, %select_n3A, %reduce_sum3A [1] : vector<11x128xi32> to vector<11xi32>
    %broadcast_in_dim3A_133 = vector.shape_cast %reduce_sum3A_132 : vector<11xi32> to vector<11x1xi32>
    %get3A_134 = arith.constant 0 : index
    %get3A_135 = arith.constant 0 : index
    %get3A_136 = vector.load %arg2[%get3A_134, %get3A_135] : memref<1x128xi32, #tpu.memory_space<vmem>>, vector<1x128xi32>
    %iota3A_137 = tpu.iota {dimensions = array<i32: 0>} : vector<11x128xi32>
    %iota3A_138 = tpu.iota {dimensions = array<i32: 1>} : vector<11x128xi32>
    %eq3A_139 = arith.cmpi eq, %iota3A_137, %iota3A_138 : vector<11x128xi32>
    %broadcast_in_dim3A_140 = vector.shape_cast %get3A_136 : vector<1x128xi32> to vector<1x128xi32>
    %broadcast_in_dim3A_141 = vector.broadcast %broadcast_in_dim3A_140 : vector<1x128xi32> to vector<11x128xi32>
    %broadcast_in_dim3A_142 = arith.constant 0 : i32
    %broadcast_in_dim3A_143 = vector.broadcast %broadcast_in_dim3A_142 : i32 to vector<11x128xi32>
    %select_n3A_144 = arith.select %eq3A_139, %broadcast_in_dim3A_141, %broadcast_in_dim3A_143 : vector<11x128xi1>, vector<11x128xi32>
    %reduce_sum3A_145 = arith.constant dense<0> : vector<11xi32>
    %reduce_sum3A_146 = vector.multi_reduction <add>, %select_n3A_144, %reduce_sum3A_145 [1] : vector<11x128xi32> to vector<11xi32>
    %broadcast_in_dim3A_147 = vector.shape_cast %reduce_sum3A_146 : vector<11xi32> to vector<11x1xi32>
    %broadcast_in_dim3A_148 = arith.constant 0 : i32
    %broadcast_in_dim3A_149 = vector.broadcast %broadcast_in_dim3A_148 : i32 to vector<11x1xi32>
    %slice3A = vector.extract_strided_slice %add3A_124 {offsets = [0, 0], sizes = [11, 2047], strides = [1, 1]} : vector<11x2048xi32> to vector<11x2047xi32>
    %concatenate3A = tpu.concatenate %broadcast_in_dim3A_149, %slice3A in 1 : vector<11x1xi32>, vector<11x2047xi32> -> vector<11x2048xi32>
    %add3A_150 = arith.addi %add3A_124, %concatenate3A : vector<11x2048xi32>
    %broadcast_in_dim3A_151 = arith.constant 0 : i32
    %broadcast_in_dim3A_152 = vector.broadcast %broadcast_in_dim3A_151 : i32 to vector<11x2xi32>
    %slice3A_153 = vector.extract_strided_slice %add3A_150 {offsets = [0, 0], sizes = [11, 2046], strides = [1, 1]} : vector<11x2048xi32> to vector<11x2046xi32>
    %concatenate3A_154 = tpu.concatenate %broadcast_in_dim3A_152, %slice3A_153 in 1 : vector<11x2xi32>, vector<11x2046xi32> -> vector<11x2048xi32>
    %add3A_155 = arith.addi %add3A_150, %concatenate3A_154 : vector<11x2048xi32>
    %broadcast_in_dim3A_156 = arith.constant 0 : i32
    %broadcast_in_dim3A_157 = vector.broadcast %broadcast_in_dim3A_156 : i32 to vector<11x4xi32>
    %slice3A_158 = vector.extract_strided_slice %add3A_155 {offsets = [0, 0], sizes = [11, 2044], strides = [1, 1]} : vector<11x2048xi32> to vector<11x2044xi32>
    %concatenate3A_159 = tpu.concatenate %broadcast_in_dim3A_157, %slice3A_158 in 1 : vector<11x4xi32>, vector<11x2044xi32> -> vector<11x2048xi32>
    %add3A_160 = arith.addi %add3A_155, %concatenate3A_159 : vector<11x2048xi32>
    %broadcast_in_dim3A_161 = arith.constant 0 : i32
    %broadcast_in_dim3A_162 = vector.broadcast %broadcast_in_dim3A_161 : i32 to vector<11x8xi32>
    %slice3A_163 = vector.extract_strided_slice %add3A_160 {offsets = [0, 0], sizes = [11, 2040], strides = [1, 1]} : vector<11x2048xi32> to vector<11x2040xi32>
    %concatenate3A_164 = tpu.concatenate %broadcast_in_dim3A_162, %slice3A_163 in 1 : vector<11x8xi32>, vector<11x2040xi32> -> vector<11x2048xi32>
    %add3A_165 = arith.addi %add3A_160, %concatenate3A_164 : vector<11x2048xi32>
    %broadcast_in_dim3A_166 = arith.constant 0 : i32
    %broadcast_in_dim3A_167 = vector.broadcast %broadcast_in_dim3A_166 : i32 to vector<11x16xi32>
    %slice3A_168 = vector.extract_strided_slice %add3A_165 {offsets = [0, 0], sizes = [11, 2032], strides = [1, 1]} : vector<11x2048xi32> to vector<11x2032xi32>
    %concatenate3A_169 = tpu.concatenate %broadcast_in_dim3A_167, %slice3A_168 in 1 : vector<11x16xi32>, vector<11x2032xi32> -> vector<11x2048xi32>
    %add3A_170 = arith.addi %add3A_165, %concatenate3A_169 : vector<11x2048xi32>
    %broadcast_in_dim3A_171 = arith.constant 0 : i32
    %broadcast_in_dim3A_172 = vector.broadcast %broadcast_in_dim3A_171 : i32 to vector<11x32xi32>
    %slice3A_173 = vector.extract_strided_slice %add3A_170 {offsets = [0, 0], sizes = [11, 2016], strides = [1, 1]} : vector<11x2048xi32> to vector<11x2016xi32>
    %concatenate3A_174 = tpu.concatenate %broadcast_in_dim3A_172, %slice3A_173 in 1 : vector<11x32xi32>, vector<11x2016xi32> -> vector<11x2048xi32>
    %add3A_175 = arith.addi %add3A_170, %concatenate3A_174 : vector<11x2048xi32>
    %broadcast_in_dim3A_176 = arith.constant 0 : i32
    %broadcast_in_dim3A_177 = vector.broadcast %broadcast_in_dim3A_176 : i32 to vector<11x64xi32>
    %slice3A_178 = vector.extract_strided_slice %add3A_175 {offsets = [0, 0], sizes = [11, 1984], strides = [1, 1]} : vector<11x2048xi32> to vector<11x1984xi32>
    %concatenate3A_179 = tpu.concatenate %broadcast_in_dim3A_177, %slice3A_178 in 1 : vector<11x64xi32>, vector<11x1984xi32> -> vector<11x2048xi32>
    %add3A_180 = arith.addi %add3A_175, %concatenate3A_179 : vector<11x2048xi32>
    %broadcast_in_dim3A_181 = arith.constant 0 : i32
    %broadcast_in_dim3A_182 = vector.broadcast %broadcast_in_dim3A_181 : i32 to vector<11x128xi32>
    %slice3A_183 = vector.extract_strided_slice %add3A_180 {offsets = [0, 0], sizes = [11, 1920], strides = [1, 1]} : vector<11x2048xi32> to vector<11x1920xi32>
    %concatenate3A_184 = tpu.concatenate %broadcast_in_dim3A_182, %slice3A_183 in 1 : vector<11x128xi32>, vector<11x1920xi32> -> vector<11x2048xi32>
    %add3A_185 = arith.addi %add3A_180, %concatenate3A_184 : vector<11x2048xi32>
    %broadcast_in_dim3A_186 = arith.constant 0 : i32
    %broadcast_in_dim3A_187 = vector.broadcast %broadcast_in_dim3A_186 : i32 to vector<11x256xi32>
    %slice3A_188 = vector.extract_strided_slice %add3A_185 {offsets = [0, 0], sizes = [11, 1792], strides = [1, 1]} : vector<11x2048xi32> to vector<11x1792xi32>
    %concatenate3A_189 = tpu.concatenate %broadcast_in_dim3A_187, %slice3A_188 in 1 : vector<11x256xi32>, vector<11x1792xi32> -> vector<11x2048xi32>
    %add3A_190 = arith.addi %add3A_185, %concatenate3A_189 : vector<11x2048xi32>
    %broadcast_in_dim3A_191 = arith.constant 0 : i32
    %broadcast_in_dim3A_192 = vector.broadcast %broadcast_in_dim3A_191 : i32 to vector<11x512xi32>
    %slice3A_193 = vector.extract_strided_slice %add3A_190 {offsets = [0, 0], sizes = [11, 1536], strides = [1, 1]} : vector<11x2048xi32> to vector<11x1536xi32>
    %concatenate3A_194 = tpu.concatenate %broadcast_in_dim3A_192, %slice3A_193 in 1 : vector<11x512xi32>, vector<11x1536xi32> -> vector<11x2048xi32>
    %add3A_195 = arith.addi %add3A_190, %concatenate3A_194 : vector<11x2048xi32>
    %broadcast_in_dim3A_196 = arith.constant 0 : i32
    %broadcast_in_dim3A_197 = vector.broadcast %broadcast_in_dim3A_196 : i32 to vector<11x1024xi32>
    %slice3A_198 = vector.extract_strided_slice %add3A_195 {offsets = [0, 0], sizes = [11, 1024], strides = [1, 1]} : vector<11x2048xi32> to vector<11x1024xi32>
    %concatenate3A_199 = tpu.concatenate %broadcast_in_dim3A_197, %slice3A_198 in 1 : vector<11x1024xi32>, vector<11x1024xi32> -> vector<11x2048xi32>
    %add3A_200 = arith.addi %add3A_195, %concatenate3A_199 : vector<11x2048xi32>
    %le3A = vector.broadcast %broadcast_in_dim3A_147 : vector<11x1xi32> to vector<11x2048xi32>
    %le3A_201 = arith.cmpi sle, %add3A_200, %le3A : vector<11x2048xi32>
    %convert_element_type3A = arith.extui %le3A_201 : vector<11x2048xi1> to vector<11x2048xi32>
    %reduce_sum3A_202 = arith.constant dense<0> : vector<11xi32>
    %reduce_sum3A_203 = vector.multi_reduction <add>, %convert_element_type3A, %reduce_sum3A_202 [1] : vector<11x2048xi32> to vector<11xi32>
    %broadcast_in_dim3A_204 = vector.shape_cast %reduce_sum3A_203 : vector<11xi32> to vector<11x1xi32>
    %min3A = arith.constant 2047 : i32
    %min3A_205 = vector.broadcast %min3A : i32 to vector<11x1xi32>
    %min3A_206 = arith.minsi %broadcast_in_dim3A_204, %min3A_205 : vector<11x1xi32>
    %iota3A_207 = tpu.iota {dimensions = array<i32: 1>} : vector<11x2048xi32>
    %lt3A = vector.broadcast %min3A_206 : vector<11x1xi32> to vector<11x2048xi32>
    %lt3A_208 = arith.cmpi slt, %iota3A_207, %lt3A : vector<11x2048xi32>
    %jit3A = arith.constant 0 : i32
    %broadcast_in_dim3A_209 = vector.broadcast %jit3A : i32 to vector<11x2048xi32>
    %select_n3A_210 = arith.select %lt3A_208, %add3A_124, %broadcast_in_dim3A_209 : vector<11x2048xi1>, vector<11x2048xi32>
    %reduce_sum3A_211 = arith.constant dense<0> : vector<11xi32>
    %reduce_sum3A_212 = vector.multi_reduction <add>, %select_n3A_210, %reduce_sum3A_211 [1] : vector<11x2048xi32> to vector<11xi32>
    %broadcast_in_dim3A_213 = vector.shape_cast %reduce_sum3A_212 : vector<11xi32> to vector<11x1xi32>
    %sub3A = arith.subi %broadcast_in_dim3A_147, %broadcast_in_dim3A_213 : vector<11x1xi32>
    %and3A = arith.constant 2047 : i32
    %and3A_214 = vector.broadcast %and3A : i32 to vector<11x1xi32>
    %and3A_215 = arith.andi %broadcast_in_dim3A_133, %and3A_214 : vector<11x1xi32>
    %shift_left3A = arith.constant 11 : i32
    %shift_left3A_216 = vector.broadcast %shift_left3A : i32 to vector<11x1xi32>
    %shift_left3A_217 = arith.shli %and3A_215, %shift_left3A_216 : vector<11x1xi32>
    %or3A = arith.ori %shift_left3A_217, %min3A_206 : vector<11x1xi32>
    %iota3A_218 = tpu.iota {dimensions = array<i32: 0>} : vector<11x128xi32>
    %iota3A_219 = tpu.iota {dimensions = array<i32: 1>} : vector<11x128xi32>
    %eq3A_220 = arith.cmpi eq, %iota3A_218, %iota3A_219 : vector<11x128xi32>
    %broadcast_in_dim3A_221 = vector.shape_cast %or3A : vector<11x1xi32> to vector<11x1xi32>
    %broadcast_in_dim3A_222 = vector.broadcast %broadcast_in_dim3A_221 : vector<11x1xi32> to vector<11x128xi32>
    %broadcast_in_dim3A_223 = arith.constant 0 : i32
    %broadcast_in_dim3A_224 = vector.broadcast %broadcast_in_dim3A_223 : i32 to vector<11x128xi32>
    %select_n3A_225 = arith.select %eq3A_220, %broadcast_in_dim3A_222, %broadcast_in_dim3A_224 : vector<11x128xi1>, vector<11x128xi32>
    %reduce_sum3A_226 = arith.constant dense<0> : vector<128xi32>
    %reduce_sum3A_227 = vector.multi_reduction <add>, %select_n3A_225, %reduce_sum3A_226 [0] : vector<11x128xi32> to vector<128xi32>
    %broadcast_in_dim3A_228 = vector.shape_cast %reduce_sum3A_227 : vector<128xi32> to vector<1x128xi32>
    %iota3A_229 = tpu.iota {dimensions = array<i32: 1>} : vector<1x128xi32>
    %ge3A = arith.constant 10 : i32
    %ge3A_230 = vector.broadcast %ge3A : i32 to vector<1x128xi32>
    %ge3A_231 = arith.cmpi sge, %iota3A_229, %ge3A_230 : vector<1x128xi32>
    %jit3A_232 = arith.constant -1 : i32
    %broadcast_in_dim3A_233 = vector.broadcast %jit3A_232 : i32 to vector<1x128xi32>
    %select_n3A_234 = arith.select %ge3A_231, %broadcast_in_dim3A_233, %broadcast_in_dim3A_228 : vector<1x128xi1>, vector<1x128xi32>
    %swap3A = arith.constant 0 : index
    %swap3A_235 = arith.constant 0 : index
    %swap3A_236 = vector.load %arg3[%swap3A, %swap3A_235] : memref<1x128xi32, #tpu.memory_space<vmem>>, vector<1x128xi32>
    tpu.vector_store %arg3[%swap3A, %swap3A_235], %select_n3A_234 {strides = array<i32>} : memref<1x128xi32, #tpu.memory_space<vmem>>, vector<1x128xi32>,
    %iota3A_237 = tpu.iota {dimensions = array<i32: 0>} : vector<11x128xi32>
    %iota3A_238 = tpu.iota {dimensions = array<i32: 1>} : vector<11x128xi32>
    %eq3A_239 = arith.cmpi eq, %iota3A_237, %iota3A_238 : vector<11x128xi32>
    %broadcast_in_dim3A_240 = vector.shape_cast %sub3A : vector<11x1xi32> to vector<11x1xi32>
    %broadcast_in_dim3A_241 = vector.broadcast %broadcast_in_dim3A_240 : vector<11x1xi32> to vector<11x128xi32>
    %broadcast_in_dim3A_242 = arith.constant 0 : i32
    %broadcast_in_dim3A_243 = vector.broadcast %broadcast_in_dim3A_242 : i32 to vector<11x128xi32>
    %select_n3A_244 = arith.select %eq3A_239, %broadcast_in_dim3A_241, %broadcast_in_dim3A_243 : vector<11x128xi1>, vector<11x128xi32>
    %reduce_sum3A_245 = arith.constant dense<0> : vector<128xi32>
    %reduce_sum3A_246 = vector.multi_reduction <add>, %select_n3A_244, %reduce_sum3A_245 [0] : vector<11x128xi32> to vector<128xi32>
    %broadcast_in_dim3A_247 = vector.shape_cast %reduce_sum3A_246 : vector<128xi32> to vector<1x128xi32>
    %iota3A_248 = tpu.iota {dimensions = array<i32: 1>} : vector<1x128xi32>
    %ge3A_249 = arith.constant 10 : i32
    %ge3A_250 = vector.broadcast %ge3A_249 : i32 to vector<1x128xi32>
    %ge3A_251 = arith.cmpi sge, %iota3A_248, %ge3A_250 : vector<1x128xi32>
    %jit3A_252 = arith.constant 0 : i32
    %broadcast_in_dim3A_253 = vector.broadcast %jit3A_252 : i32 to vector<1x128xi32>
    %select_n3A_254 = arith.select %ge3A_251, %broadcast_in_dim3A_253, %broadcast_in_dim3A_247 : vector<1x128xi1>, vector<1x128xi32>
    %swap3A_255 = arith.constant 0 : index
    %swap3A_256 = arith.constant 0 : index
    %swap3A_257 = vector.load %arg4[%swap3A_255, %swap3A_256] : memref<1x128xi32, #tpu.memory_space<vmem>>, vector<1x128xi32>
    tpu.vector_store %arg4[%swap3A_255, %swap3A_256], %select_n3A_254 {strides = array<i32>} : memref<1x128xi32, #tpu.memory_space<vmem>>, vector<1x128xi32>,
    return
  }
}

module attributes {stable_mosaic.version = 14 : i64} {
  func.func @_s1_body(%arg0: memref<512x2048xi32, #tpu.memory_space<vmem>>, %arg1: memref<1x128xi32, #tpu.memory_space<vmem>>, %arg2: memref<1x128xi32, #tpu.memory_space<vmem>>) attributes {dimension_semantics = [], scalar_prefetch = 0 : i64, scratch_operands = 0 : i64, tpu.core_type = #tpu.core_type<tc>} {
    %get3A = arith.constant 0 : index
    %get3A_0 = arith.constant 0 : index
    %get3A_1 = vector.load %arg0[%get3A, %get3A_0] : memref<512x2048xi32, #tpu.memory_space<vmem>>, vector<11x2048xi32>
    %get3A_2 = arith.constant 16 : index
    %get3A_3 = arith.constant 0 : index
    %get3A_4 = vector.load %arg0[%get3A_2, %get3A_3] : memref<512x2048xi32, #tpu.memory_space<vmem>>, vector<11x2048xi32>
    %add3A = arith.addi %get3A_1, %get3A_4 : vector<11x2048xi32>
    %get3A_5 = arith.constant 32 : index
    %get3A_6 = arith.constant 0 : index
    %get3A_7 = vector.load %arg0[%get3A_5, %get3A_6] : memref<512x2048xi32, #tpu.memory_space<vmem>>, vector<11x2048xi32>
    %add3A_8 = arith.addi %add3A, %get3A_7 : vector<11x2048xi32>
    %get3A_9 = arith.constant 48 : index
    %get3A_10 = arith.constant 0 : index
    %get3A_11 = vector.load %arg0[%get3A_9, %get3A_10] : memref<512x2048xi32, #tpu.memory_space<vmem>>, vector<11x2048xi32>
    %add3A_12 = arith.addi %add3A_8, %get3A_11 : vector<11x2048xi32>
    %get3A_13 = arith.constant 64 : index
    %get3A_14 = arith.constant 0 : index
    %get3A_15 = vector.load %arg0[%get3A_13, %get3A_14] : memref<512x2048xi32, #tpu.memory_space<vmem>>, vector<11x2048xi32>
    %add3A_16 = arith.addi %add3A_12, %get3A_15 : vector<11x2048xi32>
    %get3A_17 = arith.constant 80 : index
    %get3A_18 = arith.constant 0 : index
    %get3A_19 = vector.load %arg0[%get3A_17, %get3A_18] : memref<512x2048xi32, #tpu.memory_space<vmem>>, vector<11x2048xi32>
    %add3A_20 = arith.addi %add3A_16, %get3A_19 : vector<11x2048xi32>
    %get3A_21 = arith.constant 96 : index
    %get3A_22 = arith.constant 0 : index
    %get3A_23 = vector.load %arg0[%get3A_21, %get3A_22] : memref<512x2048xi32, #tpu.memory_space<vmem>>, vector<11x2048xi32>
    %add3A_24 = arith.addi %add3A_20, %get3A_23 : vector<11x2048xi32>
    %get3A_25 = arith.constant 112 : index
    %get3A_26 = arith.constant 0 : index
    %get3A_27 = vector.load %arg0[%get3A_25, %get3A_26] : memref<512x2048xi32, #tpu.memory_space<vmem>>, vector<11x2048xi32>
    %add3A_28 = arith.addi %add3A_24, %get3A_27 : vector<11x2048xi32>
    %get3A_29 = arith.constant 128 : index
    %get3A_30 = arith.constant 0 : index
    %get3A_31 = vector.load %arg0[%get3A_29, %get3A_30] : memref<512x2048xi32, #tpu.memory_space<vmem>>, vector<11x2048xi32>
    %add3A_32 = arith.addi %add3A_28, %get3A_31 : vector<11x2048xi32>
    %get3A_33 = arith.constant 144 : index
    %get3A_34 = arith.constant 0 : index
    %get3A_35 = vector.load %arg0[%get3A_33, %get3A_34] : memref<512x2048xi32, #tpu.memory_space<vmem>>, vector<11x2048xi32>
    %add3A_36 = arith.addi %add3A_32, %get3A_35 : vector<11x2048xi32>
    %get3A_37 = arith.constant 160 : index
    %get3A_38 = arith.constant 0 : index
    %get3A_39 = vector.load %arg0[%get3A_37, %get3A_38] : memref<512x2048xi32, #tpu.memory_space<vmem>>, vector<11x2048xi32>
    %add3A_40 = arith.addi %add3A_36, %get3A_39 : vector<11x2048xi32>
    %get3A_41 = arith.constant 176 : index
    %get3A_42 = arith.constant 0 : index
    %get3A_43 = vector.load %arg0[%get3A_41, %get3A_42] : memref<512x2048xi32, #tpu.memory_space<vmem>>, vector<11x2048xi32>
    %add3A_44 = arith.addi %add3A_40, %get3A_43 : vector<11x2048xi32>
    %get3A_45 = arith.constant 192 : index
    %get3A_46 = arith.constant 0 : index
    %get3A_47 = vector.load %arg0[%get3A_45, %get3A_46] : memref<512x2048xi32, #tpu.memory_space<vmem>>, vector<11x2048xi32>
    %add3A_48 = arith.addi %add3A_44, %get3A_47 : vector<11x2048xi32>
    %get3A_49 = arith.constant 208 : index
    %get3A_50 = arith.constant 0 : index
    %get3A_51 = vector.load %arg0[%get3A_49, %get3A_50] : memref<512x2048xi32, #tpu.memory_space<vmem>>, vector<11x2048xi32>
    %add3A_52 = arith.addi %add3A_48, %get3A_51 : vector<11x2048xi32>
    %get3A_53 = arith.constant 224 : index
    %get3A_54 = arith.constant 0 : index
    %get3A_55 = vector.load %arg0[%get3A_53, %get3A_54] : memref<512x2048xi32, #tpu.memory_space<vmem>>, vector<11x2048xi32>
    %add3A_56 = arith.addi %add3A_52, %get3A_55 : vector<11x2048xi32>
    %get3A_57 = arith.constant 240 : index
    %get3A_58 = arith.constant 0 : index
    %get3A_59 = vector.load %arg0[%get3A_57, %get3A_58] : memref<512x2048xi32, #tpu.memory_space<vmem>>, vector<11x2048xi32>
    %add3A_60 = arith.addi %add3A_56, %get3A_59 : vector<11x2048xi32>
    %get3A_61 = arith.constant 256 : index
    %get3A_62 = arith.constant 0 : index
    %get3A_63 = vector.load %arg0[%get3A_61, %get3A_62] : memref<512x2048xi32, #tpu.memory_space<vmem>>, vector<11x2048xi32>
    %add3A_64 = arith.addi %add3A_60, %get3A_63 : vector<11x2048xi32>
    %get3A_65 = arith.constant 272 : index
    %get3A_66 = arith.constant 0 : index
    %get3A_67 = vector.load %arg0[%get3A_65, %get3A_66] : memref<512x2048xi32, #tpu.memory_space<vmem>>, vector<11x2048xi32>
    %add3A_68 = arith.addi %add3A_64, %get3A_67 : vector<11x2048xi32>
    %get3A_69 = arith.constant 288 : index
    %get3A_70 = arith.constant 0 : index
    %get3A_71 = vector.load %arg0[%get3A_69, %get3A_70] : memref<512x2048xi32, #tpu.memory_space<vmem>>, vector<11x2048xi32>
    %add3A_72 = arith.addi %add3A_68, %get3A_71 : vector<11x2048xi32>
    %get3A_73 = arith.constant 304 : index
    %get3A_74 = arith.constant 0 : index
    %get3A_75 = vector.load %arg0[%get3A_73, %get3A_74] : memref<512x2048xi32, #tpu.memory_space<vmem>>, vector<11x2048xi32>
    %add3A_76 = arith.addi %add3A_72, %get3A_75 : vector<11x2048xi32>
    %get3A_77 = arith.constant 320 : index
    %get3A_78 = arith.constant 0 : index
    %get3A_79 = vector.load %arg0[%get3A_77, %get3A_78] : memref<512x2048xi32, #tpu.memory_space<vmem>>, vector<11x2048xi32>
    %add3A_80 = arith.addi %add3A_76, %get3A_79 : vector<11x2048xi32>
    %get3A_81 = arith.constant 336 : index
    %get3A_82 = arith.constant 0 : index
    %get3A_83 = vector.load %arg0[%get3A_81, %get3A_82] : memref<512x2048xi32, #tpu.memory_space<vmem>>, vector<11x2048xi32>
    %add3A_84 = arith.addi %add3A_80, %get3A_83 : vector<11x2048xi32>
    %get3A_85 = arith.constant 352 : index
    %get3A_86 = arith.constant 0 : index
    %get3A_87 = vector.load %arg0[%get3A_85, %get3A_86] : memref<512x2048xi32, #tpu.memory_space<vmem>>, vector<11x2048xi32>
    %add3A_88 = arith.addi %add3A_84, %get3A_87 : vector<11x2048xi32>
    %get3A_89 = arith.constant 368 : index
    %get3A_90 = arith.constant 0 : index
    %get3A_91 = vector.load %arg0[%get3A_89, %get3A_90] : memref<512x2048xi32, #tpu.memory_space<vmem>>, vector<11x2048xi32>
    %add3A_92 = arith.addi %add3A_88, %get3A_91 : vector<11x2048xi32>
    %get3A_93 = arith.constant 384 : index
    %get3A_94 = arith.constant 0 : index
    %get3A_95 = vector.load %arg0[%get3A_93, %get3A_94] : memref<512x2048xi32, #tpu.memory_space<vmem>>, vector<11x2048xi32>
    %add3A_96 = arith.addi %add3A_92, %get3A_95 : vector<11x2048xi32>
    %get3A_97 = arith.constant 400 : index
    %get3A_98 = arith.constant 0 : index
    %get3A_99 = vector.load %arg0[%get3A_97, %get3A_98] : memref<512x2048xi32, #tpu.memory_space<vmem>>, vector<11x2048xi32>
    %add3A_100 = arith.addi %add3A_96, %get3A_99 : vector<11x2048xi32>
    %get3A_101 = arith.constant 416 : index
    %get3A_102 = arith.constant 0 : index
    %get3A_103 = vector.load %arg0[%get3A_101, %get3A_102] : memref<512x2048xi32, #tpu.memory_space<vmem>>, vector<11x2048xi32>
    %add3A_104 = arith.addi %add3A_100, %get3A_103 : vector<11x2048xi32>
    %get3A_105 = arith.constant 432 : index
    %get3A_106 = arith.constant 0 : index
    %get3A_107 = vector.load %arg0[%get3A_105, %get3A_106] : memref<512x2048xi32, #tpu.memory_space<vmem>>, vector<11x2048xi32>
    %add3A_108 = arith.addi %add3A_104, %get3A_107 : vector<11x2048xi32>
    %get3A_109 = arith.constant 448 : index
    %get3A_110 = arith.constant 0 : index
    %get3A_111 = vector.load %arg0[%get3A_109, %get3A_110] : memref<512x2048xi32, #tpu.memory_space<vmem>>, vector<11x2048xi32>
    %add3A_112 = arith.addi %add3A_108, %get3A_111 : vector<11x2048xi32>
    %get3A_113 = arith.constant 464 : index
    %get3A_114 = arith.constant 0 : index
    %get3A_115 = vector.load %arg0[%get3A_113, %get3A_114] : memref<512x2048xi32, #tpu.memory_space<vmem>>, vector<11x2048xi32>
    %add3A_116 = arith.addi %add3A_112, %get3A_115 : vector<11x2048xi32>
    %get3A_117 = arith.constant 480 : index
    %get3A_118 = arith.constant 0 : index
    %get3A_119 = vector.load %arg0[%get3A_117, %get3A_118] : memref<512x2048xi32, #tpu.memory_space<vmem>>, vector<11x2048xi32>
    %add3A_120 = arith.addi %add3A_116, %get3A_119 : vector<11x2048xi32>
    %get3A_121 = arith.constant 496 : index
    %get3A_122 = arith.constant 0 : index
    %get3A_123 = vector.load %arg0[%get3A_121, %get3A_122] : memref<512x2048xi32, #tpu.memory_space<vmem>>, vector<11x2048xi32>
    %add3A_124 = arith.addi %add3A_120, %get3A_123 : vector<11x2048xi32>
    %reduce_sum3A = arith.constant dense<0> : vector<11xi32>
    %reduce_sum3A_125 = vector.multi_reduction <add>, %add3A_124, %reduce_sum3A [1] : vector<11x2048xi32> to vector<11xi32>
    %broadcast_in_dim3A = vector.shape_cast %reduce_sum3A_125 : vector<11xi32> to vector<11x1xi32>
    %convert_element_type3A = arith.sitofp %broadcast_in_dim3A : vector<11x1xi32> to vector<11x1xf32>
    %mul3A = arith.constant 0.00999999977 : f32
    %mul3A_126 = vector.broadcast %mul3A : f32 to vector<11x1xf32>
    %mul3A_127 = arith.mulf %convert_element_type3A, %mul3A_126 : vector<11x1xf32>
    %ceil3A = math.ceil %mul3A_127 : vector<11x1xf32>
    %convert_element_type3A_128 = arith.fptosi %ceil3A : vector<11x1xf32> to vector<11x1xi32>
    %sub3A = arith.constant 1 : i32
    %sub3A_129 = vector.broadcast %sub3A : i32 to vector<11x1xi32>
    %sub3A_130 = arith.subi %convert_element_type3A_128, %sub3A_129 : vector<11x1xi32>
    %max3A = arith.constant 0 : i32
    %max3A_131 = vector.broadcast %max3A : i32 to vector<11x1xi32>
    %max3A_132 = arith.maxsi %sub3A_130, %max3A_131 : vector<11x1xi32>
    %broadcast_in_dim3A_133 = arith.constant 0 : i32
    %broadcast_in_dim3A_134 = vector.broadcast %broadcast_in_dim3A_133 : i32 to vector<11x1xi32>
    %slice3A = vector.extract_strided_slice %add3A_124 {offsets = [0, 0], sizes = [11, 2047], strides = [1, 1]} : vector<11x2048xi32> to vector<11x2047xi32>
    %concatenate3A = tpu.concatenate %broadcast_in_dim3A_134, %slice3A in 1 : vector<11x1xi32>, vector<11x2047xi32> -> vector<11x2048xi32>
    %add3A_135 = arith.addi %add3A_124, %concatenate3A : vector<11x2048xi32>
    %broadcast_in_dim3A_136 = arith.constant 0 : i32
    %broadcast_in_dim3A_137 = vector.broadcast %broadcast_in_dim3A_136 : i32 to vector<11x2xi32>
    %slice3A_138 = vector.extract_strided_slice %add3A_135 {offsets = [0, 0], sizes = [11, 2046], strides = [1, 1]} : vector<11x2048xi32> to vector<11x2046xi32>
    %concatenate3A_139 = tpu.concatenate %broadcast_in_dim3A_137, %slice3A_138 in 1 : vector<11x2xi32>, vector<11x2046xi32> -> vector<11x2048xi32>
    %add3A_140 = arith.addi %add3A_135, %concatenate3A_139 : vector<11x2048xi32>
    %broadcast_in_dim3A_141 = arith.constant 0 : i32
    %broadcast_in_dim3A_142 = vector.broadcast %broadcast_in_dim3A_141 : i32 to vector<11x4xi32>
    %slice3A_143 = vector.extract_strided_slice %add3A_140 {offsets = [0, 0], sizes = [11, 2044], strides = [1, 1]} : vector<11x2048xi32> to vector<11x2044xi32>
    %concatenate3A_144 = tpu.concatenate %broadcast_in_dim3A_142, %slice3A_143 in 1 : vector<11x4xi32>, vector<11x2044xi32> -> vector<11x2048xi32>
    %add3A_145 = arith.addi %add3A_140, %concatenate3A_144 : vector<11x2048xi32>
    %broadcast_in_dim3A_146 = arith.constant 0 : i32
    %broadcast_in_dim3A_147 = vector.broadcast %broadcast_in_dim3A_146 : i32 to vector<11x8xi32>
    %slice3A_148 = vector.extract_strided_slice %add3A_145 {offsets = [0, 0], sizes = [11, 2040], strides = [1, 1]} : vector<11x2048xi32> to vector<11x2040xi32>
    %concatenate3A_149 = tpu.concatenate %broadcast_in_dim3A_147, %slice3A_148 in 1 : vector<11x8xi32>, vector<11x2040xi32> -> vector<11x2048xi32>
    %add3A_150 = arith.addi %add3A_145, %concatenate3A_149 : vector<11x2048xi32>
    %broadcast_in_dim3A_151 = arith.constant 0 : i32
    %broadcast_in_dim3A_152 = vector.broadcast %broadcast_in_dim3A_151 : i32 to vector<11x16xi32>
    %slice3A_153 = vector.extract_strided_slice %add3A_150 {offsets = [0, 0], sizes = [11, 2032], strides = [1, 1]} : vector<11x2048xi32> to vector<11x2032xi32>
    %concatenate3A_154 = tpu.concatenate %broadcast_in_dim3A_152, %slice3A_153 in 1 : vector<11x16xi32>, vector<11x2032xi32> -> vector<11x2048xi32>
    %add3A_155 = arith.addi %add3A_150, %concatenate3A_154 : vector<11x2048xi32>
    %broadcast_in_dim3A_156 = arith.constant 0 : i32
    %broadcast_in_dim3A_157 = vector.broadcast %broadcast_in_dim3A_156 : i32 to vector<11x32xi32>
    %slice3A_158 = vector.extract_strided_slice %add3A_155 {offsets = [0, 0], sizes = [11, 2016], strides = [1, 1]} : vector<11x2048xi32> to vector<11x2016xi32>
    %concatenate3A_159 = tpu.concatenate %broadcast_in_dim3A_157, %slice3A_158 in 1 : vector<11x32xi32>, vector<11x2016xi32> -> vector<11x2048xi32>
    %add3A_160 = arith.addi %add3A_155, %concatenate3A_159 : vector<11x2048xi32>
    %broadcast_in_dim3A_161 = arith.constant 0 : i32
    %broadcast_in_dim3A_162 = vector.broadcast %broadcast_in_dim3A_161 : i32 to vector<11x64xi32>
    %slice3A_163 = vector.extract_strided_slice %add3A_160 {offsets = [0, 0], sizes = [11, 1984], strides = [1, 1]} : vector<11x2048xi32> to vector<11x1984xi32>
    %concatenate3A_164 = tpu.concatenate %broadcast_in_dim3A_162, %slice3A_163 in 1 : vector<11x64xi32>, vector<11x1984xi32> -> vector<11x2048xi32>
    %add3A_165 = arith.addi %add3A_160, %concatenate3A_164 : vector<11x2048xi32>
    %broadcast_in_dim3A_166 = arith.constant 0 : i32
    %broadcast_in_dim3A_167 = vector.broadcast %broadcast_in_dim3A_166 : i32 to vector<11x128xi32>
    %slice3A_168 = vector.extract_strided_slice %add3A_165 {offsets = [0, 0], sizes = [11, 1920], strides = [1, 1]} : vector<11x2048xi32> to vector<11x1920xi32>
    %concatenate3A_169 = tpu.concatenate %broadcast_in_dim3A_167, %slice3A_168 in 1 : vector<11x128xi32>, vector<11x1920xi32> -> vector<11x2048xi32>
    %add3A_170 = arith.addi %add3A_165, %concatenate3A_169 : vector<11x2048xi32>
    %broadcast_in_dim3A_171 = arith.constant 0 : i32
    %broadcast_in_dim3A_172 = vector.broadcast %broadcast_in_dim3A_171 : i32 to vector<11x256xi32>
    %slice3A_173 = vector.extract_strided_slice %add3A_170 {offsets = [0, 0], sizes = [11, 1792], strides = [1, 1]} : vector<11x2048xi32> to vector<11x1792xi32>
    %concatenate3A_174 = tpu.concatenate %broadcast_in_dim3A_172, %slice3A_173 in 1 : vector<11x256xi32>, vector<11x1792xi32> -> vector<11x2048xi32>
    %add3A_175 = arith.addi %add3A_170, %concatenate3A_174 : vector<11x2048xi32>
    %broadcast_in_dim3A_176 = arith.constant 0 : i32
    %broadcast_in_dim3A_177 = vector.broadcast %broadcast_in_dim3A_176 : i32 to vector<11x512xi32>
    %slice3A_178 = vector.extract_strided_slice %add3A_175 {offsets = [0, 0], sizes = [11, 1536], strides = [1, 1]} : vector<11x2048xi32> to vector<11x1536xi32>
    %concatenate3A_179 = tpu.concatenate %broadcast_in_dim3A_177, %slice3A_178 in 1 : vector<11x512xi32>, vector<11x1536xi32> -> vector<11x2048xi32>
    %add3A_180 = arith.addi %add3A_175, %concatenate3A_179 : vector<11x2048xi32>
    %broadcast_in_dim3A_181 = arith.constant 0 : i32
    %broadcast_in_dim3A_182 = vector.broadcast %broadcast_in_dim3A_181 : i32 to vector<11x1024xi32>
    %slice3A_183 = vector.extract_strided_slice %add3A_180 {offsets = [0, 0], sizes = [11, 1024], strides = [1, 1]} : vector<11x2048xi32> to vector<11x1024xi32>
    %concatenate3A_184 = tpu.concatenate %broadcast_in_dim3A_182, %slice3A_183 in 1 : vector<11x1024xi32>, vector<11x1024xi32> -> vector<11x2048xi32>
    %add3A_185 = arith.addi %add3A_180, %concatenate3A_184 : vector<11x2048xi32>
    %le3A = vector.broadcast %max3A_132 : vector<11x1xi32> to vector<11x2048xi32>
    %le3A_186 = arith.cmpi sle, %add3A_185, %le3A : vector<11x2048xi32>
    %convert_element_type3A_187 = arith.extui %le3A_186 : vector<11x2048xi1> to vector<11x2048xi32>
    %reduce_sum3A_188 = arith.constant dense<0> : vector<11xi32>
    %reduce_sum3A_189 = vector.multi_reduction <add>, %convert_element_type3A_187, %reduce_sum3A_188 [1] : vector<11x2048xi32> to vector<11xi32>
    %broadcast_in_dim3A_190 = vector.shape_cast %reduce_sum3A_189 : vector<11xi32> to vector<11x1xi32>
    %min3A = arith.constant 2047 : i32
    %min3A_191 = vector.broadcast %min3A : i32 to vector<11x1xi32>
    %min3A_192 = arith.minsi %broadcast_in_dim3A_190, %min3A_191 : vector<11x1xi32>
    %iota3A = tpu.iota {dimensions = array<i32: 1>} : vector<11x2048xi32>
    %lt3A = vector.broadcast %min3A_192 : vector<11x1xi32> to vector<11x2048xi32>
    %lt3A_193 = arith.cmpi slt, %iota3A, %lt3A : vector<11x2048xi32>
    %jit3A = arith.constant 0 : i32
    %broadcast_in_dim3A_194 = vector.broadcast %jit3A : i32 to vector<11x2048xi32>
    %select_n3A = arith.select %lt3A_193, %add3A_124, %broadcast_in_dim3A_194 : vector<11x2048xi1>, vector<11x2048xi32>
    %reduce_sum3A_195 = arith.constant dense<0> : vector<11xi32>
    %reduce_sum3A_196 = vector.multi_reduction <add>, %select_n3A, %reduce_sum3A_195 [1] : vector<11x2048xi32> to vector<11xi32>
    %broadcast_in_dim3A_197 = vector.shape_cast %reduce_sum3A_196 : vector<11xi32> to vector<11x1xi32>
    %sub3A_198 = arith.subi %max3A_132, %broadcast_in_dim3A_197 : vector<11x1xi32>
    %iota3A_199 = tpu.iota {dimensions = array<i32: 0>} : vector<11x1xi32>
    %shift_left3A = arith.constant 11 : i32
    %shift_left3A_200 = vector.broadcast %shift_left3A : i32 to vector<11x1xi32>
    %shift_left3A_201 = arith.shli %iota3A_199, %shift_left3A_200 : vector<11x1xi32>
    %or3A = arith.ori %shift_left3A_201, %min3A_192 : vector<11x1xi32>
    %iota3A_202 = tpu.iota {dimensions = array<i32: 0>} : vector<11x128xi32>
    %iota3A_203 = tpu.iota {dimensions = array<i32: 1>} : vector<11x128xi32>
    %eq3A = arith.cmpi eq, %iota3A_202, %iota3A_203 : vector<11x128xi32>
    %broadcast_in_dim3A_204 = vector.shape_cast %or3A : vector<11x1xi32> to vector<11x1xi32>
    %broadcast_in_dim3A_205 = vector.broadcast %broadcast_in_dim3A_204 : vector<11x1xi32> to vector<11x128xi32>
    %broadcast_in_dim3A_206 = arith.constant 0 : i32
    %broadcast_in_dim3A_207 = vector.broadcast %broadcast_in_dim3A_206 : i32 to vector<11x128xi32>
    %select_n3A_208 = arith.select %eq3A, %broadcast_in_dim3A_205, %broadcast_in_dim3A_207 : vector<11x128xi1>, vector<11x128xi32>
    %reduce_sum3A_209 = arith.constant dense<0> : vector<128xi32>
    %reduce_sum3A_210 = vector.multi_reduction <add>, %select_n3A_208, %reduce_sum3A_209 [0] : vector<11x128xi32> to vector<128xi32>
    %broadcast_in_dim3A_211 = vector.shape_cast %reduce_sum3A_210 : vector<128xi32> to vector<1x128xi32>
    %iota3A_212 = tpu.iota {dimensions = array<i32: 1>} : vector<1x128xi32>
    %ge3A = arith.constant 10 : i32
    %ge3A_213 = vector.broadcast %ge3A : i32 to vector<1x128xi32>
    %ge3A_214 = arith.cmpi sge, %iota3A_212, %ge3A_213 : vector<1x128xi32>
    %jit3A_215 = arith.constant -1 : i32
    %broadcast_in_dim3A_216 = vector.broadcast %jit3A_215 : i32 to vector<1x128xi32>
    %select_n3A_217 = arith.select %ge3A_214, %broadcast_in_dim3A_216, %broadcast_in_dim3A_211 : vector<1x128xi1>, vector<1x128xi32>
    %swap3A = arith.constant 0 : index
    %swap3A_218 = arith.constant 0 : index
    %swap3A_219 = vector.load %arg1[%swap3A, %swap3A_218] : memref<1x128xi32, #tpu.memory_space<vmem>>, vector<1x128xi32>
    tpu.vector_store %arg1[%swap3A, %swap3A_218], %select_n3A_217 {strides = array<i32>} : memref<1x128xi32, #tpu.memory_space<vmem>>, vector<1x128xi32>,
    %iota3A_220 = tpu.iota {dimensions = array<i32: 0>} : vector<11x128xi32>
    %iota3A_221 = tpu.iota {dimensions = array<i32: 1>} : vector<11x128xi32>
    %eq3A_222 = arith.cmpi eq, %iota3A_220, %iota3A_221 : vector<11x128xi32>
    %broadcast_in_dim3A_223 = vector.shape_cast %sub3A_198 : vector<11x1xi32> to vector<11x1xi32>
    %broadcast_in_dim3A_224 = vector.broadcast %broadcast_in_dim3A_223 : vector<11x1xi32> to vector<11x128xi32>
    %broadcast_in_dim3A_225 = arith.constant 0 : i32
    %broadcast_in_dim3A_226 = vector.broadcast %broadcast_in_dim3A_225 : i32 to vector<11x128xi32>
    %select_n3A_227 = arith.select %eq3A_222, %broadcast_in_dim3A_224, %broadcast_in_dim3A_226 : vector<11x128xi1>, vector<11x128xi32>
    %reduce_sum3A_228 = arith.constant dense<0> : vector<128xi32>
    %reduce_sum3A_229 = vector.multi_reduction <add>, %select_n3A_227, %reduce_sum3A_228 [0] : vector<11x128xi32> to vector<128xi32>
    %broadcast_in_dim3A_230 = vector.shape_cast %reduce_sum3A_229 : vector<128xi32> to vector<1x128xi32>
    %iota3A_231 = tpu.iota {dimensions = array<i32: 1>} : vector<1x128xi32>
    %ge3A_232 = arith.constant 10 : i32
    %ge3A_233 = vector.broadcast %ge3A_232 : i32 to vector<1x128xi32>
    %ge3A_234 = arith.cmpi sge, %iota3A_231, %ge3A_233 : vector<1x128xi32>
    %jit3A_235 = arith.constant 0 : i32
    %broadcast_in_dim3A_236 = vector.broadcast %jit3A_235 : i32 to vector<1x128xi32>
    %select_n3A_237 = arith.select %ge3A_234, %broadcast_in_dim3A_236, %broadcast_in_dim3A_230 : vector<1x128xi1>, vector<1x128xi32>
    %swap3A_238 = arith.constant 0 : index
    %swap3A_239 = arith.constant 0 : index
    %swap3A_240 = vector.load %arg2[%swap3A_238, %swap3A_239] : memref<1x128xi32, #tpu.memory_space<vmem>>, vector<1x128xi32>
    tpu.vector_store %arg2[%swap3A_238, %swap3A_239], %select_n3A_237 {strides = array<i32>} : memref<1x128xi32, #tpu.memory_space<vmem>>, vector<1x128xi32>,
    return
  }
}

module attributes {stable_mosaic.version = 14 : i64} {
  func.func @_p0_body(%arg0: i32, %arg1: memref<1x3x512x512xf32, #tpu.memory_space<vmem>>, %arg2: memref<512x512xf32, #tpu.memory_space<vmem>>, %arg3: memref<512x512xf32, #tpu.memory_space<vmem>>, %arg4: memref<512x512xi32, #tpu.memory_space<vmem>>, %arg5: memref<2xf32, #tpu.memory_space<smem>>) attributes {dimension_semantics = [#tpu.dimension_semantics<arbitrary>], iteration_bounds = array<i64: 16>, scalar_prefetch = 0 : i64, scratch_operands = 1 : i64, tpu.core_type = #tpu.core_type<tc>, window_params = [{transform_indices = @transform_0, window_bounds = array<i64: 1, 3, 512, 512>}, {transform_indices = @transform_1, window_bounds = array<i64: 512, 512>}, {transform_indices = @transform_2, window_bounds = array<i64: 512, 512>}, {transform_indices = @transform_3, window_bounds = array<i64: 512, 512>}]} {
    %get3A = arith.constant 0 : index
    %get3A_0 = arith.constant 0 : index
    %get3A_1 = vector.load %arg2[%get3A, %get3A_0] : memref<512x512xf32, #tpu.memory_space<vmem>>, vector<512x512xf32>
    %lt3A = arith.constant 8 : i32
    %lt3A_2 = arith.cmpi slt, %arg0, %lt3A : i32
    %convert_element_type3A = arith.extui %lt3A_2 : i1 to i32
    %cond3A = arith.constant 0 : i32
    %cond3A_3 = arith.cmpi ne, %convert_element_type3A, %cond3A : i32
    scf.if %cond3A_3 {
      %reduce_min3A = vector.shape_cast %get3A_1 : vector<512x512xf32> to vector<1x512x512xf32>
      %reduce_min3A_8 = arith.constant dense<0x7F800000> : vector<1xf32>
      %reduce_min3A_9 = vector.multi_reduction <minimumf>, %reduce_min3A, %reduce_min3A_8 [1, 2] : vector<1x512x512xf32> to vector<1xf32>
      %reduce_min3A_10 = vector.shape_cast %reduce_min3A_9 : vector<1xf32> to vector<1x1x1xf32>
      %reduce_min3A_11 = vector.extract %reduce_min3A_10[0, 0, 0] : f32 from vector<1x1x1xf32>
      %reduce_max3A = vector.shape_cast %get3A_1 : vector<512x512xf32> to vector<1x512x512xf32>
      %reduce_max3A_12 = arith.constant dense<0xFF800000> : vector<1xf32>
      %reduce_max3A_13 = vector.multi_reduction <maximumf>, %reduce_max3A, %reduce_max3A_12 [1, 2] : vector<1x512x512xf32> to vector<1xf32>
      %reduce_max3A_14 = vector.shape_cast %reduce_max3A_13 : vector<1xf32> to vector<1x1x1xf32>
      %reduce_max3A_15 = vector.extract %reduce_max3A_14[0, 0, 0] : f32 from vector<1x1x1xf32>
      %eq3A = arith.constant 0 : i32
      %eq3A_16 = arith.cmpi eq, %arg0, %eq3A : i32
      %convert_element_type3A_17 = arith.extui %eq3A_16 : i1 to i32
      %cond3A_18 = arith.constant 0 : i32
      %cond3A_19 = arith.cmpi ne, %convert_element_type3A_17, %cond3A_18 : i32
      scf.if %cond3A_19 {
        %swap3A_27 = arith.constant 0 : index
        %swap3A_28 = memref.load %arg5[%swap3A_27] : memref<2xf32, #tpu.memory_space<smem>>
        memref.store %reduce_min3A_11, %arg5[%swap3A_27] : memref<2xf32, #tpu.memory_space<smem>>
        %swap3A_29 = arith.constant 1 : index
        %swap3A_30 = memref.load %arg5[%swap3A_29] : memref<2xf32, #tpu.memory_space<smem>>
        memref.store %reduce_max3A_15, %arg5[%swap3A_29] : memref<2xf32, #tpu.memory_space<smem>>
      } else {
      }
      %get3A_20 = arith.constant 0 : index
      %get3A_21 = memref.load %arg5[%get3A_20] : memref<2xf32, #tpu.memory_space<smem>>
      %min3A = arith.minimumf %get3A_21, %reduce_min3A_11 : f32
      %swap3A = arith.constant 0 : index
      %swap3A_22 = memref.load %arg5[%swap3A] : memref<2xf32, #tpu.memory_space<smem>>
      memref.store %min3A, %arg5[%swap3A] : memref<2xf32, #tpu.memory_space<smem>>
      %get3A_23 = arith.constant 1 : index
      %get3A_24 = memref.load %arg5[%get3A_23] : memref<2xf32, #tpu.memory_space<smem>>
      %max3A = arith.maximumf %get3A_24, %reduce_max3A_15 : f32
      %swap3A_25 = arith.constant 1 : index
      %swap3A_26 = memref.load %arg5[%swap3A_25] : memref<2xf32, #tpu.memory_space<smem>>
      memref.store %max3A, %arg5[%swap3A_25] : memref<2xf32, #tpu.memory_space<smem>>
    } else {
    }
    %ge3A = arith.constant 8 : i32
    %ge3A_4 = arith.cmpi sge, %arg0, %ge3A : i32
    %convert_element_type3A_5 = arith.extui %ge3A_4 : i1 to i32
    %cond3A_6 = arith.constant 0 : i32
    %cond3A_7 = arith.cmpi ne, %convert_element_type3A_5, %cond3A_6 : i32
    scf.if %cond3A_7 {
      %get3A_8 = arith.constant 0 : index
      %get3A_9 = arith.constant 0 : index
      %get3A_10 = arith.constant 0 : index
      %get3A_11 = arith.constant 0 : index
      %get3A_12 = vector.load %arg1[%get3A_8, %get3A_9, %get3A_10, %get3A_11] : memref<1x3x512x512xf32, #tpu.memory_space<vmem>>, vector<1x1x512x512xf32>
      %get3A_13 = vector.shape_cast %get3A_12 : vector<1x1x512x512xf32> to vector<512x512xf32>
      %get3A_14 = arith.constant 0 : index
      %get3A_15 = arith.constant 1 : index
      %get3A_16 = arith.constant 0 : index
      %get3A_17 = arith.constant 0 : index
      %get3A_18 = vector.load %arg1[%get3A_14, %get3A_15, %get3A_16, %get3A_17] : memref<1x3x512x512xf32, #tpu.memory_space<vmem>>, vector<1x1x512x512xf32>
      %get3A_19 = vector.shape_cast %get3A_18 : vector<1x1x512x512xf32> to vector<512x512xf32>
      %get3A_20 = arith.constant 0 : index
      %get3A_21 = arith.constant 2 : index
      %get3A_22 = arith.constant 0 : index
      %get3A_23 = arith.constant 0 : index
      %get3A_24 = vector.load %arg1[%get3A_20, %get3A_21, %get3A_22, %get3A_23] : memref<1x3x512x512xf32, #tpu.memory_space<vmem>>, vector<1x1x512x512xf32>
      %get3A_25 = vector.shape_cast %get3A_24 : vector<1x1x512x512xf32> to vector<512x512xf32>
      %mul3A = arith.constant 2.990000e-01 : f32
      %mul3A_26 = vector.broadcast %mul3A : f32 to vector<512x512xf32>
      %mul3A_27 = arith.mulf %mul3A_26, %get3A_13 : vector<512x512xf32>
      %mul3A_28 = arith.constant 5.870000e-01 : f32
      %mul3A_29 = vector.broadcast %mul3A_28 : f32 to vector<512x512xf32>
      %mul3A_30 = arith.mulf %mul3A_29, %get3A_19 : vector<512x512xf32>
      %add3A = arith.addf %mul3A_27, %mul3A_30 : vector<512x512xf32>
      %mul3A_31 = arith.constant 1.140000e-01 : f32
      %mul3A_32 = vector.broadcast %mul3A_31 : f32 to vector<512x512xf32>
      %mul3A_33 = arith.mulf %mul3A_32, %get3A_25 : vector<512x512xf32>
      %add3A_34 = arith.addf %add3A, %mul3A_33 : vector<512x512xf32>
      %swap3A = arith.constant 0 : index
      %swap3A_35 = arith.constant 0 : index
      %swap3A_36 = vector.load %arg3[%swap3A, %swap3A_35] : memref<512x512xf32, #tpu.memory_space<vmem>>, vector<512x512xf32>
      tpu.vector_store %arg3[%swap3A, %swap3A_35], %add3A_34 {strides = array<i32>} : memref<512x512xf32, #tpu.memory_space<vmem>>, vector<512x512xf32>,
      %get3A_37 = arith.constant 0 : index
      %get3A_38 = memref.load %arg5[%get3A_37] : memref<2xf32, #tpu.memory_space<smem>>
      %get3A_39 = arith.constant 1 : index
      %get3A_40 = memref.load %arg5[%get3A_39] : memref<2xf32, #tpu.memory_space<smem>>
      %sub3A = arith.subf %get3A_40, %get3A_38 : f32
      %broadcast_in_dim3A = arith.constant 0 : i32
      %broadcast_in_dim3A_41 = vector.broadcast %broadcast_in_dim3A : i32 to vector<512x512xi32>
      %mul3A_42 = arith.constant 1.000000e+00 : f32
      %mul3A_43 = arith.mulf %mul3A_42, %sub3A : f32
      %div3A = arith.constant 1.000000e+01 : f32
      %div3A_44 = arith.divf %mul3A_43, %div3A : f32
      %add3A_45 = arith.addf %get3A_38, %div3A_44 : f32
      %ge3A_46 = vector.broadcast %add3A_45 : f32 to vector<512x512xf32>
      %ge3A_47 = arith.cmpf oge, %get3A_1, %ge3A_46 : vector<512x512xf32>
      %add3A_48 = arith.constant 1 : i32
      %add3A_49 = vector.broadcast %add3A_48 : i32 to vector<512x512xi32>
      %add3A_50 = arith.addi %broadcast_in_dim3A_41, %add3A_49 : vector<512x512xi32>
      %select_n3A = arith.select %ge3A_47, %add3A_50, %broadcast_in_dim3A_41 : vector<512x512xi1>, vector<512x512xi32>
      %mul3A_51 = arith.constant 2.000000e+00 : f32
      %mul3A_52 = arith.mulf %mul3A_51, %sub3A : f32
      %div3A_53 = arith.constant 1.000000e+01 : f32
      %div3A_54 = arith.divf %mul3A_52, %div3A_53 : f32
      %add3A_55 = arith.addf %get3A_38, %div3A_54 : f32
      %ge3A_56 = vector.broadcast %add3A_55 : f32 to vector<512x512xf32>
      %ge3A_57 = arith.cmpf oge, %get3A_1, %ge3A_56 : vector<512x512xf32>
      %add3A_58 = arith.constant 1 : i32
      %add3A_59 = vector.broadcast %add3A_58 : i32 to vector<512x512xi32>
      %add3A_60 = arith.addi %select_n3A, %add3A_59 : vector<512x512xi32>
      %select_n3A_61 = arith.select %ge3A_57, %add3A_60, %select_n3A : vector<512x512xi1>, vector<512x512xi32>
      %mul3A_62 = arith.constant 3.000000e+00 : f32
      %mul3A_63 = arith.mulf %mul3A_62, %sub3A : f32
      %div3A_64 = arith.constant 1.000000e+01 : f32
      %div3A_65 = arith.divf %mul3A_63, %div3A_64 : f32
      %add3A_66 = arith.addf %get3A_38, %div3A_65 : f32
      %ge3A_67 = vector.broadcast %add3A_66 : f32 to vector<512x512xf32>
      %ge3A_68 = arith.cmpf oge, %get3A_1, %ge3A_67 : vector<512x512xf32>
      %add3A_69 = arith.constant 1 : i32
      %add3A_70 = vector.broadcast %add3A_69 : i32 to vector<512x512xi32>
      %add3A_71 = arith.addi %select_n3A_61, %add3A_70 : vector<512x512xi32>
      %select_n3A_72 = arith.select %ge3A_68, %add3A_71, %select_n3A_61 : vector<512x512xi1>, vector<512x512xi32>
      %mul3A_73 = arith.constant 4.000000e+00 : f32
      %mul3A_74 = arith.mulf %mul3A_73, %sub3A : f32
      %div3A_75 = arith.constant 1.000000e+01 : f32
      %div3A_76 = arith.divf %mul3A_74, %div3A_75 : f32
      %add3A_77 = arith.addf %get3A_38, %div3A_76 : f32
      %ge3A_78 = vector.broadcast %add3A_77 : f32 to vector<512x512xf32>
      %ge3A_79 = arith.cmpf oge, %get3A_1, %ge3A_78 : vector<512x512xf32>
      %add3A_80 = arith.constant 1 : i32
      %add3A_81 = vector.broadcast %add3A_80 : i32 to vector<512x512xi32>
      %add3A_82 = arith.addi %select_n3A_72, %add3A_81 : vector<512x512xi32>
      %select_n3A_83 = arith.select %ge3A_79, %add3A_82, %select_n3A_72 : vector<512x512xi1>, vector<512x512xi32>
      %mul3A_84 = arith.constant 5.000000e+00 : f32
      %mul3A_85 = arith.mulf %mul3A_84, %sub3A : f32
      %div3A_86 = arith.constant 1.000000e+01 : f32
      %div3A_87 = arith.divf %mul3A_85, %div3A_86 : f32
      %add3A_88 = arith.addf %get3A_38, %div3A_87 : f32
      %ge3A_89 = vector.broadcast %add3A_88 : f32 to vector<512x512xf32>
      %ge3A_90 = arith.cmpf oge, %get3A_1, %ge3A_89 : vector<512x512xf32>
      %add3A_91 = arith.constant 1 : i32
      %add3A_92 = vector.broadcast %add3A_91 : i32 to vector<512x512xi32>
      %add3A_93 = arith.addi %select_n3A_83, %add3A_92 : vector<512x512xi32>
      %select_n3A_94 = arith.select %ge3A_90, %add3A_93, %select_n3A_83 : vector<512x512xi1>, vector<512x512xi32>
      %mul3A_95 = arith.constant 6.000000e+00 : f32
      %mul3A_96 = arith.mulf %mul3A_95, %sub3A : f32
      %div3A_97 = arith.constant 1.000000e+01 : f32
      %div3A_98 = arith.divf %mul3A_96, %div3A_97 : f32
      %add3A_99 = arith.addf %get3A_38, %div3A_98 : f32
      %ge3A_100 = vector.broadcast %add3A_99 : f32 to vector<512x512xf32>
      %ge3A_101 = arith.cmpf oge, %get3A_1, %ge3A_100 : vector<512x512xf32>
      %add3A_102 = arith.constant 1 : i32
      %add3A_103 = vector.broadcast %add3A_102 : i32 to vector<512x512xi32>
      %add3A_104 = arith.addi %select_n3A_94, %add3A_103 : vector<512x512xi32>
      %select_n3A_105 = arith.select %ge3A_101, %add3A_104, %select_n3A_94 : vector<512x512xi1>, vector<512x512xi32>
      %mul3A_106 = arith.constant 7.000000e+00 : f32
      %mul3A_107 = arith.mulf %mul3A_106, %sub3A : f32
      %div3A_108 = arith.constant 1.000000e+01 : f32
      %div3A_109 = arith.divf %mul3A_107, %div3A_108 : f32
      %add3A_110 = arith.addf %get3A_38, %div3A_109 : f32
      %ge3A_111 = vector.broadcast %add3A_110 : f32 to vector<512x512xf32>
      %ge3A_112 = arith.cmpf oge, %get3A_1, %ge3A_111 : vector<512x512xf32>
      %add3A_113 = arith.constant 1 : i32
      %add3A_114 = vector.broadcast %add3A_113 : i32 to vector<512x512xi32>
      %add3A_115 = arith.addi %select_n3A_105, %add3A_114 : vector<512x512xi32>
      %select_n3A_116 = arith.select %ge3A_112, %add3A_115, %select_n3A_105 : vector<512x512xi1>, vector<512x512xi32>
      %mul3A_117 = arith.constant 8.000000e+00 : f32
      %mul3A_118 = arith.mulf %mul3A_117, %sub3A : f32
      %div3A_119 = arith.constant 1.000000e+01 : f32
      %div3A_120 = arith.divf %mul3A_118, %div3A_119 : f32
      %add3A_121 = arith.addf %get3A_38, %div3A_120 : f32
      %ge3A_122 = vector.broadcast %add3A_121 : f32 to vector<512x512xf32>
      %ge3A_123 = arith.cmpf oge, %get3A_1, %ge3A_122 : vector<512x512xf32>
      %add3A_124 = arith.constant 1 : i32
      %add3A_125 = vector.broadcast %add3A_124 : i32 to vector<512x512xi32>
      %add3A_126 = arith.addi %select_n3A_116, %add3A_125 : vector<512x512xi32>
      %select_n3A_127 = arith.select %ge3A_123, %add3A_126, %select_n3A_116 : vector<512x512xi1>, vector<512x512xi32>
      %mul3A_128 = arith.constant 9.000000e+00 : f32
      %mul3A_129 = arith.mulf %mul3A_128, %sub3A : f32
      %div3A_130 = arith.constant 1.000000e+01 : f32
      %div3A_131 = arith.divf %mul3A_129, %div3A_130 : f32
      %add3A_132 = arith.addf %get3A_38, %div3A_131 : f32
      %ge3A_133 = vector.broadcast %add3A_132 : f32 to vector<512x512xf32>
      %ge3A_134 = arith.cmpf oge, %get3A_1, %ge3A_133 : vector<512x512xf32>
      %add3A_135 = arith.constant 1 : i32
      %add3A_136 = vector.broadcast %add3A_135 : i32 to vector<512x512xi32>
      %add3A_137 = arith.addi %select_n3A_127, %add3A_136 : vector<512x512xi32>
      %select_n3A_138 = arith.select %ge3A_134, %add3A_137, %select_n3A_127 : vector<512x512xi1>, vector<512x512xi32>
      %mul3A_139 = arith.constant 1.000000e+01 : f32
      %mul3A_140 = arith.mulf %mul3A_139, %sub3A : f32
      %div3A_141 = arith.constant 1.000000e+01 : f32
      %div3A_142 = arith.divf %mul3A_140, %div3A_141 : f32
      %add3A_143 = arith.addf %get3A_38, %div3A_142 : f32
      %ge3A_144 = vector.broadcast %add3A_143 : f32 to vector<512x512xf32>
      %ge3A_145 = arith.cmpf oge, %get3A_1, %ge3A_144 : vector<512x512xf32>
      %add3A_146 = arith.constant 1 : i32
      %add3A_147 = vector.broadcast %add3A_146 : i32 to vector<512x512xi32>
      %add3A_148 = arith.addi %select_n3A_138, %add3A_147 : vector<512x512xi32>
      %select_n3A_149 = arith.select %ge3A_145, %add3A_148, %select_n3A_138 : vector<512x512xi1>, vector<512x512xi32>
      %bitcast_convert_type3A = tpu.bitcast %add3A_34 : vector<512x512xf32> -> vector<512x512xi32>
      %shift_left3A = arith.constant 27 : i32
      %shift_left3A_150 = vector.broadcast %shift_left3A : i32 to vector<512x512xi32>
      %shift_left3A_151 = arith.shli %select_n3A_149, %shift_left3A_150 : vector<512x512xi32>
      %shift_right_logical3A = arith.constant 3 : i32
      %shift_right_logical3A_152 = vector.broadcast %shift_right_logical3A : i32 to vector<512x512xi32>
      %shift_right_logical3A_153 = arith.shrui %bitcast_convert_type3A, %shift_right_logical3A_152 : vector<512x512xi32>
      %or3A = arith.ori %shift_left3A_151, %shift_right_logical3A_153 : vector<512x512xi32>
      %swap3A_154 = arith.constant 0 : index
      %swap3A_155 = arith.constant 0 : index
      %swap3A_156 = vector.load %arg4[%swap3A_154, %swap3A_155] : memref<512x512xi32, #tpu.memory_space<vmem>>, vector<512x512xi32>
      tpu.vector_store %arg4[%swap3A_154, %swap3A_155], %or3A {strides = array<i32>} : memref<512x512xi32, #tpu.memory_space<vmem>>, vector<512x512xi32>,
    } else {
    }
    return
  }
  func.func @transform_0(%arg0: i32) -> (i32, i32, i32, i32) {
    %sub3A = arith.constant 8 : i32
    %sub3A_0 = arith.subi %arg0, %sub3A : i32
    %max3A = arith.constant 0 : i32
    %max3A_1 = arith.maxsi %sub3A_0, %max3A : i32
    %c0_i32 = arith.constant 0 : i32
    %c0_i32_2 = arith.constant 0 : i32
    %c0_i32_3 = arith.constant 0 : i32
    %c0_i32_4 = arith.constant 0 : i32
    return %max3A_1, %c0_i32, %c0_i32_2, %c0_i32_3 : i32, i32, i32, i32
  }
  func.func @transform_1(%arg0: i32) -> (i32, i32) {
    %rem3A = arith.constant 8 : i32
    %rem3A_0 = arith.remsi %arg0, %rem3A : i32
    %c0_i32 = arith.constant 0 : i32
    %c0_i32_1 = arith.constant 0 : i32
    return %rem3A_0, %c0_i32 : i32, i32
  }
  func.func @transform_2(%arg0: i32) -> (i32, i32) {
    %sub3A = arith.constant 8 : i32
    %sub3A_0 = arith.subi %arg0, %sub3A : i32
    %max3A = arith.constant 0 : i32
    %max3A_1 = arith.maxsi %sub3A_0, %max3A : i32
    %c0_i32 = arith.constant 0 : i32
    %c0_i32_2 = arith.constant 0 : i32
    return %max3A_1, %c0_i32 : i32, i32
  }
  func.func @transform_3(%arg0: i32) -> (i32, i32) {
    %sub3A = arith.constant 8 : i32
    %sub3A_0 = arith.subi %arg0, %sub3A : i32
    %max3A = arith.constant 0 : i32
    %max3A_1 = arith.maxsi %sub3A_0, %max3A : i32
    %c0_i32 = arith.constant 0 : i32
    %c0_i32_2 = arith.constant 0 : i32
    return %max3A_1, %c0_i32 : i32, i32
  }
}

module attributes {stable_mosaic.version = 14 : i64} {
  func.func @_p7_body(%arg0: i32, %arg1: memref<512x256xi32, #tpu.memory_space<vmem>>, %arg2: memref<1x128xi32, #tpu.memory_space<vmem>>, %arg3: memref<1x128xi32, #tpu.memory_space<vmem>>, %arg4: memref<512x512xf32, #tpu.memory_space<vmem>>, %arg5: memref<512x512xi32, #tpu.memory_space<vmem>>, %arg6: memref<512x512xf32, #tpu.memory_space<vmem>>, %arg7: memref<8x128xf32, #tpu.memory_space<vmem>>, %arg8: memref<1x128xf32, #tpu.memory_space<vmem>>, %arg9: memref<1xf32, #tpu.memory_space<smem>>) attributes {dimension_semantics = [#tpu.dimension_semantics<arbitrary>], iteration_bounds = array<i64: 8>, scalar_prefetch = 0 : i64, scratch_operands = 2 : i64, tpu.core_type = #tpu.core_type<tc>, window_params = [{pipeline_mode = #tpu.pipeline_mode<synchronous>, transform_indices = @transform_0, window_bounds = array<i64: 512, 256>}, {pipeline_mode = #tpu.pipeline_mode<synchronous>, transform_indices = @transform_1, window_bounds = array<i64: 1, 128>}, {pipeline_mode = #tpu.pipeline_mode<synchronous>, transform_indices = @transform_2, window_bounds = array<i64: 1, 128>}, {transform_indices = @transform_3, window_bounds = array<i64: 512, 512>}, {transform_indices = @transform_4, window_bounds = array<i64: 512, 512>}, {transform_indices = @transform_5, window_bounds = array<i64: 512, 512>}, {pipeline_mode = #tpu.pipeline_mode<synchronous>, transform_indices = @transform_6, window_bounds = array<i64: 8, 128>}]} {
    %eq3A = arith.constant 0 : i32
    %eq3A_0 = arith.cmpi eq, %arg0, %eq3A : i32
    %convert_element_type3A = arith.extui %eq3A_0 : i1 to i32
    %cond3A = arith.constant 0 : i32
    %cond3A_1 = arith.cmpi ne, %convert_element_type3A, %cond3A : i32
    scf.if %cond3A_1 {
      %get3A_104 = arith.constant 0 : index
      %get3A_105 = arith.constant 0 : index
      %get3A_106 = vector.load %arg1[%get3A_104, %get3A_105] : memref<512x256xi32, #tpu.memory_space<vmem>>, vector<11x256xi32>
      %get3A_107 = arith.constant 16 : index
      %get3A_108 = arith.constant 0 : index
      %get3A_109 = vector.load %arg1[%get3A_107, %get3A_108] : memref<512x256xi32, #tpu.memory_space<vmem>>, vector<11x256xi32>
      %add3A_110 = arith.addi %get3A_106, %get3A_109 : vector<11x256xi32>
      %get3A_111 = arith.constant 32 : index
      %get3A_112 = arith.constant 0 : index
      %get3A_113 = vector.load %arg1[%get3A_111, %get3A_112] : memref<512x256xi32, #tpu.memory_space<vmem>>, vector<11x256xi32>
      %add3A_114 = arith.addi %add3A_110, %get3A_113 : vector<11x256xi32>
      %get3A_115 = arith.constant 48 : index
      %get3A_116 = arith.constant 0 : index
      %get3A_117 = vector.load %arg1[%get3A_115, %get3A_116] : memref<512x256xi32, #tpu.memory_space<vmem>>, vector<11x256xi32>
      %add3A_118 = arith.addi %add3A_114, %get3A_117 : vector<11x256xi32>
      %get3A_119 = arith.constant 64 : index
      %get3A_120 = arith.constant 0 : index
      %get3A_121 = vector.load %arg1[%get3A_119, %get3A_120] : memref<512x256xi32, #tpu.memory_space<vmem>>, vector<11x256xi32>
      %add3A_122 = arith.addi %add3A_118, %get3A_121 : vector<11x256xi32>
      %get3A_123 = arith.constant 80 : index
      %get3A_124 = arith.constant 0 : index
      %get3A_125 = vector.load %arg1[%get3A_123, %get3A_124] : memref<512x256xi32, #tpu.memory_space<vmem>>, vector<11x256xi32>
      %add3A_126 = arith.addi %add3A_122, %get3A_125 : vector<11x256xi32>
      %get3A_127 = arith.constant 96 : index
      %get3A_128 = arith.constant 0 : index
      %get3A_129 = vector.load %arg1[%get3A_127, %get3A_128] : memref<512x256xi32, #tpu.memory_space<vmem>>, vector<11x256xi32>
      %add3A_130 = arith.addi %add3A_126, %get3A_129 : vector<11x256xi32>
      %get3A_131 = arith.constant 112 : index
      %get3A_132 = arith.constant 0 : index
      %get3A_133 = vector.load %arg1[%get3A_131, %get3A_132] : memref<512x256xi32, #tpu.memory_space<vmem>>, vector<11x256xi32>
      %add3A_134 = arith.addi %add3A_130, %get3A_133 : vector<11x256xi32>
      %get3A_135 = arith.constant 128 : index
      %get3A_136 = arith.constant 0 : index
      %get3A_137 = vector.load %arg1[%get3A_135, %get3A_136] : memref<512x256xi32, #tpu.memory_space<vmem>>, vector<11x256xi32>
      %add3A_138 = arith.addi %add3A_134, %get3A_137 : vector<11x256xi32>
      %get3A_139 = arith.constant 144 : index
      %get3A_140 = arith.constant 0 : index
      %get3A_141 = vector.load %arg1[%get3A_139, %get3A_140] : memref<512x256xi32, #tpu.memory_space<vmem>>, vector<11x256xi32>
      %add3A_142 = arith.addi %add3A_138, %get3A_141 : vector<11x256xi32>
      %get3A_143 = arith.constant 160 : index
      %get3A_144 = arith.constant 0 : index
      %get3A_145 = vector.load %arg1[%get3A_143, %get3A_144] : memref<512x256xi32, #tpu.memory_space<vmem>>, vector<11x256xi32>
      %add3A_146 = arith.addi %add3A_142, %get3A_145 : vector<11x256xi32>
      %get3A_147 = arith.constant 176 : index
      %get3A_148 = arith.constant 0 : index
      %get3A_149 = vector.load %arg1[%get3A_147, %get3A_148] : memref<512x256xi32, #tpu.memory_space<vmem>>, vector<11x256xi32>
      %add3A_150 = arith.addi %add3A_146, %get3A_149 : vector<11x256xi32>
      %get3A_151 = arith.constant 192 : index
      %get3A_152 = arith.constant 0 : index
      %get3A_153 = vector.load %arg1[%get3A_151, %get3A_152] : memref<512x256xi32, #tpu.memory_space<vmem>>, vector<11x256xi32>
      %add3A_154 = arith.addi %add3A_150, %get3A_153 : vector<11x256xi32>
      %get3A_155 = arith.constant 208 : index
      %get3A_156 = arith.constant 0 : index
      %get3A_157 = vector.load %arg1[%get3A_155, %get3A_156] : memref<512x256xi32, #tpu.memory_space<vmem>>, vector<11x256xi32>
      %add3A_158 = arith.addi %add3A_154, %get3A_157 : vector<11x256xi32>
      %get3A_159 = arith.constant 224 : index
      %get3A_160 = arith.constant 0 : index
      %get3A_161 = vector.load %arg1[%get3A_159, %get3A_160] : memref<512x256xi32, #tpu.memory_space<vmem>>, vector<11x256xi32>
      %add3A_162 = arith.addi %add3A_158, %get3A_161 : vector<11x256xi32>
      %get3A_163 = arith.constant 240 : index
      %get3A_164 = arith.constant 0 : index
      %get3A_165 = vector.load %arg1[%get3A_163, %get3A_164] : memref<512x256xi32, #tpu.memory_space<vmem>>, vector<11x256xi32>
      %add3A_166 = arith.addi %add3A_162, %get3A_165 : vector<11x256xi32>
      %get3A_167 = arith.constant 256 : index
      %get3A_168 = arith.constant 0 : index
      %get3A_169 = vector.load %arg1[%get3A_167, %get3A_168] : memref<512x256xi32, #tpu.memory_space<vmem>>, vector<11x256xi32>
      %add3A_170 = arith.addi %add3A_166, %get3A_169 : vector<11x256xi32>
      %get3A_171 = arith.constant 272 : index
      %get3A_172 = arith.constant 0 : index
      %get3A_173 = vector.load %arg1[%get3A_171, %get3A_172] : memref<512x256xi32, #tpu.memory_space<vmem>>, vector<11x256xi32>
      %add3A_174 = arith.addi %add3A_170, %get3A_173 : vector<11x256xi32>
      %get3A_175 = arith.constant 288 : index
      %get3A_176 = arith.constant 0 : index
      %get3A_177 = vector.load %arg1[%get3A_175, %get3A_176] : memref<512x256xi32, #tpu.memory_space<vmem>>, vector<11x256xi32>
      %add3A_178 = arith.addi %add3A_174, %get3A_177 : vector<11x256xi32>
      %get3A_179 = arith.constant 304 : index
      %get3A_180 = arith.constant 0 : index
      %get3A_181 = vector.load %arg1[%get3A_179, %get3A_180] : memref<512x256xi32, #tpu.memory_space<vmem>>, vector<11x256xi32>
      %add3A_182 = arith.addi %add3A_178, %get3A_181 : vector<11x256xi32>
      %get3A_183 = arith.constant 320 : index
      %get3A_184 = arith.constant 0 : index
      %get3A_185 = vector.load %arg1[%get3A_183, %get3A_184] : memref<512x256xi32, #tpu.memory_space<vmem>>, vector<11x256xi32>
      %add3A_186 = arith.addi %add3A_182, %get3A_185 : vector<11x256xi32>
      %get3A_187 = arith.constant 336 : index
      %get3A_188 = arith.constant 0 : index
      %get3A_189 = vector.load %arg1[%get3A_187, %get3A_188] : memref<512x256xi32, #tpu.memory_space<vmem>>, vector<11x256xi32>
      %add3A_190 = arith.addi %add3A_186, %get3A_189 : vector<11x256xi32>
      %get3A_191 = arith.constant 352 : index
      %get3A_192 = arith.constant 0 : index
      %get3A_193 = vector.load %arg1[%get3A_191, %get3A_192] : memref<512x256xi32, #tpu.memory_space<vmem>>, vector<11x256xi32>
      %add3A_194 = arith.addi %add3A_190, %get3A_193 : vector<11x256xi32>
      %get3A_195 = arith.constant 368 : index
      %get3A_196 = arith.constant 0 : index
      %get3A_197 = vector.load %arg1[%get3A_195, %get3A_196] : memref<512x256xi32, #tpu.memory_space<vmem>>, vector<11x256xi32>
      %add3A_198 = arith.addi %add3A_194, %get3A_197 : vector<11x256xi32>
      %get3A_199 = arith.constant 384 : index
      %get3A_200 = arith.constant 0 : index
      %get3A_201 = vector.load %arg1[%get3A_199, %get3A_200] : memref<512x256xi32, #tpu.memory_space<vmem>>, vector<11x256xi32>
      %add3A_202 = arith.addi %add3A_198, %get3A_201 : vector<11x256xi32>
      %get3A_203 = arith.constant 400 : index
      %get3A_204 = arith.constant 0 : index
      %get3A_205 = vector.load %arg1[%get3A_203, %get3A_204] : memref<512x256xi32, #tpu.memory_space<vmem>>, vector<11x256xi32>
      %add3A_206 = arith.addi %add3A_202, %get3A_205 : vector<11x256xi32>
      %get3A_207 = arith.constant 416 : index
      %get3A_208 = arith.constant 0 : index
      %get3A_209 = vector.load %arg1[%get3A_207, %get3A_208] : memref<512x256xi32, #tpu.memory_space<vmem>>, vector<11x256xi32>
      %add3A_210 = arith.addi %add3A_206, %get3A_209 : vector<11x256xi32>
      %get3A_211 = arith.constant 432 : index
      %get3A_212 = arith.constant 0 : index
      %get3A_213 = vector.load %arg1[%get3A_211, %get3A_212] : memref<512x256xi32, #tpu.memory_space<vmem>>, vector<11x256xi32>
      %add3A_214 = arith.addi %add3A_210, %get3A_213 : vector<11x256xi32>
      %get3A_215 = arith.constant 448 : index
      %get3A_216 = arith.constant 0 : index
      %get3A_217 = vector.load %arg1[%get3A_215, %get3A_216] : memref<512x256xi32, #tpu.memory_space<vmem>>, vector<11x256xi32>
      %add3A_218 = arith.addi %add3A_214, %get3A_217 : vector<11x256xi32>
      %get3A_219 = arith.constant 464 : index
      %get3A_220 = arith.constant 0 : index
      %get3A_221 = vector.load %arg1[%get3A_219, %get3A_220] : memref<512x256xi32, #tpu.memory_space<vmem>>, vector<11x256xi32>
      %add3A_222 = arith.addi %add3A_218, %get3A_221 : vector<11x256xi32>
      %get3A_223 = arith.constant 480 : index
      %get3A_224 = arith.constant 0 : index
      %get3A_225 = vector.load %arg1[%get3A_223, %get3A_224] : memref<512x256xi32, #tpu.memory_space<vmem>>, vector<11x256xi32>
      %add3A_226 = arith.addi %add3A_222, %get3A_225 : vector<11x256xi32>
      %get3A_227 = arith.constant 496 : index
      %get3A_228 = arith.constant 0 : index
      %get3A_229 = vector.load %arg1[%get3A_227, %get3A_228] : memref<512x256xi32, #tpu.memory_space<vmem>>, vector<11x256xi32>
      %add3A_230 = arith.addi %add3A_226, %get3A_229 : vector<11x256xi32>
      %get3A_231 = arith.constant 0 : index
      %get3A_232 = arith.constant 0 : index
      %get3A_233 = vector.load %arg2[%get3A_231, %get3A_232] : memref<1x128xi32, #tpu.memory_space<vmem>>, vector<1x128xi32>
      %iota3A = tpu.iota {dimensions = array<i32: 0>} : vector<11x128xi32>
      %iota3A_234 = tpu.iota {dimensions = array<i32: 1>} : vector<11x128xi32>
      %eq3A_235 = arith.cmpi eq, %iota3A, %iota3A_234 : vector<11x128xi32>
      %broadcast_in_dim3A_236 = vector.shape_cast %get3A_233 : vector<1x128xi32> to vector<1x128xi32>
      %broadcast_in_dim3A_237 = vector.broadcast %broadcast_in_dim3A_236 : vector<1x128xi32> to vector<11x128xi32>
      %broadcast_in_dim3A_238 = arith.constant 0 : i32
      %broadcast_in_dim3A_239 = vector.broadcast %broadcast_in_dim3A_238 : i32 to vector<11x128xi32>
      %select_n3A_240 = arith.select %eq3A_235, %broadcast_in_dim3A_237, %broadcast_in_dim3A_239 : vector<11x128xi1>, vector<11x128xi32>
      %reduce_sum3A_241 = arith.constant dense<0> : vector<11xi32>
      %reduce_sum3A_242 = vector.multi_reduction <add>, %select_n3A_240, %reduce_sum3A_241 [1] : vector<11x128xi32> to vector<11xi32>
      %broadcast_in_dim3A_243 = vector.shape_cast %reduce_sum3A_242 : vector<11xi32> to vector<11x1xi32>
      %get3A_244 = arith.constant 0 : index
      %get3A_245 = arith.constant 0 : index
      %get3A_246 = vector.load %arg3[%get3A_244, %get3A_245] : memref<1x128xi32, #tpu.memory_space<vmem>>, vector<1x128xi32>
      %iota3A_247 = tpu.iota {dimensions = array<i32: 0>} : vector<11x128xi32>
      %iota3A_248 = tpu.iota {dimensions = array<i32: 1>} : vector<11x128xi32>
      %eq3A_249 = arith.cmpi eq, %iota3A_247, %iota3A_248 : vector<11x128xi32>
      %broadcast_in_dim3A_250 = vector.shape_cast %get3A_246 : vector<1x128xi32> to vector<1x128xi32>
      %broadcast_in_dim3A_251 = vector.broadcast %broadcast_in_dim3A_250 : vector<1x128xi32> to vector<11x128xi32>
      %broadcast_in_dim3A_252 = arith.constant 0 : i32
      %broadcast_in_dim3A_253 = vector.broadcast %broadcast_in_dim3A_252 : i32 to vector<11x128xi32>
      %select_n3A_254 = arith.select %eq3A_249, %broadcast_in_dim3A_251, %broadcast_in_dim3A_253 : vector<11x128xi1>, vector<11x128xi32>
      %reduce_sum3A_255 = arith.constant dense<0> : vector<11xi32>
      %reduce_sum3A_256 = vector.multi_reduction <add>, %select_n3A_254, %reduce_sum3A_255 [1] : vector<11x128xi32> to vector<11xi32>
      %broadcast_in_dim3A_257 = vector.shape_cast %reduce_sum3A_256 : vector<11xi32> to vector<11x1xi32>
      %broadcast_in_dim3A_258 = arith.constant 0 : i32
      %broadcast_in_dim3A_259 = vector.broadcast %broadcast_in_dim3A_258 : i32 to vector<11x1xi32>
      %slice3A_260 = vector.extract_strided_slice %add3A_230 {offsets = [0, 0], sizes = [11, 255], strides = [1, 1]} : vector<11x256xi32> to vector<11x255xi32>
      %concatenate3A = tpu.concatenate %broadcast_in_dim3A_259, %slice3A_260 in 1 : vector<11x1xi32>, vector<11x255xi32> -> vector<11x256xi32>
      %add3A_261 = arith.addi %add3A_230, %concatenate3A : vector<11x256xi32>
      %broadcast_in_dim3A_262 = arith.constant 0 : i32
      %broadcast_in_dim3A_263 = vector.broadcast %broadcast_in_dim3A_262 : i32 to vector<11x2xi32>
      %slice3A_264 = vector.extract_strided_slice %add3A_261 {offsets = [0, 0], sizes = [11, 254], strides = [1, 1]} : vector<11x256xi32> to vector<11x254xi32>
      %concatenate3A_265 = tpu.concatenate %broadcast_in_dim3A_263, %slice3A_264 in 1 : vector<11x2xi32>, vector<11x254xi32> -> vector<11x256xi32>
      %add3A_266 = arith.addi %add3A_261, %concatenate3A_265 : vector<11x256xi32>
      %broadcast_in_dim3A_267 = arith.constant 0 : i32
      %broadcast_in_dim3A_268 = vector.broadcast %broadcast_in_dim3A_267 : i32 to vector<11x4xi32>
      %slice3A_269 = vector.extract_strided_slice %add3A_266 {offsets = [0, 0], sizes = [11, 252], strides = [1, 1]} : vector<11x256xi32> to vector<11x252xi32>
      %concatenate3A_270 = tpu.concatenate %broadcast_in_dim3A_268, %slice3A_269 in 1 : vector<11x4xi32>, vector<11x252xi32> -> vector<11x256xi32>
      %add3A_271 = arith.addi %add3A_266, %concatenate3A_270 : vector<11x256xi32>
      %broadcast_in_dim3A_272 = arith.constant 0 : i32
      %broadcast_in_dim3A_273 = vector.broadcast %broadcast_in_dim3A_272 : i32 to vector<11x8xi32>
      %slice3A_274 = vector.extract_strided_slice %add3A_271 {offsets = [0, 0], sizes = [11, 248], strides = [1, 1]} : vector<11x256xi32> to vector<11x248xi32>
      %concatenate3A_275 = tpu.concatenate %broadcast_in_dim3A_273, %slice3A_274 in 1 : vector<11x8xi32>, vector<11x248xi32> -> vector<11x256xi32>
      %add3A_276 = arith.addi %add3A_271, %concatenate3A_275 : vector<11x256xi32>
      %broadcast_in_dim3A_277 = arith.constant 0 : i32
      %broadcast_in_dim3A_278 = vector.broadcast %broadcast_in_dim3A_277 : i32 to vector<11x16xi32>
      %slice3A_279 = vector.extract_strided_slice %add3A_276 {offsets = [0, 0], sizes = [11, 240], strides = [1, 1]} : vector<11x256xi32> to vector<11x240xi32>
      %concatenate3A_280 = tpu.concatenate %broadcast_in_dim3A_278, %slice3A_279 in 1 : vector<11x16xi32>, vector<11x240xi32> -> vector<11x256xi32>
      %add3A_281 = arith.addi %add3A_276, %concatenate3A_280 : vector<11x256xi32>
      %broadcast_in_dim3A_282 = arith.constant 0 : i32
      %broadcast_in_dim3A_283 = vector.broadcast %broadcast_in_dim3A_282 : i32 to vector<11x32xi32>
      %slice3A_284 = vector.extract_strided_slice %add3A_281 {offsets = [0, 0], sizes = [11, 224], strides = [1, 1]} : vector<11x256xi32> to vector<11x224xi32>
      %concatenate3A_285 = tpu.concatenate %broadcast_in_dim3A_283, %slice3A_284 in 1 : vector<11x32xi32>, vector<11x224xi32> -> vector<11x256xi32>
      %add3A_286 = arith.addi %add3A_281, %concatenate3A_285 : vector<11x256xi32>
      %broadcast_in_dim3A_287 = arith.constant 0 : i32
      %broadcast_in_dim3A_288 = vector.broadcast %broadcast_in_dim3A_287 : i32 to vector<11x64xi32>
      %slice3A_289 = vector.extract_strided_slice %add3A_286 {offsets = [0, 0], sizes = [11, 192], strides = [1, 1]} : vector<11x256xi32> to vector<11x192xi32>
      %concatenate3A_290 = tpu.concatenate %broadcast_in_dim3A_288, %slice3A_289 in 1 : vector<11x64xi32>, vector<11x192xi32> -> vector<11x256xi32>
      %add3A_291 = arith.addi %add3A_286, %concatenate3A_290 : vector<11x256xi32>
      %broadcast_in_dim3A_292 = arith.constant 0 : i32
      %broadcast_in_dim3A_293 = vector.broadcast %broadcast_in_dim3A_292 : i32 to vector<11x128xi32>
      %slice3A_294 = vector.extract_strided_slice %add3A_291 {offsets = [0, 0], sizes = [11, 128], strides = [1, 1]} : vector<11x256xi32> to vector<11x128xi32>
      %concatenate3A_295 = tpu.concatenate %broadcast_in_dim3A_293, %slice3A_294 in 1 : vector<11x128xi32>, vector<11x128xi32> -> vector<11x256xi32>
      %add3A_296 = arith.addi %add3A_291, %concatenate3A_295 : vector<11x256xi32>
      %le3A_297 = vector.broadcast %broadcast_in_dim3A_257 : vector<11x1xi32> to vector<11x256xi32>
      %le3A_298 = arith.cmpi sle, %add3A_296, %le3A_297 : vector<11x256xi32>
      %convert_element_type3A_299 = arith.extui %le3A_298 : vector<11x256xi1> to vector<11x256xi32>
      %reduce_sum3A_300 = arith.constant dense<0> : vector<11xi32>
      %reduce_sum3A_301 = vector.multi_reduction <add>, %convert_element_type3A_299, %reduce_sum3A_300 [1] : vector<11x256xi32> to vector<11xi32>
      %broadcast_in_dim3A_302 = vector.shape_cast %reduce_sum3A_301 : vector<11xi32> to vector<11x1xi32>
      %min3A = arith.constant 255 : i32
      %min3A_303 = vector.broadcast %min3A : i32 to vector<11x1xi32>
      %min3A_304 = arith.minsi %broadcast_in_dim3A_302, %min3A_303 : vector<11x1xi32>
      %shift_left3A = arith.constant 8 : i32
      %shift_left3A_305 = vector.broadcast %shift_left3A : i32 to vector<11x1xi32>
      %shift_left3A_306 = arith.shli %broadcast_in_dim3A_243, %shift_left3A_305 : vector<11x1xi32>
      %or3A = arith.ori %shift_left3A_306, %min3A_304 : vector<11x1xi32>
      %bitcast_convert_type3A = tpu.bitcast %or3A : vector<11x1xi32> -> vector<11x1xf32>
      %iota3A_307 = tpu.iota {dimensions = array<i32: 0>} : vector<11x128xi32>
      %iota3A_308 = tpu.iota {dimensions = array<i32: 1>} : vector<11x128xi32>
      %eq3A_309 = arith.cmpi eq, %iota3A_307, %iota3A_308 : vector<11x128xi32>
      %broadcast_in_dim3A_310 = vector.shape_cast %bitcast_convert_type3A : vector<11x1xf32> to vector<11x1xf32>
      %broadcast_in_dim3A_311 = vector.broadcast %broadcast_in_dim3A_310 : vector<11x1xf32> to vector<11x128xf32>
      %broadcast_in_dim3A_312 = arith.constant 0.000000e+00 : f32
      %broadcast_in_dim3A_313 = vector.broadcast %broadcast_in_dim3A_312 : f32 to vector<11x128xf32>
      %select_n3A_314 = arith.select %eq3A_309, %broadcast_in_dim3A_311, %broadcast_in_dim3A_313 : vector<11x128xi1>, vector<11x128xf32>
      %reduce_sum3A_315 = arith.constant dense<0.000000e+00> : vector<128xf32>
      %reduce_sum3A_316 = vector.multi_reduction <add>, %select_n3A_314, %reduce_sum3A_315 [0] : vector<11x128xf32> to vector<128xf32>
      %broadcast_in_dim3A_317 = vector.shape_cast %reduce_sum3A_316 : vector<128xf32> to vector<1x128xf32>
      %iota3A_318 = tpu.iota {dimensions = array<i32: 1>} : vector<1x128xi32>
      %ge3A = arith.constant 10 : i32
      %ge3A_319 = vector.broadcast %ge3A : i32 to vector<1x128xi32>
      %ge3A_320 = arith.cmpi sge, %iota3A_318, %ge3A_319 : vector<1x128xi32>
      %jit3A_321 = arith.constant -1.000000e+00 : f32
      %broadcast_in_dim3A_322 = vector.broadcast %jit3A_321 : f32 to vector<1x128xf32>
      %select_n3A_323 = arith.select %ge3A_320, %broadcast_in_dim3A_322, %broadcast_in_dim3A_317 : vector<1x128xi1>, vector<1x128xf32>
      %swap3A_324 = arith.constant 0 : index
      %swap3A_325 = arith.constant 0 : index
      %swap3A_326 = vector.load %arg8[%swap3A_324, %swap3A_325] : memref<1x128xf32, #tpu.memory_space<vmem>>, vector<1x128xf32>
      tpu.vector_store %arg8[%swap3A_324, %swap3A_325], %select_n3A_323 {strides = array<i32>} : memref<1x128xf32, #tpu.memory_space<vmem>>, vector<1x128xf32>,
      %swap3A_327 = arith.constant 0.000000e+00 : f32
      %swap3A_328 = arith.constant 0 : index
      %swap3A_329 = memref.load %arg9[%swap3A_328] : memref<1xf32, #tpu.memory_space<smem>>
      memref.store %swap3A_327, %arg9[%swap3A_328] : memref<1xf32, #tpu.memory_space<smem>>
    } else {
    }
    %get3A = arith.constant 0 : index
    %get3A_2 = arith.constant 0 : index
    %get3A_3 = vector.load %arg8[%get3A, %get3A_2] : memref<1x128xf32, #tpu.memory_space<vmem>>, vector<1x128xf32>
    %get3A_4 = arith.constant 0 : index
    %get3A_5 = arith.constant 0 : index
    %get3A_6 = vector.load %arg4[%get3A_4, %get3A_5] : memref<512x512xf32, #tpu.memory_space<vmem>>, vector<512x512xf32>
    %get3A_7 = arith.constant 0 : index
    %get3A_8 = arith.constant 0 : index
    %get3A_9 = vector.load %arg5[%get3A_7, %get3A_8] : memref<512x512xi32, #tpu.memory_space<vmem>>, vector<512x512xi32>
    %shift_right_logical3A = arith.constant 27 : i32
    %shift_right_logical3A_10 = vector.broadcast %shift_right_logical3A : i32 to vector<512x512xi32>
    %shift_right_logical3A_11 = arith.shrui %get3A_9, %shift_right_logical3A_10 : vector<512x512xi32>
    %broadcast_in_dim3A = arith.constant -1.000000e+00 : f32
    %broadcast_in_dim3A_12 = vector.broadcast %broadcast_in_dim3A : f32 to vector<512x512xf32>
    %eq3A_13 = arith.constant 0 : i32
    %eq3A_14 = vector.broadcast %eq3A_13 : i32 to vector<512x512xi32>
    %eq3A_15 = arith.cmpi eq, %shift_right_logical3A_11, %eq3A_14 : vector<512x512xi32>
    %slice3A = vector.extract_strided_slice %get3A_3 {offsets = [0, 0], sizes = [1, 1], strides = [1, 1]} : vector<1x128xf32> to vector<1x1xf32>
    %squeeze3A = vector.extract %slice3A[0, 0] : f32 from vector<1x1xf32>
    %broadcast_in_dim3A_16 = vector.broadcast %squeeze3A : f32 to vector<512x512xf32>
    %select_n3A = arith.select %eq3A_15, %broadcast_in_dim3A_16, %broadcast_in_dim3A_12 : vector<512x512xi1>, vector<512x512xf32>
    %eq3A_17 = arith.constant 1 : i32
    %eq3A_18 = vector.broadcast %eq3A_17 : i32 to vector<512x512xi32>
    %eq3A_19 = arith.cmpi eq, %shift_right_logical3A_11, %eq3A_18 : vector<512x512xi32>
    %slice3A_20 = vector.extract_strided_slice %get3A_3 {offsets = [0, 1], sizes = [1, 1], strides = [1, 1]} : vector<1x128xf32> to vector<1x1xf32>
    %squeeze3A_21 = vector.extract %slice3A_20[0, 0] : f32 from vector<1x1xf32>
    %broadcast_in_dim3A_22 = vector.broadcast %squeeze3A_21 : f32 to vector<512x512xf32>
    %select_n3A_23 = arith.select %eq3A_19, %broadcast_in_dim3A_22, %select_n3A : vector<512x512xi1>, vector<512x512xf32>
    %eq3A_24 = arith.constant 2 : i32
    %eq3A_25 = vector.broadcast %eq3A_24 : i32 to vector<512x512xi32>
    %eq3A_26 = arith.cmpi eq, %shift_right_logical3A_11, %eq3A_25 : vector<512x512xi32>
    %slice3A_27 = vector.extract_strided_slice %get3A_3 {offsets = [0, 2], sizes = [1, 1], strides = [1, 1]} : vector<1x128xf32> to vector<1x1xf32>
    %squeeze3A_28 = vector.extract %slice3A_27[0, 0] : f32 from vector<1x1xf32>
    %broadcast_in_dim3A_29 = vector.broadcast %squeeze3A_28 : f32 to vector<512x512xf32>
    %select_n3A_30 = arith.select %eq3A_26, %broadcast_in_dim3A_29, %select_n3A_23 : vector<512x512xi1>, vector<512x512xf32>
    %eq3A_31 = arith.constant 3 : i32
    %eq3A_32 = vector.broadcast %eq3A_31 : i32 to vector<512x512xi32>
    %eq3A_33 = arith.cmpi eq, %shift_right_logical3A_11, %eq3A_32 : vector<512x512xi32>
    %slice3A_34 = vector.extract_strided_slice %get3A_3 {offsets = [0, 3], sizes = [1, 1], strides = [1, 1]} : vector<1x128xf32> to vector<1x1xf32>
    %squeeze3A_35 = vector.extract %slice3A_34[0, 0] : f32 from vector<1x1xf32>
    %broadcast_in_dim3A_36 = vector.broadcast %squeeze3A_35 : f32 to vector<512x512xf32>
    %select_n3A_37 = arith.select %eq3A_33, %broadcast_in_dim3A_36, %select_n3A_30 : vector<512x512xi1>, vector<512x512xf32>
    %eq3A_38 = arith.constant 4 : i32
    %eq3A_39 = vector.broadcast %eq3A_38 : i32 to vector<512x512xi32>
    %eq3A_40 = arith.cmpi eq, %shift_right_logical3A_11, %eq3A_39 : vector<512x512xi32>
    %slice3A_41 = vector.extract_strided_slice %get3A_3 {offsets = [0, 4], sizes = [1, 1], strides = [1, 1]} : vector<1x128xf32> to vector<1x1xf32>
    %squeeze3A_42 = vector.extract %slice3A_41[0, 0] : f32 from vector<1x1xf32>
    %broadcast_in_dim3A_43 = vector.broadcast %squeeze3A_42 : f32 to vector<512x512xf32>
    %select_n3A_44 = arith.select %eq3A_40, %broadcast_in_dim3A_43, %select_n3A_37 : vector<512x512xi1>, vector<512x512xf32>
    %eq3A_45 = arith.constant 5 : i32
    %eq3A_46 = vector.broadcast %eq3A_45 : i32 to vector<512x512xi32>
    %eq3A_47 = arith.cmpi eq, %shift_right_logical3A_11, %eq3A_46 : vector<512x512xi32>
    %slice3A_48 = vector.extract_strided_slice %get3A_3 {offsets = [0, 5], sizes = [1, 1], strides = [1, 1]} : vector<1x128xf32> to vector<1x1xf32>
    %squeeze3A_49 = vector.extract %slice3A_48[0, 0] : f32 from vector<1x1xf32>
    %broadcast_in_dim3A_50 = vector.broadcast %squeeze3A_49 : f32 to vector<512x512xf32>
    %select_n3A_51 = arith.select %eq3A_47, %broadcast_in_dim3A_50, %select_n3A_44 : vector<512x512xi1>, vector<512x512xf32>
    %eq3A_52 = arith.constant 6 : i32
    %eq3A_53 = vector.broadcast %eq3A_52 : i32 to vector<512x512xi32>
    %eq3A_54 = arith.cmpi eq, %shift_right_logical3A_11, %eq3A_53 : vector<512x512xi32>
    %slice3A_55 = vector.extract_strided_slice %get3A_3 {offsets = [0, 6], sizes = [1, 1], strides = [1, 1]} : vector<1x128xf32> to vector<1x1xf32>
    %squeeze3A_56 = vector.extract %slice3A_55[0, 0] : f32 from vector<1x1xf32>
    %broadcast_in_dim3A_57 = vector.broadcast %squeeze3A_56 : f32 to vector<512x512xf32>
    %select_n3A_58 = arith.select %eq3A_54, %broadcast_in_dim3A_57, %select_n3A_51 : vector<512x512xi1>, vector<512x512xf32>
    %eq3A_59 = arith.constant 7 : i32
    %eq3A_60 = vector.broadcast %eq3A_59 : i32 to vector<512x512xi32>
    %eq3A_61 = arith.cmpi eq, %shift_right_logical3A_11, %eq3A_60 : vector<512x512xi32>
    %slice3A_62 = vector.extract_strided_slice %get3A_3 {offsets = [0, 7], sizes = [1, 1], strides = [1, 1]} : vector<1x128xf32> to vector<1x1xf32>
    %squeeze3A_63 = vector.extract %slice3A_62[0, 0] : f32 from vector<1x1xf32>
    %broadcast_in_dim3A_64 = vector.broadcast %squeeze3A_63 : f32 to vector<512x512xf32>
    %select_n3A_65 = arith.select %eq3A_61, %broadcast_in_dim3A_64, %select_n3A_58 : vector<512x512xi1>, vector<512x512xf32>
    %eq3A_66 = arith.constant 8 : i32
    %eq3A_67 = vector.broadcast %eq3A_66 : i32 to vector<512x512xi32>
    %eq3A_68 = arith.cmpi eq, %shift_right_logical3A_11, %eq3A_67 : vector<512x512xi32>
    %slice3A_69 = vector.extract_strided_slice %get3A_3 {offsets = [0, 8], sizes = [1, 1], strides = [1, 1]} : vector<1x128xf32> to vector<1x1xf32>
    %squeeze3A_70 = vector.extract %slice3A_69[0, 0] : f32 from vector<1x1xf32>
    %broadcast_in_dim3A_71 = vector.broadcast %squeeze3A_70 : f32 to vector<512x512xf32>
    %select_n3A_72 = arith.select %eq3A_68, %broadcast_in_dim3A_71, %select_n3A_65 : vector<512x512xi1>, vector<512x512xf32>
    %eq3A_73 = arith.constant 9 : i32
    %eq3A_74 = vector.broadcast %eq3A_73 : i32 to vector<512x512xi32>
    %eq3A_75 = arith.cmpi eq, %shift_right_logical3A_11, %eq3A_74 : vector<512x512xi32>
    %slice3A_76 = vector.extract_strided_slice %get3A_3 {offsets = [0, 9], sizes = [1, 1], strides = [1, 1]} : vector<1x128xf32> to vector<1x1xf32>
    %squeeze3A_77 = vector.extract %slice3A_76[0, 0] : f32 from vector<1x1xf32>
    %broadcast_in_dim3A_78 = vector.broadcast %squeeze3A_77 : f32 to vector<512x512xf32>
    %select_n3A_79 = arith.select %eq3A_75, %broadcast_in_dim3A_78, %select_n3A_72 : vector<512x512xi1>, vector<512x512xf32>
    %eq3A_80 = arith.constant 10 : i32
    %eq3A_81 = vector.broadcast %eq3A_80 : i32 to vector<512x512xi32>
    %eq3A_82 = arith.cmpi eq, %shift_right_logical3A_11, %eq3A_81 : vector<512x512xi32>
    %slice3A_83 = vector.extract_strided_slice %get3A_3 {offsets = [0, 10], sizes = [1, 1], strides = [1, 1]} : vector<1x128xf32> to vector<1x1xf32>
    %squeeze3A_84 = vector.extract %slice3A_83[0, 0] : f32 from vector<1x1xf32>
    %broadcast_in_dim3A_85 = vector.broadcast %squeeze3A_84 : f32 to vector<512x512xf32>
    %select_n3A_86 = arith.select %eq3A_82, %broadcast_in_dim3A_85, %select_n3A_79 : vector<512x512xi1>, vector<512x512xf32>
    %le3A = arith.cmpf ole, %get3A_6, %select_n3A_86 : vector<512x512xf32>
    %jit3A = arith.constant 0.000000e+00 : f32
    %broadcast_in_dim3A_87 = vector.broadcast %jit3A : f32 to vector<512x512xf32>
    %select_n3A_88 = arith.select %le3A, %get3A_6, %broadcast_in_dim3A_87 : vector<512x512xi1>, vector<512x512xf32>
    %swap3A = arith.constant 0 : index
    %swap3A_89 = arith.constant 0 : index
    %swap3A_90 = vector.load %arg6[%swap3A, %swap3A_89] : memref<512x512xf32, #tpu.memory_space<vmem>>, vector<512x512xf32>
    tpu.vector_store %arg6[%swap3A, %swap3A_89], %select_n3A_88 {strides = array<i32>} : memref<512x512xf32, #tpu.memory_space<vmem>>, vector<512x512xf32>,
    %get3A_91 = arith.constant 0 : index
    %get3A_92 = memref.load %arg9[%get3A_91] : memref<1xf32, #tpu.memory_space<smem>>
    %abs3A = math.absf %select_n3A_88 : vector<512x512xf32>
    %reduce_sum3A = vector.shape_cast %abs3A : vector<512x512xf32> to vector<1x512x512xf32>
    %reduce_sum3A_93 = arith.constant dense<0.000000e+00> : vector<1xf32>
    %reduce_sum3A_94 = vector.multi_reduction <add>, %reduce_sum3A, %reduce_sum3A_93 [1, 2] : vector<1x512x512xf32> to vector<1xf32>
    %reduce_sum3A_95 = vector.shape_cast %reduce_sum3A_94 : vector<1xf32> to vector<1x1x1xf32>
    %reduce_sum3A_96 = vector.extract %reduce_sum3A_95[0, 0, 0] : f32 from vector<1x1x1xf32>
    %add3A = arith.addf %get3A_92, %reduce_sum3A_96 : f32
    %swap3A_97 = arith.constant 0 : index
    %swap3A_98 = memref.load %arg9[%swap3A_97] : memref<1xf32, #tpu.memory_space<smem>>
    memref.store %add3A, %arg9[%swap3A_97] : memref<1xf32, #tpu.memory_space<smem>>
    %eq3A_99 = arith.constant 7 : i32
    %eq3A_100 = arith.cmpi eq, %arg0, %eq3A_99 : i32
    %convert_element_type3A_101 = arith.extui %eq3A_100 : i1 to i32
    %cond3A_102 = arith.constant 0 : i32
    %cond3A_103 = arith.cmpi ne, %convert_element_type3A_101, %cond3A_102 : i32
    scf.if %cond3A_103 {
      %get3A_104 = arith.constant 0 : index
      %get3A_105 = memref.load %arg9[%get3A_104] : memref<1xf32, #tpu.memory_space<smem>>
      %mul3A = arith.constant 4.76837158E-7 : f32
      %mul3A_106 = arith.mulf %get3A_105, %mul3A : f32
      %broadcast_in_dim3A_107 = vector.broadcast %mul3A_106 : f32 to vector<8x128xf32>
      %swap3A_108 = arith.constant 0 : index
      %swap3A_109 = arith.constant 0 : index
      %swap3A_110 = vector.load %arg7[%swap3A_108, %swap3A_109] : memref<8x128xf32, #tpu.memory_space<vmem>>, vector<8x128xf32>
      tpu.vector_store %arg7[%swap3A_108, %swap3A_109], %broadcast_in_dim3A_107 {strides = array<i32>} : memref<8x128xf32, #tpu.memory_space<vmem>>, vector<8x128xf32>,
    } else {
    }
    return
  }
  func.func @transform_0(%arg0: i32) -> (i32, i32) {
    %c0_i32 = arith.constant 0 : i32
    %c0_i32_0 = arith.constant 0 : i32
    %c0_i32_1 = arith.constant 0 : i32
    return %c0_i32, %c0_i32_0 : i32, i32
  }
  func.func @transform_1(%arg0: i32) -> (i32, i32) {
    %c0_i32 = arith.constant 0 : i32
    %c0_i32_0 = arith.constant 0 : i32
    %c0_i32_1 = arith.constant 0 : i32
    return %c0_i32, %c0_i32_0 : i32, i32
  }
  func.func @transform_2(%arg0: i32) -> (i32, i32) {
    %c0_i32 = arith.constant 0 : i32
    %c0_i32_0 = arith.constant 0 : i32
    %c0_i32_1 = arith.constant 0 : i32
    return %c0_i32, %c0_i32_0 : i32, i32
  }
  func.func @transform_3(%arg0: i32) -> (i32, i32) {
    %c0_i32 = arith.constant 0 : i32
    %c0_i32_0 = arith.constant 0 : i32
    return %arg0, %c0_i32 : i32, i32
  }
  func.func @transform_4(%arg0: i32) -> (i32, i32) {
    %c0_i32 = arith.constant 0 : i32
    %c0_i32_0 = arith.constant 0 : i32
    return %arg0, %c0_i32 : i32, i32
  }
  func.func @transform_5(%arg0: i32) -> (i32, i32) {
    %c0_i32 = arith.constant 0 : i32
    %c0_i32_0 = arith.constant 0 : i32
    return %arg0, %c0_i32 : i32, i32
  }
  func.func @transform_6(%arg0: i32) -> (i32, i32) {
    %c0_i32 = arith.constant 0 : i32
    %c0_i32_0 = arith.constant 0 : i32
    %c0_i32_1 = arith.constant 0 : i32
    return %c0_i32, %c0_i32_0 : i32, i32
  }
}

</mosaic_0001>

<sc_bundles>
// kernel: kernel.12.cloned.1.call-start
scs
__scs_entry_jumppad:
0x0: {  	(pc) =	sbr.rel $0x88, $3  }
0x1: {  	(tag) =	ssettag $0x0;
	lr =	simm.s32 $0x1  }
0x2: {  	[smem:$0x3F9F] =	sst lr;
	_ =	strace $0xD0000000  }
0x3: {  	_ = 	snop  }
0x4: {  	_ = 	snop  }
0x5: {  	_ = 	snop  }
0x6: {  	_ = 	snop  }
0x7: {  	_ = 	snop  }
__scs_overlays_trampoline_lowered:
0x8: {  	[smem:$0x3FAE] =	sst s0  }
0x9: {  	[smem:$0x3FAF] =	sst s1  }
0xa: {  	[smem:$0x3FB0] =	sst s2  }
0xb: {  	[smem:$0x3FB1] =	sst s3  }
0xc: {  	[smem:$0x3FB2] =	sst s4  }
0xd: {  	[smem:$0x3FB3] =	sst s5  }
0xe: {  	[smem:$0x3FB4] =	sst s6  }
0xf: {  	[smem:$0x3FB5] =	sst s7  }
0x10: {  	[smem:$0x3FB6] =	sst s8  }
0x11: {  	[smem:$0x3FB7] =	sst s9;
	s0 =	simm.s32 @!p0 $0x0  }
0x12: {  	s1 =	sld [smem:$0x3F9D];
	s0 =	simm.s32 @p0 $0x1  }
0x13: {  	[smem:$0x3FB8] =	sst s0;
	s0 =	simm.s32 @!p1 $0x0  }
0x14: {  	s2 =	sld [smem:$0x3F9C];
	s0 =	simm.s32 @p1 $0x1  }
0x15: {  	[smem:$0x3FB9] =	sst s0;
	s0 =	simm.s32 @!p2 $0x0  }
0x16: {  	s3 =	sld [smem:$0x3FDB];
	s0 =	simm.s32 @p2 $0x1  }
0x17: {  	s4 =	simm.s32 $0x1BF5;
	[smem:$0x3FBB] =	sst s0  }
0x18: {  	s0 =	sld [smem:$0x3F9E];
	_ =	swait.ge [sflag:s4], $0x0  }
0x19: {  	s7 =	sld [smem:$0x3F9F]  }
0x1a: {  	s8 =	sadd.s32 $0xFFFFE003, lr  }
0x1b: {  	s9 =	sadd.s32 $0xFFFFFEF7, lr;
	s5 =	simm.s32 $0xFFFFFFFF;
	p2 =	slt.u32 s8, $0xFFFFF086  }
0x1c: {  	p1 =	slt.u32 s9, $0xF7A;
	s5 =	simm.s32 @!p2 $0x0  }
0x1d: {  	s5 =	simm.s32 @p1 $0x1;
	p0 =	seq.s32 s7, s2  }
0x1e: {  	s7 =	smul.u32 @!p0 $0xF7A, s2;
	p2 =	seq.s32 @!p0 s5, $0x0  }
0x1f: {  	s9 =	smul.u32 $0xF7A, s1;
	s8 =	simm.s32 @!p0 $0x1BF5;
	p2 =	por !p2, p0  }
0x20: {  	[sflag:s8] =	ssyncset.s32 @!p0 $0xFFFFF086;
	s6 =	sadd.s32 @!p0 s3, s7;
	s7 =	simm.s32 @!p0 $0x108  }
0x21: {  	s3 =	sadd.s32 s3, s9;
	s6 =	sadd.s32 @!p0 $0x88, s6;
	s7 =	simm.s32 @p2 $0x1082  }
0x22: {  	[simem:s7], [sflag:s8] =	dma.local @!p0 [hbm:s6], $0xF7A  }
0x23: {  	s9 =	sor.u32 $0xD0000000, s2;
	s6 =	simm.s32 $0x108;
	_ =	swait.ge @!p0 [sflag:s8], $0x0  }
0x24: {  	s3 =	sadd.s32 $0x88, s3;
	s6 =	simm.s32 @!p1 $0x1082;
	[sflag:s4] =	ssyncset.s32 $0xFFFFF086  }
0x25: {  	[simem:s6], [sflag:s4] =	dma.local [hbm:s3], $0xF7A  }
0x26: {  	[smem:$0x3F9F] =	sst s1;
	(tag) =	ssettag s2;
	_ =	strace s9  }
0x27: {  	s1 =	sld [smem:$0x3FAF]  }
0x28: {  	s2 =	sld [smem:$0x3FB0]  }
0x29: {  	s4 =	sld [smem:$0x3FB2]  }
0x2a: {  	p0 =	seq.s32 s5, $0x0;
	s5 =	sld [smem:$0x3FB3]  }
0x2b: {  	s6 =	sld [smem:$0x3FB4]  }
0x2c: {  	s7 =	sld [smem:$0x3FB5]  }
0x2d: {  	s3 =	simm.s32 $0x108;
	s8 =	sld [smem:$0x3FB6]  }
0x2e: {  	s3 =	simm.s32 @!p0 $0x1082;
	s9 =	sld [smem:$0x3FB7]  }
0x2f: {  	lr =	sadd.s32 s0, s3;
	s0 =	sld [smem:$0x3FAE]  }
0x30: {  	s3 =	sld [smem:$0x3FB1]  }
0x31: {  	[smem:$0x3FBA] =	sst s10  }
0x32: {  	s10 =	sld [smem:$0x3FB8];
	_ =	sdelay $0x3  }
0x33: {  	p0 =	seq.s32 s10, $0x1;
	s10 =	sld [smem:$0x3FBA];
	_ =	sdelay $0x3  }
0x34: {  	[smem:$0x3FBA] =	sst s10  }
0x35: {  	s10 =	sld [smem:$0x3FB9];
	_ =	sdelay $0x3  }
0x36: {  	p1 =	seq.s32 s10, $0x1;
	s10 =	sld [smem:$0x3FBA];
	_ =	sdelay $0x3  }
0x37: {  	[smem:$0x3FBA] =	sst s10  }
0x38: {  	s10 =	sld [smem:$0x3FBB]  }
0x39: {  	_ = 	snop;
	(pc) =	sbr.ind lr, $3  }
0x3a: {  	_ = 	snop  }
0x3b: {  	_ = 	snop  }
0x3c: {  	p2 =	seq.s32 s10, $0x1;
	s10 =	sld [smem:$0x3FBA]  }
0x3d: {  	_ =	shalt  }
0x3e: {  	_ =	shalt  }
0x3f: {  	_ =	shalt  }
0x40: {  	_ =	shalt  }
0x41: {  	_ =	shalt  }
0x42: {  	_ =	shalt  }
0x43: {  	_ =	shalt  }
0x44: {  	_ =	shalt  }
0x45: {  	_ =	shalt  }
0x46: {  	_ =	shalt  }
0x47: {  	_ =	shalt  }
0x48: {  	_ =	shalt  }
0x49: {  	_ =	shalt  }
0x4a: {  	_ =	shalt  }
0x4b: {  	_ =	shalt  }
0x4c: {  	_ =	shalt  }
0x4d: {  	_ =	shalt  }
0x4e: {  	_ =	shalt  }
0x4f: {  	_ =	shalt  }
0x50: {  	_ =	shalt  }
0x51: {  	_ =	shalt  }
0x52: {  	_ =	shalt  }
0x53: {  	_ =	shalt  }
0x54: {  	_ =	shalt  }
0x55: {  	_ =	shalt  }
0x56: {  	_ =	shalt  }
0x57: {  	_ =	shalt  }
0x58: {  	_ =	shalt  }
0x59: {  	_ =	shalt  }
0x5a: {  	_ =	shalt  }
0x5b: {  	_ =	shalt  }
0x5c: {  	_ =	shalt  }
0x5d: {  	_ =	shalt  }
0x5e: {  	_ =	shalt  }
0x5f: {  	_ =	shalt  }
0x60: {  	_ =	shalt  }
0x61: {  	_ =	shalt  }
0x62: {  	_ =	shalt  }
0x63: {  	_ =	shalt  }
0x64: {  	_ =	shalt  }
0x65: {  	_ =	shalt  }
0x66: {  	_ =	shalt  }
0x67: {  	_ =	shalt  }
0x68: {  	_ =	shalt  }
0x69: {  	_ =	shalt  }
0x6a: {  	_ =	shalt  }
0x6b: {  	_ =	shalt  }
0x6c: {  	_ =	shalt  }
0x6d: {  	_ =	shalt  }
0x6e: {  	_ =	shalt  }
0x6f: {  	_ =	shalt  }
0x70: {  	_ =	shalt  }
0x71: {  	_ =	shalt  }
0x72: {  	_ =	shalt  }
0x73: {  	_ =	shalt  }
0x74: {  	_ =	shalt  }
0x75: {  	_ =	shalt  }
0x76: {  	_ =	shalt  }
0x77: {  	_ =	shalt  }
0x78: {  	_ =	shalt  }
0x79: {  	_ =	shalt  }
0x7a: {  	_ =	shalt  }
0x7b: {  	_ =	shalt  }
0x7c: {  	_ =	shalt  }
0x7d: {  	_ =	shalt  }
0x7e: {  	_ =	shalt  }
0x7f: {  	_ =	shalt  }
0x80: {  	_ =	shalt  }
0x81: {  	_ =	shalt  }
0x82: {  	_ =	shalt  }
0x83: {  	_ =	shalt  }
0x84: {  	_ =	shalt  }
0x85: {  	_ =	shalt  }
0x86: {  	_ =	shalt  }
0x87: {  	_ =	shalt  }
.Lfunc_end0:
.L_simem_size_0:
called_computation.1_lowered:
.L_overlay_start_0:
0x88: {  	s2 =	sld [smem:$0x3FD9]  }
0x89: {  	s3 =	sld [smem:$0x3FFE];
	_ =	sdelay $0x1  }
0x8a: {  	s1 =	srdreg.scid  }
0x8b: {  	s0 =	sand.u32 $0x1, s1  }
0x8c: {  	s14 =	sshll.u32 s0, $0xA;
	s2 =	sadd.s32 s3, s2  }
0x8d: {  	s2 =	sadd.s32 s2, s14  }
0x8e: {  	[smem:$0x3FC6] =	sst s2  }
0x8f: {  	_ = 	snop  }
0x90: {  	s2 =	sld [smem:$0x3FD0];
	_ =	sdelay $0x2  }
0x91: {  	s15 =	simm.s32 $0xA;
	s4 =	simm.s32 $0x10  }
0x92: {  	[smem:s4], [sflag:s15] =	dma.local [hbm:s2], $0x1  }
0x93: {  	_ =	swait.eq [sflag:s15], $0x1  }
0x94: {  	[sflag:s15] =	ssyncset.done $0x0  }
0x95: {  	s16 =	sld [smem:$0x10];
	[sflag:s15] =	ssyncadd.s32 $0xFFFFFFFF  }
0x96: {  	s17 =	sld [smem:$0x11];
	(tm) =	ssettm $0x1  }
0x97: {  	s18 =	sld [smem:$0x3FFB];
	_ =	sdelay $0x3  }
0x98: {  	_ =	strace s18  }
0x99: {  	s4 =	sld [smem:$0x3FFC];
	_ =	sdelay $0x3  }
0x9a: {  	_ =	strace s4  }
0x9b: {  	s4 =	sld [smem:$0x3FFD];
	_ =	sdelay $0x3  }
0x9c: {  	_ =	strace s4  }
0x9d: {  	_ =	strace $0x8FFFFFFF  }
0x9e: {  	s19 =	sld [smem:$0x3FDB];
	_ =	sdelay $0x1  }
0x9f: {  	s5 =	simm.s32 $_scs_section_size  }
0xa0: {  	s6 =	simm.s32 $_size__tile_overlayer_lowered;
	s7 =	simm.s32 $_tile_overlayer_lowered  }
0xa1: {  	s22 =	simm.s32 $0x1BFF;
	s21 =	sshll.u32 s7, $0x1;
	s4 =	sadd.s32 s5, s19  }
0xa2: {  	s8 =	simm.s32 $0x0;
	s20 =	sshll.u32 s6, $0x1;
	s6 =	sadd.s32 s21, s4  }
0xa3: {  	[timem:s8], [sflag:s22] =	dma.local [hbm:s6], s20  }
0xa4: {  	_ =	swait.ge [sflag:s22], s20  }
0xa5: {  	s5 =	ssub.s32 $0x0, s20;
	[sflag:s22] =	ssyncset.done $0x0  }
0xa6: {  	[sflag:s22] =	ssyncadd.s32 s5;
	_ =	sdelay $0x1  }
0xa7: {  	s23 =	simm.s32 $0x1B8B  }
0xa8: {  	_ =	swait.ge [sflag:s23], $0x1  }
0xa9: {  	[sflag:s23] =	ssyncset.done $0x0  }
0xaa: {  	s25 =	simm.s32 $0x1B8E;
	s24 =	sld [smem:$0x3FFE];
	[sflag:s23] =	ssyncadd.s32 $0xFFFFFFFF  }
0xab: {  	s26 =	simm.s32 $execute0_lowered;
	[smem:$0x3FD2] =	sst s25  }
0xac: {  	s6 =	sshll.u32 s26, $0x1;
	_ =	strace $0x80000049;
	[dreg:$0x1] =	wrdreg $0xFFFFFFFF  }
0xad: {  	s28 =	simm.s32 $_size_execute0_lowered;
	s4 =	sadd.s32 s4, s6;
	[dreg:$0x0] =	wrdreg $0x0  }
0xae: {  	s6 =	sshll.u32 s28, $0x1;
	[dreg:$0x2] =	wrdreg s4  }
0xaf: {  	[dreg:$0x3] =	wrdreg s6  }
0xb0: {  	[dreg:$0x4] =	wrdreg $0xC0  }
0xb1: {  	_ =	task [dreg:s8], $0x5FFFF  }
0xb2: {  	[dreg:$0x1] =	wrdreg $0xFFFFFFFF  }
0xb3: {  	[dreg:$0x0] =	wrdreg $0x60  }
0xb4: {  	[dreg:$0x2] =	wrdreg s17  }
0xb5: {  	[dreg:$0x3] =	wrdreg s16  }
0xb6: {  	[dreg:$0x4] =	wrdreg s24  }
0xb7: {  	[dreg:$0x5] =	wrdreg $0x9  }
0xb8: {  	_ =	task.clear_ibuf [dreg:s8], $0x6FFFF;
	_ =	strace $0x90000049  }
0xb9: {  	s29 =	simm.s32 $0x9;
	_ =	strace $0x8000004B  }
0xba: {  	_ =	swait.ge [sflag:s29], $0x1  }
0xbb: {  	[sflag:s29] =	ssyncadd.s32 $0xFFFFFFFF  }
0xbc: {  	_ =	strace $0x9000004B  }
0xbd: {  	_ =	sfence  }
0xbe: {  	s30 =	sld [smem:$0x0];
	_ =	sdelay $0x2  }
0xbf: {  	s31 =	sshll.u32 s1, $0xD;
	s1 =	sshrl.u32 s1, $0x2  }
0xc0: {  	s3 =	sand.u32 $0x4000, s31;
	s1 =	sadd.s32 s1, s30  }
0xc1: {  	s0 =	sor.u32 s3, s0;
	s1 =	sshll.u32 s1, $0x11  }
0xc2: {  	s0 =	sor.u32 s1, s0  }
0xc3: {  	s0 =	sadd.s32 $0x8F2B, s0  }
0xc4: {  	[sflag:s0] =	ssyncadd.remote.s32 $0x1  }
0xc5: {  	_ =	sfence.sel $0xFFFF  }
0xc6: {  	[dreg:$0x0] =	wrdreg $0xFFFFFFFF;
	(pc) =	sbr.abs _section_cstart, $3  }
0xc7: {  	[dreg:$0x1] =	wrdreg $0xFFFFFFFF  }
0xc8: {  	_ =	task.clear_ibuf [dreg:s8], $0x2FFFF;
	_ =	strace $0x9FFFFFFF  }
0xc9: {  	(tm) =	ssettm $0x7FFFFFFF  }
tec
execute0_lowered:
.L_overlay_start_1:
0x0: {  	(tag) =	ssettag $0x1  }
0x1: {  	s0 =	rddreg [dreg:$0x0]  }
0x2: {  	s1 =	rddreg [dreg:$0x2]  }
0x3: {  	s2 =	srdreg.scid;
	s3 =	stileid.u32;
	s5 =	simm.s32 $0x0  }
0x4: {  	s20 =	simm.s32 $0xD800;
	s21 =	simm.s32 $0x3;
	s22 =	simm.s32 $0x4000  }
0x5: {  	s23 =	simm.s32 $0x1;
	s24 =	simm.s32 $0x8000;
	s25 =	simm.s32 $0x2  }
0x6: {  	s26 =	simm.s32 $0x80;
	s2 =	sand.u32 $0x1, s2;
	s4 =	sshll.u32 s3, $0x1  }
0x7: {  	s28 =	simm.s32 $0x400;
	[smem:$0x7FF] =	sst s5;
	s4 =	sor.u32 s2, s4  }
0x8: {  	_ =	strace $0x8000004A;
	s2 =	ssub.s32 $0x2, s2;
	s29 =	sshll.u32 s4, $0xD  }
0x9: {  	s6 =	sshll.u32 s4, $0xC;
	s7 =	sshrl.u32 s2, $0x1;
	s4 =	sadd.s32 s0, s29  }
0xa: {  	s30 =	sadd.s32 s6, s1;
	s31 =	ssub.s32 s2, s7;
	s1 =	simm.s32 $0x0  }
0xb: {  	s5 =	sadd.s32 $0x800, s4;
	s6 =	sadd.s32 $0x1000, s4;
	s7 =	sadd.s32 $0x1800, s4  }
0xc: {  	s8 =	sadd.s32 $0x43600, s30;
	s9 =	sadd.s32 $0x43610, s30;
	s10 =	sadd.s32 $0x43620, s30  }
0xd: {  	s11 =	sadd.s32 $0x43630, s30;
	s12 =	sadd.s32 $0x43640, s30;
	s13 =	sadd.s32 $0x43650, s30  }
0xe: {  	s14 =	sadd.s32 $0x43660, s30;
	s15 =	sadd.s32 $0x43670, s30;
	s16 =	sadd.s32 $0x43E00, s30  }
0xf: {  	v0 =	vimm.s32 $0x0;
	v1 =	vimm.s32 $0x1;
	s17 =	sadd.s32 $0x43E10, s30;
	s18 =	sadd.s32 $0x43E20, s30;
	s19 =	smax.u32 s31, $0x1  }
.LBB2_1:
0x10: {  	s2 =	simm.s32 $0x0  }
0x11: {  	[tilespmem:s2], [sflag:$0x1] =	stream.linear.gather [hbm4b:s4+s2], $0x4000, $0x38;
	[tilespmem:$0xD880] =	vst v63  }
0x12: {  	s0 =	rddreg [dreg:$0x1]  }
0x13: {  	[tilespmem:s20], [sflag:$0x3] =	stream.linear.gather [hbm4b:s0+s2], $0x10, $0x38;
	[tilespmem:$0xD880] =	vst v63  }
0x14: {  	_ =	swait.ge [sflag:s21], $0x10  }
0x15: {  	[sflag:s21] =	ssyncset.done $0x0  }
0x16: {  	s29 =	simm.s32 $0x200;
	s2 =	simm.s32 $0x0;
	[sflag:s21] =	ssyncadd.s32 $0xFFFFFFF0  }
.LBB2_2:
0x17: {  	p0 =	sne.s32 s29, $0x15E00;
	[tilespmem:s2+$0x8070] =	vst v0  }
0x18: {  	[tilespmem:s2+$0x8000] =	vst v0  }
0x19: {  	[tilespmem:s2+$0x8010] =	vst v0  }
.Ltmp0:
0x1a: {  	[tilespmem:s2+$0x8020] =	vst v0;
	(pc) =	sbr.rel @p0 .LBB2_2-.Ltmp0, $4  }
0x1b: {  	[tilespmem:s2+$0x8030] =	vst v0  }
0x1c: {  	[tilespmem:s2+$0x8040] =	vst v0  }
0x1d: {  	[tilespmem:s2+$0x8050] =	vst v0  }
0x1e: {  	[tilespmem:s2+$0x8060] =	vst v0;
	s2 =	sshra.s32 s29, $0x2;
	s29 =	sadd.s32 $0x200, s29  }
0x1f: {  	[tilespmem:s2+$0x8070] =	vst v0  }
0x20: {  	[tilespmem:s2+$0x8000] =	vst v0  }
0x21: {  	[tilespmem:s2+$0x8010] =	vst v0  }
0x22: {  	[tilespmem:s2+$0x8020] =	vst v0  }
0x23: {  	[tilespmem:s2+$0x8030] =	vst v0  }
0x24: {  	[tilespmem:s2+$0x8040] =	vst v0  }
0x25: {  	[tilespmem:s2+$0x8050] =	vst v0  }
0x26: {  	[tilespmem:s2+$0x8060] =	vst v0;
	s31 =	simm.s32 $0x0;
	s29 =	simm.s32 $0x0  }
0x27: {  	[tilespmem:s22], [sflag:$0x2] =	stream.linear.gather [hbm4b:s5+s31], $0x4000, $0x38;
	[tilespmem:$0xD880] =	vst v63  }
0x28: {  	s29 =	sand.u32 $0x3000, s29;
	s30 =	sand.u32 $0xC00, s31;
	_ =	swait.ge [sflag:s23], $0x4000  }
0x29: {  	s2 =	sand.u32 $0x380, s31;
	s29 =	sor.u32 s30, s29;
	[sflag:s23] =	ssyncset.done $0x0  }
0x2a: {  	s2 =	sor.u32 s2, s29;
	[sflag:s23] =	ssyncadd.s32 $0xFFFFC000  }
0x2b: {  	v2 =	vld [tilespmem:s2+$0x10];
	_ =	sdelay $0x2  }
0x2c: {  	v3 =	vld [tilespmem:s2+$0x0]  }
0x2d: {  	v7 =	vld [tilespmem:s2+$0x20]  }
0x2e: {  	v4 =	vld [tilespmem:s2+$0x30];
	v5 =	vshrl.u32 v2, $0x1B  }
0x2f: {  	v8 =	vld [tilespmem:s2+$0x50]  }
0x30: {  	v6 =	vld [tilespmem:s2+$0x40]  }
0x31: {  	v9 =	vld [tilespmem:s2+$0x60]  }
0x32: {  	s29 =	simm.s32 $0x400;
	v13 =	vld [tilespmem:s2+$0x70];
	s2 =	simm.s32 $0x80;
	v10 =	vshrl.u32 v7, $0x1B  }
0x33: {  	s30 =	simm.s32 $0x20;
	s0 =	sand.u32 $0xC00, s29;
	s31 =	sand.u32 $0x3000, s2;
	v11 =	vshrl.u32 v4, $0x1B;
	v12 =	vld.idx.msk [tilespmem:v5+s20+$0x0], $0xffff  }
0x34: {  	s3 =	sand.u32 $0x380, s30;
	s0 =	sor.u32 s0, s31;
	v15 =	vshrl.u32 v8, $0x1B  }
0x35: {  	s0 =	sor.u32 s3, s0;
	v14 =	vshrl.u32 v6, $0x1B  }
0x36: {  	v28 =	vld [tilespmem:s0+$0x10];
	v16 =	vshrl.u32 v2, $0x5;
	v17 =	vshrl.u32 v3, $0x1B  }
0x37: {  	v2 =	vshrl.u32 v2, $0x10;
	v19 =	vshrl.u32 v9, $0x1B;
	v16 =	vand.u32 $0x7FF, v16;
	v18 =	vld.idx.msk [tilespmem:v10+s20+$0x0], $0xffff  }
0x38: {  	v5 =	vshll.u32 v5, $0xB;
	v20 =	vld.idx.msk [tilespmem:v11+s20+$0x0], $0xffff;
	vm0 =	veq.s32 v2, v12;
	v12 =	vshrl.u32 v13, $0x1B  }
0x39: {  	v22 =	vld.idx.msk [tilespmem:v15+s20+$0x0], $0xffff;
	v2 =	vor.u32 v16, v5  }
0x3a: {  	v21 =	vshrl.u32 v7, $0x5;
	v24 =	vshrl.u32 v6, $0x5;
	v26 =	vshrl.u32 v9, $0x5;
	v5 =	vld.idx.msk [tilespmem:v14+s20+$0x0], $0xffff  }
0x3b: {  	v29 =	vshrl.u32 v3, $0x10;
	v7 =	vshrl.u32 v7, $0x10;
	v23 =	vld.idx.msk [tilespmem:v17+s20+$0x0], $0xffff;
	v16 =	vshrl.u32 v4, $0x5  }
0x3c: {  	v27 =	vshll.u32 v17, $0xB;
	v11 =	vshll.u32 v11, $0xB;
	v25 =	vld.idx.msk [tilespmem:v19+s20+$0x0], $0xffff;
	v16 =	vand.u32 $0x7FF, v16  }
0x3d: {  	v4 =	vshrl.u32 v4, $0x10;
	v11 =	vor.u32 v16, v11;
	v16 =	vand.u32 $0x7FF, v21;
	v21 =	vld.idx.msk [tilespmem:v12+s20+$0x0], $0xffff  }
0x3e: {  	v10 =	vshll.u32 v10, $0xB;
	[tilespmem:v2+s24+$0x0] =	vst.idx.add.s32.msk vm0, v1;
	vm0 =	veq.s32 v4, v20;
	v4 =	vshrl.u32 v6, $0x10  }
0x3f: {  	v2 =	vld [tilespmem:s0+$0x0];
	v6 =	vand.u32 $0x7FF, v24;
	vm1 =	veq.s32 v4, v5;
	v5 =	vshll.u32 v14, $0xB  }
0x40: {  	v20 =	vor.u32 v16, v10;
	v4 =	vld [tilespmem:s0+$0x20];
	v16 =	vor.u32 v6, v5;
	v5 =	vshrl.u32 v9, $0x10  }
0x41: {  	v17 =	vand.u32 $0x7FF, v26;
	v6 =	vld [tilespmem:s0+$0x30];
	v9 =	vshll.u32 v19, $0xB;
	vm2 =	veq.s32 v5, v25  }
0x42: {  	v10 =	vshrl.u32 v8, $0x5;
	v24 =	vshll.u32 v12, $0xB;
	v12 =	vld [tilespmem:s0+$0x60];
	v9 =	vor.u32 v17, v9  }
0x43: {  	v63 =	vshrl.u32 v28, $0x10;
	v14 =	vshrl.u32 v13, $0x5;
	v10 =	vand.u32 $0x7FF, v10;
	v5 =	vld [tilespmem:s0+$0x40]  }
0x44: {  	v19 =	vshrl.u32 v3, $0x5;
	[tilespmem:v11+s24+$0x0] =	vst.idx.add.s32.msk vm0, v1;
	v11 =	vshll.u32 v15, $0xB;
	v15 =	vshrl.u32 v28, $0x1B  }
0x45: {  	v3 =	vld [tilespmem:s0+$0x50];
	vm0 =	veq.s32 v7, v18;
	v7 =	vshrl.u32 v8, $0x10;
	v8 =	vshrl.u32 v4, $0x1B  }
0x46: {  	v13 =	vshrl.u32 v13, $0x10;
	v14 =	vand.u32 $0x7FF, v14;
	[tilespmem:v16+s24+$0x0] =	vst.idx.add.s32.msk vm1, v1;
	v16 =	vshrl.u32 v6, $0x1B  }
0x47: {  	v26 =	vand.u32 $0x7FF, v19;
	v11 =	vor.u32 v10, v11;
	v10 =	vshrl.u32 v28, $0x5;
	[tilespmem:v9+s24+$0x0] =	vst.idx.add.s32.msk vm2, v1  }
0x48: {  	v33 =	vor.u32 v26, v27;
	v31 =	vshrl.u32 v2, $0x1B;
	v9 =	vand.u32 $0x7FF, v10;
	v10 =	vld [tilespmem:s0+$0x70]  }
0x49: {  	v17 =	vshll.u32 v15, $0xB;
	vm1 =	veq.s32 v13, v21;
	v19 =	vshrl.u32 v5, $0x1B;
	v30 =	vld.idx.msk [tilespmem:v15+s20+$0x0], $0xffff  }
0x4a: {  	v21 =	vshrl.u32 v6, $0x5;
	vm2 =	veq.s32 v29, v23;
	v29 =	vor.u32 v14, v24;
	v18 =	vld.idx.msk [tilespmem:v8+s20+$0x0], $0xffff  }
0x4b: {  	v13 =	vshrl.u32 v3, $0x1B;
	v32 =	vand.u32 $0x7FF, v21;
	v17 =	vor.u32 v9, v17;
	v25 =	vld.idx.msk [tilespmem:v16+s20+$0x0], $0xffff  }
0x4c: {  	v9 =	vshll.u32 v16, $0xB;
	v15 =	vshrl.u32 v4, $0x5;
	[tilespmem:v20+s24+$0x0] =	vst.idx.add.s32.msk vm0, v1;
	vm0 =	veq.s32 v7, v22  }
0x4d: {  	v26 =	vshrl.u32 v12, $0x1B;
	v16 =	vor.u32 v32, v9;
	v9 =	vand.u32 $0x7FF, v15;
	v15 =	vld.idx.msk [tilespmem:v31+s20+$0x0], $0xffff  }
0x4e: {  	v27 =	vshrl.u32 v2, $0x5;
	v21 =	vshrl.u32 v5, $0x5;
	v14 =	vshll.u32 v8, $0xB;
	v24 =	vld.idx.msk [tilespmem:v19+s20+$0x0], $0xffff  }
0x4f: {  	v23 =	vshrl.u32 v12, $0x5;
	v28 =	vshrl.u32 v10, $0x1B;
	[tilespmem:v29+s24+$0x0] =	vst.idx.add.s32.msk vm1, v1;
	vm1 =	veq.s32 v63, v30  }
0x50: {  	v8 =	vshll.u32 v31, $0xB;
	v20 =	vshrl.u32 v3, $0x5;
	v7 =	vor.u32 v9, v14;
	v9 =	vld.idx.msk [tilespmem:v13+s20+$0x0], $0xffff  }
0x51: {  	v22 =	vand.u32 $0x7FF, v20;
	v14 =	vshrl.u32 v10, $0x5;
	v20 =	vshll.u32 v28, $0xB;
	[tilespmem:v33+s24+$0x0] =	vst.idx.add.s32.msk vm2, v1  }
.LBB2_4:
0x52: {  	s2 =	sadd.s32 $0x80, s2;
	s29 =	sadd.s32 $0x400, s29;
	[tilespmem:v11+s24+$0x0] =	vst.idx.add.s32.msk vm0, v1  }
0x53: {  	s30 =	sadd.s32 $0x20, s30;
	s0 =	sand.u32 $0x3000, s2;
	s3 =	sand.u32 $0xC00, s29;
	v11 =	vld.idx.msk [tilespmem:v26+s20+$0x0], $0xffff  }
0x54: {  	v6 =	vshrl.u32 v6, $0x10;
	s31 =	sand.u32 $0x380, s30;
	p0 =	slt.u32 s2, $0x3F80;
	s0 =	sor.u32 s3, s0;
	v28 =	vld.idx.msk [tilespmem:v28+s20+$0x0], $0xffff  }
0x55: {  	vm2 =	veq.s32 v6, v25;
	s0 =	sor.u32 s31, s0;
	[tilespmem:v17+s24+$0x0] =	vst.idx.add.s32.msk vm1, v1  }
0x56: {  	v27 =	vand.u32 $0x7FF, v27;
	v5 =	vshrl.u32 v5, $0x10;
	v17 =	vld [tilespmem:s0+$0x0]  }
0x57: {  	vm3 =	veq.s32 v5, v24;
	v5 =	vshll.u32 v19, $0xB;
	v6 =	vand.u32 $0x7FF, v21;
	v29 =	vld [tilespmem:s0+$0x10]  }
0x58: {  	v24 =	vshrl.u32 v2, $0x10;
	v2 =	vshrl.u32 v12, $0x10;
	v21 =	vor.u32 v6, v5;
	v19 =	vld [tilespmem:s0+$0x20]  }
0x59: {  	vm0 =	veq.s32 v2, v11;
	v2 =	vshll.u32 v26, $0xB;
	v11 =	vand.u32 $0x7FF, v23;
	v6 =	vld [tilespmem:s0+$0x30]  }
0x5a: {  	v4 =	vshrl.u32 v4, $0x10;
	v12 =	vshll.u32 v13, $0xB;
	v13 =	vor.u32 v11, v2;
	v5 =	vld [tilespmem:s0+$0x40]  }
0x5b: {  	vm1 =	veq.s32 v4, v18;
	v26 =	vshrl.u32 v3, $0x10;
	v11 =	vor.u32 v22, v12;
	[tilespmem:v16+s24+$0x0] =	vst.idx.add.s32.msk vm2, v1  }
0x5c: {  	v22 =	vshrl.u32 v10, $0x10;
	v2 =	vmovc v17;
	v16 =	vshrl.u32 v29, $0x1B;
	v12 =	vshrl.u32 v29, $0x5;
	v3 =	vld [tilespmem:s0+$0x50]  }
0x5d: {  	vm2 =	veq.s32 v22, v28;
	v10 =	vshll.u32 v16, $0xB;
	v18 =	vshrl.u32 v19, $0x1B;
	[tilespmem:v21+s24+$0x0] =	vst.idx.add.s32.msk vm3, v1;
	v4 =	vmovc v19  }
0x5e: {  	v17 =	vand.u32 $0x7FF, v12;
	v22 =	vshrl.u32 v6, $0x1B;
	v21 =	vshrl.u32 v6, $0x5;
	v12 =	vld [tilespmem:s0+$0x60]  }
0x5f: {  	v17 =	vor.u32 v17, v10;
	v23 =	vshll.u32 v22, $0xB;
	v19 =	vshrl.u32 v5, $0x1B;
	[tilespmem:v13+s24+$0x0] =	vst.idx.add.s32.msk vm0, v1  }
0x60: {  	v25 =	vshrl.u32 v4, $0x5;
	v13 =	vand.u32 $0x7FF, v21;
	v21 =	vshrl.u32 v5, $0x5;
	v10 =	vld [tilespmem:s0+$0x70]  }
0x61: {  	v30 =	vshll.u32 v18, $0xB;
	v28 =	vld.idx.msk [tilespmem:v16+s20+$0x0], $0xffff;
	v16 =	vor.u32 v13, v23;
	v13 =	vshrl.u32 v3, $0x1B  }
0x62: {  	v14 =	vand.u32 $0x7FF, v14;
	v31 =	vshrl.u32 v2, $0x1B;
	v32 =	vand.u32 $0x7FF, v25;
	v18 =	vld.idx.msk [tilespmem:v18+s20+$0x0], $0xffff  }
0x63: {  	v33 =	vor.u32 v14, v20;
	vm3 =	veq.s32 v24, v15;
	v25 =	vld.idx.msk [tilespmem:v22+s20+$0x0], $0xffff;
	v23 =	vshrl.u32 v12, $0x5  }
0x64: {  	v34 =	vor.u32 v27, v8;
	v8 =	vshll.u32 v31, $0xB;
	vm0 =	veq.s32 v26, v9;
	v24 =	vld.idx.msk [tilespmem:v19+s20+$0x0], $0xffff  }
.Ltmp1:
0x65: {  	v15 =	vshrl.u32 v3, $0x5;
	v14 =	vshrl.u32 v10, $0x5;
	[tilespmem:v7+s24+$0x0] =	vst.idx.add.s32.msk vm1, v1;
	v7 =	vor.u32 v32, v30;
	(pc) =	sbr.rel @p0 .LBB2_4-.Ltmp1, $4  }
0x66: {  	v20 =	vshrl.u32 v29, $0x10;
	v22 =	vand.u32 $0x7FF, v15;
	v26 =	vshrl.u32 v12, $0x1B;
	v9 =	vld.idx.msk [tilespmem:v13+s20+$0x0], $0xffff  }
0x67: {  	v27 =	vshrl.u32 v2, $0x5;
	vm1 =	veq.s32 v20, v28;
	v28 =	vshrl.u32 v10, $0x1B;
	v15 =	vld.idx.msk [tilespmem:v31+s20+$0x0], $0xffff  }
0x68: {  	v20 =	vshll.u32 v28, $0xB;
	[tilespmem:v33+s24+$0x0] =	vst.idx.add.s32.msk vm2, v1  }
0x69: {  	[tilespmem:v34+s24+$0x0] =	vst.idx.add.s32.msk vm3, v1  }
0x6a: {  	_ =	sdelay $0x2  }
0x6b: {  	v6 =	vshrl.u32 v6, $0x10  }
0x6c: {  	v29 =	vld.idx.msk [tilespmem:v26+s20+$0x0], $0xffff;
	v5 =	vshrl.u32 v5, $0x10;
	v19 =	vshll.u32 v19, $0xB;
	v21 =	vand.u32 $0x7FF, v21  }
0x6d: {  	v28 =	vld.idx.msk [tilespmem:v28+s20+$0x0], $0xffff;
	v12 =	vshrl.u32 v12, $0x10;
	v4 =	vshrl.u32 v4, $0x10;
	vm2 =	veq.s32 v6, v25  }
0x6e: {  	v2 =	vshrl.u32 v2, $0x10;
	v3 =	vshrl.u32 v3, $0x10;
	vm3 =	veq.s32 v5, v24  }
0x6f: {  	v6 =	vand.u32 $0x7FF, v27;
	v5 =	vor.u32 v21, v19;
	vm5 =	veq.s32 v4, v18  }
0x70: {  	[tilespmem:v17+s24+$0x0] =	vst.idx.add.s32.msk vm1, v1;
	v19 =	vand.u32 $0x7FF, v23;
	v4 =	vshrl.u32 v10, $0x10;
	vm1 =	veq.s32 v2, v15  }
0x71: {  	v6 =	vor.u32 v6, v8;
	vm4 =	veq.s32 v12, v29;
	v12 =	vshll.u32 v26, $0xB  }
0x72: {  	[tilespmem:v11+s24+$0x0] =	vst.idx.add.s32.msk vm0, v1;
	vm0 =	veq.s32 v4, v28;
	v4 =	vand.u32 $0x7FF, v14;
	v12 =	vor.u32 v19, v12  }
0x73: {  	v2 =	vor.u32 v4, v20;
	v4 =	vshll.u32 v13, $0xB;
	[tilespmem:v16+s24+$0x0] =	vst.idx.add.s32.msk vm2, v1;
	vm2 =	veq.s32 v3, v9  }
0x74: {  	[tilespmem:v5+s24+$0x0] =	vst.idx.add.s32.msk vm3, v1;
	v3 =	vor.u32 v22, v4  }
0x75: {  	[tilespmem:v7+s24+$0x0] =	vst.idx.add.s32.msk vm5, v1  }
0x76: {  	[tilespmem:v6+s24+$0x0] =	vst.idx.add.s32.msk vm1, v1  }
0x77: {  	[tilespmem:v12+s24+$0x0] =	vst.idx.add.s32.msk vm4, v1  }
0x78: {  	[tilespmem:v2+s24+$0x0] =	vst.idx.add.s32.msk vm0, v1  }
0x79: {  	s0 =	simm.s32 $0x0;
	s2 =	simm.s32 $0x0;
	[tilespmem:v3+s24+$0x0] =	vst.idx.add.s32.msk vm2, v1  }
0x7a: {  	[tilespmem:s0], [sflag:$0x1] =	stream.linear.gather [hbm4b:s6+s0], $0x4000, $0x38;
	[tilespmem:$0xD880] =	vst v63  }
0x7b: {  	s2 =	sand.u32 $0x3000, s2;
	s3 =	sand.u32 $0xC00, s0;
	_ =	swait.ge [sflag:s25], $0x4000  }
0x7c: {  	s2 =	sor.u32 s3, s2;
	s0 =	sand.u32 $0x380, s0;
	[sflag:s25] =	ssyncset.done $0x0  }
0x7d: {  	s0 =	sor.u32 s0, s2;
	[sflag:s25] =	ssyncadd.s32 $0xFFFFC000  }
0x7e: {  	v2 =	vld [tilespmem:s0+$0x4010];
	_ =	sdelay $0x2  }
0x7f: {  	v3 =	vld [tilespmem:s0+$0x4000]  }
0x80: {  	v7 =	vld [tilespmem:s0+$0x4020]  }
0x81: {  	v4 =	vld [tilespmem:s0+$0x4030];
	v5 =	vshrl.u32 v2, $0x1B  }
0x82: {  	v8 =	vld [tilespmem:s0+$0x4050]  }
0x83: {  	v6 =	vld [tilespmem:s0+$0x4040]  }
0x84: {  	v9 =	vld [tilespmem:s0+$0x4060]  }
0x85: {  	s29 =	simm.s32 $0x400;
	s2 =	simm.s32 $0x80;
	v13 =	vld [tilespmem:s0+$0x4070];
	v10 =	vshrl.u32 v7, $0x1B  }
0x86: {  	s30 =	simm.s32 $0x20;
	s3 =	sand.u32 $0xC00, s29;
	s0 =	sand.u32 $0x3000, s2;
	v11 =	vshrl.u32 v4, $0x1B;
	v12 =	vld.idx.msk [tilespmem:v5+s20+$0x0], $0xffff  }
0x87: {  	s31 =	sand.u32 $0x380, s30;
	s0 =	sor.u32 s3, s0;
	v15 =	vshrl.u32 v8, $0x1B  }
0x88: {  	s0 =	sor.u32 s31, s0;
	v14 =	vshrl.u32 v6, $0x1B  }
0x89: {  	v28 =	vld [tilespmem:s0+$0x4010];
	v16 =	vshrl.u32 v2, $0x5;
	v17 =	vshrl.u32 v3, $0x1B  }
0x8a: {  	v2 =	vshrl.u32 v2, $0x10;
	v19 =	vshrl.u32 v9, $0x1B;
	v16 =	vand.u32 $0x7FF, v16;
	v18 =	vld.idx.msk [tilespmem:v10+s20+$0x0], $0xffff  }
0x8b: {  	v5 =	vshll.u32 v5, $0xB;
	v20 =	vld.idx.msk [tilespmem:v11+s20+$0x0], $0xffff;
	vm0 =	veq.s32 v2, v12;
	v12 =	vshrl.u32 v13, $0x1B  }
0x8c: {  	v22 =	vld.idx.msk [tilespmem:v15+s20+$0x0], $0xffff;
	v2 =	vor.u32 v16, v5  }
0x8d: {  	v21 =	vshrl.u32 v7, $0x5;
	v24 =	vshrl.u32 v6, $0x5;
	v26 =	vshrl.u32 v9, $0x5;
	v5 =	vld.idx.msk [tilespmem:v14+s20+$0x0], $0xffff  }
0x8e: {  	v29 =	vshrl.u32 v3, $0x10;
	v7 =	vshrl.u32 v7, $0x10;
	v23 =	vld.idx.msk [tilespmem:v17+s20+$0x0], $0xffff;
	v16 =	vshrl.u32 v4, $0x5  }
0x8f: {  	v27 =	vshll.u32 v17, $0xB;
	v11 =	vshll.u32 v11, $0xB;
	v25 =	vld.idx.msk [tilespmem:v19+s20+$0x0], $0xffff;
	v16 =	vand.u32 $0x7FF, v16  }
0x90: {  	v4 =	vshrl.u32 v4, $0x10;
	v11 =	vor.u32 v16, v11;
	v16 =	vand.u32 $0x7FF, v21;
	v21 =	vld.idx.msk [tilespmem:v12+s20+$0x0], $0xffff  }
0x91: {  	v10 =	vshll.u32 v10, $0xB;
	[tilespmem:v2+s24+$0x0] =	vst.idx.add.s32.msk vm0, v1;
	vm0 =	veq.s32 v4, v20;
	v4 =	vshrl.u32 v6, $0x10  }
0x92: {  	v2 =	vld [tilespmem:s0+$0x4000];
	v6 =	vand.u32 $0x7FF, v24;
	vm1 =	veq.s32 v4, v5;
	v5 =	vshll.u32 v14, $0xB  }
0x93: {  	v20 =	vor.u32 v16, v10;
	v4 =	vld [tilespmem:s0+$0x4020];
	v16 =	vor.u32 v6, v5;
	v5 =	vshrl.u32 v9, $0x10  }
0x94: {  	v17 =	vand.u32 $0x7FF, v26;
	v6 =	vld [tilespmem:s0+$0x4030];
	v9 =	vshll.u32 v19, $0xB;
	vm2 =	veq.s32 v5, v25  }
0x95: {  	v10 =	vshrl.u32 v8, $0x5;
	v24 =	vshll.u32 v12, $0xB;
	v12 =	vld [tilespmem:s0+$0x4060];
	v9 =	vor.u32 v17, v9  }
0x96: {  	v63 =	vshrl.u32 v28, $0x10;
	v14 =	vshrl.u32 v13, $0x5;
	v10 =	vand.u32 $0x7FF, v10;
	v5 =	vld [tilespmem:s0+$0x4040]  }
0x97: {  	v19 =	vshrl.u32 v3, $0x5;
	[tilespmem:v11+s24+$0x0] =	vst.idx.add.s32.msk vm0, v1;
	v11 =	vshll.u32 v15, $0xB;
	v15 =	vshrl.u32 v28, $0x1B  }
0x98: {  	v3 =	vld [tilespmem:s0+$0x4050];
	vm0 =	veq.s32 v7, v18;
	v7 =	vshrl.u32 v8, $0x10;
	v8 =	vshrl.u32 v4, $0x1B  }
0x99: {  	v13 =	vshrl.u32 v13, $0x10;
	v14 =	vand.u32 $0x7FF, v14;
	[tilespmem:v16+s24+$0x0] =	vst.idx.add.s32.msk vm1, v1;
	v16 =	vshrl.u32 v6, $0x1B  }
0x9a: {  	v26 =	vand.u32 $0x7FF, v19;
	v11 =	vor.u32 v10, v11;
	v10 =	vshrl.u32 v28, $0x5;
	[tilespmem:v9+s24+$0x0] =	vst.idx.add.s32.msk vm2, v1  }
0x9b: {  	v33 =	vor.u32 v26, v27;
	v31 =	vshrl.u32 v2, $0x1B;
	v9 =	vand.u32 $0x7FF, v10;
	v10 =	vld [tilespmem:s0+$0x4070]  }
0x9c: {  	v17 =	vshll.u32 v15, $0xB;
	vm1 =	veq.s32 v13, v21;
	v19 =	vshrl.u32 v5, $0x1B;
	v30 =	vld.idx.msk [tilespmem:v15+s20+$0x0], $0xffff  }
0x9d: {  	v21 =	vshrl.u32 v6, $0x5;
	vm2 =	veq.s32 v29, v23;
	v29 =	vor.u32 v14, v24;
	v18 =	vld.idx.msk [tilespmem:v8+s20+$0x0], $0xffff  }
0x9e: {  	v13 =	vshrl.u32 v3, $0x1B;
	v32 =	vand.u32 $0x7FF, v21;
	v17 =	vor.u32 v9, v17;
	v25 =	vld.idx.msk [tilespmem:v16+s20+$0x0], $0xffff  }
0x9f: {  	v9 =	vshll.u32 v16, $0xB;
	v15 =	vshrl.u32 v4, $0x5;
	[tilespmem:v20+s24+$0x0] =	vst.idx.add.s32.msk vm0, v1;
	vm0 =	veq.s32 v7, v22  }
0xa0: {  	v26 =	vshrl.u32 v12, $0x1B;
	v16 =	vor.u32 v32, v9;
	v9 =	vand.u32 $0x7FF, v15;
	v15 =	vld.idx.msk [tilespmem:v31+s20+$0x0], $0xffff  }
0xa1: {  	v27 =	vshrl.u32 v2, $0x5;
	v21 =	vshrl.u32 v5, $0x5;
	v14 =	vshll.u32 v8, $0xB;
	v24 =	vld.idx.msk [tilespmem:v19+s20+$0x0], $0xffff  }
0xa2: {  	v23 =	vshrl.u32 v12, $0x5;
	v28 =	vshrl.u32 v10, $0x1B;
	[tilespmem:v29+s24+$0x0] =	vst.idx.add.s32.msk vm1, v1;
	vm1 =	veq.s32 v63, v30  }
0xa3: {  	v8 =	vshll.u32 v31, $0xB;
	v20 =	vshrl.u32 v3, $0x5;
	v7 =	vor.u32 v9, v14;
	v9 =	vld.idx.msk [tilespmem:v13+s20+$0x0], $0xffff  }
0xa4: {  	v22 =	vand.u32 $0x7FF, v20;
	v14 =	vshrl.u32 v10, $0x5;
	v20 =	vshll.u32 v28, $0xB;
	[tilespmem:v33+s24+$0x0] =	vst.idx.add.s32.msk vm2, v1  }
.LBB2_6:
0xa5: {  	s2 =	sadd.s32 $0x80, s2;
	s29 =	sadd.s32 $0x400, s29;
	[tilespmem:v11+s24+$0x0] =	vst.idx.add.s32.msk vm0, v1  }
0xa6: {  	s30 =	sadd.s32 $0x20, s30;
	s0 =	sand.u32 $0x3000, s2;
	s3 =	sand.u32 $0xC00, s29;
	v11 =	vld.idx.msk [tilespmem:v26+s20+$0x0], $0xffff  }
0xa7: {  	v6 =	vshrl.u32 v6, $0x10;
	s31 =	sand.u32 $0x380, s30;
	p0 =	slt.u32 s2, $0x3F80;
	s0 =	sor.u32 s3, s0;
	v28 =	vld.idx.msk [tilespmem:v28+s20+$0x0], $0xffff  }
0xa8: {  	vm2 =	veq.s32 v6, v25;
	s0 =	sor.u32 s31, s0;
	[tilespmem:v17+s24+$0x0] =	vst.idx.add.s32.msk vm1, v1  }
0xa9: {  	v27 =	vand.u32 $0x7FF, v27;
	v5 =	vshrl.u32 v5, $0x10;
	v17 =	vld [tilespmem:s0+$0x4000]  }
0xaa: {  	vm3 =	veq.s32 v5, v24;
	v5 =	vshll.u32 v19, $0xB;
	v6 =	vand.u32 $0x7FF, v21;
	v29 =	vld [tilespmem:s0+$0x4010]  }
0xab: {  	v24 =	vshrl.u32 v2, $0x10;
	v2 =	vshrl.u32 v12, $0x10;
	v21 =	vor.u32 v6, v5;
	v19 =	vld [tilespmem:s0+$0x4020]  }
0xac: {  	vm0 =	veq.s32 v2, v11;
	v2 =	vshll.u32 v26, $0xB;
	v11 =	vand.u32 $0x7FF, v23;
	v6 =	vld [tilespmem:s0+$0x4030]  }
0xad: {  	v4 =	vshrl.u32 v4, $0x10;
	v12 =	vshll.u32 v13, $0xB;
	v13 =	vor.u32 v11, v2;
	v5 =	vld [tilespmem:s0+$0x4040]  }
0xae: {  	vm1 =	veq.s32 v4, v18;
	v26 =	vshrl.u32 v3, $0x10;
	v11 =	vor.u32 v22, v12;
	[tilespmem:v16+s24+$0x0] =	vst.idx.add.s32.msk vm2, v1  }
0xaf: {  	v22 =	vshrl.u32 v10, $0x10;
	v2 =	vmovc v17;
	v16 =	vshrl.u32 v29, $0x1B;
	v12 =	vshrl.u32 v29, $0x5;
	v3 =	vld [tilespmem:s0+$0x4050]  }
0xb0: {  	vm2 =	veq.s32 v22, v28;
	v10 =	vshll.u32 v16, $0xB;
	v18 =	vshrl.u32 v19, $0x1B;
	[tilespmem:v21+s24+$0x0] =	vst.idx.add.s32.msk vm3, v1;
	v4 =	vmovc v19  }
0xb1: {  	v17 =	vand.u32 $0x7FF, v12;
	v22 =	vshrl.u32 v6, $0x1B;
	v21 =	vshrl.u32 v6, $0x5;
	v12 =	vld [tilespmem:s0+$0x4060]  }
0xb2: {  	v17 =	vor.u32 v17, v10;
	v23 =	vshll.u32 v22, $0xB;
	v19 =	vshrl.u32 v5, $0x1B;
	[tilespmem:v13+s24+$0x0] =	vst.idx.add.s32.msk vm0, v1  }
0xb3: {  	v25 =	vshrl.u32 v4, $0x5;
	v13 =	vand.u32 $0x7FF, v21;
	v21 =	vshrl.u32 v5, $0x5;
	v10 =	vld [tilespmem:s0+$0x4070]  }
0xb4: {  	v30 =	vshll.u32 v18, $0xB;
	v28 =	vld.idx.msk [tilespmem:v16+s20+$0x0], $0xffff;
	v16 =	vor.u32 v13, v23;
	v13 =	vshrl.u32 v3, $0x1B  }
0xb5: {  	v14 =	vand.u32 $0x7FF, v14;
	v31 =	vshrl.u32 v2, $0x1B;
	v32 =	vand.u32 $0x7FF, v25;
	v18 =	vld.idx.msk [tilespmem:v18+s20+$0x0], $0xffff  }
0xb6: {  	v33 =	vor.u32 v14, v20;
	vm3 =	veq.s32 v24, v15;
	v25 =	vld.idx.msk [tilespmem:v22+s20+$0x0], $0xffff;
	v23 =	vshrl.u32 v12, $0x5  }
0xb7: {  	v34 =	vor.u32 v27, v8;
	v8 =	vshll.u32 v31, $0xB;
	vm0 =	veq.s32 v26, v9;
	v24 =	vld.idx.msk [tilespmem:v19+s20+$0x0], $0xffff  }
.Ltmp2:
0xb8: {  	v15 =	vshrl.u32 v3, $0x5;
	v14 =	vshrl.u32 v10, $0x5;
	[tilespmem:v7+s24+$0x0] =	vst.idx.add.s32.msk vm1, v1;
	v7 =	vor.u32 v32, v30;
	(pc) =	sbr.rel @p0 .LBB2_6-.Ltmp2, $4  }
0xb9: {  	v20 =	vshrl.u32 v29, $0x10;
	v22 =	vand.u32 $0x7FF, v15;
	v26 =	vshrl.u32 v12, $0x1B;
	v9 =	vld.idx.msk [tilespmem:v13+s20+$0x0], $0xffff  }
0xba: {  	v27 =	vshrl.u32 v2, $0x5;
	vm1 =	veq.s32 v20, v28;
	v28 =	vshrl.u32 v10, $0x1B;
	v15 =	vld.idx.msk [tilespmem:v31+s20+$0x0], $0xffff  }
0xbb: {  	v20 =	vshll.u32 v28, $0xB;
	[tilespmem:v33+s24+$0x0] =	vst.idx.add.s32.msk vm2, v1  }
0xbc: {  	[tilespmem:v34+s24+$0x0] =	vst.idx.add.s32.msk vm3, v1  }
0xbd: {  	_ =	sdelay $0x2  }
0xbe: {  	v6 =	vshrl.u32 v6, $0x10  }
0xbf: {  	v29 =	vld.idx.msk [tilespmem:v26+s20+$0x0], $0xffff;
	v5 =	vshrl.u32 v5, $0x10;
	v19 =	vshll.u32 v19, $0xB;
	v21 =	vand.u32 $0x7FF, v21  }
0xc0: {  	v28 =	vld.idx.msk [tilespmem:v28+s20+$0x0], $0xffff;
	v12 =	vshrl.u32 v12, $0x10;
	v4 =	vshrl.u32 v4, $0x10;
	vm2 =	veq.s32 v6, v25  }
0xc1: {  	v2 =	vshrl.u32 v2, $0x10;
	v3 =	vshrl.u32 v3, $0x10;
	vm3 =	veq.s32 v5, v24  }
0xc2: {  	v6 =	vand.u32 $0x7FF, v27;
	v5 =	vor.u32 v21, v19;
	vm5 =	veq.s32 v4, v18  }
0xc3: {  	[tilespmem:v17+s24+$0x0] =	vst.idx.add.s32.msk vm1, v1;
	v19 =	vand.u32 $0x7FF, v23;
	v4 =	vshrl.u32 v10, $0x10;
	vm1 =	veq.s32 v2, v15  }
0xc4: {  	v6 =	vor.u32 v6, v8;
	vm4 =	veq.s32 v12, v29;
	v12 =	vshll.u32 v26, $0xB  }
0xc5: {  	[tilespmem:v11+s24+$0x0] =	vst.idx.add.s32.msk vm0, v1;
	vm0 =	veq.s32 v4, v28;
	v4 =	vand.u32 $0x7FF, v14;
	v12 =	vor.u32 v19, v12  }
0xc6: {  	v2 =	vor.u32 v4, v20;
	v4 =	vshll.u32 v13, $0xB;
	[tilespmem:v16+s24+$0x0] =	vst.idx.add.s32.msk vm2, v1;
	vm2 =	veq.s32 v3, v9  }
0xc7: {  	[tilespmem:v5+s24+$0x0] =	vst.idx.add.s32.msk vm3, v1;
	v3 =	vor.u32 v22, v4  }
0xc8: {  	[tilespmem:v7+s24+$0x0] =	vst.idx.add.s32.msk vm5, v1  }
0xc9: {  	[tilespmem:v6+s24+$0x0] =	vst.idx.add.s32.msk vm1, v1  }
0xca: {  	[tilespmem:v12+s24+$0x0] =	vst.idx.add.s32.msk vm4, v1  }
0xcb: {  	[tilespmem:v2+s24+$0x0] =	vst.idx.add.s32.msk vm0, v1  }
0xcc: {  	s0 =	simm.s32 $0x0;
	s2 =	simm.s32 $0x0;
	[tilespmem:v3+s24+$0x0] =	vst.idx.add.s32.msk vm2, v1  }
0xcd: {  	[tilespmem:s22], [sflag:$0x2] =	stream.linear.gather [hbm4b:s7+s0], $0x4000, $0x38;
	[tilespmem:$0xD880] =	vst v63  }
0xce: {  	s2 =	sand.u32 $0x3000, s2;
	s3 =	sand.u32 $0xC00, s0;
	_ =	swait.ge [sflag:s23], $0x4000  }
0xcf: {  	s2 =	sor.u32 s3, s2;
	s0 =	sand.u32 $0x380, s0;
	[sflag:s23] =	ssyncset.done $0x0  }
0xd0: {  	s0 =	sor.u32 s0, s2;
	[sflag:s23] =	ssyncadd.s32 $0xFFFFC000  }
0xd1: {  	v2 =	vld [tilespmem:s0+$0x10];
	_ =	sdelay $0x2  }
0xd2: {  	v3 =	vld [tilespmem:s0+$0x0]  }
0xd3: {  	v7 =	vld [tilespmem:s0+$0x20]  }
0xd4: {  	v4 =	vld [tilespmem:s0+$0x30];
	v5 =	vshrl.u32 v2, $0x1B  }
0xd5: {  	v8 =	vld [tilespmem:s0+$0x50]  }
0xd6: {  	v6 =	vld [tilespmem:s0+$0x40]  }
0xd7: {  	v9 =	vld [tilespmem:s0+$0x60]  }
0xd8: {  	s29 =	simm.s32 $0x400;
	s2 =	simm.s32 $0x80;
	v13 =	vld [tilespmem:s0+$0x70];
	v10 =	vshrl.u32 v7, $0x1B  }
0xd9: {  	s30 =	simm.s32 $0x20;
	s3 =	sand.u32 $0xC00, s29;
	s0 =	sand.u32 $0x3000, s2;
	v11 =	vshrl.u32 v4, $0x1B;
	v12 =	vld.idx.msk [tilespmem:v5+s20+$0x0], $0xffff  }
0xda: {  	s31 =	sand.u32 $0x380, s30;
	s0 =	sor.u32 s3, s0;
	v15 =	vshrl.u32 v8, $0x1B  }
0xdb: {  	s0 =	sor.u32 s31, s0;
	v14 =	vshrl.u32 v6, $0x1B  }
0xdc: {  	v28 =	vld [tilespmem:s0+$0x10];
	v16 =	vshrl.u32 v2, $0x5;
	v17 =	vshrl.u32 v3, $0x1B  }
0xdd: {  	v2 =	vshrl.u32 v2, $0x10;
	v19 =	vshrl.u32 v9, $0x1B;
	v16 =	vand.u32 $0x7FF, v16;
	v18 =	vld.idx.msk [tilespmem:v10+s20+$0x0], $0xffff  }
0xde: {  	v5 =	vshll.u32 v5, $0xB;
	v20 =	vld.idx.msk [tilespmem:v11+s20+$0x0], $0xffff;
	vm0 =	veq.s32 v2, v12;
	v12 =	vshrl.u32 v13, $0x1B  }
0xdf: {  	v22 =	vld.idx.msk [tilespmem:v15+s20+$0x0], $0xffff;
	v2 =	vor.u32 v16, v5  }
0xe0: {  	v21 =	vshrl.u32 v7, $0x5;
	v24 =	vshrl.u32 v6, $0x5;
	v26 =	vshrl.u32 v9, $0x5;
	v5 =	vld.idx.msk [tilespmem:v14+s20+$0x0], $0xffff  }
0xe1: {  	v29 =	vshrl.u32 v3, $0x10;
	v7 =	vshrl.u32 v7, $0x10;
	v23 =	vld.idx.msk [tilespmem:v17+s20+$0x0], $0xffff;
	v16 =	vshrl.u32 v4, $0x5  }
0xe2: {  	v27 =	vshll.u32 v17, $0xB;
	v11 =	vshll.u32 v11, $0xB;
	v25 =	vld.idx.msk [tilespmem:v19+s20+$0x0], $0xffff;
	v16 =	vand.u32 $0x7FF, v16  }
0xe3: {  	v4 =	vshrl.u32 v4, $0x10;
	v11 =	vor.u32 v16, v11;
	v16 =	vand.u32 $0x7FF, v21;
	v21 =	vld.idx.msk [tilespmem:v12+s20+$0x0], $0xffff  }
0xe4: {  	v10 =	vshll.u32 v10, $0xB;
	[tilespmem:v2+s24+$0x0] =	vst.idx.add.s32.msk vm0, v1;
	vm0 =	veq.s32 v4, v20;
	v4 =	vshrl.u32 v6, $0x10  }
0xe5: {  	v2 =	vld [tilespmem:s0+$0x0];
	v6 =	vand.u32 $0x7FF, v24;
	vm1 =	veq.s32 v4, v5;
	v5 =	vshll.u32 v14, $0xB  }
0xe6: {  	v20 =	vor.u32 v16, v10;
	v4 =	vld [tilespmem:s0+$0x20];
	v16 =	vor.u32 v6, v5;
	v5 =	vshrl.u32 v9, $0x10  }
0xe7: {  	v17 =	vand.u32 $0x7FF, v26;
	v6 =	vld [tilespmem:s0+$0x30];
	v9 =	vshll.u32 v19, $0xB;
	vm2 =	veq.s32 v5, v25  }
0xe8: {  	v10 =	vshrl.u32 v8, $0x5;
	v24 =	vshll.u32 v12, $0xB;
	v12 =	vld [tilespmem:s0+$0x60];
	v9 =	vor.u32 v17, v9  }
0xe9: {  	v63 =	vshrl.u32 v28, $0x10;
	v14 =	vshrl.u32 v13, $0x5;
	v10 =	vand.u32 $0x7FF, v10;
	v5 =	vld [tilespmem:s0+$0x40]  }
0xea: {  	v19 =	vshrl.u32 v3, $0x5;
	[tilespmem:v11+s24+$0x0] =	vst.idx.add.s32.msk vm0, v1;
	v11 =	vshll.u32 v15, $0xB;
	v15 =	vshrl.u32 v28, $0x1B  }
0xeb: {  	v3 =	vld [tilespmem:s0+$0x50];
	vm0 =	veq.s32 v7, v18;
	v7 =	vshrl.u32 v8, $0x10;
	v8 =	vshrl.u32 v4, $0x1B  }
0xec: {  	v13 =	vshrl.u32 v13, $0x10;
	v14 =	vand.u32 $0x7FF, v14;
	[tilespmem:v16+s24+$0x0] =	vst.idx.add.s32.msk vm1, v1;
	v16 =	vshrl.u32 v6, $0x1B  }
0xed: {  	v26 =	vand.u32 $0x7FF, v19;
	v11 =	vor.u32 v10, v11;
	v10 =	vshrl.u32 v28, $0x5;
	[tilespmem:v9+s24+$0x0] =	vst.idx.add.s32.msk vm2, v1  }
0xee: {  	v33 =	vor.u32 v26, v27;
	v31 =	vshrl.u32 v2, $0x1B;
	v9 =	vand.u32 $0x7FF, v10;
	v10 =	vld [tilespmem:s0+$0x70]  }
0xef: {  	v17 =	vshll.u32 v15, $0xB;
	vm1 =	veq.s32 v13, v21;
	v19 =	vshrl.u32 v5, $0x1B;
	v30 =	vld.idx.msk [tilespmem:v15+s20+$0x0], $0xffff  }
0xf0: {  	v21 =	vshrl.u32 v6, $0x5;
	vm2 =	veq.s32 v29, v23;
	v29 =	vor.u32 v14, v24;
	v18 =	vld.idx.msk [tilespmem:v8+s20+$0x0], $0xffff  }
0xf1: {  	v13 =	vshrl.u32 v3, $0x1B;
	v32 =	vand.u32 $0x7FF, v21;
	v17 =	vor.u32 v9, v17;
	v25 =	vld.idx.msk [tilespmem:v16+s20+$0x0], $0xffff  }
0xf2: {  	v9 =	vshll.u32 v16, $0xB;
	v15 =	vshrl.u32 v4, $0x5;
	[tilespmem:v20+s24+$0x0] =	vst.idx.add.s32.msk vm0, v1;
	vm0 =	veq.s32 v7, v22  }
0xf3: {  	v26 =	vshrl.u32 v12, $0x1B;
	v16 =	vor.u32 v32, v9;
	v9 =	vand.u32 $0x7FF, v15;
	v15 =	vld.idx.msk [tilespmem:v31+s20+$0x0], $0xffff  }
0xf4: {  	v27 =	vshrl.u32 v2, $0x5;
	v21 =	vshrl.u32 v5, $0x5;
	v14 =	vshll.u32 v8, $0xB;
	v24 =	vld.idx.msk [tilespmem:v19+s20+$0x0], $0xffff  }
0xf5: {  	v23 =	vshrl.u32 v12, $0x5;
	v28 =	vshrl.u32 v10, $0x1B;
	[tilespmem:v29+s24+$0x0] =	vst.idx.add.s32.msk vm1, v1;
	vm1 =	veq.s32 v63, v30  }
0xf6: {  	v8 =	vshll.u32 v31, $0xB;
	v20 =	vshrl.u32 v3, $0x5;
	v7 =	vor.u32 v9, v14;
	v9 =	vld.idx.msk [tilespmem:v13+s20+$0x0], $0xffff  }
0xf7: {  	v22 =	vand.u32 $0x7FF, v20;
	v14 =	vshrl.u32 v10, $0x5;
	v20 =	vshll.u32 v28, $0xB;
	[tilespmem:v33+s24+$0x0] =	vst.idx.add.s32.msk vm2, v1  }
.LBB2_8:
0xf8: {  	s2 =	sadd.s32 $0x80, s2;
	s29 =	sadd.s32 $0x400, s29;
	[tilespmem:v11+s24+$0x0] =	vst.idx.add.s32.msk vm0, v1  }
0xf9: {  	s30 =	sadd.s32 $0x20, s30;
	s0 =	sand.u32 $0x3000, s2;
	s3 =	sand.u32 $0xC00, s29;
	v11 =	vld.idx.msk [tilespmem:v26+s20+$0x0], $0xffff  }
0xfa: {  	v6 =	vshrl.u32 v6, $0x10;
	s31 =	sand.u32 $0x380, s30;
	p0 =	slt.u32 s2, $0x3F80;
	s0 =	sor.u32 s3, s0;
	v28 =	vld.idx.msk [tilespmem:v28+s20+$0x0], $0xffff  }
0xfb: {  	vm2 =	veq.s32 v6, v25;
	s0 =	sor.u32 s31, s0;
	[tilespmem:v17+s24+$0x0] =	vst.idx.add.s32.msk vm1, v1  }
0xfc: {  	v27 =	vand.u32 $0x7FF, v27;
	v5 =	vshrl.u32 v5, $0x10;
	v17 =	vld [tilespmem:s0+$0x0]  }
0xfd: {  	vm3 =	veq.s32 v5, v24;
	v5 =	vshll.u32 v19, $0xB;
	v6 =	vand.u32 $0x7FF, v21;
	v29 =	vld [tilespmem:s0+$0x10]  }
0xfe: {  	v24 =	vshrl.u32 v2, $0x10;
	v2 =	vshrl.u32 v12, $0x10;
	v21 =	vor.u32 v6, v5;
	v19 =	vld [tilespmem:s0+$0x20]  }
0xff: {  	vm0 =	veq.s32 v2, v11;
	v2 =	vshll.u32 v26, $0xB;
	v11 =	vand.u32 $0x7FF, v23;
	v6 =	vld [tilespmem:s0+$0x30]  }
0x100: {  	v4 =	vshrl.u32 v4, $0x10;
	v12 =	vshll.u32 v13, $0xB;
	v13 =	vor.u32 v11, v2;
	v5 =	vld [tilespmem:s0+$0x40]  }
0x101: {  	vm1 =	veq.s32 v4, v18;
	v26 =	vshrl.u32 v3, $0x10;
	v11 =	vor.u32 v22, v12;
	[tilespmem:v16+s24+$0x0] =	vst.idx.add.s32.msk vm2, v1  }
0x102: {  	v22 =	vshrl.u32 v10, $0x10;
	v2 =	vmovc v17;
	v16 =	vshrl.u32 v29, $0x1B;
	v12 =	vshrl.u32 v29, $0x5;
	v3 =	vld [tilespmem:s0+$0x50]  }
0x103: {  	vm2 =	veq.s32 v22, v28;
	v10 =	vshll.u32 v16, $0xB;
	v18 =	vshrl.u32 v19, $0x1B;
	[tilespmem:v21+s24+$0x0] =	vst.idx.add.s32.msk vm3, v1;
	v4 =	vmovc v19  }
0x104: {  	v17 =	vand.u32 $0x7FF, v12;
	v22 =	vshrl.u32 v6, $0x1B;
	v21 =	vshrl.u32 v6, $0x5;
	v12 =	vld [tilespmem:s0+$0x60]  }
0x105: {  	v17 =	vor.u32 v17, v10;
	v23 =	vshll.u32 v22, $0xB;
	v19 =	vshrl.u32 v5, $0x1B;
	[tilespmem:v13+s24+$0x0] =	vst.idx.add.s32.msk vm0, v1  }
0x106: {  	v25 =	vshrl.u32 v4, $0x5;
	v13 =	vand.u32 $0x7FF, v21;
	v21 =	vshrl.u32 v5, $0x5;
	v10 =	vld [tilespmem:s0+$0x70]  }
0x107: {  	v30 =	vshll.u32 v18, $0xB;
	v28 =	vld.idx.msk [tilespmem:v16+s20+$0x0], $0xffff;
	v16 =	vor.u32 v13, v23;
	v13 =	vshrl.u32 v3, $0x1B  }
0x108: {  	v14 =	vand.u32 $0x7FF, v14;
	v31 =	vshrl.u32 v2, $0x1B;
	v32 =	vand.u32 $0x7FF, v25;
	v18 =	vld.idx.msk [tilespmem:v18+s20+$0x0], $0xffff  }
0x109: {  	v33 =	vor.u32 v14, v20;
	vm3 =	veq.s32 v24, v15;
	v25 =	vld.idx.msk [tilespmem:v22+s20+$0x0], $0xffff;
	v23 =	vshrl.u32 v12, $0x5  }
0x10a: {  	v34 =	vor.u32 v27, v8;
	v8 =	vshll.u32 v31, $0xB;
	vm0 =	veq.s32 v26, v9;
	v24 =	vld.idx.msk [tilespmem:v19+s20+$0x0], $0xffff  }
.Ltmp3:
0x10b: {  	v15 =	vshrl.u32 v3, $0x5;
	v14 =	vshrl.u32 v10, $0x5;
	[tilespmem:v7+s24+$0x0] =	vst.idx.add.s32.msk vm1, v1;
	v7 =	vor.u32 v32, v30;
	(pc) =	sbr.rel @p0 .LBB2_8-.Ltmp3, $4  }
0x10c: {  	v20 =	vshrl.u32 v29, $0x10;
	v22 =	vand.u32 $0x7FF, v15;
	v26 =	vshrl.u32 v12, $0x1B;
	v9 =	vld.idx.msk [tilespmem:v13+s20+$0x0], $0xffff  }
0x10d: {  	v27 =	vshrl.u32 v2, $0x5;
	vm1 =	veq.s32 v20, v28;
	v28 =	vshrl.u32 v10, $0x1B;
	v15 =	vld.idx.msk [tilespmem:v31+s20+$0x0], $0xffff  }
0x10e: {  	v20 =	vshll.u32 v28, $0xB;
	[tilespmem:v33+s24+$0x0] =	vst.idx.add.s32.msk vm2, v1  }
0x10f: {  	[tilespmem:v34+s24+$0x0] =	vst.idx.add.s32.msk vm3, v1  }
0x110: {  	_ =	sdelay $0x2  }
0x111: {  	v6 =	vshrl.u32 v6, $0x10  }
0x112: {  	v29 =	vld.idx.msk [tilespmem:v26+s20+$0x0], $0xffff;
	v5 =	vshrl.u32 v5, $0x10;
	v19 =	vshll.u32 v19, $0xB;
	v21 =	vand.u32 $0x7FF, v21  }
0x113: {  	v28 =	vld.idx.msk [tilespmem:v28+s20+$0x0], $0xffff;
	v12 =	vshrl.u32 v12, $0x10;
	v4 =	vshrl.u32 v4, $0x10;
	vm2 =	veq.s32 v6, v25  }
0x114: {  	v2 =	vshrl.u32 v2, $0x10;
	v3 =	vshrl.u32 v3, $0x10;
	vm3 =	veq.s32 v5, v24  }
0x115: {  	v6 =	vand.u32 $0x7FF, v27;
	v5 =	vor.u32 v21, v19;
	vm5 =	veq.s32 v4, v18  }
0x116: {  	[tilespmem:v17+s24+$0x0] =	vst.idx.add.s32.msk vm1, v1;
	v19 =	vand.u32 $0x7FF, v23;
	v4 =	vshrl.u32 v10, $0x10;
	vm1 =	veq.s32 v2, v15  }
0x117: {  	v6 =	vor.u32 v6, v8;
	vm4 =	veq.s32 v12, v29;
	v12 =	vshll.u32 v26, $0xB  }
0x118: {  	[tilespmem:v11+s24+$0x0] =	vst.idx.add.s32.msk vm0, v1;
	vm0 =	veq.s32 v4, v28;
	v4 =	vand.u32 $0x7FF, v14;
	v12 =	vor.u32 v19, v12  }
0x119: {  	v2 =	vor.u32 v4, v20;
	v4 =	vshll.u32 v13, $0xB;
	[tilespmem:v16+s24+$0x0] =	vst.idx.add.s32.msk vm2, v1;
	vm2 =	veq.s32 v3, v9  }
0x11a: {  	[tilespmem:v5+s24+$0x0] =	vst.idx.add.s32.msk vm3, v1;
	v3 =	vor.u32 v22, v4  }
0x11b: {  	[tilespmem:v7+s24+$0x0] =	vst.idx.add.s32.msk vm5, v1  }
0x11c: {  	[tilespmem:v6+s24+$0x0] =	vst.idx.add.s32.msk vm1, v1  }
0x11d: {  	[tilespmem:v12+s24+$0x0] =	vst.idx.add.s32.msk vm4, v1  }
0x11e: {  	[tilespmem:v2+s24+$0x0] =	vst.idx.add.s32.msk vm0, v1  }
0x11f: {  	s0 =	simm.s32 $0x0;
	s2 =	simm.s32 $0x0;
	[tilespmem:v3+s24+$0x0] =	vst.idx.add.s32.msk vm2, v1  }
0x120: {  	s2 =	sand.u32 $0x3000, s2;
	s3 =	sand.u32 $0xC00, s0;
	_ =	swait.ge [sflag:s25], $0x4000  }
0x121: {  	s0 =	sand.u32 $0x380, s0;
	s2 =	sor.u32 s3, s2;
	[sflag:s25] =	ssyncset.done $0x0  }
0x122: {  	s0 =	sor.u32 s0, s2;
	[sflag:s25] =	ssyncadd.s32 $0xFFFFC000  }
0x123: {  	v2 =	vld [tilespmem:s0+$0x4010];
	_ =	sdelay $0x2  }
0x124: {  	v3 =	vld [tilespmem:s0+$0x4000]  }
0x125: {  	v7 =	vld [tilespmem:s0+$0x4020]  }
0x126: {  	v4 =	vld [tilespmem:s0+$0x4030];
	v5 =	vshrl.u32 v2, $0x1B  }
0x127: {  	v8 =	vld [tilespmem:s0+$0x4050]  }
0x128: {  	v6 =	vld [tilespmem:s0+$0x4040]  }
0x129: {  	v9 =	vld [tilespmem:s0+$0x4060]  }
0x12a: {  	s29 =	simm.s32 $0x400;
	s2 =	simm.s32 $0x80;
	v13 =	vld [tilespmem:s0+$0x4070];
	v10 =	vshrl.u32 v7, $0x1B  }
0x12b: {  	s30 =	simm.s32 $0x20;
	s3 =	sand.u32 $0xC00, s29;
	s0 =	sand.u32 $0x3000, s2;
	v11 =	vshrl.u32 v4, $0x1B;
	v12 =	vld.idx.msk [tilespmem:v5+s20+$0x0], $0xffff  }
0x12c: {  	s31 =	sand.u32 $0x380, s30;
	s0 =	sor.u32 s3, s0;
	v15 =	vshrl.u32 v8, $0x1B  }
0x12d: {  	s0 =	sor.u32 s31, s0;
	v14 =	vshrl.u32 v6, $0x1B  }
0x12e: {  	v28 =	vld [tilespmem:s0+$0x4010];
	v16 =	vshrl.u32 v2, $0x5;
	v17 =	vshrl.u32 v3, $0x1B  }
0x12f: {  	v2 =	vshrl.u32 v2, $0x10;
	v19 =	vshrl.u32 v9, $0x1B;
	v16 =	vand.u32 $0x7FF, v16;
	v18 =	vld.idx.msk [tilespmem:v10+s20+$0x0], $0xffff  }
0x130: {  	v5 =	vshll.u32 v5, $0xB;
	v20 =	vld.idx.msk [tilespmem:v11+s20+$0x0], $0xffff;
	vm0 =	veq.s32 v2, v12;
	v12 =	vshrl.u32 v13, $0x1B  }
0x131: {  	v22 =	vld.idx.msk [tilespmem:v15+s20+$0x0], $0xffff;
	v2 =	vor.u32 v16, v5  }
0x132: {  	v21 =	vshrl.u32 v7, $0x5;
	v24 =	vshrl.u32 v6, $0x5;
	v26 =	vshrl.u32 v9, $0x5;
	v5 =	vld.idx.msk [tilespmem:v14+s20+$0x0], $0xffff  }
0x133: {  	v29 =	vshrl.u32 v3, $0x10;
	v7 =	vshrl.u32 v7, $0x10;
	v23 =	vld.idx.msk [tilespmem:v17+s20+$0x0], $0xffff;
	v16 =	vshrl.u32 v4, $0x5  }
0x134: {  	v27 =	vshll.u32 v17, $0xB;
	v11 =	vshll.u32 v11, $0xB;
	v25 =	vld.idx.msk [tilespmem:v19+s20+$0x0], $0xffff;
	v16 =	vand.u32 $0x7FF, v16  }
0x135: {  	v4 =	vshrl.u32 v4, $0x10;
	v11 =	vor.u32 v16, v11;
	v16 =	vand.u32 $0x7FF, v21;
	v21 =	vld.idx.msk [tilespmem:v12+s20+$0x0], $0xffff  }
0x136: {  	v10 =	vshll.u32 v10, $0xB;
	[tilespmem:v2+s24+$0x0] =	vst.idx.add.s32.msk vm0, v1;
	vm0 =	veq.s32 v4, v20;
	v4 =	vshrl.u32 v6, $0x10  }
0x137: {  	v2 =	vld [tilespmem:s0+$0x4000];
	v6 =	vand.u32 $0x7FF, v24;
	vm1 =	veq.s32 v4, v5;
	v5 =	vshll.u32 v14, $0xB  }
0x138: {  	v20 =	vor.u32 v16, v10;
	v4 =	vld [tilespmem:s0+$0x4020];
	v16 =	vor.u32 v6, v5;
	v5 =	vshrl.u32 v9, $0x10  }
0x139: {  	v17 =	vand.u32 $0x7FF, v26;
	v6 =	vld [tilespmem:s0+$0x4030];
	v9 =	vshll.u32 v19, $0xB;
	vm2 =	veq.s32 v5, v25  }
0x13a: {  	v10 =	vshrl.u32 v8, $0x5;
	v24 =	vshll.u32 v12, $0xB;
	v12 =	vld [tilespmem:s0+$0x4060];
	v9 =	vor.u32 v17, v9  }
0x13b: {  	v63 =	vshrl.u32 v28, $0x10;
	v14 =	vshrl.u32 v13, $0x5;
	v10 =	vand.u32 $0x7FF, v10;
	v5 =	vld [tilespmem:s0+$0x4040]  }
0x13c: {  	v19 =	vshrl.u32 v3, $0x5;
	[tilespmem:v11+s24+$0x0] =	vst.idx.add.s32.msk vm0, v1;
	v11 =	vshll.u32 v15, $0xB;
	v15 =	vshrl.u32 v28, $0x1B  }
0x13d: {  	v3 =	vld [tilespmem:s0+$0x4050];
	vm0 =	veq.s32 v7, v18;
	v7 =	vshrl.u32 v8, $0x10;
	v8 =	vshrl.u32 v4, $0x1B  }
0x13e: {  	v13 =	vshrl.u32 v13, $0x10;
	v14 =	vand.u32 $0x7FF, v14;
	[tilespmem:v16+s24+$0x0] =	vst.idx.add.s32.msk vm1, v1;
	v16 =	vshrl.u32 v6, $0x1B  }
0x13f: {  	v26 =	vand.u32 $0x7FF, v19;
	v11 =	vor.u32 v10, v11;
	v10 =	vshrl.u32 v28, $0x5;
	[tilespmem:v9+s24+$0x0] =	vst.idx.add.s32.msk vm2, v1  }
0x140: {  	v33 =	vor.u32 v26, v27;
	v31 =	vshrl.u32 v2, $0x1B;
	v9 =	vand.u32 $0x7FF, v10;
	v10 =	vld [tilespmem:s0+$0x4070]  }
0x141: {  	v17 =	vshll.u32 v15, $0xB;
	vm1 =	veq.s32 v13, v21;
	v19 =	vshrl.u32 v5, $0x1B;
	v30 =	vld.idx.msk [tilespmem:v15+s20+$0x0], $0xffff  }
0x142: {  	v21 =	vshrl.u32 v6, $0x5;
	vm2 =	veq.s32 v29, v23;
	v29 =	vor.u32 v14, v24;
	v18 =	vld.idx.msk [tilespmem:v8+s20+$0x0], $0xffff  }
0x143: {  	v13 =	vshrl.u32 v3, $0x1B;
	v32 =	vand.u32 $0x7FF, v21;
	v17 =	vor.u32 v9, v17;
	v25 =	vld.idx.msk [tilespmem:v16+s20+$0x0], $0xffff  }
0x144: {  	v9 =	vshll.u32 v16, $0xB;
	v15 =	vshrl.u32 v4, $0x5;
	[tilespmem:v20+s24+$0x0] =	vst.idx.add.s32.msk vm0, v1;
	vm0 =	veq.s32 v7, v22  }
0x145: {  	v26 =	vshrl.u32 v12, $0x1B;
	v16 =	vor.u32 v32, v9;
	v9 =	vand.u32 $0x7FF, v15;
	v15 =	vld.idx.msk [tilespmem:v31+s20+$0x0], $0xffff  }
0x146: {  	v27 =	vshrl.u32 v2, $0x5;
	v21 =	vshrl.u32 v5, $0x5;
	v14 =	vshll.u32 v8, $0xB;
	v24 =	vld.idx.msk [tilespmem:v19+s20+$0x0], $0xffff  }
0x147: {  	v23 =	vshrl.u32 v12, $0x5;
	v28 =	vshrl.u32 v10, $0x1B;
	[tilespmem:v29+s24+$0x0] =	vst.idx.add.s32.msk vm1, v1;
	vm1 =	veq.s32 v63, v30  }
0x148: {  	v8 =	vshll.u32 v31, $0xB;
	v20 =	vshrl.u32 v3, $0x5;
	v7 =	vor.u32 v9, v14;
	v9 =	vld.idx.msk [tilespmem:v13+s20+$0x0], $0xffff  }
0x149: {  	v22 =	vand.u32 $0x7FF, v20;
	v14 =	vshrl.u32 v10, $0x5;
	v20 =	vshll.u32 v28, $0xB;
	[tilespmem:v33+s24+$0x0] =	vst.idx.add.s32.msk vm2, v1  }
.LBB2_10:
0x14a: {  	s2 =	sadd.s32 $0x80, s2;
	s29 =	sadd.s32 $0x400, s29;
	[tilespmem:v11+s24+$0x0] =	vst.idx.add.s32.msk vm0, v1  }
0x14b: {  	s30 =	sadd.s32 $0x20, s30;
	s0 =	sand.u32 $0x3000, s2;
	s3 =	sand.u32 $0xC00, s29;
	v11 =	vld.idx.msk [tilespmem:v26+s20+$0x0], $0xffff  }
0x14c: {  	v6 =	vshrl.u32 v6, $0x10;
	s31 =	sand.u32 $0x380, s30;
	p0 =	slt.u32 s2, $0x3F80;
	s0 =	sor.u32 s3, s0;
	v28 =	vld.idx.msk [tilespmem:v28+s20+$0x0], $0xffff  }
0x14d: {  	vm2 =	veq.s32 v6, v25;
	s0 =	sor.u32 s31, s0;
	[tilespmem:v17+s24+$0x0] =	vst.idx.add.s32.msk vm1, v1  }
0x14e: {  	v27 =	vand.u32 $0x7FF, v27;
	v5 =	vshrl.u32 v5, $0x10;
	v17 =	vld [tilespmem:s0+$0x4000]  }
0x14f: {  	vm3 =	veq.s32 v5, v24;
	v5 =	vshll.u32 v19, $0xB;
	v6 =	vand.u32 $0x7FF, v21;
	v29 =	vld [tilespmem:s0+$0x4010]  }
0x150: {  	v24 =	vshrl.u32 v2, $0x10;
	v2 =	vshrl.u32 v12, $0x10;
	v21 =	vor.u32 v6, v5;
	v19 =	vld [tilespmem:s0+$0x4020]  }
0x151: {  	vm0 =	veq.s32 v2, v11;
	v2 =	vshll.u32 v26, $0xB;
	v11 =	vand.u32 $0x7FF, v23;
	v6 =	vld [tilespmem:s0+$0x4030]  }
0x152: {  	v4 =	vshrl.u32 v4, $0x10;
	v12 =	vshll.u32 v13, $0xB;
	v13 =	vor.u32 v11, v2;
	v5 =	vld [tilespmem:s0+$0x4040]  }
0x153: {  	vm1 =	veq.s32 v4, v18;
	v26 =	vshrl.u32 v3, $0x10;
	v11 =	vor.u32 v22, v12;
	[tilespmem:v16+s24+$0x0] =	vst.idx.add.s32.msk vm2, v1  }
0x154: {  	v22 =	vshrl.u32 v10, $0x10;
	v2 =	vmovc v17;
	v16 =	vshrl.u32 v29, $0x1B;
	v12 =	vshrl.u32 v29, $0x5;
	v3 =	vld [tilespmem:s0+$0x4050]  }
0x155: {  	vm2 =	veq.s32 v22, v28;
	v10 =	vshll.u32 v16, $0xB;
	v18 =	vshrl.u32 v19, $0x1B;
	[tilespmem:v21+s24+$0x0] =	vst.idx.add.s32.msk vm3, v1;
	v4 =	vmovc v19  }
0x156: {  	v17 =	vand.u32 $0x7FF, v12;
	v22 =	vshrl.u32 v6, $0x1B;
	v21 =	vshrl.u32 v6, $0x5;
	v12 =	vld [tilespmem:s0+$0x4060]  }
0x157: {  	v17 =	vor.u32 v17, v10;
	v23 =	vshll.u32 v22, $0xB;
	v19 =	vshrl.u32 v5, $0x1B;
	[tilespmem:v13+s24+$0x0] =	vst.idx.add.s32.msk vm0, v1  }
0x158: {  	v25 =	vshrl.u32 v4, $0x5;
	v13 =	vand.u32 $0x7FF, v21;
	v21 =	vshrl.u32 v5, $0x5;
	v10 =	vld [tilespmem:s0+$0x4070]  }
0x159: {  	v30 =	vshll.u32 v18, $0xB;
	v28 =	vld.idx.msk [tilespmem:v16+s20+$0x0], $0xffff;
	v16 =	vor.u32 v13, v23;
	v13 =	vshrl.u32 v3, $0x1B  }
0x15a: {  	v14 =	vand.u32 $0x7FF, v14;
	v31 =	vshrl.u32 v2, $0x1B;
	v32 =	vand.u32 $0x7FF, v25;
	v18 =	vld.idx.msk [tilespmem:v18+s20+$0x0], $0xffff  }
0x15b: {  	v33 =	vor.u32 v14, v20;
	vm3 =	veq.s32 v24, v15;
	v25 =	vld.idx.msk [tilespmem:v22+s20+$0x0], $0xffff;
	v23 =	vshrl.u32 v12, $0x5  }
0x15c: {  	v34 =	vor.u32 v27, v8;
	v8 =	vshll.u32 v31, $0xB;
	vm0 =	veq.s32 v26, v9;
	v24 =	vld.idx.msk [tilespmem:v19+s20+$0x0], $0xffff  }
.Ltmp4:
0x15d: {  	v15 =	vshrl.u32 v3, $0x5;
	v14 =	vshrl.u32 v10, $0x5;
	[tilespmem:v7+s24+$0x0] =	vst.idx.add.s32.msk vm1, v1;
	v7 =	vor.u32 v32, v30;
	(pc) =	sbr.rel @p0 .LBB2_10-.Ltmp4, $4  }
0x15e: {  	v20 =	vshrl.u32 v29, $0x10;
	v22 =	vand.u32 $0x7FF, v15;
	v26 =	vshrl.u32 v12, $0x1B;
	v9 =	vld.idx.msk [tilespmem:v13+s20+$0x0], $0xffff  }
0x15f: {  	v27 =	vshrl.u32 v2, $0x5;
	vm1 =	veq.s32 v20, v28;
	v28 =	vshrl.u32 v10, $0x1B;
	v15 =	vld.idx.msk [tilespmem:v31+s20+$0x0], $0xffff  }
0x160: {  	v20 =	vshll.u32 v28, $0xB;
	[tilespmem:v33+s24+$0x0] =	vst.idx.add.s32.msk vm2, v1  }
0x161: {  	[tilespmem:v34+s24+$0x0] =	vst.idx.add.s32.msk vm3, v1  }
0x162: {  	_ =	sdelay $0x1  }
0x163: {  	v6 =	vshrl.u32 v6, $0x10  }
0x164: {  	v56 =	vand.u32 $0x7FF, v27;
	v5 =	vshrl.u32 v5, $0x10;
	v19 =	vshll.u32 v19, $0xB  }
0x165: {  	v29 =	vld.idx.msk [tilespmem:v26+s20+$0x0], $0xffff;
	v21 =	vand.u32 $0x7FF, v21;
	v12 =	vshrl.u32 v12, $0x10;
	vm2 =	veq.s32 v6, v25  }
0x166: {  	v55 =	vld.idx.msk [tilespmem:v28+s20+$0x0], $0xffff;
	v58 =	vshll.u32 v26, $0xB;
	v4 =	vshrl.u32 v4, $0x10;
	vm3 =	veq.s32 v5, v24  }
0x167: {  	v3 =	vshrl.u32 v3, $0x10;
	v57 =	vor.u32 v21, v19;
	vm5 =	veq.s32 v4, v18  }
0x168: {  	v2 =	vshrl.u32 v2, $0x10;
	v62 =	vshll.u32 v13, $0xB;
	vm15 =	veq.s32 v3, v9  }
0x169: {  	v59 =	vand.u32 $0x7FF, v23;
	[tilespmem:v11+s24+$0x0] =	vst.idx.add.s32.msk vm0, v1;
	v3 =	vor.u32 v22, v62;
	vm14 =	veq.s32 v2, v15  }
0x16a: {  	v60 =	vshrl.u32 v10, $0x10;
	[tilespmem:v17+s24+$0x0] =	vst.idx.add.s32.msk vm1, v1;
	v63 =	vor.u32 v56, v8;
	vm4 =	veq.s32 v12, v29  }
0x16b: {  	v61 =	vand.u32 $0x7FF, v14;
	v12 =	vor.u32 v59, v58;
	vm13 =	veq.s32 v60, v55;
	[tilespmem:v16+s24+$0x0] =	vst.idx.add.s32.msk vm2, v1  }
0x16c: {  	v2 =	vor.u32 v61, v20;
	[tilespmem:v57+s24+$0x0] =	vst.idx.add.s32.msk vm3, v1  }
0x16d: {  	[tilespmem:v7+s24+$0x0] =	vst.idx.add.s32.msk vm5, v1  }
0x16e: {  	[tilespmem:v3+s24+$0x0] =	vst.idx.add.s32.msk vm15, v1  }
0x16f: {  	[tilespmem:v63+s24+$0x0] =	vst.idx.add.s32.msk vm14, v1  }
0x170: {  	[tilespmem:v12+s24+$0x0] =	vst.idx.add.s32.msk vm4, v1  }
0x171: {  	[tilespmem:v2+s24+$0x0] =	vst.idx.add.s32.msk vm13, v1  }
0x172: {  	[hbm4b:s8+s26] =	stream.strided.scatter [tilespmem:s24], [sflag:$0x3], $0x800, s28, s26, $0x38;
	[tilespmem:$0xD880] =	vst v63  }
0x173: {  	_ =	swait.ge [sflag:s21], $0x800  }
0x174: {  	[sflag:s21] =	ssyncset.done $0x0  }
0x175: {  	s0 =	simm.s32 $0x8800;
	[sflag:s21] =	ssyncadd.s32 $0xFFFFF800  }
0x176: {  	[hbm4b:s9+s26] =	stream.strided.scatter [tilespmem:s0], [sflag:$0x3], $0x800, s28, s26, $0x38;
	[tilespmem:$0xD880] =	vst v63  }
0x177: {  	_ =	swait.ge [sflag:s21], $0x800  }
0x178: {  	[sflag:s21] =	ssyncset.done $0x0  }
0x179: {  	s3 =	simm.s32 $0x9000;
	[sflag:s21] =	ssyncadd.s32 $0xFFFFF800  }
0x17a: {  	[hbm4b:s10+s26] =	stream.strided.scatter [tilespmem:s3], [sflag:$0x3], $0x800, s28, s26, $0x38;
	[tilespmem:$0xD880] =	vst v63  }
0x17b: {  	_ =	swait.ge [sflag:s21], $0x800  }
0x17c: {  	[sflag:s21] =	ssyncset.done $0x0  }
0x17d: {  	s29 =	simm.s32 $0x9800;
	[sflag:s21] =	ssyncadd.s32 $0xFFFFF800  }
0x17e: {  	[hbm4b:s11+s26] =	stream.strided.scatter [tilespmem:s29], [sflag:$0x3], $0x800, s28, s26, $0x38;
	[tilespmem:$0xD880] =	vst v63  }
0x17f: {  	_ =	swait.ge [sflag:s21], $0x800  }
0x180: {  	[sflag:s21] =	ssyncset.done $0x0  }
0x181: {  	s30 =	simm.s32 $0xA000;
	[sflag:s21] =	ssyncadd.s32 $0xFFFFF800  }
0x182: {  	[hbm4b:s12+s26] =	stream.strided.scatter [tilespmem:s30], [sflag:$0x3], $0x800, s28, s26, $0x38;
	[tilespmem:$0xD880] =	vst v63  }
0x183: {  	_ =	swait.ge [sflag:s21], $0x800  }
0x184: {  	[sflag:s21] =	ssyncset.done $0x0  }
0x185: {  	s31 =	simm.s32 $0xA800;
	[sflag:s21] =	ssyncadd.s32 $0xFFFFF800  }
0x186: {  	[hbm4b:s13+s26] =	stream.strided.scatter [tilespmem:s31], [sflag:$0x3], $0x800, s28, s26, $0x38;
	[tilespmem:$0xD880] =	vst v63  }
0x187: {  	_ =	swait.ge [sflag:s21], $0x800  }
0x188: {  	[sflag:s21] =	ssyncset.done $0x0  }
0x189: {  	s2 =	simm.s32 $0xB000;
	[sflag:s21] =	ssyncadd.s32 $0xFFFFF800  }
0x18a: {  	[hbm4b:s14+s26] =	stream.strided.scatter [tilespmem:s2], [sflag:$0x3], $0x800, s28, s26, $0x38;
	[tilespmem:$0xD880] =	vst v63  }
0x18b: {  	_ =	swait.ge [sflag:s21], $0x800  }
0x18c: {  	[sflag:s21] =	ssyncset.done $0x0  }
0x18d: {  	s3 =	simm.s32 $0xB800;
	[sflag:s21] =	ssyncadd.s32 $0xFFFFF800  }
0x18e: {  	[hbm4b:s15+s26] =	stream.strided.scatter [tilespmem:s3], [sflag:$0x3], $0x800, s28, s26, $0x38;
	[tilespmem:$0xD880] =	vst v63  }
0x18f: {  	_ =	swait.ge [sflag:s21], $0x800  }
0x190: {  	[sflag:s21] =	ssyncset.done $0x0  }
0x191: {  	s29 =	simm.s32 $0xC000;
	[sflag:s21] =	ssyncadd.s32 $0xFFFFF800  }
0x192: {  	[hbm4b:s16+s26] =	stream.strided.scatter [tilespmem:s29], [sflag:$0x3], $0x800, s28, s26, $0x38;
	[tilespmem:$0xD880] =	vst v63  }
0x193: {  	_ =	swait.ge [sflag:s21], $0x800  }
0x194: {  	[sflag:s21] =	ssyncset.done $0x0  }
0x195: {  	s30 =	simm.s32 $0xC800;
	[sflag:s21] =	ssyncadd.s32 $0xFFFFF800  }
0x196: {  	[hbm4b:s17+s26] =	stream.strided.scatter [tilespmem:s30], [sflag:$0x3], $0x800, s28, s26, $0x38;
	[tilespmem:$0xD880] =	vst v63  }
0x197: {  	s1 =	sadd.s32 $0x1, s1;
	_ =	swait.ge [sflag:s21], $0x800  }
0x198: {  	p0 =	sne.s32 s1, s19;
	[sflag:s21] =	ssyncset.done $0x0  }
.Ltmp5:
0x199: {  	s31 =	simm.s32 $0xD000;
	[sflag:s21] =	ssyncadd.s32 $0xFFFFF800;
	(pc) =	sbr.rel @p0 .LBB2_1-.Ltmp5, $4  }
0x19a: {  	[hbm4b:s18+s26] =	stream.strided.scatter [tilespmem:s31], [sflag:$0x3], $0x800, s28, s26, $0x38;
	[tilespmem:$0xD880] =	vst v63  }
0x19b: {  	_ =	swait.ge [sflag:s21], $0x800  }
0x19c: {  	[sflag:s21] =	ssyncset.done $0x0  }
0x19d: {  	[sflag:s21] =	ssyncadd.s32 $0xFFFFF800  }
0x19e: {  	_ =	sfence.sel $0x180000  }
0x19f: {  	[bflag:$0x0] =	sbarrier.arrive $0xFFFF  }
0x1a0: {  	_ =	strace $0x9000004A  }
0x1a1: {  	s0 =	stileid.u32;
	[bflag:$0x2] =	sbarrier.arrive $0xFFFF  }
0x1a2: {  	p0 =	sne.s32 s0, $0x0;
	s0 =	rddreg [dreg:$0x3]  }
0x1a3: {  	s0 =	sadd.s32 @!p0 $0x100000, s0  }
0x1a4: {  	[sflag:s0] =	ssyncadd.tile.s32 @!p0 $0x1;
	_ =	shalt  }
.Lfunc_end2:
_tile_overlayer_lowered:
.L_overlay_start_2:
0x1a5: {  	(tag) =	ssettag $0x2  }
0x1a6: {  	s0 =	rddreg [dreg:$0x0];
	s2 =	stileid.u32  }
0x1a7: {  	s1 =	rddreg [dreg:$0x1];
	p0 =	sne.s32 s2, $0x0  }
0x1a8: {  	s3 =	rddreg [dreg:$0x2];
	[bflag:$0x3] =	sbarrier.arrive $0xFFFF;
	s2 =	simm.s32 @!p0 $0x1C03  }
0x1a9: {  	[timem:s3], [sflag:s2] =	dma.local @!p0 [hbm:s0], s1  }
0x1aa: {  	s0 =	simm.s32 @!p0 $0x3  }
0x1ab: {  	_ =	swait.ge @!p0 [sflag:s0], s1  }
0x1ac: {  	s1 =	ssub.s32 @!p0 $0x0, s1;
	[sflag:s0] =	ssyncset.done @!p0 $0x0  }
0x1ad: {  	[sflag:s0] =	ssyncadd.s32 @!p0 s1  }
0x1ae: {  	[bflag:$0x3] =	sbarrier.arrive $0xFFFF  }
0x1af: {  	_ =	shalt  }

// kernel: kernel.15.cloned.1.call-start
scs
__scs_entry_jumppad:
0x0: {  	(pc) =	sbr.rel $0x88, $3  }
0x1: {  	(tag) =	ssettag $0x0;
	lr =	simm.s32 $0x1  }
0x2: {  	[smem:$0x3F9F] =	sst lr;
	_ =	strace $0xD0000000  }
0x3: {  	_ = 	snop  }
0x4: {  	_ = 	snop  }
0x5: {  	_ = 	snop  }
0x6: {  	_ = 	snop  }
0x7: {  	_ = 	snop  }
__scs_overlays_trampoline_lowered:
0x8: {  	[smem:$0x3FAE] =	sst s0  }
0x9: {  	[smem:$0x3FAF] =	sst s1  }
0xa: {  	[smem:$0x3FB0] =	sst s2  }
0xb: {  	[smem:$0x3FB1] =	sst s3  }
0xc: {  	[smem:$0x3FB2] =	sst s4  }
0xd: {  	[smem:$0x3FB3] =	sst s5  }
0xe: {  	[smem:$0x3FB4] =	sst s6  }
0xf: {  	[smem:$0x3FB5] =	sst s7  }
0x10: {  	[smem:$0x3FB6] =	sst s8  }
0x11: {  	[smem:$0x3FB7] =	sst s9;
	s0 =	simm.s32 @!p0 $0x0  }
0x12: {  	s1 =	sld [smem:$0x3F9D];
	s0 =	simm.s32 @p0 $0x1  }
0x13: {  	[smem:$0x3FB8] =	sst s0;
	s0 =	simm.s32 @!p1 $0x0  }
0x14: {  	s2 =	sld [smem:$0x3F9C];
	s0 =	simm.s32 @p1 $0x1  }
0x15: {  	[smem:$0x3FB9] =	sst s0;
	s0 =	simm.s32 @!p2 $0x0  }
0x16: {  	s3 =	sld [smem:$0x3FDB];
	s0 =	simm.s32 @p2 $0x1  }
0x17: {  	s4 =	simm.s32 $0x1BF5;
	[smem:$0x3FBB] =	sst s0  }
0x18: {  	s0 =	sld [smem:$0x3F9E];
	_ =	swait.ge [sflag:s4], $0x0  }
0x19: {  	s7 =	sld [smem:$0x3F9F]  }
0x1a: {  	s8 =	sadd.s32 $0xFFFFE003, lr  }
0x1b: {  	s9 =	sadd.s32 $0xFFFFFEF7, lr;
	s5 =	simm.s32 $0xFFFFFFFF;
	p2 =	slt.u32 s8, $0xFFFFF086  }
0x1c: {  	p1 =	slt.u32 s9, $0xF7A;
	s5 =	simm.s32 @!p2 $0x0  }
0x1d: {  	s5 =	simm.s32 @p1 $0x1;
	p0 =	seq.s32 s7, s2  }
0x1e: {  	s7 =	smul.u32 @!p0 $0xF7A, s2;
	p2 =	seq.s32 @!p0 s5, $0x0  }
0x1f: {  	s9 =	smul.u32 $0xF7A, s1;
	s8 =	simm.s32 @!p0 $0x1BF5;
	p2 =	por !p2, p0  }
0x20: {  	[sflag:s8] =	ssyncset.s32 @!p0 $0xFFFFF086;
	s6 =	sadd.s32 @!p0 s3, s7;
	s7 =	simm.s32 @!p0 $0x108  }
0x21: {  	s3 =	sadd.s32 s3, s9;
	s6 =	sadd.s32 @!p0 $0x88, s6;
	s7 =	simm.s32 @p2 $0x1082  }
0x22: {  	[simem:s7], [sflag:s8] =	dma.local @!p0 [hbm:s6], $0xF7A  }
0x23: {  	s9 =	sor.u32 $0xD0000000, s2;
	s6 =	simm.s32 $0x108;
	_ =	swait.ge @!p0 [sflag:s8], $0x0  }
0x24: {  	s3 =	sadd.s32 $0x88, s3;
	s6 =	simm.s32 @!p1 $0x1082;
	[sflag:s4] =	ssyncset.s32 $0xFFFFF086  }
0x25: {  	[simem:s6], [sflag:s4] =	dma.local [hbm:s3], $0xF7A  }
0x26: {  	[smem:$0x3F9F] =	sst s1;
	(tag) =	ssettag s2;
	_ =	strace s9  }
0x27: {  	s1 =	sld [smem:$0x3FAF]  }
0x28: {  	s2 =	sld [smem:$0x3FB0]  }
0x29: {  	s4 =	sld [smem:$0x3FB2]  }
0x2a: {  	p0 =	seq.s32 s5, $0x0;
	s5 =	sld [smem:$0x3FB3]  }
0x2b: {  	s6 =	sld [smem:$0x3FB4]  }
0x2c: {  	s7 =	sld [smem:$0x3FB5]  }
0x2d: {  	s3 =	simm.s32 $0x108;
	s8 =	sld [smem:$0x3FB6]  }
0x2e: {  	s3 =	simm.s32 @!p0 $0x1082;
	s9 =	sld [smem:$0x3FB7]  }
0x2f: {  	lr =	sadd.s32 s0, s3;
	s0 =	sld [smem:$0x3FAE]  }
0x30: {  	s3 =	sld [smem:$0x3FB1]  }
0x31: {  	[smem:$0x3FBA] =	sst s10  }
0x32: {  	s10 =	sld [smem:$0x3FB8];
	_ =	sdelay $0x3  }
0x33: {  	p0 =	seq.s32 s10, $0x1;
	s10 =	sld [smem:$0x3FBA];
	_ =	sdelay $0x3  }
0x34: {  	[smem:$0x3FBA] =	sst s10  }
0x35: {  	s10 =	sld [smem:$0x3FB9];
	_ =	sdelay $0x3  }
0x36: {  	p1 =	seq.s32 s10, $0x1;
	s10 =	sld [smem:$0x3FBA];
	_ =	sdelay $0x3  }
0x37: {  	[smem:$0x3FBA] =	sst s10  }
0x38: {  	s10 =	sld [smem:$0x3FBB]  }
0x39: {  	_ = 	snop;
	(pc) =	sbr.ind lr, $3  }
0x3a: {  	_ = 	snop  }
0x3b: {  	_ = 	snop  }
0x3c: {  	p2 =	seq.s32 s10, $0x1;
	s10 =	sld [smem:$0x3FBA]  }
0x3d: {  	_ =	shalt  }
0x3e: {  	_ =	shalt  }
0x3f: {  	_ =	shalt  }
0x40: {  	_ =	shalt  }
0x41: {  	_ =	shalt  }
0x42: {  	_ =	shalt  }
0x43: {  	_ =	shalt  }
0x44: {  	_ =	shalt  }
0x45: {  	_ =	shalt  }
0x46: {  	_ =	shalt  }
0x47: {  	_ =	shalt  }
0x48: {  	_ =	shalt  }
0x49: {  	_ =	shalt  }
0x4a: {  	_ =	shalt  }
0x4b: {  	_ =	shalt  }
0x4c: {  	_ =	shalt  }
0x4d: {  	_ =	shalt  }
0x4e: {  	_ =	shalt  }
0x4f: {  	_ =	shalt  }
0x50: {  	_ =	shalt  }
0x51: {  	_ =	shalt  }
0x52: {  	_ =	shalt  }
0x53: {  	_ =	shalt  }
0x54: {  	_ =	shalt  }
0x55: {  	_ =	shalt  }
0x56: {  	_ =	shalt  }
0x57: {  	_ =	shalt  }
0x58: {  	_ =	shalt  }
0x59: {  	_ =	shalt  }
0x5a: {  	_ =	shalt  }
0x5b: {  	_ =	shalt  }
0x5c: {  	_ =	shalt  }
0x5d: {  	_ =	shalt  }
0x5e: {  	_ =	shalt  }
0x5f: {  	_ =	shalt  }
0x60: {  	_ =	shalt  }
0x61: {  	_ =	shalt  }
0x62: {  	_ =	shalt  }
0x63: {  	_ =	shalt  }
0x64: {  	_ =	shalt  }
0x65: {  	_ =	shalt  }
0x66: {  	_ =	shalt  }
0x67: {  	_ =	shalt  }
0x68: {  	_ =	shalt  }
0x69: {  	_ =	shalt  }
0x6a: {  	_ =	shalt  }
0x6b: {  	_ =	shalt  }
0x6c: {  	_ =	shalt  }
0x6d: {  	_ =	shalt  }
0x6e: {  	_ =	shalt  }
0x6f: {  	_ =	shalt  }
0x70: {  	_ =	shalt  }
0x71: {  	_ =	shalt  }
0x72: {  	_ =	shalt  }
0x73: {  	_ =	shalt  }
0x74: {  	_ =	shalt  }
0x75: {  	_ =	shalt  }
0x76: {  	_ =	shalt  }
0x77: {  	_ =	shalt  }
0x78: {  	_ =	shalt  }
0x79: {  	_ =	shalt  }
0x7a: {  	_ =	shalt  }
0x7b: {  	_ =	shalt  }
0x7c: {  	_ =	shalt  }
0x7d: {  	_ =	shalt  }
0x7e: {  	_ =	shalt  }
0x7f: {  	_ =	shalt  }
0x80: {  	_ =	shalt  }
0x81: {  	_ =	shalt  }
0x82: {  	_ =	shalt  }
0x83: {  	_ =	shalt  }
0x84: {  	_ =	shalt  }
0x85: {  	_ =	shalt  }
0x86: {  	_ =	shalt  }
0x87: {  	_ =	shalt  }
.Lfunc_end0:
.L_simem_size_0:
called_computation.2_lowered:
.L_overlay_start_0:
0x88: {  	s2 =	sld [smem:$0x3FD9]  }
0x89: {  	s3 =	sld [smem:$0x3FFE];
	_ =	sdelay $0x1  }
0x8a: {  	s1 =	srdreg.scid  }
0x8b: {  	s0 =	sand.u32 $0x1, s1  }
0x8c: {  	s14 =	sshll.u32 s0, $0xA;
	s2 =	sadd.s32 s3, s2  }
0x8d: {  	s2 =	sadd.s32 s2, s14  }
0x8e: {  	[smem:$0x3FC6] =	sst s2  }
0x8f: {  	_ = 	snop  }
0x90: {  	s2 =	sld [smem:$0x3FD0];
	_ =	sdelay $0x2  }
0x91: {  	s15 =	simm.s32 $0xA;
	s4 =	simm.s32 $0x10  }
0x92: {  	[smem:s4], [sflag:s15] =	dma.local [hbm:s2], $0x1  }
0x93: {  	_ =	swait.eq [sflag:s15], $0x1  }
0x94: {  	[sflag:s15] =	ssyncset.done $0x0  }
0x95: {  	s16 =	sld [smem:$0x10];
	[sflag:s15] =	ssyncadd.s32 $0xFFFFFFFF  }
0x96: {  	s17 =	sld [smem:$0x11];
	(tm) =	ssettm $0x1  }
0x97: {  	s18 =	sld [smem:$0x3FFB];
	_ =	sdelay $0x3  }
0x98: {  	_ =	strace s18  }
0x99: {  	s4 =	sld [smem:$0x3FFC];
	_ =	sdelay $0x3  }
0x9a: {  	_ =	strace s4  }
0x9b: {  	s4 =	sld [smem:$0x3FFD];
	_ =	sdelay $0x3  }
0x9c: {  	_ =	strace s4  }
0x9d: {  	_ =	strace $0x8FFFFFFF  }
0x9e: {  	s19 =	sld [smem:$0x3FDB];
	_ =	sdelay $0x1  }
0x9f: {  	s5 =	simm.s32 $_scs_section_size  }
0xa0: {  	s6 =	simm.s32 $_size__tile_overlayer_lowered;
	s7 =	simm.s32 $_tile_overlayer_lowered  }
0xa1: {  	s22 =	simm.s32 $0x1BFF;
	s21 =	sshll.u32 s7, $0x1;
	s4 =	sadd.s32 s5, s19  }
0xa2: {  	s8 =	simm.s32 $0x0;
	s20 =	sshll.u32 s6, $0x1;
	s6 =	sadd.s32 s21, s4  }
0xa3: {  	[timem:s8], [sflag:s22] =	dma.local [hbm:s6], s20  }
0xa4: {  	_ =	swait.ge [sflag:s22], s20  }
0xa5: {  	s5 =	ssub.s32 $0x0, s20;
	[sflag:s22] =	ssyncset.done $0x0  }
0xa6: {  	[sflag:s22] =	ssyncadd.s32 s5;
	_ =	sdelay $0x1  }
0xa7: {  	s23 =	simm.s32 $0x1B8B  }
0xa8: {  	_ =	swait.ge [sflag:s23], $0x1  }
0xa9: {  	[sflag:s23] =	ssyncset.done $0x0  }
0xaa: {  	s25 =	simm.s32 $0x1B8E;
	s24 =	sld [smem:$0x3FFE];
	[sflag:s23] =	ssyncadd.s32 $0xFFFFFFFF  }
0xab: {  	s26 =	simm.s32 $execute0_lowered;
	[smem:$0x3FD2] =	sst s25  }
0xac: {  	s6 =	sshll.u32 s26, $0x1;
	_ =	strace $0x8000004C;
	[dreg:$0x1] =	wrdreg $0xFFFFFFFF  }
0xad: {  	s28 =	simm.s32 $_size_execute0_lowered;
	s4 =	sadd.s32 s4, s6;
	[dreg:$0x0] =	wrdreg $0x0  }
0xae: {  	s6 =	sshll.u32 s28, $0x1;
	[dreg:$0x2] =	wrdreg s4  }
0xaf: {  	[dreg:$0x3] =	wrdreg s6  }
0xb0: {  	[dreg:$0x4] =	wrdreg $0xC0  }
0xb1: {  	_ =	task [dreg:s8], $0x5FFFF  }
0xb2: {  	[dreg:$0x1] =	wrdreg $0xFFFFFFFF  }
0xb3: {  	[dreg:$0x0] =	wrdreg $0x60  }
0xb4: {  	[dreg:$0x2] =	wrdreg s17  }
0xb5: {  	[dreg:$0x3] =	wrdreg s24  }
0xb6: {  	[dreg:$0x4] =	wrdreg s16  }
0xb7: {  	[dreg:$0x5] =	wrdreg $0x9  }
0xb8: {  	_ =	task.clear_ibuf [dreg:s8], $0x6FFFF;
	_ =	strace $0x9000004C  }
0xb9: {  	s29 =	simm.s32 $0x9;
	_ =	strace $0x8000004E  }
0xba: {  	_ =	swait.ge [sflag:s29], $0x1  }
0xbb: {  	[sflag:s29] =	ssyncadd.s32 $0xFFFFFFFF  }
0xbc: {  	_ =	strace $0x9000004E  }
0xbd: {  	_ =	sfence  }
0xbe: {  	s30 =	sld [smem:$0x0];
	_ =	sdelay $0x2  }
0xbf: {  	s31 =	sshll.u32 s1, $0xD;
	s1 =	sshrl.u32 s1, $0x2  }
0xc0: {  	s3 =	sand.u32 $0x4000, s31;
	s1 =	sadd.s32 s1, s30  }
0xc1: {  	s0 =	sor.u32 s3, s0;
	s1 =	sshll.u32 s1, $0x11  }
0xc2: {  	s0 =	sor.u32 s1, s0  }
0xc3: {  	s0 =	sadd.s32 $0x8F2B, s0  }
0xc4: {  	[sflag:s0] =	ssyncadd.remote.s32 $0x1  }
0xc5: {  	_ =	sfence.sel $0xFFFF  }
0xc6: {  	[dreg:$0x0] =	wrdreg $0xFFFFFFFF;
	(pc) =	sbr.abs _section_cstart, $3  }
0xc7: {  	[dreg:$0x1] =	wrdreg $0xFFFFFFFF  }
0xc8: {  	_ =	task.clear_ibuf [dreg:s8], $0x2FFFF;
	_ =	strace $0x9FFFFFFF  }
0xc9: {  	(tm) =	ssettm $0x7FFFFFFF  }
tec
execute0_lowered:
.L_overlay_start_1:
0x0: {  	(tag) =	ssettag $0x1  }
0x1: {  	s0 =	rddreg [dreg:$0x0]  }
0x2: {  	s1 =	rddreg [dreg:$0x1];
	s3 =	simm.s32 $0x0;
	s2 =	srdreg.scid  }
0x3: {  	s4 =	stileid.u32;
	s30 =	simm.s32 $0x1;
	s31 =	simm.s32 $0x3  }
0x4: {  	[smem:$0x7FF] =	sst s3;
	s2 =	sand.u32 $0x1, s2;
	s4 =	sshll.u32 s4, $0x1  }
0x5: {  	s5 =	sadd.s32 $0x3600, s1;
	s4 =	sor.u32 s2, s4;
	s2 =	ssub.s32 $0x2, s2  }
0x6: {  	_ =	strace $0x8000004D;
	s6 =	sshll.u32 s4, $0x9;
	s7 =	sshrl.u32 s2, $0x1  }
0x7: {  	s4 =	sshll.u32 s4, $0xD;
	s1 =	sadd.s32 s6, s1;
	s2 =	ssub.s32 s2, s7  }
0x8: {  	s23 =	sor.u32 $0x800, s4;
	s24 =	sadd.s32 s0, s4;
	s25 =	sadd.s32 s5, s4  }
0x9: {  	s28 =	sor.u32 $0x1000, s4;
	s4 =	sor.u32 $0x1800, s4;
	[dreg:$0x4] =	wrdreg s24  }
0xa: {  	[dreg:$0x5] =	wrdreg s25;
	s26 =	sadd.s32 s0, s23;
	s6 =	sadd.s32 s5, s23  }
0xb: {  	s29 =	sadd.s32 s0, s28;
	s9 =	sadd.s32 s5, s28;
	s10 =	sadd.s32 s0, s4  }
0xc: {  	s11 =	sadd.s32 s5, s4;
	s12 =	sadd.s32 $0x43600, s1;
	s13 =	sadd.s32 $0x43610, s1  }
0xd: {  	s14 =	sadd.s32 $0x43620, s1;
	s15 =	sadd.s32 $0x43630, s1;
	s16 =	sadd.s32 $0x43640, s1  }
0xe: {  	s17 =	sadd.s32 $0x43650, s1;
	s18 =	sadd.s32 $0x43660, s1;
	s19 =	sadd.s32 $0x43670, s1  }
0xf: {  	s20 =	sadd.s32 $0x43700, s1;
	s21 =	sadd.s32 $0x43710, s1;
	s22 =	sadd.s32 $0x43720, s1  }
0x10: {  	s23 =	smax.u32 s2, $0x1;
	s25 =	simm.s32 $0x10B00;
	s0 =	simm.s32 $0x8000  }
0x11: {  	s2 =	simm.s32 $0x2;
	s1 =	simm.s32 $0x4;
	[dreg:$0x6] =	wrdreg s26  }
0x12: {  	s4 =	simm.s32 $0x80;
	s24 =	simm.s32 $0x400;
	[dreg:$0x7] =	wrdreg s6  }
0x13: {  	v0 =	vimm.s32 $0x0;
	v1 =	vimm.s32 $0x1;
	s5 =	simm.s32 $0x0;
	[dreg:$0x8] =	wrdreg s29;
	s26 =	simm.s32 $0x5  }
.LBB2_1:
0x14: {  	s6 =	rddreg [dreg:$0x4]  }
0x15: {  	[tilespmem:s3], [sflag:$0x1] =	stream.linear.gather [hbm4b:s6+s3], $0x4000, $0x38;
	[tilespmem:$0x10B80] =	vst v63  }
0x16: {  	s28 =	rddreg [dreg:$0x5];
	s7 =	simm.s32 $0x8B00  }
0x17: {  	[tilespmem:s7], [sflag:$0x3] =	stream.linear.gather [hbm4b:s28+s3], $0x4000, $0x38;
	[tilespmem:$0x10B80] =	vst v63  }
0x18: {  	s29 =	rddreg [dreg:$0x2]  }
0x19: {  	[tilespmem:s25], [sflag:$0x5] =	stream.linear.gather [hbm4b:s29+s3], $0x10, $0x38;
	[tilespmem:$0x10B80] =	vst v63  }
0x1a: {  	_ =	swait.ge [sflag:s26], $0x10  }
0x1b: {  	[sflag:s26] =	ssyncset.done $0x0  }
0x1c: {  	s6 =	simm.s32 $0x0;
	s7 =	simm.s32 $0x200;
	[sflag:s26] =	ssyncadd.s32 $0xFFFFFFF0  }
.LBB2_2:
0x1d: {  	p0 =	sne.s32 s7, $0x2A00;
	[tilespmem:s6+$0x8070] =	vst v0  }
0x1e: {  	[tilespmem:s6+$0x8000] =	vst v0  }
0x1f: {  	[tilespmem:s6+$0x8010] =	vst v0  }
.Ltmp0:
0x20: {  	[tilespmem:s6+$0x8020] =	vst v0;
	(pc) =	sbr.rel @p0 .LBB2_2-.Ltmp0, $4  }
0x21: {  	[tilespmem:s6+$0x8030] =	vst v0  }
0x22: {  	[tilespmem:s6+$0x8040] =	vst v0  }
0x23: {  	[tilespmem:s6+$0x8050] =	vst v0  }
0x24: {  	[tilespmem:s6+$0x8060] =	vst v0;
	s6 =	sshra.s32 s7, $0x2;
	s7 =	sadd.s32 $0x200, s7  }
0x25: {  	[tilespmem:s6+$0x8070] =	vst v0  }
0x26: {  	[tilespmem:s6+$0x8000] =	vst v0  }
0x27: {  	[tilespmem:s6+$0x8010] =	vst v0  }
0x28: {  	[tilespmem:s6+$0x8020] =	vst v0  }
0x29: {  	[tilespmem:s6+$0x8030] =	vst v0  }
0x2a: {  	[tilespmem:s6+$0x8040] =	vst v0  }
0x2b: {  	[tilespmem:s6+$0x8050] =	vst v0  }
0x2c: {  	[tilespmem:s6+$0x8060] =	vst v0;
	s6 =	simm.s32 $0x0;
	s7 =	rddreg [dreg:$0x6];
	s8 =	simm.s32 $0x4000  }
0x2d: {  	[tilespmem:s8], [sflag:$0x2] =	stream.linear.gather [hbm4b:s7+s6], $0x4000, $0x38;
	[tilespmem:$0x10B80] =	vst v63  }
0x2e: {  	s29 =	simm.s32 $0xCB00;
	s8 =	rddreg [dreg:$0x7]  }
0x2f: {  	[tilespmem:s29], [sflag:$0x4] =	stream.linear.gather [hbm4b:s8+s6], $0x4000, $0x38;
	[tilespmem:$0x10B80] =	vst v63  }
0x30: {  	_ =	swait.ge [sflag:s30], $0x4000  }
0x31: {  	[sflag:s30] =	ssyncset.done $0x0  }
0x32: {  	s29 =	simm.s32 $0x0;
	[sflag:s30] =	ssyncadd.s32 $0xFFFFC000  }
0x33: {  	s28 =	sand.u32 $0xC00, s6;
	s7 =	sand.u32 $0x3000, s29;
	_ =	swait.ge [sflag:s31], $0x4000  }
0x34: {  	s6 =	sand.u32 $0x380, s6;
	s7 =	sor.u32 s7, s28;
	[sflag:s31] =	ssyncset.done $0x0  }
0x35: {  	s6 =	sor.u32 s6, s7;
	[sflag:s31] =	ssyncadd.s32 $0xFFFFC000  }
0x36: {  	v2 =	vld [tilespmem:s6+$0x70]  }
0x37: {  	v3 =	vld [tilespmem:s6+$0x0]  }
0x38: {  	v4 =	vld [tilespmem:s6+$0x10]  }
0x39: {  	v5 =	vld [tilespmem:s6+$0x20]  }
0x3a: {  	v6 =	vld [tilespmem:s6+$0x30]  }
0x3b: {  	v7 =	vld [tilespmem:s6+$0x40]  }
0x3c: {  	v8 =	vld [tilespmem:s6+$0x50]  }
0x3d: {  	v9 =	vld [tilespmem:s6+$0x60]  }
0x3e: {  	v10 =	vld [tilespmem:s6+$0x8B00]  }
0x3f: {  	v11 =	vld [tilespmem:s6+$0x8B70]  }
0x40: {  	v13 =	vld [tilespmem:s6+$0x8B10]  }
0x41: {  	v14 =	vld [tilespmem:s6+$0x8B20]  }
0x42: {  	v15 =	vld [tilespmem:s6+$0x8B30]  }
0x43: {  	v50 =	vld [tilespmem:s6+$0x8B40]  }
0x44: {  	v19 =	vld [tilespmem:s6+$0x8B50]  }
0x45: {  	s7 =	simm.s32 $0x400;
	v51 =	vld [tilespmem:s6+$0x8B60];
	s6 =	simm.s32 $0x80  }
0x46: {  	s28 =	simm.s32 $0x20;
	s8 =	sand.u32 $0xC00, s7;
	s29 =	sand.u32 $0x3000, s6;
	v2 =	vshrl.u32 v2, $0x1B  }
0x47: {  	s8 =	sor.u32 s29, s8;
	s29 =	sand.u32 $0x380, s28  }
0x48: {  	s8 =	sor.u32 s29, s8  }
0x49: {  	v52 =	vld [tilespmem:s8+$0x40];
	v3 =	vshrl.u32 v3, $0x1B  }
0x4a: {  	v22 =	vld [tilespmem:s8+$0x60];
	v4 =	vshrl.u32 v4, $0x1B  }
0x4b: {  	v5 =	vshrl.u32 v5, $0x1B;
	v12 =	vld.idx.msk [tilespmem:v2+s25+$0x0], $0xffff  }
0x4c: {  	v24 =	vld [tilespmem:s8+$0x8B00]  }
0x4d: {  	v27 =	vld [tilespmem:s8+$0x8B70]  }
0x4e: {  	v6 =	vshrl.u32 v6, $0x1B;
	v7 =	vshrl.u32 v7, $0x1B;
	v16 =	vshll.u32 v3, $0x8;
	v3 =	vld.idx.msk [tilespmem:v3+s25+$0x0], $0xffff  }
0x4f: {  	v18 =	vshrl.u32 v11, $0x8;
	v11 =	vand.u32 $0xFF, v11;
	v17 =	vshll.u32 v4, $0x8;
	v4 =	vld.idx.msk [tilespmem:v4+s25+$0x0], $0xffff  }
0x50: {  	v8 =	vshrl.u32 v8, $0x1B;
	v2 =	vshll.u32 v2, $0x8;
	vm0 =	veq.s32 v18, v12;
	v12 =	vld.idx.msk [tilespmem:v5+s25+$0x0], $0xffff  }
0x51: {  	v54 =	vld [tilespmem:s8+$0x8B40];
	v9 =	vshrl.u32 v9, $0x1B;
	v2 =	vor.u32 v11, v2  }
0x52: {  	v55 =	vld [tilespmem:s8+$0x8B50];
	v20 =	vshrl.u32 v13, $0x8;
	v11 =	vshrl.u32 v10, $0x8;
	v10 =	vand.u32 $0xFF, v10  }
0x53: {  	v5 =	vshll.u32 v5, $0x8;
	vm1 =	veq.s32 v11, v3;
	v11 =	vand.u32 $0xFF, v13;
	v13 =	vld.idx.msk [tilespmem:v6+s25+$0x0], $0xffff  }
0x54: {  	v3 =	vshrl.u32 v14, $0x8;
	vm2 =	veq.s32 v20, v4;
	v4 =	vand.u32 $0xFF, v14;
	v14 =	vld.idx.msk [tilespmem:v7+s25+$0x0], $0xffff  }
0x55: {  	v10 =	vor.u32 v10, v16;
	vm3 =	veq.s32 v3, v12;
	v3 =	vor.u32 v4, v5;
	v4 =	vld.idx.msk [tilespmem:v8+s25+$0x0], $0xffff  }
0x56: {  	v11 =	vor.u32 v11, v17;
	[tilespmem:v2+s0+$0x0] =	vst.idx.add.s32.msk vm0, v1  }
0x57: {  	v2 =	vld [tilespmem:s8+$0x70]  }
0x58: {  	v5 =	vld.idx.msk [tilespmem:v9+s25+$0x0], $0xffff  }
0x59: {  	v12 =	vld [tilespmem:s8+$0x30]  }
0x5a: {  	[tilespmem:v10+s0+$0x0] =	vst.idx.add.s32.msk vm1, v1  }
0x5b: {  	v21 =	vshrl.u32 v15, $0x8;
	v15 =	vand.u32 $0xFF, v15;
	v23 =	vshrl.u32 v50, $0x8;
	[tilespmem:v11+s0+$0x0] =	vst.idx.add.s32.msk vm2, v1  }
0x5c: {  	v25 =	vshrl.u32 v19, $0x8;
	v19 =	vand.u32 $0xFF, v19;
	[tilespmem:v3+s0+$0x0] =	vst.idx.add.s32.msk vm3, v1;
	v53 =	vshrl.u32 v2, $0x1B  }
0x5d: {  	v26 =	vshrl.u32 v51, $0x8;
	v56 =	vshrl.u32 v27, $0x8;
	v22 =	vshrl.u32 v22, $0x1B;
	v3 =	vld [tilespmem:s8+$0x0]  }
0x5e: {  	v58 =	vand.u32 $0xFF, v27;
	v63 =	vshll.u32 v22, $0x8;
	v16 =	vand.u32 $0xFF, v51;
	v10 =	vld [tilespmem:s8+$0x10]  }
0x5f: {  	v18 =	vand.u32 $0xFF, v50;
	v17 =	vshrl.u32 v52, $0x1B;
	v8 =	vshll.u32 v8, $0x8;
	v11 =	vld [tilespmem:s8+$0x20]  }
0x60: {  	v19 =	vor.u32 v19, v8;
	v8 =	vld [tilespmem:s8+$0x8B10];
	v2 =	vshll.u32 v6, $0x8;
	v6 =	vshll.u32 v7, $0x8  }
0x61: {  	v62 =	vshll.u32 v17, $0x8;
	v9 =	vshll.u32 v9, $0x8;
	v18 =	vor.u32 v18, v6;
	v6 =	vld.idx.msk [tilespmem:v53+s25+$0x0], $0xffff  }
0x62: {  	v57 =	vld [tilespmem:s8+$0x8B60];
	vm2 =	veq.s32 v21, v13;
	vm0 =	veq.s32 v26, v5;
	v3 =	vshrl.u32 v3, $0x1B  }
0x63: {  	v12 =	vshrl.u32 v12, $0x1B;
	v7 =	vld [tilespmem:s8+$0x50];
	vm3 =	veq.s32 v25, v4;
	v5 =	vshrl.u32 v10, $0x1B  }
0x64: {  	v4 =	vld [tilespmem:s8+$0x8B20];
	v15 =	vor.u32 v15, v2;
	v2 =	vor.u32 v16, v9;
	v9 =	vshrl.u32 v11, $0x1B  }
0x65: {  	vm1 =	veq.s32 v23, v14;
	v10 =	vld [tilespmem:s8+$0x8B30];
	v59 =	vshll.u32 v12, $0x8;
	v31 =	vshrl.u32 v8, $0x8  }
0x66: {  	v17 =	vld.idx.msk [tilespmem:v17+s25+$0x0], $0xffff;
	v13 =	vshll.u32 v5, $0x8;
	vm4 =	veq.s32 v56, v6;
	v6 =	vshll.u32 v53, $0x8  }
0x67: {  	v16 =	vshrl.u32 v54, $0x8;
	v11 =	vshll.u32 v3, $0x8;
	v61 =	vld.idx.msk [tilespmem:v3+s25+$0x0], $0xffff;
	v3 =	vor.u32 v58, v6  }
0x68: {  	v14 =	vshll.u32 v9, $0x8;
	v60 =	vshrl.u32 v7, $0x1B;
	v29 =	vld.idx.msk [tilespmem:v5+s25+$0x0], $0xffff;
	v5 =	vshrl.u32 v24, $0x8  }
0x69: {  	v32 =	vshrl.u32 v4, $0x8;
	v7 =	vand.u32 $0xFF, v8;
	v4 =	vand.u32 $0xFF, v4;
	v30 =	vld.idx.msk [tilespmem:v9+s25+$0x0], $0xffff  }
0x6a: {  	v33 =	vld.idx.msk [tilespmem:v12+s25+$0x0], $0xffff;
	v34 =	vshrl.u32 v10, $0x8;
	v28 =	vshll.u32 v60, $0x8;
	v9 =	vand.u32 $0xFF, v10  }
0x6b: {  	v10 =	vand.u32 $0xFF, v54;
	v7 =	vor.u32 v7, v13;
	v13 =	vand.u32 $0xFF, v55;
	[tilespmem:v15+s0+$0x0] =	vst.idx.add.s32.msk vm2, v1  }
0x6c: {  	v8 =	vor.u32 v4, v14;
	v6 =	vand.u32 $0xFF, v24;
	[tilespmem:v3+s0+$0x0] =	vst.idx.add.s32.msk vm4, v1;
	vm4 =	veq.s32 v5, v61  }
0x6d: {  	v14 =	vand.u32 $0xFF, v57;
	vm6 =	veq.s32 v31, v29;
	v6 =	vor.u32 v6, v11;
	v11 =	vld.idx.msk [tilespmem:v60+s25+$0x0], $0xffff  }
0x6e: {  	v12 =	vld.idx.msk [tilespmem:v22+s25+$0x0], $0xffff;
	vm2 =	veq.s32 v16, v17;
	v4 =	vor.u32 v10, v62;
	vm5 =	veq.s32 v32, v30  }
0x6f: {  	[tilespmem:v18+s0+$0x0] =	vst.idx.add.s32.msk vm1, v1;
	v10 =	vshrl.u32 v57, $0x8;
	vm1 =	veq.s32 v34, v33;
	v3 =	vor.u32 v9, v59  }
0x70: {  	[tilespmem:v19+s0+$0x0] =	vst.idx.add.s32.msk vm3, v1;
	v5 =	vor.u32 v13, v28;
	v13 =	vor.u32 v14, v63;
	v9 =	vshrl.u32 v55, $0x8  }
.LBB2_4:
0x71: {  	s6 =	sadd.s32 $0x80, s6;
	s7 =	sadd.s32 $0x400, s7;
	[tilespmem:v2+s0+$0x0] =	vst.idx.add.s32.msk vm0, v1;
	v2 =	vmov v13  }
0x72: {  	vm3 =	veq.s32 v9, v11;
	s28 =	sadd.s32 $0x20, s28;
	s8 =	sand.u32 $0x3000, s6;
	s29 =	sand.u32 $0xC00, s7;
	[tilespmem:v6+s0+$0x0] =	vst.idx.add.s32.msk vm4, v1  }
0x73: {  	p0 =	slt.u32 s6, $0x3F80;
	vm0 =	veq.s32 v10, v12;
	s8 =	sor.u32 s8, s29;
	s29 =	sand.u32 $0x380, s28;
	[tilespmem:v7+s0+$0x0] =	vst.idx.add.s32.msk vm6, v1  }
0x74: {  	s8 =	sor.u32 s29, s8;
	[tilespmem:v8+s0+$0x0] =	vst.idx.add.s32.msk vm5, v1  }
0x75: {  	v6 =	vld [tilespmem:s8+$0x70]  }
0x76: {  	v7 =	vld [tilespmem:s8+$0x0]  }
0x77: {  	v8 =	vld [tilespmem:s8+$0x10]  }
0x78: {  	v9 =	vld [tilespmem:s8+$0x20]  }
0x79: {  	v10 =	vld [tilespmem:s8+$0x30]  }
0x7a: {  	v11 =	vld [tilespmem:s8+$0x40];
	v12 =	vshrl.u32 v6, $0x1B  }
0x7b: {  	v7 =	vshrl.u32 v7, $0x1B;
	v6 =	vld [tilespmem:s8+$0x50]  }
0x7c: {  	v13 =	vshll.u32 v7, $0x8;
	v8 =	vshrl.u32 v8, $0x1B;
	v14 =	vld [tilespmem:s8+$0x60]  }
0x7d: {  	v15 =	vld [tilespmem:s8+$0x8B00];
	v16 =	vshll.u32 v8, $0x8;
	v9 =	vshrl.u32 v9, $0x1B  }
0x7e: {  	v17 =	vshll.u32 v9, $0x8;
	v10 =	vshrl.u32 v10, $0x1B;
	v18 =	vld [tilespmem:s8+$0x8B70]  }
0x7f: {  	v19 =	vshll.u32 v10, $0x8;
	v11 =	vshrl.u32 v11, $0x1B;
	v20 =	vld.idx.msk [tilespmem:v12+s25+$0x0], $0xffff  }
0x80: {  	v21 =	vld [tilespmem:s8+$0x8B10];
	v22 =	vshll.u32 v11, $0x8;
	v23 =	vshrl.u32 v6, $0x1B  }
0x81: {  	v24 =	vld [tilespmem:s8+$0x8B20];
	v25 =	vshll.u32 v23, $0x8;
	v14 =	vshrl.u32 v14, $0x1B  }
0x82: {  	v26 =	vshrl.u32 v15, $0x8;
	v6 =	vand.u32 $0xFF, v15;
	v15 =	vld [tilespmem:s8+$0x8B30];
	v27 =	vshll.u32 v14, $0x8  }
0x83: {  	v6 =	vor.u32 v6, v13;
	v13 =	vld [tilespmem:s8+$0x8B40]  }
0x84: {  	v29 =	vshrl.u32 v18, $0x8;
	v28 =	vld [tilespmem:s8+$0x8B50]  }
0x85: {  	v12 =	vshll.u32 v12, $0x8;
	v18 =	vand.u32 $0xFF, v18;
	vm4 =	veq.s32 v29, v20;
	v30 =	vld [tilespmem:s8+$0x8B60]  }
0x86: {  	v12 =	vor.u32 v18, v12;
	v29 =	vshrl.u32 v21, $0x8;
	v20 =	vld.idx.msk [tilespmem:v7+s25+$0x0], $0xffff;
	v31 =	vshrl.u32 v24, $0x8  }
0x87: {  	v7 =	vand.u32 $0xFF, v21;
	v18 =	vld.idx.msk [tilespmem:v8+s25+$0x0], $0xffff;
	v8 =	vand.u32 $0xFF, v24;
	v21 =	vshrl.u32 v15, $0x8  }
0x88: {  	v15 =	vand.u32 $0xFF, v15;
	v24 =	vld.idx.msk [tilespmem:v9+s25+$0x0], $0xffff;
	v32 =	vshrl.u32 v13, $0x8;
	v13 =	vand.u32 $0xFF, v13  }
0x89: {  	v7 =	vor.u32 v7, v16;
	v16 =	vld.idx.msk [tilespmem:v10+s25+$0x0], $0xffff;
	v9 =	vshrl.u32 v28, $0x8;
	v28 =	vand.u32 $0xFF, v28  }
0x8a: {  	v8 =	vor.u32 v8, v17;
	v17 =	vld.idx.msk [tilespmem:v11+s25+$0x0], $0xffff;
	v10 =	vshrl.u32 v30, $0x8;
	v30 =	vand.u32 $0xFF, v30  }
0x8b: {  	v15 =	vor.u32 v15, v19;
	v19 =	vor.u32 v13, v22;
	[tilespmem:v12+s0+$0x0] =	vst.idx.add.s32.msk vm4, v1  }
.Ltmp1:
0x8c: {  	vm4 =	veq.s32 v26, v20;
	v20 =	vor.u32 v28, v25;
	v13 =	vor.u32 v30, v27;
	v11 =	vld.idx.msk [tilespmem:v23+s25+$0x0], $0xffff;
	(pc) =	sbr.rel @p0 .LBB2_4-.Ltmp1, $4  }
0x8d: {  	vm6 =	veq.s32 v29, v18;
	v12 =	vld.idx.msk [tilespmem:v14+s25+$0x0], $0xffff  }
0x8e: {  	vm5 =	veq.s32 v31, v24;
	[tilespmem:v3+s0+$0x0] =	vst.idx.add.s32.msk vm1, v1;
	v3 =	vmov v15  }
0x8f: {  	vm1 =	veq.s32 v21, v16;
	[tilespmem:v4+s0+$0x0] =	vst.idx.add.s32.msk vm2, v1;
	v4 =	vmov v19  }
0x90: {  	vm2 =	veq.s32 v32, v17;
	[tilespmem:v5+s0+$0x0] =	vst.idx.add.s32.msk vm3, v1;
	v5 =	vmov v20  }
0x91: {  	_ =	sdelay $0x4  }
0x92: {  	[tilespmem:v2+s0+$0x0] =	vst.idx.add.s32.msk vm0, v1;
	vm0 =	veq.s32 v9, v11  }
0x93: {  	[tilespmem:v6+s0+$0x0] =	vst.idx.add.s32.msk vm4, v1;
	vm3 =	veq.s32 v10, v12  }
0x94: {  	[tilespmem:v7+s0+$0x0] =	vst.idx.add.s32.msk vm6, v1  }
0x95: {  	[tilespmem:v8+s0+$0x0] =	vst.idx.add.s32.msk vm5, v1  }
0x96: {  	[tilespmem:v3+s0+$0x0] =	vst.idx.add.s32.msk vm1, v1  }
0x97: {  	[tilespmem:v4+s0+$0x0] =	vst.idx.add.s32.msk vm2, v1  }
0x98: {  	[tilespmem:v5+s0+$0x0] =	vst.idx.add.s32.msk vm0, v1  }
0x99: {  	[tilespmem:v13+s0+$0x0] =	vst.idx.add.s32.msk vm3, v1  }
0x9a: {  	s6 =	simm.s32 $0x0;
	s7 =	rddreg [dreg:$0x8]  }
0x9b: {  	[tilespmem:s6], [sflag:$0x1] =	stream.linear.gather [hbm4b:s7+s6], $0x4000, $0x38;
	[tilespmem:$0x10B80] =	vst v63  }
0x9c: {  	s8 =	simm.s32 $0x8B00  }
0x9d: {  	[tilespmem:s8], [sflag:$0x3] =	stream.linear.gather [hbm4b:s9+s6], $0x4000, $0x38;
	[tilespmem:$0x10B80] =	vst v63  }
0x9e: {  	_ =	swait.ge [sflag:s2], $0x4000  }
0x9f: {  	[sflag:s2] =	ssyncset.done $0x0  }
0xa0: {  	s29 =	simm.s32 $0x0;
	[sflag:s2] =	ssyncadd.s32 $0xFFFFC000  }
0xa1: {  	s7 =	sand.u32 $0x3000, s29;
	s8 =	sand.u32 $0xC00, s6;
	_ =	swait.ge [sflag:s1], $0x4000  }
0xa2: {  	s6 =	sand.u32 $0x380, s6;
	s7 =	sor.u32 s7, s8;
	[sflag:s1] =	ssyncset.done $0x0  }
0xa3: {  	s6 =	sor.u32 s6, s7;
	[sflag:s1] =	ssyncadd.s32 $0xFFFFC000  }
0xa4: {  	v2 =	vld [tilespmem:s6+$0x4070]  }
0xa5: {  	v3 =	vld [tilespmem:s6+$0x4000]  }
0xa6: {  	v4 =	vld [tilespmem:s6+$0x4010]  }
0xa7: {  	v5 =	vld [tilespmem:s6+$0x4020]  }
0xa8: {  	v6 =	vld [tilespmem:s6+$0x4030]  }
0xa9: {  	v7 =	vld [tilespmem:s6+$0x4040]  }
0xaa: {  	v8 =	vld [tilespmem:s6+$0x4050]  }
0xab: {  	v9 =	vld [tilespmem:s6+$0x4060]  }
0xac: {  	v10 =	vld [tilespmem:s6+$0xCB00]  }
0xad: {  	v11 =	vld [tilespmem:s6+$0xCB70]  }
0xae: {  	v13 =	vld [tilespmem:s6+$0xCB10]  }
0xaf: {  	v14 =	vld [tilespmem:s6+$0xCB20]  }
0xb0: {  	v15 =	vld [tilespmem:s6+$0xCB30]  }
0xb1: {  	v50 =	vld [tilespmem:s6+$0xCB40]  }
0xb2: {  	v19 =	vld [tilespmem:s6+$0xCB50]  }
0xb3: {  	s7 =	simm.s32 $0x400;
	v51 =	vld [tilespmem:s6+$0xCB60];
	s6 =	simm.s32 $0x80  }
0xb4: {  	s28 =	simm.s32 $0x20;
	s29 =	sand.u32 $0xC00, s7;
	s8 =	sand.u32 $0x3000, s6;
	v2 =	vshrl.u32 v2, $0x1B  }
0xb5: {  	s8 =	sor.u32 s8, s29;
	s29 =	sand.u32 $0x380, s28  }
0xb6: {  	s8 =	sor.u32 s29, s8  }
0xb7: {  	v52 =	vld [tilespmem:s8+$0x4040];
	v3 =	vshrl.u32 v3, $0x1B  }
0xb8: {  	v22 =	vld [tilespmem:s8+$0x4060];
	v4 =	vshrl.u32 v4, $0x1B  }
0xb9: {  	v5 =	vshrl.u32 v5, $0x1B;
	v12 =	vld.idx.msk [tilespmem:v2+s25+$0x0], $0xffff  }
0xba: {  	v24 =	vld [tilespmem:s8+$0xCB00]  }
0xbb: {  	v27 =	vld [tilespmem:s8+$0xCB70]  }
0xbc: {  	v6 =	vshrl.u32 v6, $0x1B;
	v7 =	vshrl.u32 v7, $0x1B;
	v16 =	vshll.u32 v3, $0x8;
	v3 =	vld.idx.msk [tilespmem:v3+s25+$0x0], $0xffff  }
0xbd: {  	v18 =	vshrl.u32 v11, $0x8;
	v11 =	vand.u32 $0xFF, v11;
	v17 =	vshll.u32 v4, $0x8;
	v4 =	vld.idx.msk [tilespmem:v4+s25+$0x0], $0xffff  }
0xbe: {  	v8 =	vshrl.u32 v8, $0x1B;
	v2 =	vshll.u32 v2, $0x8;
	vm0 =	veq.s32 v18, v12;
	v12 =	vld.idx.msk [tilespmem:v5+s25+$0x0], $0xffff  }
0xbf: {  	v54 =	vld [tilespmem:s8+$0xCB40];
	v9 =	vshrl.u32 v9, $0x1B;
	v2 =	vor.u32 v11, v2  }
0xc0: {  	v55 =	vld [tilespmem:s8+$0xCB50];
	v20 =	vshrl.u32 v13, $0x8;
	v11 =	vshrl.u32 v10, $0x8;
	v10 =	vand.u32 $0xFF, v10  }
0xc1: {  	v5 =	vshll.u32 v5, $0x8;
	vm1 =	veq.s32 v11, v3;
	v11 =	vand.u32 $0xFF, v13;
	v13 =	vld.idx.msk [tilespmem:v6+s25+$0x0], $0xffff  }
0xc2: {  	v3 =	vshrl.u32 v14, $0x8;
	vm2 =	veq.s32 v20, v4;
	v4 =	vand.u32 $0xFF, v14;
	v14 =	vld.idx.msk [tilespmem:v7+s25+$0x0], $0xffff  }
0xc3: {  	v10 =	vor.u32 v10, v16;
	vm3 =	veq.s32 v3, v12;
	v3 =	vor.u32 v4, v5;
	v4 =	vld.idx.msk [tilespmem:v8+s25+$0x0], $0xffff  }
0xc4: {  	v11 =	vor.u32 v11, v17;
	[tilespmem:v2+s0+$0x0] =	vst.idx.add.s32.msk vm0, v1  }
0xc5: {  	v2 =	vld [tilespmem:s8+$0x4070]  }
0xc6: {  	v5 =	vld.idx.msk [tilespmem:v9+s25+$0x0], $0xffff  }
0xc7: {  	v12 =	vld [tilespmem:s8+$0x4030]  }
0xc8: {  	[tilespmem:v10+s0+$0x0] =	vst.idx.add.s32.msk vm1, v1  }
0xc9: {  	v21 =	vshrl.u32 v15, $0x8;
	v15 =	vand.u32 $0xFF, v15;
	v23 =	vshrl.u32 v50, $0x8;
	[tilespmem:v11+s0+$0x0] =	vst.idx.add.s32.msk vm2, v1  }
0xca: {  	v25 =	vshrl.u32 v19, $0x8;
	v19 =	vand.u32 $0xFF, v19;
	[tilespmem:v3+s0+$0x0] =	vst.idx.add.s32.msk vm3, v1;
	v53 =	vshrl.u32 v2, $0x1B  }
0xcb: {  	v26 =	vshrl.u32 v51, $0x8;
	v56 =	vshrl.u32 v27, $0x8;
	v22 =	vshrl.u32 v22, $0x1B;
	v3 =	vld [tilespmem:s8+$0x4000]  }
0xcc: {  	v58 =	vand.u32 $0xFF, v27;
	v63 =	vshll.u32 v22, $0x8;
	v16 =	vand.u32 $0xFF, v51;
	v10 =	vld [tilespmem:s8+$0x4010]  }
0xcd: {  	v18 =	vand.u32 $0xFF, v50;
	v17 =	vshrl.u32 v52, $0x1B;
	v8 =	vshll.u32 v8, $0x8;
	v11 =	vld [tilespmem:s8+$0x4020]  }
0xce: {  	v19 =	vor.u32 v19, v8;
	v8 =	vld [tilespmem:s8+$0xCB10];
	v2 =	vshll.u32 v6, $0x8;
	v6 =	vshll.u32 v7, $0x8  }
0xcf: {  	v62 =	vshll.u32 v17, $0x8;
	v9 =	vshll.u32 v9, $0x8;
	v18 =	vor.u32 v18, v6;
	v6 =	vld.idx.msk [tilespmem:v53+s25+$0x0], $0xffff  }
0xd0: {  	v57 =	vld [tilespmem:s8+$0xCB60];
	vm2 =	veq.s32 v21, v13;
	vm0 =	veq.s32 v26, v5;
	v3 =	vshrl.u32 v3, $0x1B  }
0xd1: {  	v12 =	vshrl.u32 v12, $0x1B;
	v7 =	vld [tilespmem:s8+$0x4050];
	vm3 =	veq.s32 v25, v4;
	v5 =	vshrl.u32 v10, $0x1B  }
0xd2: {  	v4 =	vld [tilespmem:s8+$0xCB20];
	v15 =	vor.u32 v15, v2;
	v2 =	vor.u32 v16, v9;
	v9 =	vshrl.u32 v11, $0x1B  }
0xd3: {  	vm1 =	veq.s32 v23, v14;
	v10 =	vld [tilespmem:s8+$0xCB30];
	v59 =	vshll.u32 v12, $0x8;
	v31 =	vshrl.u32 v8, $0x8  }
0xd4: {  	v17 =	vld.idx.msk [tilespmem:v17+s25+$0x0], $0xffff;
	v13 =	vshll.u32 v5, $0x8;
	vm4 =	veq.s32 v56, v6;
	v6 =	vshll.u32 v53, $0x8  }
0xd5: {  	v16 =	vshrl.u32 v54, $0x8;
	v11 =	vshll.u32 v3, $0x8;
	v61 =	vld.idx.msk [tilespmem:v3+s25+$0x0], $0xffff;
	v3 =	vor.u32 v58, v6  }
0xd6: {  	v14 =	vshll.u32 v9, $0x8;
	v60 =	vshrl.u32 v7, $0x1B;
	v29 =	vld.idx.msk [tilespmem:v5+s25+$0x0], $0xffff;
	v5 =	vshrl.u32 v24, $0x8  }
0xd7: {  	v32 =	vshrl.u32 v4, $0x8;
	v7 =	vand.u32 $0xFF, v8;
	v4 =	vand.u32 $0xFF, v4;
	v30 =	vld.idx.msk [tilespmem:v9+s25+$0x0], $0xffff  }
0xd8: {  	v33 =	vld.idx.msk [tilespmem:v12+s25+$0x0], $0xffff;
	v34 =	vshrl.u32 v10, $0x8;
	v28 =	vshll.u32 v60, $0x8;
	v9 =	vand.u32 $0xFF, v10  }
0xd9: {  	v10 =	vand.u32 $0xFF, v54;
	v7 =	vor.u32 v7, v13;
	v13 =	vand.u32 $0xFF, v55;
	[tilespmem:v15+s0+$0x0] =	vst.idx.add.s32.msk vm2, v1  }
0xda: {  	v8 =	vor.u32 v4, v14;
	v6 =	vand.u32 $0xFF, v24;
	[tilespmem:v3+s0+$0x0] =	vst.idx.add.s32.msk vm4, v1;
	vm4 =	veq.s32 v5, v61  }
0xdb: {  	v14 =	vand.u32 $0xFF, v57;
	vm6 =	veq.s32 v31, v29;
	v6 =	vor.u32 v6, v11;
	v11 =	vld.idx.msk [tilespmem:v60+s25+$0x0], $0xffff  }
0xdc: {  	v12 =	vld.idx.msk [tilespmem:v22+s25+$0x0], $0xffff;
	vm2 =	veq.s32 v16, v17;
	v4 =	vor.u32 v10, v62;
	vm5 =	veq.s32 v32, v30  }
0xdd: {  	[tilespmem:v18+s0+$0x0] =	vst.idx.add.s32.msk vm1, v1;
	v10 =	vshrl.u32 v57, $0x8;
	vm1 =	veq.s32 v34, v33;
	v3 =	vor.u32 v9, v59  }
0xde: {  	[tilespmem:v19+s0+$0x0] =	vst.idx.add.s32.msk vm3, v1;
	v5 =	vor.u32 v13, v28;
	v13 =	vor.u32 v14, v63;
	v9 =	vshrl.u32 v55, $0x8  }
.LBB2_6:
0xdf: {  	s6 =	sadd.s32 $0x80, s6;
	s7 =	sadd.s32 $0x400, s7;
	[tilespmem:v2+s0+$0x0] =	vst.idx.add.s32.msk vm0, v1;
	v2 =	vmov v13  }
0xe0: {  	vm3 =	veq.s32 v9, v11;
	s28 =	sadd.s32 $0x20, s28;
	s8 =	sand.u32 $0x3000, s6;
	s29 =	sand.u32 $0xC00, s7;
	[tilespmem:v6+s0+$0x0] =	vst.idx.add.s32.msk vm4, v1  }
0xe1: {  	p0 =	slt.u32 s6, $0x3F80;
	vm0 =	veq.s32 v10, v12;
	s8 =	sor.u32 s8, s29;
	s29 =	sand.u32 $0x380, s28;
	[tilespmem:v7+s0+$0x0] =	vst.idx.add.s32.msk vm6, v1  }
0xe2: {  	s8 =	sor.u32 s29, s8;
	[tilespmem:v8+s0+$0x0] =	vst.idx.add.s32.msk vm5, v1  }
0xe3: {  	v6 =	vld [tilespmem:s8+$0x4070]  }
0xe4: {  	v7 =	vld [tilespmem:s8+$0x4000]  }
0xe5: {  	v8 =	vld [tilespmem:s8+$0x4010]  }
0xe6: {  	v9 =	vld [tilespmem:s8+$0x4020]  }
0xe7: {  	v10 =	vld [tilespmem:s8+$0x4030]  }
0xe8: {  	v11 =	vld [tilespmem:s8+$0x4040];
	v12 =	vshrl.u32 v6, $0x1B  }
0xe9: {  	v7 =	vshrl.u32 v7, $0x1B;
	v6 =	vld [tilespmem:s8+$0x4050]  }
0xea: {  	v13 =	vshll.u32 v7, $0x8;
	v8 =	vshrl.u32 v8, $0x1B;
	v14 =	vld [tilespmem:s8+$0x4060]  }
0xeb: {  	v15 =	vld [tilespmem:s8+$0xCB00];
	v16 =	vshll.u32 v8, $0x8;
	v9 =	vshrl.u32 v9, $0x1B  }
0xec: {  	v17 =	vshll.u32 v9, $0x8;
	v10 =	vshrl.u32 v10, $0x1B;
	v18 =	vld [tilespmem:s8+$0xCB70]  }
0xed: {  	v19 =	vshll.u32 v10, $0x8;
	v11 =	vshrl.u32 v11, $0x1B;
	v20 =	vld.idx.msk [tilespmem:v12+s25+$0x0], $0xffff  }
0xee: {  	v21 =	vld [tilespmem:s8+$0xCB10];
	v22 =	vshll.u32 v11, $0x8;
	v23 =	vshrl.u32 v6, $0x1B  }
0xef: {  	v24 =	vld [tilespmem:s8+$0xCB20];
	v25 =	vshll.u32 v23, $0x8;
	v14 =	vshrl.u32 v14, $0x1B  }
0xf0: {  	v26 =	vshrl.u32 v15, $0x8;
	v6 =	vand.u32 $0xFF, v15;
	v15 =	vld [tilespmem:s8+$0xCB30];
	v27 =	vshll.u32 v14, $0x8  }
0xf1: {  	v6 =	vor.u32 v6, v13;
	v13 =	vld [tilespmem:s8+$0xCB40]  }
0xf2: {  	v29 =	vshrl.u32 v18, $0x8;
	v28 =	vld [tilespmem:s8+$0xCB50]  }
0xf3: {  	v12 =	vshll.u32 v12, $0x8;
	v18 =	vand.u32 $0xFF, v18;
	vm4 =	veq.s32 v29, v20;
	v30 =	vld [tilespmem:s8+$0xCB60]  }
0xf4: {  	v12 =	vor.u32 v18, v12;
	v29 =	vshrl.u32 v21, $0x8;
	v20 =	vld.idx.msk [tilespmem:v7+s25+$0x0], $0xffff;
	v31 =	vshrl.u32 v24, $0x8  }
0xf5: {  	v7 =	vand.u32 $0xFF, v21;
	v18 =	vld.idx.msk [tilespmem:v8+s25+$0x0], $0xffff;
	v8 =	vand.u32 $0xFF, v24;
	v21 =	vshrl.u32 v15, $0x8  }
0xf6: {  	v15 =	vand.u32 $0xFF, v15;
	v24 =	vld.idx.msk [tilespmem:v9+s25+$0x0], $0xffff;
	v32 =	vshrl.u32 v13, $0x8;
	v13 =	vand.u32 $0xFF, v13  }
0xf7: {  	v7 =	vor.u32 v7, v16;
	v16 =	vld.idx.msk [tilespmem:v10+s25+$0x0], $0xffff;
	v9 =	vshrl.u32 v28, $0x8;
	v28 =	vand.u32 $0xFF, v28  }
0xf8: {  	v8 =	vor.u32 v8, v17;
	v17 =	vld.idx.msk [tilespmem:v11+s25+$0x0], $0xffff;
	v10 =	vshrl.u32 v30, $0x8;
	v30 =	vand.u32 $0xFF, v30  }
0xf9: {  	v15 =	vor.u32 v15, v19;
	v19 =	vor.u32 v13, v22;
	[tilespmem:v12+s0+$0x0] =	vst.idx.add.s32.msk vm4, v1  }
.Ltmp2:
0xfa: {  	vm4 =	veq.s32 v26, v20;
	v20 =	vor.u32 v28, v25;
	v13 =	vor.u32 v30, v27;
	v11 =	vld.idx.msk [tilespmem:v23+s25+$0x0], $0xffff;
	(pc) =	sbr.rel @p0 .LBB2_6-.Ltmp2, $4  }
0xfb: {  	vm6 =	veq.s32 v29, v18;
	v12 =	vld.idx.msk [tilespmem:v14+s25+$0x0], $0xffff  }
0xfc: {  	vm5 =	veq.s32 v31, v24;
	[tilespmem:v3+s0+$0x0] =	vst.idx.add.s32.msk vm1, v1;
	v3 =	vmov v15  }
0xfd: {  	vm1 =	veq.s32 v21, v16;
	[tilespmem:v4+s0+$0x0] =	vst.idx.add.s32.msk vm2, v1;
	v4 =	vmov v19  }
0xfe: {  	vm2 =	veq.s32 v32, v17;
	[tilespmem:v5+s0+$0x0] =	vst.idx.add.s32.msk vm3, v1;
	v5 =	vmov v20  }
0xff: {  	_ =	sdelay $0x4  }
0x100: {  	[tilespmem:v2+s0+$0x0] =	vst.idx.add.s32.msk vm0, v1;
	vm0 =	veq.s32 v9, v11  }
0x101: {  	[tilespmem:v6+s0+$0x0] =	vst.idx.add.s32.msk vm4, v1;
	vm3 =	veq.s32 v10, v12  }
0x102: {  	[tilespmem:v7+s0+$0x0] =	vst.idx.add.s32.msk vm6, v1  }
0x103: {  	[tilespmem:v8+s0+$0x0] =	vst.idx.add.s32.msk vm5, v1  }
0x104: {  	[tilespmem:v3+s0+$0x0] =	vst.idx.add.s32.msk vm1, v1  }
0x105: {  	[tilespmem:v4+s0+$0x0] =	vst.idx.add.s32.msk vm2, v1  }
0x106: {  	[tilespmem:v5+s0+$0x0] =	vst.idx.add.s32.msk vm0, v1  }
0x107: {  	s6 =	simm.s32 $0x0;
	s7 =	simm.s32 $0x4000;
	[tilespmem:v13+s0+$0x0] =	vst.idx.add.s32.msk vm3, v1  }
0x108: {  	[tilespmem:s7], [sflag:$0x2] =	stream.linear.gather [hbm4b:s10+s6], $0x4000, $0x38;
	[tilespmem:$0x10B80] =	vst v63  }
0x109: {  	s8 =	simm.s32 $0xCB00  }
0x10a: {  	[tilespmem:s8], [sflag:$0x4] =	stream.linear.gather [hbm4b:s11+s6], $0x4000, $0x38;
	[tilespmem:$0x10B80] =	vst v63  }
0x10b: {  	_ =	swait.ge [sflag:s30], $0x4000  }
0x10c: {  	[sflag:s30] =	ssyncset.done $0x0  }
0x10d: {  	s29 =	simm.s32 $0x0;
	[sflag:s30] =	ssyncadd.s32 $0xFFFFC000  }
0x10e: {  	s7 =	sand.u32 $0x3000, s29;
	s8 =	sand.u32 $0xC00, s6;
	_ =	swait.ge [sflag:s31], $0x4000  }
0x10f: {  	s6 =	sand.u32 $0x380, s6;
	s7 =	sor.u32 s7, s8;
	[sflag:s31] =	ssyncset.done $0x0  }
0x110: {  	s6 =	sor.u32 s6, s7;
	[sflag:s31] =	ssyncadd.s32 $0xFFFFC000  }
0x111: {  	v2 =	vld [tilespmem:s6+$0x70]  }
0x112: {  	v3 =	vld [tilespmem:s6+$0x0]  }
0x113: {  	v4 =	vld [tilespmem:s6+$0x10]  }
0x114: {  	v5 =	vld [tilespmem:s6+$0x20]  }
0x115: {  	v6 =	vld [tilespmem:s6+$0x30]  }
0x116: {  	v7 =	vld [tilespmem:s6+$0x40]  }
0x117: {  	v8 =	vld [tilespmem:s6+$0x50]  }
0x118: {  	v9 =	vld [tilespmem:s6+$0x60]  }
0x119: {  	v10 =	vld [tilespmem:s6+$0x8B00]  }
0x11a: {  	v11 =	vld [tilespmem:s6+$0x8B70]  }
0x11b: {  	v13 =	vld [tilespmem:s6+$0x8B10]  }
0x11c: {  	v14 =	vld [tilespmem:s6+$0x8B20]  }
0x11d: {  	v15 =	vld [tilespmem:s6+$0x8B30]  }
0x11e: {  	v50 =	vld [tilespmem:s6+$0x8B40]  }
0x11f: {  	v19 =	vld [tilespmem:s6+$0x8B50]  }
0x120: {  	s7 =	simm.s32 $0x400;
	v51 =	vld [tilespmem:s6+$0x8B60];
	s6 =	simm.s32 $0x80  }
0x121: {  	s28 =	simm.s32 $0x20;
	s29 =	sand.u32 $0xC00, s7;
	s8 =	sand.u32 $0x3000, s6;
	v2 =	vshrl.u32 v2, $0x1B  }
0x122: {  	s8 =	sor.u32 s8, s29;
	s29 =	sand.u32 $0x380, s28  }
0x123: {  	s8 =	sor.u32 s29, s8  }
0x124: {  	v52 =	vld [tilespmem:s8+$0x40];
	v3 =	vshrl.u32 v3, $0x1B  }
0x125: {  	v22 =	vld [tilespmem:s8+$0x60];
	v4 =	vshrl.u32 v4, $0x1B  }
0x126: {  	v5 =	vshrl.u32 v5, $0x1B;
	v12 =	vld.idx.msk [tilespmem:v2+s25+$0x0], $0xffff  }
0x127: {  	v24 =	vld [tilespmem:s8+$0x8B00]  }
0x128: {  	v27 =	vld [tilespmem:s8+$0x8B70]  }
0x129: {  	v6 =	vshrl.u32 v6, $0x1B;
	v7 =	vshrl.u32 v7, $0x1B;
	v16 =	vshll.u32 v3, $0x8;
	v3 =	vld.idx.msk [tilespmem:v3+s25+$0x0], $0xffff  }
0x12a: {  	v18 =	vshrl.u32 v11, $0x8;
	v11 =	vand.u32 $0xFF, v11;
	v17 =	vshll.u32 v4, $0x8;
	v4 =	vld.idx.msk [tilespmem:v4+s25+$0x0], $0xffff  }
0x12b: {  	v8 =	vshrl.u32 v8, $0x1B;
	v2 =	vshll.u32 v2, $0x8;
	vm0 =	veq.s32 v18, v12;
	v12 =	vld.idx.msk [tilespmem:v5+s25+$0x0], $0xffff  }
0x12c: {  	v54 =	vld [tilespmem:s8+$0x8B40];
	v9 =	vshrl.u32 v9, $0x1B;
	v2 =	vor.u32 v11, v2  }
0x12d: {  	v55 =	vld [tilespmem:s8+$0x8B50];
	v20 =	vshrl.u32 v13, $0x8;
	v11 =	vshrl.u32 v10, $0x8;
	v10 =	vand.u32 $0xFF, v10  }
0x12e: {  	v5 =	vshll.u32 v5, $0x8;
	vm1 =	veq.s32 v11, v3;
	v11 =	vand.u32 $0xFF, v13;
	v13 =	vld.idx.msk [tilespmem:v6+s25+$0x0], $0xffff  }
0x12f: {  	v3 =	vshrl.u32 v14, $0x8;
	vm2 =	veq.s32 v20, v4;
	v4 =	vand.u32 $0xFF, v14;
	v14 =	vld.idx.msk [tilespmem:v7+s25+$0x0], $0xffff  }
0x130: {  	v10 =	vor.u32 v10, v16;
	vm3 =	veq.s32 v3, v12;
	v3 =	vor.u32 v4, v5;
	v4 =	vld.idx.msk [tilespmem:v8+s25+$0x0], $0xffff  }
0x131: {  	v11 =	vor.u32 v11, v17;
	[tilespmem:v2+s0+$0x0] =	vst.idx.add.s32.msk vm0, v1  }
0x132: {  	v2 =	vld [tilespmem:s8+$0x70]  }
0x133: {  	v5 =	vld.idx.msk [tilespmem:v9+s25+$0x0], $0xffff  }
0x134: {  	v12 =	vld [tilespmem:s8+$0x30]  }
0x135: {  	[tilespmem:v10+s0+$0x0] =	vst.idx.add.s32.msk vm1, v1  }
0x136: {  	v21 =	vshrl.u32 v15, $0x8;
	v15 =	vand.u32 $0xFF, v15;
	v23 =	vshrl.u32 v50, $0x8;
	[tilespmem:v11+s0+$0x0] =	vst.idx.add.s32.msk vm2, v1  }
0x137: {  	v25 =	vshrl.u32 v19, $0x8;
	v19 =	vand.u32 $0xFF, v19;
	[tilespmem:v3+s0+$0x0] =	vst.idx.add.s32.msk vm3, v1;
	v53 =	vshrl.u32 v2, $0x1B  }
0x138: {  	v26 =	vshrl.u32 v51, $0x8;
	v56 =	vshrl.u32 v27, $0x8;
	v22 =	vshrl.u32 v22, $0x1B;
	v3 =	vld [tilespmem:s8+$0x0]  }
0x139: {  	v58 =	vand.u32 $0xFF, v27;
	v63 =	vshll.u32 v22, $0x8;
	v16 =	vand.u32 $0xFF, v51;
	v10 =	vld [tilespmem:s8+$0x10]  }
0x13a: {  	v18 =	vand.u32 $0xFF, v50;
	v17 =	vshrl.u32 v52, $0x1B;
	v8 =	vshll.u32 v8, $0x8;
	v11 =	vld [tilespmem:s8+$0x20]  }
0x13b: {  	v19 =	vor.u32 v19, v8;
	v8 =	vld [tilespmem:s8+$0x8B10];
	v2 =	vshll.u32 v6, $0x8;
	v6 =	vshll.u32 v7, $0x8  }
0x13c: {  	v62 =	vshll.u32 v17, $0x8;
	v9 =	vshll.u32 v9, $0x8;
	v18 =	vor.u32 v18, v6;
	v6 =	vld.idx.msk [tilespmem:v53+s25+$0x0], $0xffff  }
0x13d: {  	v57 =	vld [tilespmem:s8+$0x8B60];
	vm2 =	veq.s32 v21, v13;
	vm0 =	veq.s32 v26, v5;
	v3 =	vshrl.u32 v3, $0x1B  }
0x13e: {  	v12 =	vshrl.u32 v12, $0x1B;
	v7 =	vld [tilespmem:s8+$0x50];
	vm3 =	veq.s32 v25, v4;
	v5 =	vshrl.u32 v10, $0x1B  }
0x13f: {  	v4 =	vld [tilespmem:s8+$0x8B20];
	v15 =	vor.u32 v15, v2;
	v2 =	vor.u32 v16, v9;
	v9 =	vshrl.u32 v11, $0x1B  }
0x140: {  	vm1 =	veq.s32 v23, v14;
	v10 =	vld [tilespmem:s8+$0x8B30];
	v59 =	vshll.u32 v12, $0x8;
	v31 =	vshrl.u32 v8, $0x8  }
0x141: {  	v17 =	vld.idx.msk [tilespmem:v17+s25+$0x0], $0xffff;
	v13 =	vshll.u32 v5, $0x8;
	vm4 =	veq.s32 v56, v6;
	v6 =	vshll.u32 v53, $0x8  }
0x142: {  	v16 =	vshrl.u32 v54, $0x8;
	v11 =	vshll.u32 v3, $0x8;
	v61 =	vld.idx.msk [tilespmem:v3+s25+$0x0], $0xffff;
	v3 =	vor.u32 v58, v6  }
0x143: {  	v14 =	vshll.u32 v9, $0x8;
	v60 =	vshrl.u32 v7, $0x1B;
	v29 =	vld.idx.msk [tilespmem:v5+s25+$0x0], $0xffff;
	v5 =	vshrl.u32 v24, $0x8  }
0x144: {  	v32 =	vshrl.u32 v4, $0x8;
	v7 =	vand.u32 $0xFF, v8;
	v4 =	vand.u32 $0xFF, v4;
	v30 =	vld.idx.msk [tilespmem:v9+s25+$0x0], $0xffff  }
0x145: {  	v33 =	vld.idx.msk [tilespmem:v12+s25+$0x0], $0xffff;
	v34 =	vshrl.u32 v10, $0x8;
	v28 =	vshll.u32 v60, $0x8;
	v9 =	vand.u32 $0xFF, v10  }
0x146: {  	v10 =	vand.u32 $0xFF, v54;
	v7 =	vor.u32 v7, v13;
	v13 =	vand.u32 $0xFF, v55;
	[tilespmem:v15+s0+$0x0] =	vst.idx.add.s32.msk vm2, v1  }
0x147: {  	v8 =	vor.u32 v4, v14;
	v6 =	vand.u32 $0xFF, v24;
	[tilespmem:v3+s0+$0x0] =	vst.idx.add.s32.msk vm4, v1;
	vm4 =	veq.s32 v5, v61  }
0x148: {  	v14 =	vand.u32 $0xFF, v57;
	vm6 =	veq.s32 v31, v29;
	v6 =	vor.u32 v6, v11;
	v11 =	vld.idx.msk [tilespmem:v60+s25+$0x0], $0xffff  }
0x149: {  	v12 =	vld.idx.msk [tilespmem:v22+s25+$0x0], $0xffff;
	vm2 =	veq.s32 v16, v17;
	v4 =	vor.u32 v10, v62;
	vm5 =	veq.s32 v32, v30  }
0x14a: {  	[tilespmem:v18+s0+$0x0] =	vst.idx.add.s32.msk vm1, v1;
	v10 =	vshrl.u32 v57, $0x8;
	vm1 =	veq.s32 v34, v33;
	v3 =	vor.u32 v9, v59  }
0x14b: {  	[tilespmem:v19+s0+$0x0] =	vst.idx.add.s32.msk vm3, v1;
	v5 =	vor.u32 v13, v28;
	v13 =	vor.u32 v14, v63;
	v9 =	vshrl.u32 v55, $0x8  }
.LBB2_8:
0x14c: {  	s6 =	sadd.s32 $0x80, s6;
	s7 =	sadd.s32 $0x400, s7;
	[tilespmem:v2+s0+$0x0] =	vst.idx.add.s32.msk vm0, v1;
	v2 =	vmov v13  }
0x14d: {  	vm3 =	veq.s32 v9, v11;
	s28 =	sadd.s32 $0x20, s28;
	s8 =	sand.u32 $0x3000, s6;
	s29 =	sand.u32 $0xC00, s7;
	[tilespmem:v6+s0+$0x0] =	vst.idx.add.s32.msk vm4, v1  }
0x14e: {  	p0 =	slt.u32 s6, $0x3F80;
	vm0 =	veq.s32 v10, v12;
	s8 =	sor.u32 s8, s29;
	s29 =	sand.u32 $0x380, s28;
	[tilespmem:v7+s0+$0x0] =	vst.idx.add.s32.msk vm6, v1  }
0x14f: {  	s8 =	sor.u32 s29, s8;
	[tilespmem:v8+s0+$0x0] =	vst.idx.add.s32.msk vm5, v1  }
0x150: {  	v6 =	vld [tilespmem:s8+$0x70]  }
0x151: {  	v7 =	vld [tilespmem:s8+$0x0]  }
0x152: {  	v8 =	vld [tilespmem:s8+$0x10]  }
0x153: {  	v9 =	vld [tilespmem:s8+$0x20]  }
0x154: {  	v10 =	vld [tilespmem:s8+$0x30]  }
0x155: {  	v11 =	vld [tilespmem:s8+$0x40];
	v12 =	vshrl.u32 v6, $0x1B  }
0x156: {  	v7 =	vshrl.u32 v7, $0x1B;
	v6 =	vld [tilespmem:s8+$0x50]  }
0x157: {  	v13 =	vshll.u32 v7, $0x8;
	v8 =	vshrl.u32 v8, $0x1B;
	v14 =	vld [tilespmem:s8+$0x60]  }
0x158: {  	v15 =	vld [tilespmem:s8+$0x8B00];
	v16 =	vshll.u32 v8, $0x8;
	v9 =	vshrl.u32 v9, $0x1B  }
0x159: {  	v17 =	vshll.u32 v9, $0x8;
	v10 =	vshrl.u32 v10, $0x1B;
	v18 =	vld [tilespmem:s8+$0x8B70]  }
0x15a: {  	v19 =	vshll.u32 v10, $0x8;
	v11 =	vshrl.u32 v11, $0x1B;
	v20 =	vld.idx.msk [tilespmem:v12+s25+$0x0], $0xffff  }
0x15b: {  	v21 =	vld [tilespmem:s8+$0x8B10];
	v22 =	vshll.u32 v11, $0x8;
	v23 =	vshrl.u32 v6, $0x1B  }
0x15c: {  	v24 =	vld [tilespmem:s8+$0x8B20];
	v25 =	vshll.u32 v23, $0x8;
	v14 =	vshrl.u32 v14, $0x1B  }
0x15d: {  	v26 =	vshrl.u32 v15, $0x8;
	v6 =	vand.u32 $0xFF, v15;
	v15 =	vld [tilespmem:s8+$0x8B30];
	v27 =	vshll.u32 v14, $0x8  }
0x15e: {  	v6 =	vor.u32 v6, v13;
	v13 =	vld [tilespmem:s8+$0x8B40]  }
0x15f: {  	v29 =	vshrl.u32 v18, $0x8;
	v28 =	vld [tilespmem:s8+$0x8B50]  }
0x160: {  	v12 =	vshll.u32 v12, $0x8;
	v18 =	vand.u32 $0xFF, v18;
	vm4 =	veq.s32 v29, v20;
	v30 =	vld [tilespmem:s8+$0x8B60]  }
0x161: {  	v12 =	vor.u32 v18, v12;
	v29 =	vshrl.u32 v21, $0x8;
	v20 =	vld.idx.msk [tilespmem:v7+s25+$0x0], $0xffff;
	v31 =	vshrl.u32 v24, $0x8  }
0x162: {  	v7 =	vand.u32 $0xFF, v21;
	v18 =	vld.idx.msk [tilespmem:v8+s25+$0x0], $0xffff;
	v8 =	vand.u32 $0xFF, v24;
	v21 =	vshrl.u32 v15, $0x8  }
0x163: {  	v15 =	vand.u32 $0xFF, v15;
	v24 =	vld.idx.msk [tilespmem:v9+s25+$0x0], $0xffff;
	v32 =	vshrl.u32 v13, $0x8;
	v13 =	vand.u32 $0xFF, v13  }
0x164: {  	v7 =	vor.u32 v7, v16;
	v16 =	vld.idx.msk [tilespmem:v10+s25+$0x0], $0xffff;
	v9 =	vshrl.u32 v28, $0x8;
	v28 =	vand.u32 $0xFF, v28  }
0x165: {  	v8 =	vor.u32 v8, v17;
	v17 =	vld.idx.msk [tilespmem:v11+s25+$0x0], $0xffff;
	v10 =	vshrl.u32 v30, $0x8;
	v30 =	vand.u32 $0xFF, v30  }
0x166: {  	v15 =	vor.u32 v15, v19;
	v19 =	vor.u32 v13, v22;
	[tilespmem:v12+s0+$0x0] =	vst.idx.add.s32.msk vm4, v1  }
.Ltmp3:
0x167: {  	vm4 =	veq.s32 v26, v20;
	v20 =	vor.u32 v28, v25;
	v13 =	vor.u32 v30, v27;
	v11 =	vld.idx.msk [tilespmem:v23+s25+$0x0], $0xffff;
	(pc) =	sbr.rel @p0 .LBB2_8-.Ltmp3, $4  }
0x168: {  	vm6 =	veq.s32 v29, v18;
	v12 =	vld.idx.msk [tilespmem:v14+s25+$0x0], $0xffff  }
0x169: {  	vm5 =	veq.s32 v31, v24;
	[tilespmem:v3+s0+$0x0] =	vst.idx.add.s32.msk vm1, v1;
	v3 =	vmov v15  }
0x16a: {  	vm1 =	veq.s32 v21, v16;
	[tilespmem:v4+s0+$0x0] =	vst.idx.add.s32.msk vm2, v1;
	v4 =	vmov v19  }
0x16b: {  	vm2 =	veq.s32 v32, v17;
	[tilespmem:v5+s0+$0x0] =	vst.idx.add.s32.msk vm3, v1;
	v5 =	vmov v20  }
0x16c: {  	_ =	sdelay $0x4  }
0x16d: {  	[tilespmem:v2+s0+$0x0] =	vst.idx.add.s32.msk vm0, v1;
	vm0 =	veq.s32 v9, v11  }
0x16e: {  	[tilespmem:v6+s0+$0x0] =	vst.idx.add.s32.msk vm4, v1;
	vm3 =	veq.s32 v10, v12  }
0x16f: {  	[tilespmem:v7+s0+$0x0] =	vst.idx.add.s32.msk vm6, v1  }
0x170: {  	[tilespmem:v8+s0+$0x0] =	vst.idx.add.s32.msk vm5, v1  }
0x171: {  	[tilespmem:v3+s0+$0x0] =	vst.idx.add.s32.msk vm1, v1  }
0x172: {  	[tilespmem:v4+s0+$0x0] =	vst.idx.add.s32.msk vm2, v1  }
0x173: {  	[tilespmem:v5+s0+$0x0] =	vst.idx.add.s32.msk vm0, v1  }
0x174: {  	[tilespmem:v13+s0+$0x0] =	vst.idx.add.s32.msk vm3, v1  }
0x175: {  	_ =	swait.ge [sflag:s2], $0x4000  }
0x176: {  	[sflag:s2] =	ssyncset.done $0x0  }
0x177: {  	s6 =	simm.s32 $0x0;
	s7 =	simm.s32 $0x0;
	[sflag:s2] =	ssyncadd.s32 $0xFFFFC000  }
0x178: {  	s7 =	sand.u32 $0x3000, s7;
	s8 =	sand.u32 $0xC00, s6;
	_ =	swait.ge [sflag:s1], $0x4000  }
0x179: {  	s6 =	sand.u32 $0x380, s6;
	s7 =	sor.u32 s7, s8;
	[sflag:s1] =	ssyncset.done $0x0  }
0x17a: {  	s6 =	sor.u32 s6, s7;
	[sflag:s1] =	ssyncadd.s32 $0xFFFFC000  }
0x17b: {  	v2 =	vld [tilespmem:s6+$0x4070]  }
0x17c: {  	v3 =	vld [tilespmem:s6+$0x4000]  }
0x17d: {  	v4 =	vld [tilespmem:s6+$0x4010]  }
0x17e: {  	v5 =	vld [tilespmem:s6+$0x4020]  }
0x17f: {  	v6 =	vld [tilespmem:s6+$0x4030]  }
0x180: {  	v7 =	vld [tilespmem:s6+$0x4040]  }
0x181: {  	v8 =	vld [tilespmem:s6+$0x4050]  }
0x182: {  	v9 =	vld [tilespmem:s6+$0x4060]  }
0x183: {  	v10 =	vld [tilespmem:s6+$0xCB00]  }
0x184: {  	v11 =	vld [tilespmem:s6+$0xCB70]  }
0x185: {  	v13 =	vld [tilespmem:s6+$0xCB10]  }
0x186: {  	v14 =	vld [tilespmem:s6+$0xCB20]  }
0x187: {  	v15 =	vld [tilespmem:s6+$0xCB30]  }
0x188: {  	v50 =	vld [tilespmem:s6+$0xCB40]  }
0x189: {  	v19 =	vld [tilespmem:s6+$0xCB50]  }
0x18a: {  	s7 =	simm.s32 $0x400;
	v51 =	vld [tilespmem:s6+$0xCB60];
	s6 =	simm.s32 $0x80  }
0x18b: {  	s28 =	simm.s32 $0x20;
	s29 =	sand.u32 $0xC00, s7;
	s8 =	sand.u32 $0x3000, s6;
	v2 =	vshrl.u32 v2, $0x1B  }
0x18c: {  	s8 =	sor.u32 s8, s29;
	s29 =	sand.u32 $0x380, s28  }
0x18d: {  	s8 =	sor.u32 s29, s8  }
0x18e: {  	v52 =	vld [tilespmem:s8+$0x4040];
	v3 =	vshrl.u32 v3, $0x1B  }
0x18f: {  	v22 =	vld [tilespmem:s8+$0x4060];
	v4 =	vshrl.u32 v4, $0x1B  }
0x190: {  	v5 =	vshrl.u32 v5, $0x1B;
	v12 =	vld.idx.msk [tilespmem:v2+s25+$0x0], $0xffff  }
0x191: {  	v24 =	vld [tilespmem:s8+$0xCB00]  }
0x192: {  	v27 =	vld [tilespmem:s8+$0xCB70]  }
0x193: {  	v6 =	vshrl.u32 v6, $0x1B;
	v7 =	vshrl.u32 v7, $0x1B;
	v16 =	vshll.u32 v3, $0x8;
	v3 =	vld.idx.msk [tilespmem:v3+s25+$0x0], $0xffff  }
0x194: {  	v18 =	vshrl.u32 v11, $0x8;
	v11 =	vand.u32 $0xFF, v11;
	v17 =	vshll.u32 v4, $0x8;
	v4 =	vld.idx.msk [tilespmem:v4+s25+$0x0], $0xffff  }
0x195: {  	v8 =	vshrl.u32 v8, $0x1B;
	v2 =	vshll.u32 v2, $0x8;
	vm0 =	veq.s32 v18, v12;
	v12 =	vld.idx.msk [tilespmem:v5+s25+$0x0], $0xffff  }
0x196: {  	v54 =	vld [tilespmem:s8+$0xCB40];
	v9 =	vshrl.u32 v9, $0x1B;
	v2 =	vor.u32 v11, v2  }
0x197: {  	v55 =	vld [tilespmem:s8+$0xCB50];
	v20 =	vshrl.u32 v13, $0x8;
	v11 =	vshrl.u32 v10, $0x8;
	v10 =	vand.u32 $0xFF, v10  }
0x198: {  	v5 =	vshll.u32 v5, $0x8;
	vm1 =	veq.s32 v11, v3;
	v11 =	vand.u32 $0xFF, v13;
	v13 =	vld.idx.msk [tilespmem:v6+s25+$0x0], $0xffff  }
0x199: {  	v3 =	vshrl.u32 v14, $0x8;
	vm2 =	veq.s32 v20, v4;
	v4 =	vand.u32 $0xFF, v14;
	v14 =	vld.idx.msk [tilespmem:v7+s25+$0x0], $0xffff  }
0x19a: {  	v10 =	vor.u32 v10, v16;
	vm3 =	veq.s32 v3, v12;
	v3 =	vor.u32 v4, v5;
	v4 =	vld.idx.msk [tilespmem:v8+s25+$0x0], $0xffff  }
0x19b: {  	v11 =	vor.u32 v11, v17;
	[tilespmem:v2+s0+$0x0] =	vst.idx.add.s32.msk vm0, v1  }
0x19c: {  	v2 =	vld [tilespmem:s8+$0x4070]  }
0x19d: {  	v5 =	vld.idx.msk [tilespmem:v9+s25+$0x0], $0xffff  }
0x19e: {  	v12 =	vld [tilespmem:s8+$0x4030]  }
0x19f: {  	[tilespmem:v10+s0+$0x0] =	vst.idx.add.s32.msk vm1, v1  }
0x1a0: {  	v21 =	vshrl.u32 v15, $0x8;
	v15 =	vand.u32 $0xFF, v15;
	v23 =	vshrl.u32 v50, $0x8;
	[tilespmem:v11+s0+$0x0] =	vst.idx.add.s32.msk vm2, v1  }
0x1a1: {  	v25 =	vshrl.u32 v19, $0x8;
	v19 =	vand.u32 $0xFF, v19;
	[tilespmem:v3+s0+$0x0] =	vst.idx.add.s32.msk vm3, v1;
	v53 =	vshrl.u32 v2, $0x1B  }
0x1a2: {  	v26 =	vshrl.u32 v51, $0x8;
	v56 =	vshrl.u32 v27, $0x8;
	v22 =	vshrl.u32 v22, $0x1B;
	v3 =	vld [tilespmem:s8+$0x4000]  }
0x1a3: {  	v58 =	vand.u32 $0xFF, v27;
	v63 =	vshll.u32 v22, $0x8;
	v16 =	vand.u32 $0xFF, v51;
	v10 =	vld [tilespmem:s8+$0x4010]  }
0x1a4: {  	v18 =	vand.u32 $0xFF, v50;
	v17 =	vshrl.u32 v52, $0x1B;
	v8 =	vshll.u32 v8, $0x8;
	v11 =	vld [tilespmem:s8+$0x4020]  }
0x1a5: {  	v19 =	vor.u32 v19, v8;
	v8 =	vld [tilespmem:s8+$0xCB10];
	v2 =	vshll.u32 v6, $0x8;
	v6 =	vshll.u32 v7, $0x8  }
0x1a6: {  	v62 =	vshll.u32 v17, $0x8;
	v9 =	vshll.u32 v9, $0x8;
	v18 =	vor.u32 v18, v6;
	v6 =	vld.idx.msk [tilespmem:v53+s25+$0x0], $0xffff  }
0x1a7: {  	v57 =	vld [tilespmem:s8+$0xCB60];
	vm2 =	veq.s32 v21, v13;
	vm0 =	veq.s32 v26, v5;
	v3 =	vshrl.u32 v3, $0x1B  }
0x1a8: {  	v12 =	vshrl.u32 v12, $0x1B;
	v7 =	vld [tilespmem:s8+$0x4050];
	vm3 =	veq.s32 v25, v4;
	v5 =	vshrl.u32 v10, $0x1B  }
0x1a9: {  	v4 =	vld [tilespmem:s8+$0xCB20];
	v15 =	vor.u32 v15, v2;
	v2 =	vor.u32 v16, v9;
	v9 =	vshrl.u32 v11, $0x1B  }
0x1aa: {  	vm1 =	veq.s32 v23, v14;
	v10 =	vld [tilespmem:s8+$0xCB30];
	v59 =	vshll.u32 v12, $0x8;
	v31 =	vshrl.u32 v8, $0x8  }
0x1ab: {  	v17 =	vld.idx.msk [tilespmem:v17+s25+$0x0], $0xffff;
	v13 =	vshll.u32 v5, $0x8;
	vm4 =	veq.s32 v56, v6;
	v6 =	vshll.u32 v53, $0x8  }
0x1ac: {  	v16 =	vshrl.u32 v54, $0x8;
	v11 =	vshll.u32 v3, $0x8;
	v61 =	vld.idx.msk [tilespmem:v3+s25+$0x0], $0xffff;
	v3 =	vor.u32 v58, v6  }
0x1ad: {  	v14 =	vshll.u32 v9, $0x8;
	v60 =	vshrl.u32 v7, $0x1B;
	v29 =	vld.idx.msk [tilespmem:v5+s25+$0x0], $0xffff;
	v5 =	vshrl.u32 v24, $0x8  }
0x1ae: {  	v32 =	vshrl.u32 v4, $0x8;
	v7 =	vand.u32 $0xFF, v8;
	v4 =	vand.u32 $0xFF, v4;
	v30 =	vld.idx.msk [tilespmem:v9+s25+$0x0], $0xffff  }
0x1af: {  	v33 =	vld.idx.msk [tilespmem:v12+s25+$0x0], $0xffff;
	v34 =	vshrl.u32 v10, $0x8;
	v28 =	vshll.u32 v60, $0x8;
	v9 =	vand.u32 $0xFF, v10  }
0x1b0: {  	v10 =	vand.u32 $0xFF, v54;
	v7 =	vor.u32 v7, v13;
	v13 =	vand.u32 $0xFF, v55;
	[tilespmem:v15+s0+$0x0] =	vst.idx.add.s32.msk vm2, v1  }
0x1b1: {  	v8 =	vor.u32 v4, v14;
	v6 =	vand.u32 $0xFF, v24;
	[tilespmem:v3+s0+$0x0] =	vst.idx.add.s32.msk vm4, v1;
	vm4 =	veq.s32 v5, v61  }
0x1b2: {  	v14 =	vand.u32 $0xFF, v57;
	vm6 =	veq.s32 v31, v29;
	v6 =	vor.u32 v6, v11;
	v11 =	vld.idx.msk [tilespmem:v60+s25+$0x0], $0xffff  }
0x1b3: {  	v12 =	vld.idx.msk [tilespmem:v22+s25+$0x0], $0xffff;
	vm2 =	veq.s32 v16, v17;
	v4 =	vor.u32 v10, v62;
	vm5 =	veq.s32 v32, v30  }
0x1b4: {  	[tilespmem:v18+s0+$0x0] =	vst.idx.add.s32.msk vm1, v1;
	v10 =	vshrl.u32 v57, $0x8;
	vm1 =	veq.s32 v34, v33;
	v3 =	vor.u32 v9, v59  }
0x1b5: {  	[tilespmem:v19+s0+$0x0] =	vst.idx.add.s32.msk vm3, v1;
	v5 =	vor.u32 v13, v28;
	v13 =	vor.u32 v14, v63;
	v9 =	vshrl.u32 v55, $0x8  }
.LBB2_10:
0x1b6: {  	s6 =	sadd.s32 $0x80, s6;
	s7 =	sadd.s32 $0x400, s7;
	[tilespmem:v2+s0+$0x0] =	vst.idx.add.s32.msk vm0, v1;
	v2 =	vmov v13  }
0x1b7: {  	vm3 =	veq.s32 v9, v11;
	s28 =	sadd.s32 $0x20, s28;
	s8 =	sand.u32 $0x3000, s6;
	s29 =	sand.u32 $0xC00, s7;
	[tilespmem:v6+s0+$0x0] =	vst.idx.add.s32.msk vm4, v1  }
0x1b8: {  	p0 =	slt.u32 s6, $0x3F80;
	vm0 =	veq.s32 v10, v12;
	s8 =	sor.u32 s8, s29;
	s29 =	sand.u32 $0x380, s28;
	[tilespmem:v7+s0+$0x0] =	vst.idx.add.s32.msk vm6, v1  }
0x1b9: {  	s8 =	sor.u32 s29, s8;
	[tilespmem:v8+s0+$0x0] =	vst.idx.add.s32.msk vm5, v1  }
0x1ba: {  	v6 =	vld [tilespmem:s8+$0x4070]  }
0x1bb: {  	v7 =	vld [tilespmem:s8+$0x4000]  }
0x1bc: {  	v8 =	vld [tilespmem:s8+$0x4010]  }
0x1bd: {  	v9 =	vld [tilespmem:s8+$0x4020]  }
0x1be: {  	v10 =	vld [tilespmem:s8+$0x4030]  }
0x1bf: {  	v11 =	vld [tilespmem:s8+$0x4040];
	v12 =	vshrl.u32 v6, $0x1B  }
0x1c0: {  	v7 =	vshrl.u32 v7, $0x1B;
	v6 =	vld [tilespmem:s8+$0x4050]  }
0x1c1: {  	v13 =	vshll.u32 v7, $0x8;
	v8 =	vshrl.u32 v8, $0x1B;
	v14 =	vld [tilespmem:s8+$0x4060]  }
0x1c2: {  	v15 =	vld [tilespmem:s8+$0xCB00];
	v16 =	vshll.u32 v8, $0x8;
	v9 =	vshrl.u32 v9, $0x1B  }
0x1c3: {  	v17 =	vshll.u32 v9, $0x8;
	v10 =	vshrl.u32 v10, $0x1B;
	v18 =	vld [tilespmem:s8+$0xCB70]  }
0x1c4: {  	v19 =	vshll.u32 v10, $0x8;
	v11 =	vshrl.u32 v11, $0x1B;
	v20 =	vld.idx.msk [tilespmem:v12+s25+$0x0], $0xffff  }
0x1c5: {  	v21 =	vld [tilespmem:s8+$0xCB10];
	v22 =	vshll.u32 v11, $0x8;
	v23 =	vshrl.u32 v6, $0x1B  }
0x1c6: {  	v24 =	vld [tilespmem:s8+$0xCB20];
	v25 =	vshll.u32 v23, $0x8;
	v14 =	vshrl.u32 v14, $0x1B  }
0x1c7: {  	v26 =	vshrl.u32 v15, $0x8;
	v6 =	vand.u32 $0xFF, v15;
	v15 =	vld [tilespmem:s8+$0xCB30];
	v27 =	vshll.u32 v14, $0x8  }
0x1c8: {  	v6 =	vor.u32 v6, v13;
	v13 =	vld [tilespmem:s8+$0xCB40]  }
0x1c9: {  	v29 =	vshrl.u32 v18, $0x8;
	v28 =	vld [tilespmem:s8+$0xCB50]  }
0x1ca: {  	v12 =	vshll.u32 v12, $0x8;
	v18 =	vand.u32 $0xFF, v18;
	vm4 =	veq.s32 v29, v20;
	v30 =	vld [tilespmem:s8+$0xCB60]  }
0x1cb: {  	v12 =	vor.u32 v18, v12;
	v29 =	vshrl.u32 v21, $0x8;
	v20 =	vld.idx.msk [tilespmem:v7+s25+$0x0], $0xffff;
	v31 =	vshrl.u32 v24, $0x8  }
0x1cc: {  	v7 =	vand.u32 $0xFF, v21;
	v18 =	vld.idx.msk [tilespmem:v8+s25+$0x0], $0xffff;
	v8 =	vand.u32 $0xFF, v24;
	v21 =	vshrl.u32 v15, $0x8  }
0x1cd: {  	v15 =	vand.u32 $0xFF, v15;
	v24 =	vld.idx.msk [tilespmem:v9+s25+$0x0], $0xffff;
	v32 =	vshrl.u32 v13, $0x8;
	v13 =	vand.u32 $0xFF, v13  }
0x1ce: {  	v7 =	vor.u32 v7, v16;
	v16 =	vld.idx.msk [tilespmem:v10+s25+$0x0], $0xffff;
	v9 =	vshrl.u32 v28, $0x8;
	v28 =	vand.u32 $0xFF, v28  }
0x1cf: {  	v8 =	vor.u32 v8, v17;
	v17 =	vld.idx.msk [tilespmem:v11+s25+$0x0], $0xffff;
	v10 =	vshrl.u32 v30, $0x8;
	v30 =	vand.u32 $0xFF, v30  }
0x1d0: {  	v15 =	vor.u32 v15, v19;
	v19 =	vor.u32 v13, v22;
	[tilespmem:v12+s0+$0x0] =	vst.idx.add.s32.msk vm4, v1  }
.Ltmp4:
0x1d1: {  	vm4 =	veq.s32 v26, v20;
	v20 =	vor.u32 v28, v25;
	v13 =	vor.u32 v30, v27;
	v11 =	vld.idx.msk [tilespmem:v23+s25+$0x0], $0xffff;
	(pc) =	sbr.rel @p0 .LBB2_10-.Ltmp4, $4  }
0x1d2: {  	vm6 =	veq.s32 v29, v18;
	v12 =	vld.idx.msk [tilespmem:v14+s25+$0x0], $0xffff  }
0x1d3: {  	vm5 =	veq.s32 v31, v24;
	[tilespmem:v3+s0+$0x0] =	vst.idx.add.s32.msk vm1, v1;
	v3 =	vmov v15  }
0x1d4: {  	vm1 =	veq.s32 v21, v16;
	[tilespmem:v4+s0+$0x0] =	vst.idx.add.s32.msk vm2, v1;
	v4 =	vmov v19  }
0x1d5: {  	vm2 =	veq.s32 v32, v17;
	[tilespmem:v5+s0+$0x0] =	vst.idx.add.s32.msk vm3, v1;
	v5 =	vmov v20  }
0x1d6: {  	_ =	sdelay $0x4  }
0x1d7: {  	[tilespmem:v2+s0+$0x0] =	vst.idx.add.s32.msk vm0, v1;
	vm15 =	veq.s32 v9, v11  }
0x1d8: {  	[tilespmem:v6+s0+$0x0] =	vst.idx.add.s32.msk vm4, v1;
	vm3 =	veq.s32 v10, v12  }
0x1d9: {  	[tilespmem:v7+s0+$0x0] =	vst.idx.add.s32.msk vm6, v1  }
0x1da: {  	[tilespmem:v8+s0+$0x0] =	vst.idx.add.s32.msk vm5, v1  }
0x1db: {  	[tilespmem:v3+s0+$0x0] =	vst.idx.add.s32.msk vm1, v1  }
0x1dc: {  	[tilespmem:v4+s0+$0x0] =	vst.idx.add.s32.msk vm2, v1  }
0x1dd: {  	[tilespmem:v5+s0+$0x0] =	vst.idx.add.s32.msk vm15, v1  }
0x1de: {  	[tilespmem:v13+s0+$0x0] =	vst.idx.add.s32.msk vm3, v1  }
0x1df: {  	[hbm4b:s12+s4] =	stream.strided.scatter [tilespmem:s0], [sflag:$0x5], $0x100, s24, s4, $0x38;
	[tilespmem:$0x10B80] =	vst v63  }
0x1e0: {  	_ =	swait.ge [sflag:s26], $0x100  }
0x1e1: {  	[sflag:s26] =	ssyncset.done $0x0  }
0x1e2: {  	s6 =	simm.s32 $0x8100;
	[sflag:s26] =	ssyncadd.s32 $0xFFFFFF00  }
0x1e3: {  	[hbm4b:s13+s4] =	stream.strided.scatter [tilespmem:s6], [sflag:$0x5], $0x100, s24, s4, $0x38;
	[tilespmem:$0x10B80] =	vst v63  }
0x1e4: {  	_ =	swait.ge [sflag:s26], $0x100  }
0x1e5: {  	[sflag:s26] =	ssyncset.done $0x0  }
0x1e6: {  	s29 =	simm.s32 $0x8200;
	[sflag:s26] =	ssyncadd.s32 $0xFFFFFF00  }
0x1e7: {  	[hbm4b:s14+s4] =	stream.strided.scatter [tilespmem:s29], [sflag:$0x5], $0x100, s24, s4, $0x38;
	[tilespmem:$0x10B80] =	vst v63  }
0x1e8: {  	_ =	swait.ge [sflag:s26], $0x100  }
0x1e9: {  	[sflag:s26] =	ssyncset.done $0x0  }
0x1ea: {  	s7 =	simm.s32 $0x8300;
	[sflag:s26] =	ssyncadd.s32 $0xFFFFFF00  }
0x1eb: {  	[hbm4b:s15+s4] =	stream.strided.scatter [tilespmem:s7], [sflag:$0x5], $0x100, s24, s4, $0x38;
	[tilespmem:$0x10B80] =	vst v63  }
0x1ec: {  	_ =	swait.ge [sflag:s26], $0x100  }
0x1ed: {  	[sflag:s26] =	ssyncset.done $0x0  }
0x1ee: {  	s8 =	simm.s32 $0x8400;
	[sflag:s26] =	ssyncadd.s32 $0xFFFFFF00  }
0x1ef: {  	[hbm4b:s16+s4] =	stream.strided.scatter [tilespmem:s8], [sflag:$0x5], $0x100, s24, s4, $0x38;
	[tilespmem:$0x10B80] =	vst v63  }
0x1f0: {  	_ =	swait.ge [sflag:s26], $0x100  }
0x1f1: {  	[sflag:s26] =	ssyncset.done $0x0  }
0x1f2: {  	s28 =	simm.s32 $0x8500;
	[sflag:s26] =	ssyncadd.s32 $0xFFFFFF00  }
0x1f3: {  	[hbm4b:s17+s4] =	stream.strided.scatter [tilespmem:s28], [sflag:$0x5], $0x100, s24, s4, $0x38;
	[tilespmem:$0x10B80] =	vst v63  }
0x1f4: {  	_ =	swait.ge [sflag:s26], $0x100  }
0x1f5: {  	[sflag:s26] =	ssyncset.done $0x0  }
0x1f6: {  	s29 =	simm.s32 $0x8600;
	[sflag:s26] =	ssyncadd.s32 $0xFFFFFF00  }
0x1f7: {  	[hbm4b:s18+s4] =	stream.strided.scatter [tilespmem:s29], [sflag:$0x5], $0x100, s24, s4, $0x38;
	[tilespmem:$0x10B80] =	vst v63  }
0x1f8: {  	_ =	swait.ge [sflag:s26], $0x100  }
0x1f9: {  	[sflag:s26] =	ssyncset.done $0x0  }
0x1fa: {  	s7 =	simm.s32 $0x8700;
	[sflag:s26] =	ssyncadd.s32 $0xFFFFFF00  }
0x1fb: {  	[hbm4b:s19+s4] =	stream.strided.scatter [tilespmem:s7], [sflag:$0x5], $0x100, s24, s4, $0x38;
	[tilespmem:$0x10B80] =	vst v63  }
0x1fc: {  	_ =	swait.ge [sflag:s26], $0x100  }
0x1fd: {  	[sflag:s26] =	ssyncset.done $0x0  }
0x1fe: {  	s8 =	simm.s32 $0x8800;
	[sflag:s26] =	ssyncadd.s32 $0xFFFFFF00  }
0x1ff: {  	[hbm4b:s20+s4] =	stream.strided.scatter [tilespmem:s8], [sflag:$0x5], $0x100, s24, s4, $0x38;
	[tilespmem:$0x10B80] =	vst v63  }
0x200: {  	_ =	swait.ge [sflag:s26], $0x100  }
0x201: {  	[sflag:s26] =	ssyncset.done $0x0  }
0x202: {  	s28 =	simm.s32 $0x8900;
	[sflag:s26] =	ssyncadd.s32 $0xFFFFFF00  }
0x203: {  	[hbm4b:s21+s4] =	stream.strided.scatter [tilespmem:s28], [sflag:$0x5], $0x100, s24, s4, $0x38;
	[tilespmem:$0x10B80] =	vst v63  }
0x204: {  	s5 =	sadd.s32 $0x1, s5;
	_ =	swait.ge [sflag:s26], $0x100  }
0x205: {  	p0 =	sne.s32 s5, s23;
	[sflag:s26] =	ssyncset.done $0x0  }
.Ltmp5:
0x206: {  	s29 =	simm.s32 $0x8A00;
	[sflag:s26] =	ssyncadd.s32 $0xFFFFFF00;
	(pc) =	sbr.rel @p0 .LBB2_1-.Ltmp5, $4  }
0x207: {  	[hbm4b:s22+s4] =	stream.strided.scatter [tilespmem:s29], [sflag:$0x5], $0x100, s24, s4, $0x38;
	[tilespmem:$0x10B80] =	vst v63  }
0x208: {  	_ =	swait.ge [sflag:s26], $0x100  }
0x209: {  	[sflag:s26] =	ssyncset.done $0x0  }
0x20a: {  	[sflag:s26] =	ssyncadd.s32 $0xFFFFFF00  }
0x20b: {  	_ =	sfence.sel $0x180000  }
0x20c: {  	[bflag:$0x0] =	sbarrier.arrive $0xFFFF  }
0x20d: {  	_ =	strace $0x9000004D  }
0x20e: {  	s0 =	stileid.u32;
	[bflag:$0x2] =	sbarrier.arrive $0xFFFF  }
0x20f: {  	p0 =	sne.s32 s0, $0x0;
	s0 =	rddreg [dreg:$0x3]  }
0x210: {  	s0 =	sadd.s32 @!p0 $0x100000, s0  }
0x211: {  	[sflag:s0] =	ssyncadd.tile.s32 @!p0 $0x1;
	_ =	shalt  }
.Lfunc_end2:
_tile_overlayer_lowered:
.L_overlay_start_2:
0x212: {  	(tag) =	ssettag $0x2  }
0x213: {  	s0 =	rddreg [dreg:$0x0];
	s2 =	stileid.u32  }
0x214: {  	s1 =	rddreg [dreg:$0x1];
	p0 =	sne.s32 s2, $0x0  }
0x215: {  	s3 =	rddreg [dreg:$0x2];
	[bflag:$0x3] =	sbarrier.arrive $0xFFFF;
	s2 =	simm.s32 @!p0 $0x1C05  }
0x216: {  	[timem:s3], [sflag:s2] =	dma.local @!p0 [hbm:s0], s1  }
0x217: {  	s0 =	simm.s32 @!p0 $0x5  }
0x218: {  	_ =	swait.ge @!p0 [sflag:s0], s1  }
0x219: {  	s1 =	ssub.s32 @!p0 $0x0, s1;
	[sflag:s0] =	ssyncset.done @!p0 $0x0  }
0x21a: {  	[sflag:s0] =	ssyncadd.s32 @!p0 s1  }
0x21b: {  	[bflag:$0x3] =	sbarrier.arrive $0xFFFF  }
0x21c: {  	_ =	shalt  }

// kernel: kernel.9.cloned.1.call-start
scs
__scs_entry_jumppad:
0x0: {  	(pc) =	sbr.rel $0x88, $3  }
0x1: {  	(tag) =	ssettag $0x0;
	lr =	simm.s32 $0x1  }
0x2: {  	[smem:$0x3F9F] =	sst lr;
	_ =	strace $0xD0000000  }
0x3: {  	_ = 	snop  }
0x4: {  	_ = 	snop  }
0x5: {  	_ = 	snop  }
0x6: {  	_ = 	snop  }
0x7: {  	_ = 	snop  }
__scs_overlays_trampoline_lowered:
0x8: {  	[smem:$0x3FAE] =	sst s0  }
0x9: {  	[smem:$0x3FAF] =	sst s1  }
0xa: {  	[smem:$0x3FB0] =	sst s2  }
0xb: {  	[smem:$0x3FB1] =	sst s3  }
0xc: {  	[smem:$0x3FB2] =	sst s4  }
0xd: {  	[smem:$0x3FB3] =	sst s5  }
0xe: {  	[smem:$0x3FB4] =	sst s6  }
0xf: {  	[smem:$0x3FB5] =	sst s7  }
0x10: {  	[smem:$0x3FB6] =	sst s8  }
0x11: {  	[smem:$0x3FB7] =	sst s9;
	s0 =	simm.s32 @!p0 $0x0  }
0x12: {  	s1 =	sld [smem:$0x3F9D];
	s0 =	simm.s32 @p0 $0x1  }
0x13: {  	[smem:$0x3FB8] =	sst s0;
	s0 =	simm.s32 @!p1 $0x0  }
0x14: {  	s2 =	sld [smem:$0x3F9C];
	s0 =	simm.s32 @p1 $0x1  }
0x15: {  	[smem:$0x3FB9] =	sst s0;
	s0 =	simm.s32 @!p2 $0x0  }
0x16: {  	s3 =	sld [smem:$0x3FDB];
	s0 =	simm.s32 @p2 $0x1  }
0x17: {  	s4 =	simm.s32 $0x1BF5;
	[smem:$0x3FBB] =	sst s0  }
0x18: {  	s0 =	sld [smem:$0x3F9E];
	_ =	swait.ge [sflag:s4], $0x0  }
0x19: {  	s7 =	sld [smem:$0x3F9F]  }
0x1a: {  	s8 =	sadd.s32 $0xFFFFE003, lr  }
0x1b: {  	s9 =	sadd.s32 $0xFFFFFEF7, lr;
	s5 =	simm.s32 $0xFFFFFFFF;
	p2 =	slt.u32 s8, $0xFFFFF086  }
0x1c: {  	p1 =	slt.u32 s9, $0xF7A;
	s5 =	simm.s32 @!p2 $0x0  }
0x1d: {  	s5 =	simm.s32 @p1 $0x1;
	p0 =	seq.s32 s7, s2  }
0x1e: {  	s7 =	smul.u32 @!p0 $0xF7A, s2;
	p2 =	seq.s32 @!p0 s5, $0x0  }
0x1f: {  	s9 =	smul.u32 $0xF7A, s1;
	s8 =	simm.s32 @!p0 $0x1BF5;
	p2 =	por !p2, p0  }
0x20: {  	[sflag:s8] =	ssyncset.s32 @!p0 $0xFFFFF086;
	s6 =	sadd.s32 @!p0 s3, s7;
	s7 =	simm.s32 @!p0 $0x108  }
0x21: {  	s3 =	sadd.s32 s3, s9;
	s6 =	sadd.s32 @!p0 $0x88, s6;
	s7 =	simm.s32 @p2 $0x1082  }
0x22: {  	[simem:s7], [sflag:s8] =	dma.local @!p0 [hbm:s6], $0xF7A  }
0x23: {  	s9 =	sor.u32 $0xD0000000, s2;
	s6 =	simm.s32 $0x108;
	_ =	swait.ge @!p0 [sflag:s8], $0x0  }
0x24: {  	s3 =	sadd.s32 $0x88, s3;
	s6 =	simm.s32 @!p1 $0x1082;
	[sflag:s4] =	ssyncset.s32 $0xFFFFF086  }
0x25: {  	[simem:s6], [sflag:s4] =	dma.local [hbm:s3], $0xF7A  }
0x26: {  	[smem:$0x3F9F] =	sst s1;
	(tag) =	ssettag s2;
	_ =	strace s9  }
0x27: {  	s1 =	sld [smem:$0x3FAF]  }
0x28: {  	s2 =	sld [smem:$0x3FB0]  }
0x29: {  	s4 =	sld [smem:$0x3FB2]  }
0x2a: {  	p0 =	seq.s32 s5, $0x0;
	s5 =	sld [smem:$0x3FB3]  }
0x2b: {  	s6 =	sld [smem:$0x3FB4]  }
0x2c: {  	s7 =	sld [smem:$0x3FB5]  }
0x2d: {  	s3 =	simm.s32 $0x108;
	s8 =	sld [smem:$0x3FB6]  }
0x2e: {  	s3 =	simm.s32 @!p0 $0x1082;
	s9 =	sld [smem:$0x3FB7]  }
0x2f: {  	lr =	sadd.s32 s0, s3;
	s0 =	sld [smem:$0x3FAE]  }
0x30: {  	s3 =	sld [smem:$0x3FB1]  }
0x31: {  	[smem:$0x3FBA] =	sst s10  }
0x32: {  	s10 =	sld [smem:$0x3FB8];
	_ =	sdelay $0x3  }
0x33: {  	p0 =	seq.s32 s10, $0x1;
	s10 =	sld [smem:$0x3FBA];
	_ =	sdelay $0x3  }
0x34: {  	[smem:$0x3FBA] =	sst s10  }
0x35: {  	s10 =	sld [smem:$0x3FB9];
	_ =	sdelay $0x3  }
0x36: {  	p1 =	seq.s32 s10, $0x1;
	s10 =	sld [smem:$0x3FBA];
	_ =	sdelay $0x3  }
0x37: {  	[smem:$0x3FBA] =	sst s10  }
0x38: {  	s10 =	sld [smem:$0x3FBB]  }
0x39: {  	_ = 	snop;
	(pc) =	sbr.ind lr, $3  }
0x3a: {  	_ = 	snop  }
0x3b: {  	_ = 	snop  }
0x3c: {  	p2 =	seq.s32 s10, $0x1;
	s10 =	sld [smem:$0x3FBA]  }
0x3d: {  	_ =	shalt  }
0x3e: {  	_ =	shalt  }
0x3f: {  	_ =	shalt  }
0x40: {  	_ =	shalt  }
0x41: {  	_ =	shalt  }
0x42: {  	_ =	shalt  }
0x43: {  	_ =	shalt  }
0x44: {  	_ =	shalt  }
0x45: {  	_ =	shalt  }
0x46: {  	_ =	shalt  }
0x47: {  	_ =	shalt  }
0x48: {  	_ =	shalt  }
0x49: {  	_ =	shalt  }
0x4a: {  	_ =	shalt  }
0x4b: {  	_ =	shalt  }
0x4c: {  	_ =	shalt  }
0x4d: {  	_ =	shalt  }
0x4e: {  	_ =	shalt  }
0x4f: {  	_ =	shalt  }
0x50: {  	_ =	shalt  }
0x51: {  	_ =	shalt  }
0x52: {  	_ =	shalt  }
0x53: {  	_ =	shalt  }
0x54: {  	_ =	shalt  }
0x55: {  	_ =	shalt  }
0x56: {  	_ =	shalt  }
0x57: {  	_ =	shalt  }
0x58: {  	_ =	shalt  }
0x59: {  	_ =	shalt  }
0x5a: {  	_ =	shalt  }
0x5b: {  	_ =	shalt  }
0x5c: {  	_ =	shalt  }
0x5d: {  	_ =	shalt  }
0x5e: {  	_ =	shalt  }
0x5f: {  	_ =	shalt  }
0x60: {  	_ =	shalt  }
0x61: {  	_ =	shalt  }
0x62: {  	_ =	shalt  }
0x63: {  	_ =	shalt  }
0x64: {  	_ =	shalt  }
0x65: {  	_ =	shalt  }
0x66: {  	_ =	shalt  }
0x67: {  	_ =	shalt  }
0x68: {  	_ =	shalt  }
0x69: {  	_ =	shalt  }
0x6a: {  	_ =	shalt  }
0x6b: {  	_ =	shalt  }
0x6c: {  	_ =	shalt  }
0x6d: {  	_ =	shalt  }
0x6e: {  	_ =	shalt  }
0x6f: {  	_ =	shalt  }
0x70: {  	_ =	shalt  }
0x71: {  	_ =	shalt  }
0x72: {  	_ =	shalt  }
0x73: {  	_ =	shalt  }
0x74: {  	_ =	shalt  }
0x75: {  	_ =	shalt  }
0x76: {  	_ =	shalt  }
0x77: {  	_ =	shalt  }
0x78: {  	_ =	shalt  }
0x79: {  	_ =	shalt  }
0x7a: {  	_ =	shalt  }
0x7b: {  	_ =	shalt  }
0x7c: {  	_ =	shalt  }
0x7d: {  	_ =	shalt  }
0x7e: {  	_ =	shalt  }
0x7f: {  	_ =	shalt  }
0x80: {  	_ =	shalt  }
0x81: {  	_ =	shalt  }
0x82: {  	_ =	shalt  }
0x83: {  	_ =	shalt  }
0x84: {  	_ =	shalt  }
0x85: {  	_ =	shalt  }
0x86: {  	_ =	shalt  }
0x87: {  	_ =	shalt  }
.Lfunc_end0:
.L_simem_size_0:
called_computation_lowered:
.L_overlay_start_0:
0x88: {  	s2 =	sld [smem:$0x3FD9]  }
0x89: {  	s3 =	sld [smem:$0x3FFE];
	_ =	sdelay $0x1  }
0x8a: {  	s1 =	srdreg.scid  }
0x8b: {  	s0 =	sand.u32 $0x1, s1  }
0x8c: {  	s14 =	sshll.u32 s0, $0xA;
	s2 =	sadd.s32 s3, s2  }
0x8d: {  	s2 =	sadd.s32 s2, s14  }
0x8e: {  	[smem:$0x3FC6] =	sst s2  }
0x8f: {  	_ = 	snop  }
0x90: {  	s2 =	sld [smem:$0x3FD0];
	_ =	sdelay $0x2  }
0x91: {  	s15 =	simm.s32 $0xA;
	s4 =	simm.s32 $0x10  }
0x92: {  	[smem:s4], [sflag:s15] =	dma.local [hbm:s2], $0x1  }
0x93: {  	_ =	swait.eq [sflag:s15], $0x1  }
0x94: {  	[sflag:s15] =	ssyncset.done $0x0  }
0x95: {  	[sflag:s15] =	ssyncadd.s32 $0xFFFFFFFF  }
0x96: {  	s16 =	sld [smem:$0x11];
	(tm) =	ssettm $0x1  }
0x97: {  	s17 =	sld [smem:$0x3FFB];
	_ =	sdelay $0x3  }
0x98: {  	_ =	strace s17  }
0x99: {  	s3 =	sld [smem:$0x3FFC];
	_ =	sdelay $0x3  }
0x9a: {  	_ =	strace s3  }
0x9b: {  	s3 =	sld [smem:$0x3FFD];
	_ =	sdelay $0x3  }
0x9c: {  	_ =	strace s3  }
0x9d: {  	_ =	strace $0x8FFFFFFF  }
0x9e: {  	s18 =	sld [smem:$0x3FDB];
	_ =	sdelay $0x1  }
0x9f: {  	s19 =	simm.s32 $_scs_section_size  }
0xa0: {  	s5 =	simm.s32 $_size__tile_overlayer_lowered;
	s6 =	simm.s32 $_tile_overlayer_lowered  }
0xa1: {  	s22 =	simm.s32 $0x1BFF;
	s21 =	sshll.u32 s6, $0x1;
	s3 =	sadd.s32 s19, s18  }
0xa2: {  	s7 =	simm.s32 $0x0;
	s20 =	sshll.u32 s5, $0x1;
	s5 =	sadd.s32 s21, s3  }
0xa3: {  	[timem:s7], [sflag:s22] =	dma.local [hbm:s5], s20  }
0xa4: {  	_ =	swait.ge [sflag:s22], s20  }
0xa5: {  	s4 =	ssub.s32 $0x0, s20;
	[sflag:s22] =	ssyncset.done $0x0  }
0xa6: {  	[sflag:s22] =	ssyncadd.s32 s4;
	_ =	sdelay $0x1  }
0xa7: {  	s23 =	simm.s32 $0x1B8B  }
0xa8: {  	_ =	swait.ge [sflag:s23], $0x1  }
0xa9: {  	[sflag:s23] =	ssyncset.done $0x0  }
0xaa: {  	s25 =	simm.s32 $0x1B8E;
	s24 =	sld [smem:$0x3FFE];
	[sflag:s23] =	ssyncadd.s32 $0xFFFFFFFF  }
0xab: {  	s26 =	simm.s32 $execute0_lowered;
	[smem:$0x3FD2] =	sst s25  }
0xac: {  	s5 =	sshll.u32 s26, $0x1;
	_ =	strace $0x80000046;
	[dreg:$0x1] =	wrdreg $0xFFFFFFFF  }
0xad: {  	s28 =	simm.s32 $_size_execute0_lowered;
	s3 =	sadd.s32 s3, s5;
	[dreg:$0x0] =	wrdreg $0x0  }
0xae: {  	s5 =	sshll.u32 s28, $0x1;
	[dreg:$0x2] =	wrdreg s3  }
0xaf: {  	[dreg:$0x3] =	wrdreg s5  }
0xb0: {  	[dreg:$0x4] =	wrdreg $0xC0  }
0xb1: {  	_ =	task [dreg:s7], $0x5FFFF  }
0xb2: {  	[dreg:$0x1] =	wrdreg $0xFFFFFFFF  }
0xb3: {  	[dreg:$0x0] =	wrdreg $0x60  }
0xb4: {  	[dreg:$0x2] =	wrdreg s16  }
0xb5: {  	[dreg:$0x3] =	wrdreg s24  }
0xb6: {  	[dreg:$0x4] =	wrdreg $0x9  }
0xb7: {  	_ =	task.clear_ibuf [dreg:s7], $0x5FFFF;
	_ =	strace $0x90000046  }
0xb8: {  	s29 =	simm.s32 $0x9;
	_ =	strace $0x80000048  }
0xb9: {  	_ =	swait.ge [sflag:s29], $0x1  }
0xba: {  	[sflag:s29] =	ssyncadd.s32 $0xFFFFFFFF  }
0xbb: {  	_ =	strace $0x90000048  }
0xbc: {  	_ =	sfence  }
0xbd: {  	s30 =	sld [smem:$0x0];
	_ =	sdelay $0x2  }
0xbe: {  	s31 =	sshll.u32 s1, $0xD;
	s1 =	sshrl.u32 s1, $0x2  }
0xbf: {  	s3 =	sand.u32 $0x4000, s31;
	s1 =	sadd.s32 s1, s30  }
0xc0: {  	s0 =	sor.u32 s3, s0;
	s1 =	sshll.u32 s1, $0x11  }
0xc1: {  	s0 =	sor.u32 s1, s0  }
0xc2: {  	s0 =	sadd.s32 $0x8F2B, s0  }
0xc3: {  	[sflag:s0] =	ssyncadd.remote.s32 $0x1  }
0xc4: {  	_ =	sfence.sel $0xFFFF  }
0xc5: {  	[dreg:$0x0] =	wrdreg $0xFFFFFFFF;
	(pc) =	sbr.abs _section_cstart, $3  }
0xc6: {  	[dreg:$0x1] =	wrdreg $0xFFFFFFFF  }
0xc7: {  	_ =	task.clear_ibuf [dreg:s7], $0x2FFFF;
	_ =	strace $0x9FFFFFFF  }
0xc8: {  	(tm) =	ssettm $0x7FFFFFFF  }
0xc9: {  	_ =	shalt  }
tec
execute0_lowered:
.L_overlay_start_1:
0x0: {  	(tag) =	ssettag $0x1  }
0x1: {  	s0 =	rddreg [dreg:$0x0]  }
0x2: {  	s1 =	rddreg [dreg:$0x1]  }
0x3: {  	s4 =	simm.s32 $0x0;
	s2 =	srdreg.scid;
	s3 =	stileid.u32  }
0x4: {  	s19 =	simm.s32 $0x4000;
	s20 =	simm.s32 $0x1;
	s21 =	simm.s32 $0x8000  }
0x5: {  	s22 =	simm.s32 $0x2;
	s23 =	simm.s32 $0x80;
	s24 =	simm.s32 $0x400  }
0x6: {  	s25 =	simm.s32 $0x3;
	s28 =	simm.s32 $0xD000;
	s29 =	simm.s32 $0x0  }
0x7: {  	[smem:$0x7FF] =	sst s4;
	s2 =	sand.u32 $0x1, s2;
	s3 =	sshll.u32 s3, $0x1  }
0x8: {  	_ =	strace $0x80000047;
	s3 =	sor.u32 s2, s3;
	s2 =	ssub.s32 $0x2, s2  }
0x9: {  	s31 =	sshll.u32 s3, $0xC;
	s5 =	sshrl.u32 s2, $0x1;
	s3 =	sshll.u32 s3, $0xD  }
0xa: {  	s1 =	sadd.s32 s31, s1;
	s2 =	ssub.s32 s2, s5;
	s3 =	sadd.s32 s0, s3  }
0xb: {  	s4 =	sadd.s32 $0x800, s3;
	s5 =	sadd.s32 $0x1000, s3;
	s6 =	sadd.s32 $0x1800, s3  }
0xc: {  	s7 =	sadd.s32 $0x43600, s1;
	s8 =	sadd.s32 $0x43610, s1;
	s9 =	sadd.s32 $0x43620, s1  }
0xd: {  	s10 =	sadd.s32 $0x43630, s1;
	s11 =	sadd.s32 $0x43640, s1;
	s12 =	sadd.s32 $0x43650, s1  }
0xe: {  	s13 =	sadd.s32 $0x43660, s1;
	s14 =	sadd.s32 $0x43670, s1;
	s15 =	sadd.s32 $0x43E00, s1  }
0xf: {  	v0 =	vimm.s32 $0x0;
	v1 =	vimm.s32 $0x1;
	s16 =	sadd.s32 $0x43E10, s1;
	s17 =	sadd.s32 $0x43E20, s1;
	s18 =	smax.u32 s2, $0x1  }
.LBB2_1:
0x10: {  	s0 =	simm.s32 $0x0  }
0x11: {  	[tilespmem:s0], [sflag:$0x1] =	stream.linear.gather [hbm4b:s3+s0], $0x4000, $0x38;
	[tilespmem:$0xD800] =	vst v63  }
0x12: {  	s30 =	simm.s32 $0x200;
	s0 =	simm.s32 $0x0  }
.LBB2_2:
0x13: {  	p0 =	sne.s32 s30, $0x15E00;
	[tilespmem:s0+$0x8070] =	vst v0  }
0x14: {  	[tilespmem:s0+$0x8000] =	vst v0  }
0x15: {  	[tilespmem:s0+$0x8010] =	vst v0  }
.Ltmp0:
0x16: {  	[tilespmem:s0+$0x8020] =	vst v0;
	(pc) =	sbr.rel @p0 .LBB2_2-.Ltmp0, $4  }
0x17: {  	[tilespmem:s0+$0x8030] =	vst v0  }
0x18: {  	[tilespmem:s0+$0x8040] =	vst v0  }
0x19: {  	[tilespmem:s0+$0x8050] =	vst v0  }
0x1a: {  	[tilespmem:s0+$0x8060] =	vst v0;
	s0 =	sshra.s32 s30, $0x2;
	s30 =	sadd.s32 $0x200, s30  }
0x1b: {  	[tilespmem:s0+$0x8070] =	vst v0  }
0x1c: {  	[tilespmem:s0+$0x8000] =	vst v0  }
0x1d: {  	[tilespmem:s0+$0x8010] =	vst v0  }
0x1e: {  	[tilespmem:s0+$0x8020] =	vst v0  }
0x1f: {  	[tilespmem:s0+$0x8030] =	vst v0  }
0x20: {  	[tilespmem:s0+$0x8040] =	vst v0  }
0x21: {  	[tilespmem:s0+$0x8050] =	vst v0  }
0x22: {  	[tilespmem:s0+$0x8060] =	vst v0;
	s30 =	simm.s32 $0x0;
	s31 =	simm.s32 $0x0  }
0x23: {  	[tilespmem:s19], [sflag:$0x2] =	stream.linear.gather [hbm4b:s4+s30], $0x4000, $0x38;
	[tilespmem:$0xD800] =	vst v63  }
0x24: {  	s26 =	sand.u32 $0x3000, s31;
	s1 =	sand.u32 $0xC00, s30;
	_ =	swait.ge [sflag:s20], $0x4000  }
0x25: {  	s2 =	sand.u32 $0x380, s30;
	s0 =	sor.u32 s1, s26;
	[sflag:s20] =	ssyncset.done $0x0  }
0x26: {  	s0 =	sor.u32 s2, s0;
	[sflag:s20] =	ssyncadd.s32 $0xFFFFC000  }
0x27: {  	v2 =	vld [tilespmem:s0+$0x70]  }
0x28: {  	v3 =	vld [tilespmem:s0+$0x0]  }
0x29: {  	v4 =	vld [tilespmem:s0+$0x10]  }
0x2a: {  	v5 =	vld [tilespmem:s0+$0x20]  }
0x2b: {  	v8 =	vld [tilespmem:s0+$0x30]  }
0x2c: {  	v9 =	vld [tilespmem:s0+$0x40];
	v2 =	vshrl.u32 v2, $0x10  }
0x2d: {  	v11 =	vld [tilespmem:s0+$0x50];
	v10 =	vshrl.u32 v3, $0x10  }
0x2e: {  	v6 =	vld [tilespmem:s0+$0x60];
	v7 =	vshrl.u32 v4, $0x10  }
0x2f: {  	v5 =	vshrl.u32 v5, $0x10  }
0x30: {  	v3 =	vshrl.u32 v8, $0x10  }
0x31: {  	v4 =	vshrl.u32 v9, $0x10;
	[tilespmem:v2+s21+$0x0] =	vst.idx.add.s32.msk $0xffff, v1  }
0x32: {  	s0 =	simm.s32 $0x0;
	[tilespmem:v10+s21+$0x0] =	vst.idx.add.s32.msk $0xffff, v1;
	v2 =	vshrl.u32 v11, $0x10  }
.LBB2_4:
0x33: {  	s31 =	sadd.s32 $0x80, s31;
	[tilespmem:v7+s21+$0x0] =	vst.idx.add.s32.msk $0xffff, v1;
	v8 =	vshrl.u32 v6, $0x10;
	s30 =	sadd.s32 $0x400, s30  }
0x34: {  	s0 =	sadd.s32 $0x20, s0;
	s1 =	sand.u32 $0x3000, s31;
	s2 =	sand.u32 $0xC00, s30;
	[tilespmem:v5+s21+$0x0] =	vst.idx.add.s32.msk $0xffff, v1  }
0x35: {  	s26 =	sand.u32 $0x380, s0;
	p0 =	slt.u32 s31, $0x3F80;
	s1 =	sor.u32 s2, s1;
	[tilespmem:v3+s21+$0x0] =	vst.idx.add.s32.msk $0xffff, v1  }
0x36: {  	s1 =	sor.u32 s26, s1;
	[tilespmem:v4+s21+$0x0] =	vst.idx.add.s32.msk $0xffff, v1  }
0x37: {  	v3 =	vld [tilespmem:s1+$0x70]  }
0x38: {  	v4 =	vld [tilespmem:s1+$0x0]  }
0x39: {  	v5 =	vld [tilespmem:s1+$0x10]  }
0x3a: {  	v9 =	vld [tilespmem:s1+$0x20]  }
0x3b: {  	v10 =	vld [tilespmem:s1+$0x30]  }
0x3c: {  	v11 =	vld [tilespmem:s1+$0x40];
	v12 =	vshrl.u32 v3, $0x10  }
0x3d: {  	v13 =	vshrl.u32 v4, $0x10;
	v14 =	vld [tilespmem:s1+$0x50]  }
.Ltmp1:
0x3e: {  	v7 =	vshrl.u32 v5, $0x10;
	v6 =	vld [tilespmem:s1+$0x60];
	(pc) =	sbr.rel @p0 .LBB2_4-.Ltmp1, $4  }
0x3f: {  	v5 =	vshrl.u32 v9, $0x10;
	[tilespmem:v2+s21+$0x0] =	vst.idx.add.s32.msk $0xffff, v1  }
0x40: {  	v3 =	vshrl.u32 v10, $0x10;
	[tilespmem:v8+s21+$0x0] =	vst.idx.add.s32.msk $0xffff, v1  }
0x41: {  	v4 =	vshrl.u32 v11, $0x10;
	[tilespmem:v12+s21+$0x0] =	vst.idx.add.s32.msk $0xffff, v1  }
0x42: {  	[tilespmem:v13+s21+$0x0] =	vst.idx.add.s32.msk $0xffff, v1;
	v2 =	vshrl.u32 v14, $0x10  }
0x43: {  	_ =	sdelay $0x3  }
0x44: {  	[tilespmem:v7+s21+$0x0] =	vst.idx.add.s32.msk $0xffff, v1;
	v6 =	vshrl.u32 v6, $0x10  }
0x45: {  	[tilespmem:v5+s21+$0x0] =	vst.idx.add.s32.msk $0xffff, v1  }
0x46: {  	[tilespmem:v3+s21+$0x0] =	vst.idx.add.s32.msk $0xffff, v1  }
0x47: {  	[tilespmem:v4+s21+$0x0] =	vst.idx.add.s32.msk $0xffff, v1  }
0x48: {  	[tilespmem:v2+s21+$0x0] =	vst.idx.add.s32.msk $0xffff, v1  }
0x49: {  	s30 =	simm.s32 $0x0;
	s31 =	simm.s32 $0x0;
	[tilespmem:v6+s21+$0x0] =	vst.idx.add.s32.msk $0xffff, v1  }
0x4a: {  	[tilespmem:s30], [sflag:$0x1] =	stream.linear.gather [hbm4b:s5+s30], $0x4000, $0x38;
	[tilespmem:$0xD800] =	vst v63  }
0x4b: {  	s0 =	sand.u32 $0x3000, s31;
	s1 =	sand.u32 $0xC00, s30;
	_ =	swait.ge [sflag:s22], $0x4000  }
0x4c: {  	s2 =	sand.u32 $0x380, s30;
	s0 =	sor.u32 s1, s0;
	[sflag:s22] =	ssyncset.done $0x0  }
0x4d: {  	s0 =	sor.u32 s2, s0;
	[sflag:s22] =	ssyncadd.s32 $0xFFFFC000  }
0x4e: {  	v2 =	vld [tilespmem:s0+$0x4070]  }
0x4f: {  	v3 =	vld [tilespmem:s0+$0x4000]  }
0x50: {  	v4 =	vld [tilespmem:s0+$0x4010]  }
0x51: {  	v5 =	vld [tilespmem:s0+$0x4020]  }
0x52: {  	v8 =	vld [tilespmem:s0+$0x4030]  }
0x53: {  	v9 =	vld [tilespmem:s0+$0x4040];
	v2 =	vshrl.u32 v2, $0x10  }
0x54: {  	v11 =	vld [tilespmem:s0+$0x4050];
	v10 =	vshrl.u32 v3, $0x10  }
0x55: {  	v6 =	vld [tilespmem:s0+$0x4060];
	v7 =	vshrl.u32 v4, $0x10  }
0x56: {  	v5 =	vshrl.u32 v5, $0x10  }
0x57: {  	v3 =	vshrl.u32 v8, $0x10  }
0x58: {  	v4 =	vshrl.u32 v9, $0x10;
	[tilespmem:v2+s21+$0x0] =	vst.idx.add.s32.msk $0xffff, v1  }
0x59: {  	s0 =	simm.s32 $0x0;
	[tilespmem:v10+s21+$0x0] =	vst.idx.add.s32.msk $0xffff, v1;
	v2 =	vshrl.u32 v11, $0x10  }
.LBB2_6:
0x5a: {  	s31 =	sadd.s32 $0x80, s31;
	[tilespmem:v7+s21+$0x0] =	vst.idx.add.s32.msk $0xffff, v1;
	v8 =	vshrl.u32 v6, $0x10;
	s30 =	sadd.s32 $0x400, s30  }
0x5b: {  	s0 =	sadd.s32 $0x20, s0;
	s1 =	sand.u32 $0x3000, s31;
	s2 =	sand.u32 $0xC00, s30;
	[tilespmem:v5+s21+$0x0] =	vst.idx.add.s32.msk $0xffff, v1  }
0x5c: {  	s26 =	sand.u32 $0x380, s0;
	p0 =	slt.u32 s31, $0x3F80;
	s1 =	sor.u32 s2, s1;
	[tilespmem:v3+s21+$0x0] =	vst.idx.add.s32.msk $0xffff, v1  }
0x5d: {  	s1 =	sor.u32 s26, s1;
	[tilespmem:v4+s21+$0x0] =	vst.idx.add.s32.msk $0xffff, v1  }
0x5e: {  	v3 =	vld [tilespmem:s1+$0x4070]  }
0x5f: {  	v4 =	vld [tilespmem:s1+$0x4000]  }
0x60: {  	v5 =	vld [tilespmem:s1+$0x4010]  }
0x61: {  	v9 =	vld [tilespmem:s1+$0x4020]  }
0x62: {  	v10 =	vld [tilespmem:s1+$0x4030]  }
0x63: {  	v11 =	vld [tilespmem:s1+$0x4040];
	v12 =	vshrl.u32 v3, $0x10  }
0x64: {  	v13 =	vshrl.u32 v4, $0x10;
	v14 =	vld [tilespmem:s1+$0x4050]  }
.Ltmp2:
0x65: {  	v7 =	vshrl.u32 v5, $0x10;
	v6 =	vld [tilespmem:s1+$0x4060];
	(pc) =	sbr.rel @p0 .LBB2_6-.Ltmp2, $4  }
0x66: {  	v5 =	vshrl.u32 v9, $0x10;
	[tilespmem:v2+s21+$0x0] =	vst.idx.add.s32.msk $0xffff, v1  }
0x67: {  	v3 =	vshrl.u32 v10, $0x10;
	[tilespmem:v8+s21+$0x0] =	vst.idx.add.s32.msk $0xffff, v1  }
0x68: {  	v4 =	vshrl.u32 v11, $0x10;
	[tilespmem:v12+s21+$0x0] =	vst.idx.add.s32.msk $0xffff, v1  }
0x69: {  	[tilespmem:v13+s21+$0x0] =	vst.idx.add.s32.msk $0xffff, v1;
	v2 =	vshrl.u32 v14, $0x10  }
0x6a: {  	_ =	sdelay $0x3  }
0x6b: {  	[tilespmem:v7+s21+$0x0] =	vst.idx.add.s32.msk $0xffff, v1;
	v6 =	vshrl.u32 v6, $0x10  }
0x6c: {  	[tilespmem:v5+s21+$0x0] =	vst.idx.add.s32.msk $0xffff, v1  }
0x6d: {  	[tilespmem:v3+s21+$0x0] =	vst.idx.add.s32.msk $0xffff, v1  }
0x6e: {  	[tilespmem:v4+s21+$0x0] =	vst.idx.add.s32.msk $0xffff, v1  }
0x6f: {  	[tilespmem:v2+s21+$0x0] =	vst.idx.add.s32.msk $0xffff, v1  }
0x70: {  	s30 =	simm.s32 $0x0;
	s31 =	simm.s32 $0x0;
	[tilespmem:v6+s21+$0x0] =	vst.idx.add.s32.msk $0xffff, v1  }
0x71: {  	[tilespmem:s19], [sflag:$0x2] =	stream.linear.gather [hbm4b:s6+s30], $0x4000, $0x38;
	[tilespmem:$0xD800] =	vst v63  }
0x72: {  	s0 =	sand.u32 $0x3000, s31;
	s1 =	sand.u32 $0xC00, s30;
	_ =	swait.ge [sflag:s20], $0x4000  }
0x73: {  	s2 =	sand.u32 $0x380, s30;
	s0 =	sor.u32 s1, s0;
	[sflag:s20] =	ssyncset.done $0x0  }
0x74: {  	s0 =	sor.u32 s2, s0;
	[sflag:s20] =	ssyncadd.s32 $0xFFFFC000  }
0x75: {  	v2 =	vld [tilespmem:s0+$0x70]  }
0x76: {  	v3 =	vld [tilespmem:s0+$0x0]  }
0x77: {  	v4 =	vld [tilespmem:s0+$0x10]  }
0x78: {  	v5 =	vld [tilespmem:s0+$0x20]  }
0x79: {  	v8 =	vld [tilespmem:s0+$0x30]  }
0x7a: {  	v9 =	vld [tilespmem:s0+$0x40];
	v2 =	vshrl.u32 v2, $0x10  }
0x7b: {  	v11 =	vld [tilespmem:s0+$0x50];
	v10 =	vshrl.u32 v3, $0x10  }
0x7c: {  	v6 =	vld [tilespmem:s0+$0x60];
	v7 =	vshrl.u32 v4, $0x10  }
0x7d: {  	v5 =	vshrl.u32 v5, $0x10  }
0x7e: {  	v3 =	vshrl.u32 v8, $0x10  }
0x7f: {  	v4 =	vshrl.u32 v9, $0x10;
	[tilespmem:v2+s21+$0x0] =	vst.idx.add.s32.msk $0xffff, v1  }
0x80: {  	s0 =	simm.s32 $0x0;
	[tilespmem:v10+s21+$0x0] =	vst.idx.add.s32.msk $0xffff, v1;
	v2 =	vshrl.u32 v11, $0x10  }
.LBB2_8:
0x81: {  	s31 =	sadd.s32 $0x80, s31;
	[tilespmem:v7+s21+$0x0] =	vst.idx.add.s32.msk $0xffff, v1;
	v8 =	vshrl.u32 v6, $0x10;
	s30 =	sadd.s32 $0x400, s30  }
0x82: {  	s0 =	sadd.s32 $0x20, s0;
	s1 =	sand.u32 $0x3000, s31;
	s2 =	sand.u32 $0xC00, s30;
	[tilespmem:v5+s21+$0x0] =	vst.idx.add.s32.msk $0xffff, v1  }
0x83: {  	s26 =	sand.u32 $0x380, s0;
	p0 =	slt.u32 s31, $0x3F80;
	s1 =	sor.u32 s2, s1;
	[tilespmem:v3+s21+$0x0] =	vst.idx.add.s32.msk $0xffff, v1  }
0x84: {  	s1 =	sor.u32 s26, s1;
	[tilespmem:v4+s21+$0x0] =	vst.idx.add.s32.msk $0xffff, v1  }
0x85: {  	v3 =	vld [tilespmem:s1+$0x70]  }
0x86: {  	v4 =	vld [tilespmem:s1+$0x0]  }
0x87: {  	v5 =	vld [tilespmem:s1+$0x10]  }
0x88: {  	v9 =	vld [tilespmem:s1+$0x20]  }
0x89: {  	v10 =	vld [tilespmem:s1+$0x30]  }
0x8a: {  	v11 =	vld [tilespmem:s1+$0x40];
	v12 =	vshrl.u32 v3, $0x10  }
0x8b: {  	v13 =	vshrl.u32 v4, $0x10;
	v14 =	vld [tilespmem:s1+$0x50]  }
.Ltmp3:
0x8c: {  	v7 =	vshrl.u32 v5, $0x10;
	v6 =	vld [tilespmem:s1+$0x60];
	(pc) =	sbr.rel @p0 .LBB2_8-.Ltmp3, $4  }
0x8d: {  	v5 =	vshrl.u32 v9, $0x10;
	[tilespmem:v2+s21+$0x0] =	vst.idx.add.s32.msk $0xffff, v1  }
0x8e: {  	v3 =	vshrl.u32 v10, $0x10;
	[tilespmem:v8+s21+$0x0] =	vst.idx.add.s32.msk $0xffff, v1  }
0x8f: {  	v4 =	vshrl.u32 v11, $0x10;
	[tilespmem:v12+s21+$0x0] =	vst.idx.add.s32.msk $0xffff, v1  }
0x90: {  	[tilespmem:v13+s21+$0x0] =	vst.idx.add.s32.msk $0xffff, v1;
	v2 =	vshrl.u32 v14, $0x10  }
0x91: {  	_ =	sdelay $0x3  }
0x92: {  	[tilespmem:v7+s21+$0x0] =	vst.idx.add.s32.msk $0xffff, v1;
	v6 =	vshrl.u32 v6, $0x10  }
0x93: {  	[tilespmem:v5+s21+$0x0] =	vst.idx.add.s32.msk $0xffff, v1  }
0x94: {  	[tilespmem:v3+s21+$0x0] =	vst.idx.add.s32.msk $0xffff, v1  }
0x95: {  	[tilespmem:v4+s21+$0x0] =	vst.idx.add.s32.msk $0xffff, v1  }
0x96: {  	[tilespmem:v2+s21+$0x0] =	vst.idx.add.s32.msk $0xffff, v1  }
0x97: {  	s30 =	simm.s32 $0x0;
	s31 =	simm.s32 $0x0;
	[tilespmem:v6+s21+$0x0] =	vst.idx.add.s32.msk $0xffff, v1  }
0x98: {  	s0 =	sand.u32 $0x3000, s31;
	s1 =	sand.u32 $0xC00, s30;
	_ =	swait.ge [sflag:s22], $0x4000  }
0x99: {  	s2 =	sand.u32 $0x380, s30;
	s0 =	sor.u32 s1, s0;
	[sflag:s22] =	ssyncset.done $0x0  }
0x9a: {  	s0 =	sor.u32 s2, s0;
	[sflag:s22] =	ssyncadd.s32 $0xFFFFC000  }
0x9b: {  	v2 =	vld [tilespmem:s0+$0x4070]  }
0x9c: {  	v3 =	vld [tilespmem:s0+$0x4000]  }
0x9d: {  	v4 =	vld [tilespmem:s0+$0x4010]  }
0x9e: {  	v5 =	vld [tilespmem:s0+$0x4020]  }
0x9f: {  	v8 =	vld [tilespmem:s0+$0x4030]  }
0xa0: {  	v9 =	vld [tilespmem:s0+$0x4040];
	v2 =	vshrl.u32 v2, $0x10  }
0xa1: {  	v11 =	vld [tilespmem:s0+$0x4050];
	v10 =	vshrl.u32 v3, $0x10  }
0xa2: {  	v6 =	vld [tilespmem:s0+$0x4060];
	v7 =	vshrl.u32 v4, $0x10  }
0xa3: {  	v5 =	vshrl.u32 v5, $0x10  }
0xa4: {  	v3 =	vshrl.u32 v8, $0x10  }
0xa5: {  	v4 =	vshrl.u32 v9, $0x10;
	[tilespmem:v2+s21+$0x0] =	vst.idx.add.s32.msk $0xffff, v1  }
0xa6: {  	s0 =	simm.s32 $0x0;
	[tilespmem:v10+s21+$0x0] =	vst.idx.add.s32.msk $0xffff, v1;
	v2 =	vshrl.u32 v11, $0x10  }
.LBB2_10:
0xa7: {  	s31 =	sadd.s32 $0x80, s31;
	[tilespmem:v7+s21+$0x0] =	vst.idx.add.s32.msk $0xffff, v1;
	v8 =	vshrl.u32 v6, $0x10;
	s30 =	sadd.s32 $0x400, s30  }
0xa8: {  	s0 =	sadd.s32 $0x20, s0;
	s1 =	sand.u32 $0x3000, s31;
	s2 =	sand.u32 $0xC00, s30;
	[tilespmem:v5+s21+$0x0] =	vst.idx.add.s32.msk $0xffff, v1  }
0xa9: {  	s26 =	sand.u32 $0x380, s0;
	p0 =	slt.u32 s31, $0x3F80;
	s1 =	sor.u32 s2, s1;
	[tilespmem:v3+s21+$0x0] =	vst.idx.add.s32.msk $0xffff, v1  }
0xaa: {  	s1 =	sor.u32 s26, s1;
	[tilespmem:v4+s21+$0x0] =	vst.idx.add.s32.msk $0xffff, v1  }
0xab: {  	v3 =	vld [tilespmem:s1+$0x4070]  }
0xac: {  	v4 =	vld [tilespmem:s1+$0x4000]  }
0xad: {  	v5 =	vld [tilespmem:s1+$0x4010]  }
0xae: {  	v9 =	vld [tilespmem:s1+$0x4020]  }
0xaf: {  	v10 =	vld [tilespmem:s1+$0x4030]  }
0xb0: {  	v11 =	vld [tilespmem:s1+$0x4040];
	v12 =	vshrl.u32 v3, $0x10  }
0xb1: {  	v13 =	vshrl.u32 v4, $0x10;
	v14 =	vld [tilespmem:s1+$0x4050]  }
.Ltmp4:
0xb2: {  	v7 =	vshrl.u32 v5, $0x10;
	v6 =	vld [tilespmem:s1+$0x4060];
	(pc) =	sbr.rel @p0 .LBB2_10-.Ltmp4, $4  }
0xb3: {  	v5 =	vshrl.u32 v9, $0x10;
	[tilespmem:v2+s21+$0x0] =	vst.idx.add.s32.msk $0xffff, v1  }
0xb4: {  	v3 =	vshrl.u32 v10, $0x10;
	[tilespmem:v8+s21+$0x0] =	vst.idx.add.s32.msk $0xffff, v1  }
0xb5: {  	v4 =	vshrl.u32 v11, $0x10;
	[tilespmem:v12+s21+$0x0] =	vst.idx.add.s32.msk $0xffff, v1  }
0xb6: {  	[tilespmem:v13+s21+$0x0] =	vst.idx.add.s32.msk $0xffff, v1;
	v2 =	vshrl.u32 v14, $0x10  }
0xb7: {  	_ =	sdelay $0x3  }
0xb8: {  	[tilespmem:v7+s21+$0x0] =	vst.idx.add.s32.msk $0xffff, v1;
	v6 =	vshrl.u32 v6, $0x10  }
0xb9: {  	[tilespmem:v5+s21+$0x0] =	vst.idx.add.s32.msk $0xffff, v1  }
0xba: {  	[tilespmem:v3+s21+$0x0] =	vst.idx.add.s32.msk $0xffff, v1  }
0xbb: {  	[tilespmem:v4+s21+$0x0] =	vst.idx.add.s32.msk $0xffff, v1  }
0xbc: {  	[tilespmem:v2+s21+$0x0] =	vst.idx.add.s32.msk $0xffff, v1  }
0xbd: {  	[tilespmem:v6+s21+$0x0] =	vst.idx.add.s32.msk $0xffff, v1  }
0xbe: {  	[hbm4b:s7+s23] =	stream.strided.scatter [tilespmem:s21], [sflag:$0x3], $0x800, s24, s23, $0x38;
	[tilespmem:$0xD800] =	vst v63  }
0xbf: {  	_ =	swait.ge [sflag:s25], $0x800  }
0xc0: {  	[sflag:s25] =	ssyncset.done $0x0  }
0xc1: {  	s0 =	simm.s32 $0x8800;
	[sflag:s25] =	ssyncadd.s32 $0xFFFFF800  }
0xc2: {  	[hbm4b:s8+s23] =	stream.strided.scatter [tilespmem:s0], [sflag:$0x3], $0x800, s24, s23, $0x38;
	[tilespmem:$0xD800] =	vst v63  }
0xc3: {  	_ =	swait.ge [sflag:s25], $0x800  }
0xc4: {  	[sflag:s25] =	ssyncset.done $0x0  }
0xc5: {  	s26 =	simm.s32 $0x9000;
	[sflag:s25] =	ssyncadd.s32 $0xFFFFF800  }
0xc6: {  	[hbm4b:s9+s23] =	stream.strided.scatter [tilespmem:s26], [sflag:$0x3], $0x800, s24, s23, $0x38;
	[tilespmem:$0xD800] =	vst v63  }
0xc7: {  	_ =	swait.ge [sflag:s25], $0x800  }
0xc8: {  	[sflag:s25] =	ssyncset.done $0x0  }
0xc9: {  	s30 =	simm.s32 $0x9800;
	[sflag:s25] =	ssyncadd.s32 $0xFFFFF800  }
0xca: {  	[hbm4b:s10+s23] =	stream.strided.scatter [tilespmem:s30], [sflag:$0x3], $0x800, s24, s23, $0x38;
	[tilespmem:$0xD800] =	vst v63  }
0xcb: {  	_ =	swait.ge [sflag:s25], $0x800  }
0xcc: {  	[sflag:s25] =	ssyncset.done $0x0  }
0xcd: {  	s31 =	simm.s32 $0xA000;
	[sflag:s25] =	ssyncadd.s32 $0xFFFFF800  }
0xce: {  	[hbm4b:s11+s23] =	stream.strided.scatter [tilespmem:s31], [sflag:$0x3], $0x800, s24, s23, $0x38;
	[tilespmem:$0xD800] =	vst v63  }
0xcf: {  	_ =	swait.ge [sflag:s25], $0x800  }
0xd0: {  	[sflag:s25] =	ssyncset.done $0x0  }
0xd1: {  	s1 =	simm.s32 $0xA800;
	[sflag:s25] =	ssyncadd.s32 $0xFFFFF800  }
0xd2: {  	[hbm4b:s12+s23] =	stream.strided.scatter [tilespmem:s1], [sflag:$0x3], $0x800, s24, s23, $0x38;
	[tilespmem:$0xD800] =	vst v63  }
0xd3: {  	_ =	swait.ge [sflag:s25], $0x800  }
0xd4: {  	[sflag:s25] =	ssyncset.done $0x0  }
0xd5: {  	s2 =	simm.s32 $0xB000;
	[sflag:s25] =	ssyncadd.s32 $0xFFFFF800  }
0xd6: {  	[hbm4b:s13+s23] =	stream.strided.scatter [tilespmem:s2], [sflag:$0x3], $0x800, s24, s23, $0x38;
	[tilespmem:$0xD800] =	vst v63  }
0xd7: {  	_ =	swait.ge [sflag:s25], $0x800  }
0xd8: {  	[sflag:s25] =	ssyncset.done $0x0  }
0xd9: {  	s26 =	simm.s32 $0xB800;
	[sflag:s25] =	ssyncadd.s32 $0xFFFFF800  }
0xda: {  	[hbm4b:s14+s23] =	stream.strided.scatter [tilespmem:s26], [sflag:$0x3], $0x800, s24, s23, $0x38;
	[tilespmem:$0xD800] =	vst v63  }
0xdb: {  	_ =	swait.ge [sflag:s25], $0x800  }
0xdc: {  	[sflag:s25] =	ssyncset.done $0x0  }
0xdd: {  	s30 =	simm.s32 $0xC000;
	[sflag:s25] =	ssyncadd.s32 $0xFFFFF800  }
0xde: {  	[hbm4b:s15+s23] =	stream.strided.scatter [tilespmem:s30], [sflag:$0x3], $0x800, s24, s23, $0x38;
	[tilespmem:$0xD800] =	vst v63  }
0xdf: {  	_ =	swait.ge [sflag:s25], $0x800  }
0xe0: {  	[sflag:s25] =	ssyncset.done $0x0  }
0xe1: {  	s31 =	simm.s32 $0xC800;
	[sflag:s25] =	ssyncadd.s32 $0xFFFFF800  }
0xe2: {  	[hbm4b:s16+s23] =	stream.strided.scatter [tilespmem:s31], [sflag:$0x3], $0x800, s24, s23, $0x38;
	[tilespmem:$0xD800] =	vst v63  }
0xe3: {  	s29 =	sadd.s32 $0x1, s29;
	_ =	swait.ge [sflag:s25], $0x800  }
0xe4: {  	p0 =	sne.s32 s29, s18;
	[sflag:s25] =	ssyncset.done $0x0  }
.Ltmp5:
0xe5: {  	[sflag:s25] =	ssyncadd.s32 $0xFFFFF800;
	(pc) =	sbr.rel @p0 .LBB2_1-.Ltmp5, $4  }
0xe6: {  	[hbm4b:s17+s23] =	stream.strided.scatter [tilespmem:s28], [sflag:$0x3], $0x800, s24, s23, $0x38;
	[tilespmem:$0xD800] =	vst v63  }
0xe7: {  	_ =	swait.ge [sflag:s25], $0x800  }
0xe8: {  	[sflag:s25] =	ssyncset.done $0x0  }
0xe9: {  	[sflag:s25] =	ssyncadd.s32 $0xFFFFF800  }
0xea: {  	_ =	sfence.sel $0x180000  }
0xeb: {  	[bflag:$0x0] =	sbarrier.arrive $0xFFFF  }
0xec: {  	_ =	strace $0x90000047  }
0xed: {  	s0 =	stileid.u32;
	[bflag:$0x2] =	sbarrier.arrive $0xFFFF  }
0xee: {  	p0 =	sne.s32 s0, $0x0;
	s0 =	rddreg [dreg:$0x2]  }
0xef: {  	s0 =	sadd.s32 @!p0 $0x100000, s0  }
0xf0: {  	[sflag:s0] =	ssyncadd.tile.s32 @!p0 $0x1;
	_ =	shalt  }
.Lfunc_end2:
_tile_overlayer_lowered:
.L_overlay_start_2:
0xf1: {  	(tag) =	ssettag $0x2  }
0xf2: {  	s0 =	rddreg [dreg:$0x0];
	s2 =	stileid.u32  }
0xf3: {  	s1 =	rddreg [dreg:$0x1];
	p0 =	sne.s32 s2, $0x0  }
0xf4: {  	s3 =	rddreg [dreg:$0x2];
	[bflag:$0x3] =	sbarrier.arrive $0xFFFF;
	s2 =	simm.s32 @!p0 $0x1C03  }
0xf5: {  	[timem:s3], [sflag:s2] =	dma.local @!p0 [hbm:s0], s1  }
0xf6: {  	s0 =	simm.s32 @!p0 $0x3  }
0xf7: {  	_ =	swait.ge @!p0 [sflag:s0], s1  }
0xf8: {  	s1 =	ssub.s32 @!p0 $0x0, s1;
	[sflag:s0] =	ssyncset.done @!p0 $0x0  }
0xf9: {  	[sflag:s0] =	ssyncadd.s32 @!p0 s1  }
0xfa: {  	[bflag:$0x3] =	sbarrier.arrive $0xFFFF  }
0xfb: {  	_ =	shalt  }

</sc_bundles>
